<compile_context>
chip_gen: v7x
topology: tpu7x:2x2x1
jax: 0.10.2.dev20260603
libtpu: 0.0.44.dev20260713+nightly
codegen_flags: <defaults>
</compile_context>

<pallas_src>
import dataclasses
import functools

import jax
import jax.numpy as jnp
from jax import lax
from jax.experimental import pallas as pl
from jax.experimental.pallas import tpu as pltpu
from jax.experimental.pallas import tpu_sc as plsc

N = 10000
E = 320000
D = 128
D_E = 16
ALPHA = 0.2

NC, NS = 2, 16
NW = NC * NS
EPT = E // NW
CH = 80
NCHUNK = EPT // CH
NBUF = 4
NPAD = 10240
RPT = NPAD // NS

EBLK = 8000
A2_GRID = (E // 8) // EBLK


def _a1_body(nf_ref, wn_ref, a_ref, wh_ref, s1_ref, s2_ref, m_ref):
    wh = lax.dot_general(nf_ref[...], wn_ref[...],
                         (((1,), (1,)), ((), ())),
                         preferred_element_type=jnp.float32)
    wh_ref[...] = wh
    a1 = a_ref[0, 0:D]
    a2 = a_ref[0, D:2 * D]
    s1 = lax.dot_general(wh, a1, (((1,), (0,)), ((), ())),
                         preferred_element_type=jnp.float32)
    s2 = lax.dot_general(wh, a2, (((1,), (0,)), ((), ())),
                         preferred_element_type=jnp.float32)
    s1_ref[0, :] = s1
    s2_ref[0, :] = s2
    m_ref[...] = jnp.broadcast_to(jnp.max(s1) + jnp.max(s2), (1, 16))


def _phase_a1(node_feats, W_node, a):
    return pl.pallas_call(
        _a1_body,
        out_shape=(
            jax.ShapeDtypeStruct((N, D), jnp.float32),
            jax.ShapeDtypeStruct((1, N), jnp.float32),
            jax.ShapeDtypeStruct((1, N), jnp.float32),
            jax.ShapeDtypeStruct((1, 16), jnp.float32),
        ),
    )(node_feats, W_node, a)


def _a2_body(x_ref, we_ref, a_ref, e3_ref, m3_ref):
    a3 = a_ref[0, 2 * D:3 * D]
    w3 = lax.dot_general(a3, we_ref[...], (((0,), (0,)), ((), ())),
                         preferred_element_type=jnp.float32)
    io = lax.broadcasted_iota(jnp.int32, (16, D), 1)
    onehot = (io % 16 == lax.broadcasted_iota(jnp.int32, (16, D), 0)
              ).astype(jnp.float32)
    w3t = lax.dot_general(w3, onehot, (((0,), (0,)), ((), ())),
                          preferred_element_type=jnp.float32)
    si = lax.broadcasted_iota(jnp.int32, (D, 8), 0)
    sr = lax.broadcasted_iota(jnp.int32, (D, 8), 1)
    S = (si // 16 == sr).astype(jnp.float32)
    e3 = lax.dot_general(x_ref[...] * w3t[None, :], S,
                         (((1,), (0,)), ((), ())),
                         preferred_element_type=jnp.float32)
    e3_ref[...] = e3
    m3_ref[...] = jnp.broadcast_to(jnp.max(e3), (1, 8, 128))


def _phase_a2(ef_r, W_edge, a):
    return pl.pallas_call(
        _a2_body,
        grid=(A2_GRID,),
        in_specs=[
            pl.BlockSpec((EBLK, D), lambda i: (i, 0)),
            pl.BlockSpec((D, D_E), lambda i: (0, 0)),
            pl.BlockSpec((1, 3 * D), lambda i: (0, 0)),
        ],
        out_specs=(
            pl.BlockSpec((EBLK, 8), lambda i: (i, 0)),
            pl.BlockSpec((1, 8, 128), lambda i: (i, 0, 0)),
        ),
        out_shape=(
            jax.ShapeDtypeStruct((E // 8, 8), jnp.float32),
            jax.ShapeDtypeStruct((A2_GRID, 8, 128), jnp.float32),
        ),
    )(ef_r, W_edge, a)


def _sc_body(wh_hbm, s1_hbm, s2_hbm, e3_hbm, src_hbm, dst_hbm, m12_hbm,
             m3_hbm, outh_hbm, outd_hbm,
             src0, src1, src2, src3, dst0, dst1, dst2, dst3,
             e30, e31, e32, e33, s1c0, s1c1, s1c2, s1c3,
             s2c0, s2c1, s2c2, s2c3, p0, p1, p2, p3,
             dsc0, dsc1, dsc2, dsc3, rows0, rows1, rows2, rows3,
             cv_v, zv_v, m3_v, shared_h, shared_d,
             semi0, semi1, semi2, semi3, semg0, semg1, semg2, semg3,
             sems0, sems1, sems2, sems3):
    cid = lax.axis_index("c")
    sid = lax.axis_index("s")
    wid = cid * NS + sid
    base_e = wid * EPT

    srcb = [src0, src1, src2, src3]
    dstb = [dst0, dst1, dst2, dst3]
    e3b = [e30, e31, e32, e33]
    s1cb = [s1c0, s1c1, s1c2, s1c3]
    s2cb = [s2c0, s2c1, s2c2, s2c3]
    pb = [p0, p1, p2, p3]
    dscb = [dsc0, dsc1, dsc2, dsc3]
    rowsb = [rows0, rows1, rows2, rows3]
    semi = [semi0, semi1, semi2, semi3]
    semg = [semg0, semg1, semg2, semg3]
    sems = [sems0, sems1, sems2, sems3]

    def s1_descs(k, b):
        off = base_e + k * CH
        return [
            (src_hbm.at[pl.ds(off, CH)], srcb[b]),
            (dst_hbm.at[pl.ds(off, CH)], dstb[b]),
            (e3_hbm.at[pl.ds(off, CH)], e3b[b]),
        ]

    def s1_issue(k, b):
        for s, d in s1_descs(k, b):
            pltpu.async_copy(s, d, semi[b])

    def s1_wait(k, b):
        for s, d in s1_descs(k, b):
            pltpu.make_async_copy(s, d, semi[b]).wait()

    def g_descs(b):
        return [
            (s1_hbm.at[srcb[b]], s1cb[b]),
            (s2_hbm.at[dstb[b]], s2cb[b]),
            (wh_hbm.at[srcb[b]], rowsb[b]),
        ]

    def g_issue(b):
        for s, d in g_descs(b):
            pltpu.async_copy(s, d, semg[b])

    def g_wait(b):
        for s, d in g_descs(b):
            pltpu.make_async_copy(s, d, semg[b]).wait()

    def compute(b):
        cvec = cv_v[...]
        for g in range(CH // 16):
            sl = pl.ds(g * 16, 16)
            x = s1cb[b][sl] + s2cb[b][sl] + e3b[b][sl]
            e = jnp.where(x >= 0, x, ALPHA * x)
            pb[b][sl] = jnp.exp(e - cvec)
            dscb[b][sl] = dstb[b][sl]

    def scale(b):
        @pl.loop(0, CH // 4)
        def _(r4):
            r0 = r4 * 4
            for u in range(4):
                r = r0 + u
                pr = plsc.load_gather(
                    pb[b], [jnp.broadcast_to(r, (16,)).astype(jnp.int32)])
                for q in range(D // 16):
                    rowsb[b][r, pl.ds(q * 16, 16)] = (
                        rowsb[b][r, pl.ds(q * 16, 16)] * pr)

    def s4_descs(b):
        return [
            (rowsb[b], shared_h.at[dscb[b]]),
            (pb[b], shared_d.at[dscb[b]]),
        ]

    def s4_issue(b):
        for s, d in s4_descs(b):
            pltpu.async_copy(s, d, sems[b], add=True)

    def s4_wait(b):
        for s, d in s4_descs(b):
            pltpu.make_async_copy(s, d, sems[b]).wait()

    pltpu.sync_copy(m12_hbm.at[0], cv_v)
    for r in range(A2_GRID):
        pltpu.sync_copy(m3_hbm.at[r].at[0], m3_v.at[r])
    for b in range(NBUF):
        s1_issue(b, b)

    mx = jnp.full((16,), -3e38, jnp.float32)
    for r in range(A2_GRID):
        for g in range(8):
            mx = jnp.maximum(mx, m3_v[r, pl.ds(g * 16, 16)])
    cv_v[...] = jnp.maximum(cv_v[...] + mx, 0.0)

    @pl.loop(0, CH)
    def _(r):
        @pl.loop(0, D // 16)
        def _(q):
            rows0[r, pl.ds(q * 16, 16)] = jnp.zeros((16,), jnp.float32)

    @pl.loop(0, 8)
    def _(g):
        zv_v[pl.ds(g * 16, 16)] = jnp.zeros((16,), jnp.float32)

    for m in range(RPT // CH):
        pltpu.sync_copy(rows0, shared_h.at[pl.ds(sid * RPT + m * CH, CH)])
    for m in range(RPT // 128):
        pltpu.sync_copy(zv_v, shared_d.at[pl.ds(sid * RPT + m * 128, 128)])

    plsc.subcore_barrier()

    s1_wait(0, 0)
    g_issue(0)
    s1_wait(1, 1)
    g_issue(1)

    def body(k, b, b2, last):
        g_wait(b)

        @pl.when(k >= 2)
        def _():
            s4_wait(b2)

        if not last:
            @pl.when(k + 2 < NCHUNK)
            def _():
                s1_wait(k + 2, b2)
                g_issue(b2)

        compute(b)
        scale(b)

        if not last:
            @pl.when(k + 4 < NCHUNK)
            def _():
                s1_issue(k + 4, b)

        s4_issue(b)

    @pl.loop(0, NCHUNK // NBUF)
    def _(t):
        for i in range(NBUF):
            body(t * NBUF + i, i, (i + 2) % NBUF, False)

    body(NCHUNK - 1, (NCHUNK - 1) % NBUF, (NCHUNK + 1) % NBUF, True)

    s4_wait((NCHUNK - 2) % NBUF)
    s4_wait((NCHUNK - 1) % NBUF)
    plsc.subcore_barrier()

    pltpu.sync_copy(shared_h.at[pl.ds(sid * RPT, RPT)],
                    outh_hbm.at[cid].at[pl.ds(sid * RPT, RPT)])
    pltpu.sync_copy(shared_d.at[pl.ds(sid * RPT, RPT)],
                    outd_hbm.at[cid].at[pl.ds(sid * RPT, RPT)])


def _phase_b(wh, s1, s2, e3, src, dst, m12, m3):
    mesh = plsc.VectorSubcoreMesh(core_axis_name="c", subcore_axis_name="s",
                                  num_cores=NC, num_subcores=NS)
    cp = pltpu.CompilerParams()
    if "needs_layout_passes" in pltpu.CompilerParams.__dataclass_fields__:
        cp = dataclasses.replace(cp, needs_layout_passes=False)
    ci = pltpu.VMEM((CH,), jnp.int32)
    cf = pltpu.VMEM((CH,), jnp.float32)
    rf = pltpu.VMEM((CH, D), jnp.float32)
    sem = pltpu.SemaphoreType.DMA
    f = pl.kernel(
        _sc_body,
        out_type=(
            jax.ShapeDtypeStruct((NC, NPAD, D), jnp.float32),
            jax.ShapeDtypeStruct((NC, NPAD), jnp.float32),
        ),
        mesh=mesh,
        scratch_types=(
            [ci] * 4 + [ci] * 4 + [cf] * 4 + [cf] * 4 + [cf] * 4 + [cf] * 4
            + [ci] * 4 + [rf] * 4
            + [pltpu.VMEM((16,), jnp.float32),
               pltpu.VMEM((128,), jnp.float32),
               pltpu.VMEM((A2_GRID, 128), jnp.float32),
               pltpu.VMEM_SHARED((NPAD, D), jnp.float32),
               pltpu.VMEM_SHARED((NPAD,), jnp.float32)]
            + [sem] * 12
        ),
        compiler_params=cp,
    )
    return f(wh, s1, s2, e3, src, dst, m12, m3)


def _c_body(hp_ref, dp_ref, out_ref):
    h = hp_ref[0] + hp_ref[1]
    d = dp_ref[0] + dp_ref[1] + 1e-16
    out_ref[...] = (h / d)[0:N, :]


def _phase_c(hp, dp):
    return pl.pallas_call(
        _c_body,
        out_shape=jax.ShapeDtypeStruct((N, D), jnp.float32),
    )(hp, dp)


@jax.jit
def kernel(node_feats, edge_feats, edge_index, W_node, W_edge, a):
    src = edge_index[0]
    dst = edge_index[1]
    wh, s1, s2, m12 = _phase_a1(node_feats, W_node, a)
    e3g, m3 = _phase_a2(edge_feats.reshape(E // 8, D), W_edge, a)
    e3 = e3g.reshape(E)
    hp, dp = _phase_b(wh, s1.reshape(N), s2.reshape(N), e3, src, dst,
                      m12, m3)
    return _phase_c(hp, dp.reshape(NC, NPAD, 1))

# --- scband reference (transcript-rebuilt; emitter-appended) ---
"""Pipeline reference for scband-egatlayer-70153995813493 (READ-ONLY COPY).

The authoritative reference and input builder live on the scoring server;
editing this copy changes nothing except your own understanding.
"""

import jax, jax.numpy as jnp
import numpy as np

N = 10000
E = 320000
D_N = 128
D_E = 16
D_O = 128
ALPHA = 0.2


def setup_inputs(seed: int = 0) -> dict:
    key = jax.random.key(seed)
    ks = jax.random.split(key, 6)
    node_feats = jax.random.normal(ks[0], (N, D_N), dtype=jnp.float32)
    edge_feats = jax.random.normal(ks[1], (E, D_E), dtype=jnp.float32)
    edge_index = jax.random.randint(ks[2], (2, E), 0, N, dtype=jnp.int32)
    W_node = jax.random.normal(ks[3], (D_O, D_N), dtype=jnp.float32) * (1.0 / np.sqrt(D_N))
    W_edge = jax.random.normal(ks[4], (D_O, D_E), dtype=jnp.float32) * (1.0 / np.sqrt(D_E))
    a = jax.random.normal(ks[5], (1, 3 * D_O), dtype=jnp.float32) * (1.0 / np.sqrt(3 * D_O))
    return {"node_feats": node_feats, "edge_feats": edge_feats, "edge_index": edge_index,
            "W_node": W_node, "W_edge": W_edge, "a": a}


def _leaky_relu(x, alpha):
    return jnp.where(x >= 0, x, alpha * x)


def reference(node_feats, edge_feats, edge_index, W_node, W_edge, a):
    src = edge_index[0]
    dst = edge_index[1]
    # Linear projections (bias=False)
    Wh = node_feats @ W_node.T              # [N, D_O]
    We = edge_feats @ W_edge.T              # [E, D_O]
    # edge_attention: concat(src h, dst h, edge he) -> a -> leaky_relu
    z = jnp.concatenate([Wh[src], Wh[dst], We], axis=-1)  # [E, 3*D_O]
    e = _leaky_relu(z @ a.T, ALPHA)[:, 0]   # [E]
    # edge_softmax over incoming edges of each dst node
    e_max = jax.ops.segment_max(e, dst, num_segments=N)
    e_max = jnp.where(jnp.isfinite(e_max), e_max, 0.0)
    e_max = jax.lax.stop_gradient(e_max)
    e_exp = jnp.exp(e - e_max[dst])
    denom = jax.ops.segment_sum(e_exp, dst, num_segments=N)
    alpha_e = e_exp / (denom[dst] + 1e-16)
    # message: src h * alpha ; reduce: sum over dst
    m = Wh[src] * alpha_e[:, None]
    h_out = jax.ops.segment_sum(m, dst, num_segments=N)
    # residual=False, activation=None, dropout=0.0 -> identity
    return h_out

if __name__ == "__main__":
    import jax
    _d = setup_inputs()
    print(jax.jit(kernel)(*tuple(_d.values())))

</pallas_src>

<mosaic_0001>
#map = affine_map<(d0, d1) -> (0, 0)>
#map1 = affine_map<(d0, d1) -> (0)>
#map2 = affine_map<(d0, d1) -> (0, 0, 0)>
module attributes {stable_mosaic.version = 14 : i64} {
  func.func @_sc_body(%arg0: i32, %arg1: i32, %arg2: memref<10000x128xf32, #tpu.memory_space<hbm>>, %arg3: memref<10000xf32, #tpu.memory_space<hbm>>, %arg4: memref<10000xf32, #tpu.memory_space<hbm>>, %arg5: memref<320000xf32, #tpu.memory_space<hbm>>, %arg6: memref<320000xi32, #tpu.memory_space<hbm>>, %arg7: memref<320000xi32, #tpu.memory_space<hbm>>, %arg8: memref<1x16xf32, #tpu.memory_space<hbm>>, %arg9: memref<5x8x128xf32, #tpu.memory_space<hbm>>, %arg10: memref<2x10240x128xf32, #tpu.memory_space<hbm>>, %arg11: memref<2x10240xf32, #tpu.memory_space<hbm>>, %arg12: memref<80xi32, #tpu.memory_space<vmem>>, %arg13: memref<80xi32, #tpu.memory_space<vmem>>, %arg14: memref<80xi32, #tpu.memory_space<vmem>>, %arg15: memref<80xi32, #tpu.memory_space<vmem>>, %arg16: memref<80xi32, #tpu.memory_space<vmem>>, %arg17: memref<80xi32, #tpu.memory_space<vmem>>, %arg18: memref<80xi32, #tpu.memory_space<vmem>>, %arg19: memref<80xi32, #tpu.memory_space<vmem>>, %arg20: memref<80xf32, #tpu.memory_space<vmem>>, %arg21: memref<80xf32, #tpu.memory_space<vmem>>, %arg22: memref<80xf32, #tpu.memory_space<vmem>>, %arg23: memref<80xf32, #tpu.memory_space<vmem>>, %arg24: memref<80xf32, #tpu.memory_space<vmem>>, %arg25: memref<80xf32, #tpu.memory_space<vmem>>, %arg26: memref<80xf32, #tpu.memory_space<vmem>>, %arg27: memref<80xf32, #tpu.memory_space<vmem>>, %arg28: memref<80xf32, #tpu.memory_space<vmem>>, %arg29: memref<80xf32, #tpu.memory_space<vmem>>, %arg30: memref<80xf32, #tpu.memory_space<vmem>>, %arg31: memref<80xf32, #tpu.memory_space<vmem>>, %arg32: memref<80xf32, #tpu.memory_space<vmem>>, %arg33: memref<80xf32, #tpu.memory_space<vmem>>, %arg34: memref<80xf32, #tpu.memory_space<vmem>>, %arg35: memref<80xf32, #tpu.memory_space<vmem>>, %arg36: memref<80xi32, #tpu.memory_space<vmem>>, %arg37: memref<80xi32, #tpu.memory_space<vmem>>, %arg38: memref<80xi32, #tpu.memory_space<vmem>>, %arg39: memref<80xi32, #tpu.memory_space<vmem>>, %arg40: memref<80x128xf32, #tpu.memory_space<vmem>>, %arg41: memref<80x128xf32, #tpu.memory_space<vmem>>, %arg42: memref<80x128xf32, #tpu.memory_space<vmem>>, %arg43: memref<80x128xf32, #tpu.memory_space<vmem>>, %arg44: memref<16xf32, #tpu.memory_space<vmem>>, %arg45: memref<128xf32, #tpu.memory_space<vmem>>, %arg46: memref<5x128xf32, #tpu.memory_space<vmem>>, %arg47: memref<10240x128xf32, #tpu.memory_space<vmem_shared>>, %arg48: memref<10240xf32, #tpu.memory_space<vmem_shared>>, %arg49: memref<!tpu.dma_semaphore, #tpu.memory_space<semaphore_mem>>, %arg50: memref<!tpu.dma_semaphore, #tpu.memory_space<semaphore_mem>>, %arg51: memref<!tpu.dma_semaphore, #tpu.memory_space<semaphore_mem>>, %arg52: memref<!tpu.dma_semaphore, #tpu.memory_space<semaphore_mem>>, %arg53: memref<!tpu.dma_semaphore, #tpu.memory_space<semaphore_mem>>, %arg54: memref<!tpu.dma_semaphore, #tpu.memory_space<semaphore_mem>>, %arg55: memref<!tpu.dma_semaphore, #tpu.memory_space<semaphore_mem>>, %arg56: memref<!tpu.dma_semaphore, #tpu.memory_space<semaphore_mem>>, %arg57: memref<!tpu.dma_semaphore, #tpu.memory_space<semaphore_mem>>, %arg58: memref<!tpu.dma_semaphore, #tpu.memory_space<semaphore_mem>>, %arg59: memref<!tpu.dma_semaphore, #tpu.memory_space<semaphore_mem>>, %arg60: memref<!tpu.dma_semaphore, #tpu.memory_space<semaphore_mem>>) attributes {dimension_semantics = [#tpu.dimension_semantics<core_parallel>, #tpu.dimension_semantics<subcore_parallel>], iteration_bounds = array<i64: 2, 16>, scalar_prefetch = 0 : i64, scratch_operands = 49 : i64, tpu.core_type = #tpu.core_type<sc_vector_subcore>, window_params = [{transform_indices = #map}, {transform_indices = #map1}, {transform_indices = #map1}, {transform_indices = #map1}, {transform_indices = #map1}, {transform_indices = #map1}, {transform_indices = #map}, {transform_indices = #map2}, {transform_indices = #map2}, {transform_indices = #map}]} {
    %mul3A = arith.constant 16 : i32
    %mul3A_0 = arith.muli %arg0, %mul3A : i32
    %add3A = arith.addi %mul3A_0, %arg1 : i32
    %mul3A_1 = arith.constant 10000 : i32
    %mul3A_2 = arith.muli %add3A, %mul3A_1 : i32
    %run_scoped3A = arith.constant 0 : i32
    "tpu.region"() ({
      %run_scoped3A_504 = tpu.sem_alloc : memref<!tpu.dma_semaphore, #tpu.memory_space<semaphore_mem>>
      %dma_start3A_505 = arith.constant 0 : i32
      %dma_start3A_506 = tpu.memref_slice %arg8[%run_scoped3A, %dma_start3A_505] : memref<1x16xf32, #tpu.memory_space<hbm>> -> memref<1x16xf32, #tpu.memory_space<hbm>>
      %dma_start3A_507 = tpu.memref_squeeze %dma_start3A_506 : memref<1x16xf32, #tpu.memory_space<hbm>> -> memref<16xf32, #tpu.memory_space<hbm>>
      %dma_start3A_508 = arith.constant 0 : i32
      %dma_start3A_509 = tpu.memref_slice %arg8[%run_scoped3A, %dma_start3A_508] : memref<1x16xf32, #tpu.memory_space<hbm>> -> memref<1x16xf32, #tpu.memory_space<hbm>>
      %dma_start3A_510 = tpu.memref_squeeze %dma_start3A_509 : memref<1x16xf32, #tpu.memory_space<hbm>> -> memref<16xf32, #tpu.memory_space<hbm>>
      tpu.enqueue_dma source(%dma_start3A_510 : memref<16xf32, #tpu.memory_space<hbm>>) target(%arg44 : memref<16xf32, #tpu.memory_space<vmem>>) target_semaphore(%run_scoped3A_504 : memref<!tpu.dma_semaphore, #tpu.memory_space<semaphore_mem>>)
      %dma_wait3A_511 = arith.constant 0 : i32
      %dma_wait3A_512 = tpu.memref_slice %arg8[%run_scoped3A, %dma_wait3A_511] : memref<1x16xf32, #tpu.memory_space<hbm>> -> memref<1x16xf32, #tpu.memory_space<hbm>>
      %dma_wait3A_513 = tpu.memref_squeeze %dma_wait3A_512 : memref<1x16xf32, #tpu.memory_space<hbm>> -> memref<16xf32, #tpu.memory_space<hbm>>
      %dma_wait3A_514 = arith.constant 0 : i32
      %dma_wait3A_515 = tpu.memref_slice %arg8[%run_scoped3A, %dma_wait3A_514] : memref<1x16xf32, #tpu.memory_space<hbm>> -> memref<1x16xf32, #tpu.memory_space<hbm>>
      %dma_wait3A_516 = tpu.memref_squeeze %dma_wait3A_515 : memref<1x16xf32, #tpu.memory_space<hbm>> -> memref<16xf32, #tpu.memory_space<hbm>>
      tpu.wait_dma2 semaphore(%run_scoped3A_504 : memref<!tpu.dma_semaphore, #tpu.memory_space<semaphore_mem>>) src(%dma_wait3A_516 : memref<16xf32, #tpu.memory_space<hbm>>) dst(%arg44 : memref<16xf32, #tpu.memory_space<vmem>>)
      tpu.yield
    }) : () -> ()
    %run_scoped3A_3 = arith.constant 0 : i32
    %run_scoped3A_4 = arith.constant 0 : i32
    %run_scoped3A_5 = arith.constant 0 : i32
    "tpu.region"() ({
      %run_scoped3A_504 = tpu.sem_alloc : memref<!tpu.dma_semaphore, #tpu.memory_space<semaphore_mem>>
      %dma_start3A_505 = arith.constant 0 : i32
      %dma_start3A_506 = tpu.memref_slice %arg46[%run_scoped3A_5, %dma_start3A_505] : memref<5x128xf32, #tpu.memory_space<vmem>> -> memref<1x128xf32, #tpu.memory_space<vmem>>
      %dma_start3A_507 = tpu.memref_squeeze %dma_start3A_506 : memref<1x128xf32, #tpu.memory_space<vmem>> -> memref<128xf32, #tpu.memory_space<vmem>>
      %dma_start3A_508 = arith.constant 0 : i32
      %dma_start3A_509 = arith.constant 0 : i32
      %dma_start3A_510 = tpu.memref_slice %arg9[%run_scoped3A_3, %dma_start3A_508, %dma_start3A_509] : memref<5x8x128xf32, #tpu.memory_space<hbm>> -> memref<1x8x128xf32, #tpu.memory_space<hbm>>
      %dma_start3A_511 = tpu.memref_squeeze %dma_start3A_510 : memref<1x8x128xf32, #tpu.memory_space<hbm>> -> memref<8x128xf32, #tpu.memory_space<hbm>>
      %dma_start3A_512 = arith.constant 0 : i32
      %dma_start3A_513 = tpu.memref_slice %dma_start3A_511[%run_scoped3A_4, %dma_start3A_512] : memref<8x128xf32, #tpu.memory_space<hbm>> -> memref<1x128xf32, #tpu.memory_space<hbm>>
      %dma_start3A_514 = tpu.memref_squeeze %dma_start3A_513 : memref<1x128xf32, #tpu.memory_space<hbm>> -> memref<128xf32, #tpu.memory_space<hbm>>
      %dma_start3A_515 = arith.constant 0 : i32
      %dma_start3A_516 = tpu.memref_slice %arg46[%run_scoped3A_5, %dma_start3A_515] : memref<5x128xf32, #tpu.memory_space<vmem>> -> memref<1x128xf32, #tpu.memory_space<vmem>>
      %dma_start3A_517 = tpu.memref_squeeze %dma_start3A_516 : memref<1x128xf32, #tpu.memory_space<vmem>> -> memref<128xf32, #tpu.memory_space<vmem>>
      %dma_start3A_518 = arith.constant 0 : i32
      %dma_start3A_519 = arith.constant 0 : i32
      %dma_start3A_520 = tpu.memref_slice %arg9[%run_scoped3A_3, %dma_start3A_518, %dma_start3A_519] : memref<5x8x128xf32, #tpu.memory_space<hbm>> -> memref<1x8x128xf32, #tpu.memory_space<hbm>>
      %dma_start3A_521 = tpu.memref_squeeze %dma_start3A_520 : memref<1x8x128xf32, #tpu.memory_space<hbm>> -> memref<8x128xf32, #tpu.memory_space<hbm>>
      %dma_start3A_522 = arith.constant 0 : i32
      %dma_start3A_523 = tpu.memref_slice %dma_start3A_521[%run_scoped3A_4, %dma_start3A_522] : memref<8x128xf32, #tpu.memory_space<hbm>> -> memref<1x128xf32, #tpu.memory_space<hbm>>
      %dma_start3A_524 = tpu.memref_squeeze %dma_start3A_523 : memref<1x128xf32, #tpu.memory_space<hbm>> -> memref<128xf32, #tpu.memory_space<hbm>>
      tpu.enqueue_dma source(%dma_start3A_524 : memref<128xf32, #tpu.memory_space<hbm>>) target(%dma_start3A_517 : memref<128xf32, #tpu.memory_space<vmem>>) target_semaphore(%run_scoped3A_504 : memref<!tpu.dma_semaphore, #tpu.memory_space<semaphore_mem>>)
      %dma_wait3A_525 = arith.constant 0 : i32
      %dma_wait3A_526 = tpu.memref_slice %arg46[%run_scoped3A_5, %dma_wait3A_525] : memref<5x128xf32, #tpu.memory_space<vmem>> -> memref<1x128xf32, #tpu.memory_space<vmem>>
      %dma_wait3A_527 = tpu.memref_squeeze %dma_wait3A_526 : memref<1x128xf32, #tpu.memory_space<vmem>> -> memref<128xf32, #tpu.memory_space<vmem>>
      %dma_wait3A_528 = arith.constant 0 : i32
      %dma_wait3A_529 = arith.constant 0 : i32
      %dma_wait3A_530 = tpu.memref_slice %arg9[%run_scoped3A_3, %dma_wait3A_528, %dma_wait3A_529] : memref<5x8x128xf32, #tpu.memory_space<hbm>> -> memref<1x8x128xf32, #tpu.memory_space<hbm>>
      %dma_wait3A_531 = tpu.memref_squeeze %dma_wait3A_530 : memref<1x8x128xf32, #tpu.memory_space<hbm>> -> memref<8x128xf32, #tpu.memory_space<hbm>>
      %dma_wait3A_532 = arith.constant 0 : i32
      %dma_wait3A_533 = tpu.memref_slice %dma_wait3A_531[%run_scoped3A_4, %dma_wait3A_532] : memref<8x128xf32, #tpu.memory_space<hbm>> -> memref<1x128xf32, #tpu.memory_space<hbm>>
      %dma_wait3A_534 = tpu.memref_squeeze %dma_wait3A_533 : memref<1x128xf32, #tpu.memory_space<hbm>> -> memref<128xf32, #tpu.memory_space<hbm>>
      %dma_wait3A_535 = arith.constant 0 : i32
      %dma_wait3A_536 = tpu.memref_slice %arg46[%run_scoped3A_5, %dma_wait3A_535] : memref<5x128xf32, #tpu.memory_space<vmem>> -> memref<1x128xf32, #tpu.memory_space<vmem>>
      %dma_wait3A_537 = tpu.memref_squeeze %dma_wait3A_536 : memref<1x128xf32, #tpu.memory_space<vmem>> -> memref<128xf32, #tpu.memory_space<vmem>>
      %dma_wait3A_538 = arith.constant 0 : i32
      %dma_wait3A_539 = arith.constant 0 : i32
      %dma_wait3A_540 = tpu.memref_slice %arg9[%run_scoped3A_3, %dma_wait3A_538, %dma_wait3A_539] : memref<5x8x128xf32, #tpu.memory_space<hbm>> -> memref<1x8x128xf32, #tpu.memory_space<hbm>>
      %dma_wait3A_541 = tpu.memref_squeeze %dma_wait3A_540 : memref<1x8x128xf32, #tpu.memory_space<hbm>> -> memref<8x128xf32, #tpu.memory_space<hbm>>
      %dma_wait3A_542 = arith.constant 0 : i32
      %dma_wait3A_543 = tpu.memref_slice %dma_wait3A_541[%run_scoped3A_4, %dma_wait3A_542] : memref<8x128xf32, #tpu.memory_space<hbm>> -> memref<1x128xf32, #tpu.memory_space<hbm>>
      %dma_wait3A_544 = tpu.memref_squeeze %dma_wait3A_543 : memref<1x128xf32, #tpu.memory_space<hbm>> -> memref<128xf32, #tpu.memory_space<hbm>>
      tpu.wait_dma2 semaphore(%run_scoped3A_504 : memref<!tpu.dma_semaphore, #tpu.memory_space<semaphore_mem>>) src(%dma_wait3A_544 : memref<128xf32, #tpu.memory_space<hbm>>) dst(%dma_wait3A_537 : memref<128xf32, #tpu.memory_space<vmem>>)
      tpu.yield
    }) : () -> ()
    %run_scoped3A_6 = arith.constant 1 : i32
    %run_scoped3A_7 = arith.constant 0 : i32
    %run_scoped3A_8 = arith.constant 1 : i32
    "tpu.region"() ({
      %run_scoped3A_504 = tpu.sem_alloc : memref<!tpu.dma_semaphore, #tpu.memory_space<semaphore_mem>>
      %dma_start3A_505 = arith.constant 0 : i32
      %dma_start3A_506 = tpu.memref_slice %arg46[%run_scoped3A_8, %dma_start3A_505] : memref<5x128xf32, #tpu.memory_space<vmem>> -> memref<1x128xf32, #tpu.memory_space<vmem>>
      %dma_start3A_507 = tpu.memref_squeeze %dma_start3A_506 : memref<1x128xf32, #tpu.memory_space<vmem>> -> memref<128xf32, #tpu.memory_space<vmem>>
      %dma_start3A_508 = arith.constant 0 : i32
      %dma_start3A_509 = arith.constant 0 : i32
      %dma_start3A_510 = tpu.memref_slice %arg9[%run_scoped3A_6, %dma_start3A_508, %dma_start3A_509] : memref<5x8x128xf32, #tpu.memory_space<hbm>> -> memref<1x8x128xf32, #tpu.memory_space<hbm>>
      %dma_start3A_511 = tpu.memref_squeeze %dma_start3A_510 : memref<1x8x128xf32, #tpu.memory_space<hbm>> -> memref<8x128xf32, #tpu.memory_space<hbm>>
      %dma_start3A_512 = arith.constant 0 : i32
      %dma_start3A_513 = tpu.memref_slice %dma_start3A_511[%run_scoped3A_7, %dma_start3A_512] : memref<8x128xf32, #tpu.memory_space<hbm>> -> memref<1x128xf32, #tpu.memory_space<hbm>>
      %dma_start3A_514 = tpu.memref_squeeze %dma_start3A_513 : memref<1x128xf32, #tpu.memory_space<hbm>> -> memref<128xf32, #tpu.memory_space<hbm>>
      %dma_start3A_515 = arith.constant 0 : i32
      %dma_start3A_516 = tpu.memref_slice %arg46[%run_scoped3A_8, %dma_start3A_515] : memref<5x128xf32, #tpu.memory_space<vmem>> -> memref<1x128xf32, #tpu.memory_space<vmem>>
      %dma_start3A_517 = tpu.memref_squeeze %dma_start3A_516 : memref<1x128xf32, #tpu.memory_space<vmem>> -> memref<128xf32, #tpu.memory_space<vmem>>
      %dma_start3A_518 = arith.constant 0 : i32
      %dma_start3A_519 = arith.constant 0 : i32
      %dma_start3A_520 = tpu.memref_slice %arg9[%run_scoped3A_6, %dma_start3A_518, %dma_start3A_519] : memref<5x8x128xf32, #tpu.memory_space<hbm>> -> memref<1x8x128xf32, #tpu.memory_space<hbm>>
      %dma_start3A_521 = tpu.memref_squeeze %dma_start3A_520 : memref<1x8x128xf32, #tpu.memory_space<hbm>> -> memref<8x128xf32, #tpu.memory_space<hbm>>
      %dma_start3A_522 = arith.constant 0 : i32
      %dma_start3A_523 = tpu.memref_slice %dma_start3A_521[%run_scoped3A_7, %dma_start3A_522] : memref<8x128xf32, #tpu.memory_space<hbm>> -> memref<1x128xf32, #tpu.memory_space<hbm>>
      %dma_start3A_524 = tpu.memref_squeeze %dma_start3A_523 : memref<1x128xf32, #tpu.memory_space<hbm>> -> memref<128xf32, #tpu.memory_space<hbm>>
      tpu.enqueue_dma source(%dma_start3A_524 : memref<128xf32, #tpu.memory_space<hbm>>) target(%dma_start3A_517 : memref<128xf32, #tpu.memory_space<vmem>>) target_semaphore(%run_scoped3A_504 : memref<!tpu.dma_semaphore, #tpu.memory_space<semaphore_mem>>)
      %dma_wait3A_525 = arith.constant 0 : i32
      %dma_wait3A_526 = tpu.memref_slice %arg46[%run_scoped3A_8, %dma_wait3A_525] : memref<5x128xf32, #tpu.memory_space<vmem>> -> memref<1x128xf32, #tpu.memory_space<vmem>>
      %dma_wait3A_527 = tpu.memref_squeeze %dma_wait3A_526 : memref<1x128xf32, #tpu.memory_space<vmem>> -> memref<128xf32, #tpu.memory_space<vmem>>
      %dma_wait3A_528 = arith.constant 0 : i32
      %dma_wait3A_529 = arith.constant 0 : i32
      %dma_wait3A_530 = tpu.memref_slice %arg9[%run_scoped3A_6, %dma_wait3A_528, %dma_wait3A_529] : memref<5x8x128xf32, #tpu.memory_space<hbm>> -> memref<1x8x128xf32, #tpu.memory_space<hbm>>
      %dma_wait3A_531 = tpu.memref_squeeze %dma_wait3A_530 : memref<1x8x128xf32, #tpu.memory_space<hbm>> -> memref<8x128xf32, #tpu.memory_space<hbm>>
      %dma_wait3A_532 = arith.constant 0 : i32
      %dma_wait3A_533 = tpu.memref_slice %dma_wait3A_531[%run_scoped3A_7, %dma_wait3A_532] : memref<8x128xf32, #tpu.memory_space<hbm>> -> memref<1x128xf32, #tpu.memory_space<hbm>>
      %dma_wait3A_534 = tpu.memref_squeeze %dma_wait3A_533 : memref<1x128xf32, #tpu.memory_space<hbm>> -> memref<128xf32, #tpu.memory_space<hbm>>
      %dma_wait3A_535 = arith.constant 0 : i32
      %dma_wait3A_536 = tpu.memref_slice %arg46[%run_scoped3A_8, %dma_wait3A_535] : memref<5x128xf32, #tpu.memory_space<vmem>> -> memref<1x128xf32, #tpu.memory_space<vmem>>
      %dma_wait3A_537 = tpu.memref_squeeze %dma_wait3A_536 : memref<1x128xf32, #tpu.memory_space<vmem>> -> memref<128xf32, #tpu.memory_space<vmem>>
      %dma_wait3A_538 = arith.constant 0 : i32
      %dma_wait3A_539 = arith.constant 0 : i32
      %dma_wait3A_540 = tpu.memref_slice %arg9[%run_scoped3A_6, %dma_wait3A_538, %dma_wait3A_539] : memref<5x8x128xf32, #tpu.memory_space<hbm>> -> memref<1x8x128xf32, #tpu.memory_space<hbm>>
      %dma_wait3A_541 = tpu.memref_squeeze %dma_wait3A_540 : memref<1x8x128xf32, #tpu.memory_space<hbm>> -> memref<8x128xf32, #tpu.memory_space<hbm>>
      %dma_wait3A_542 = arith.constant 0 : i32
      %dma_wait3A_543 = tpu.memref_slice %dma_wait3A_541[%run_scoped3A_7, %dma_wait3A_542] : memref<8x128xf32, #tpu.memory_space<hbm>> -> memref<1x128xf32, #tpu.memory_space<hbm>>
      %dma_wait3A_544 = tpu.memref_squeeze %dma_wait3A_543 : memref<1x128xf32, #tpu.memory_space<hbm>> -> memref<128xf32, #tpu.memory_space<hbm>>
      tpu.wait_dma2 semaphore(%run_scoped3A_504 : memref<!tpu.dma_semaphore, #tpu.memory_space<semaphore_mem>>) src(%dma_wait3A_544 : memref<128xf32, #tpu.memory_space<hbm>>) dst(%dma_wait3A_537 : memref<128xf32, #tpu.memory_space<vmem>>)
      tpu.yield
    }) : () -> ()
    %run_scoped3A_9 = arith.constant 2 : i32
    %run_scoped3A_10 = arith.constant 0 : i32
    %run_scoped3A_11 = arith.constant 2 : i32
    "tpu.region"() ({
      %run_scoped3A_504 = tpu.sem_alloc : memref<!tpu.dma_semaphore, #tpu.memory_space<semaphore_mem>>
      %dma_start3A_505 = arith.constant 0 : i32
      %dma_start3A_506 = tpu.memref_slice %arg46[%run_scoped3A_11, %dma_start3A_505] : memref<5x128xf32, #tpu.memory_space<vmem>> -> memref<1x128xf32, #tpu.memory_space<vmem>>
      %dma_start3A_507 = tpu.memref_squeeze %dma_start3A_506 : memref<1x128xf32, #tpu.memory_space<vmem>> -> memref<128xf32, #tpu.memory_space<vmem>>
      %dma_start3A_508 = arith.constant 0 : i32
      %dma_start3A_509 = arith.constant 0 : i32
      %dma_start3A_510 = tpu.memref_slice %arg9[%run_scoped3A_9, %dma_start3A_508, %dma_start3A_509] : memref<5x8x128xf32, #tpu.memory_space<hbm>> -> memref<1x8x128xf32, #tpu.memory_space<hbm>>
      %dma_start3A_511 = tpu.memref_squeeze %dma_start3A_510 : memref<1x8x128xf32, #tpu.memory_space<hbm>> -> memref<8x128xf32, #tpu.memory_space<hbm>>
      %dma_start3A_512 = arith.constant 0 : i32
      %dma_start3A_513 = tpu.memref_slice %dma_start3A_511[%run_scoped3A_10, %dma_start3A_512] : memref<8x128xf32, #tpu.memory_space<hbm>> -> memref<1x128xf32, #tpu.memory_space<hbm>>
      %dma_start3A_514 = tpu.memref_squeeze %dma_start3A_513 : memref<1x128xf32, #tpu.memory_space<hbm>> -> memref<128xf32, #tpu.memory_space<hbm>>
      %dma_start3A_515 = arith.constant 0 : i32
      %dma_start3A_516 = tpu.memref_slice %arg46[%run_scoped3A_11, %dma_start3A_515] : memref<5x128xf32, #tpu.memory_space<vmem>> -> memref<1x128xf32, #tpu.memory_space<vmem>>
      %dma_start3A_517 = tpu.memref_squeeze %dma_start3A_516 : memref<1x128xf32, #tpu.memory_space<vmem>> -> memref<128xf32, #tpu.memory_space<vmem>>
      %dma_start3A_518 = arith.constant 0 : i32
      %dma_start3A_519 = arith.constant 0 : i32
      %dma_start3A_520 = tpu.memref_slice %arg9[%run_scoped3A_9, %dma_start3A_518, %dma_start3A_519] : memref<5x8x128xf32, #tpu.memory_space<hbm>> -> memref<1x8x128xf32, #tpu.memory_space<hbm>>
      %dma_start3A_521 = tpu.memref_squeeze %dma_start3A_520 : memref<1x8x128xf32, #tpu.memory_space<hbm>> -> memref<8x128xf32, #tpu.memory_space<hbm>>
      %dma_start3A_522 = arith.constant 0 : i32
      %dma_start3A_523 = tpu.memref_slice %dma_start3A_521[%run_scoped3A_10, %dma_start3A_522] : memref<8x128xf32, #tpu.memory_space<hbm>> -> memref<1x128xf32, #tpu.memory_space<hbm>>
      %dma_start3A_524 = tpu.memref_squeeze %dma_start3A_523 : memref<1x128xf32, #tpu.memory_space<hbm>> -> memref<128xf32, #tpu.memory_space<hbm>>
      tpu.enqueue_dma source(%dma_start3A_524 : memref<128xf32, #tpu.memory_space<hbm>>) target(%dma_start3A_517 : memref<128xf32, #tpu.memory_space<vmem>>) target_semaphore(%run_scoped3A_504 : memref<!tpu.dma_semaphore, #tpu.memory_space<semaphore_mem>>)
      %dma_wait3A_525 = arith.constant 0 : i32
      %dma_wait3A_526 = tpu.memref_slice %arg46[%run_scoped3A_11, %dma_wait3A_525] : memref<5x128xf32, #tpu.memory_space<vmem>> -> memref<1x128xf32, #tpu.memory_space<vmem>>
      %dma_wait3A_527 = tpu.memref_squeeze %dma_wait3A_526 : memref<1x128xf32, #tpu.memory_space<vmem>> -> memref<128xf32, #tpu.memory_space<vmem>>
      %dma_wait3A_528 = arith.constant 0 : i32
      %dma_wait3A_529 = arith.constant 0 : i32
      %dma_wait3A_530 = tpu.memref_slice %arg9[%run_scoped3A_9, %dma_wait3A_528, %dma_wait3A_529] : memref<5x8x128xf32, #tpu.memory_space<hbm>> -> memref<1x8x128xf32, #tpu.memory_space<hbm>>
      %dma_wait3A_531 = tpu.memref_squeeze %dma_wait3A_530 : memref<1x8x128xf32, #tpu.memory_space<hbm>> -> memref<8x128xf32, #tpu.memory_space<hbm>>
      %dma_wait3A_532 = arith.constant 0 : i32
      %dma_wait3A_533 = tpu.memref_slice %dma_wait3A_531[%run_scoped3A_10, %dma_wait3A_532] : memref<8x128xf32, #tpu.memory_space<hbm>> -> memref<1x128xf32, #tpu.memory_space<hbm>>
      %dma_wait3A_534 = tpu.memref_squeeze %dma_wait3A_533 : memref<1x128xf32, #tpu.memory_space<hbm>> -> memref<128xf32, #tpu.memory_space<hbm>>
      %dma_wait3A_535 = arith.constant 0 : i32
      %dma_wait3A_536 = tpu.memref_slice %arg46[%run_scoped3A_11, %dma_wait3A_535] : memref<5x128xf32, #tpu.memory_space<vmem>> -> memref<1x128xf32, #tpu.memory_space<vmem>>
      %dma_wait3A_537 = tpu.memref_squeeze %dma_wait3A_536 : memref<1x128xf32, #tpu.memory_space<vmem>> -> memref<128xf32, #tpu.memory_space<vmem>>
      %dma_wait3A_538 = arith.constant 0 : i32
      %dma_wait3A_539 = arith.constant 0 : i32
      %dma_wait3A_540 = tpu.memref_slice %arg9[%run_scoped3A_9, %dma_wait3A_538, %dma_wait3A_539] : memref<5x8x128xf32, #tpu.memory_space<hbm>> -> memref<1x8x128xf32, #tpu.memory_space<hbm>>
      %dma_wait3A_541 = tpu.memref_squeeze %dma_wait3A_540 : memref<1x8x128xf32, #tpu.memory_space<hbm>> -> memref<8x128xf32, #tpu.memory_space<hbm>>
      %dma_wait3A_542 = arith.constant 0 : i32
      %dma_wait3A_543 = tpu.memref_slice %dma_wait3A_541[%run_scoped3A_10, %dma_wait3A_542] : memref<8x128xf32, #tpu.memory_space<hbm>> -> memref<1x128xf32, #tpu.memory_space<hbm>>
      %dma_wait3A_544 = tpu.memref_squeeze %dma_wait3A_543 : memref<1x128xf32, #tpu.memory_space<hbm>> -> memref<128xf32, #tpu.memory_space<hbm>>
      tpu.wait_dma2 semaphore(%run_scoped3A_504 : memref<!tpu.dma_semaphore, #tpu.memory_space<semaphore_mem>>) src(%dma_wait3A_544 : memref<128xf32, #tpu.memory_space<hbm>>) dst(%dma_wait3A_537 : memref<128xf32, #tpu.memory_space<vmem>>)
      tpu.yield
    }) : () -> ()
    %run_scoped3A_12 = arith.constant 3 : i32
    %run_scoped3A_13 = arith.constant 0 : i32
    %run_scoped3A_14 = arith.constant 3 : i32
    "tpu.region"() ({
      %run_scoped3A_504 = tpu.sem_alloc : memref<!tpu.dma_semaphore, #tpu.memory_space<semaphore_mem>>
      %dma_start3A_505 = arith.constant 0 : i32
      %dma_start3A_506 = tpu.memref_slice %arg46[%run_scoped3A_14, %dma_start3A_505] : memref<5x128xf32, #tpu.memory_space<vmem>> -> memref<1x128xf32, #tpu.memory_space<vmem>>
      %dma_start3A_507 = tpu.memref_squeeze %dma_start3A_506 : memref<1x128xf32, #tpu.memory_space<vmem>> -> memref<128xf32, #tpu.memory_space<vmem>>
      %dma_start3A_508 = arith.constant 0 : i32
      %dma_start3A_509 = arith.constant 0 : i32
      %dma_start3A_510 = tpu.memref_slice %arg9[%run_scoped3A_12, %dma_start3A_508, %dma_start3A_509] : memref<5x8x128xf32, #tpu.memory_space<hbm>> -> memref<1x8x128xf32, #tpu.memory_space<hbm>>
      %dma_start3A_511 = tpu.memref_squeeze %dma_start3A_510 : memref<1x8x128xf32, #tpu.memory_space<hbm>> -> memref<8x128xf32, #tpu.memory_space<hbm>>
      %dma_start3A_512 = arith.constant 0 : i32
      %dma_start3A_513 = tpu.memref_slice %dma_start3A_511[%run_scoped3A_13, %dma_start3A_512] : memref<8x128xf32, #tpu.memory_space<hbm>> -> memref<1x128xf32, #tpu.memory_space<hbm>>
      %dma_start3A_514 = tpu.memref_squeeze %dma_start3A_513 : memref<1x128xf32, #tpu.memory_space<hbm>> -> memref<128xf32, #tpu.memory_space<hbm>>
      %dma_start3A_515 = arith.constant 0 : i32
      %dma_start3A_516 = tpu.memref_slice %arg46[%run_scoped3A_14, %dma_start3A_515] : memref<5x128xf32, #tpu.memory_space<vmem>> -> memref<1x128xf32, #tpu.memory_space<vmem>>
      %dma_start3A_517 = tpu.memref_squeeze %dma_start3A_516 : memref<1x128xf32, #tpu.memory_space<vmem>> -> memref<128xf32, #tpu.memory_space<vmem>>
      %dma_start3A_518 = arith.constant 0 : i32
      %dma_start3A_519 = arith.constant 0 : i32
      %dma_start3A_520 = tpu.memref_slice %arg9[%run_scoped3A_12, %dma_start3A_518, %dma_start3A_519] : memref<5x8x128xf32, #tpu.memory_space<hbm>> -> memref<1x8x128xf32, #tpu.memory_space<hbm>>
      %dma_start3A_521 = tpu.memref_squeeze %dma_start3A_520 : memref<1x8x128xf32, #tpu.memory_space<hbm>> -> memref<8x128xf32, #tpu.memory_space<hbm>>
      %dma_start3A_522 = arith.constant 0 : i32
      %dma_start3A_523 = tpu.memref_slice %dma_start3A_521[%run_scoped3A_13, %dma_start3A_522] : memref<8x128xf32, #tpu.memory_space<hbm>> -> memref<1x128xf32, #tpu.memory_space<hbm>>
      %dma_start3A_524 = tpu.memref_squeeze %dma_start3A_523 : memref<1x128xf32, #tpu.memory_space<hbm>> -> memref<128xf32, #tpu.memory_space<hbm>>
      tpu.enqueue_dma source(%dma_start3A_524 : memref<128xf32, #tpu.memory_space<hbm>>) target(%dma_start3A_517 : memref<128xf32, #tpu.memory_space<vmem>>) target_semaphore(%run_scoped3A_504 : memref<!tpu.dma_semaphore, #tpu.memory_space<semaphore_mem>>)
      %dma_wait3A_525 = arith.constant 0 : i32
      %dma_wait3A_526 = tpu.memref_slice %arg46[%run_scoped3A_14, %dma_wait3A_525] : memref<5x128xf32, #tpu.memory_space<vmem>> -> memref<1x128xf32, #tpu.memory_space<vmem>>
      %dma_wait3A_527 = tpu.memref_squeeze %dma_wait3A_526 : memref<1x128xf32, #tpu.memory_space<vmem>> -> memref<128xf32, #tpu.memory_space<vmem>>
      %dma_wait3A_528 = arith.constant 0 : i32
      %dma_wait3A_529 = arith.constant 0 : i32
      %dma_wait3A_530 = tpu.memref_slice %arg9[%run_scoped3A_12, %dma_wait3A_528, %dma_wait3A_529] : memref<5x8x128xf32, #tpu.memory_space<hbm>> -> memref<1x8x128xf32, #tpu.memory_space<hbm>>
      %dma_wait3A_531 = tpu.memref_squeeze %dma_wait3A_530 : memref<1x8x128xf32, #tpu.memory_space<hbm>> -> memref<8x128xf32, #tpu.memory_space<hbm>>
      %dma_wait3A_532 = arith.constant 0 : i32
      %dma_wait3A_533 = tpu.memref_slice %dma_wait3A_531[%run_scoped3A_13, %dma_wait3A_532] : memref<8x128xf32, #tpu.memory_space<hbm>> -> memref<1x128xf32, #tpu.memory_space<hbm>>
      %dma_wait3A_534 = tpu.memref_squeeze %dma_wait3A_533 : memref<1x128xf32, #tpu.memory_space<hbm>> -> memref<128xf32, #tpu.memory_space<hbm>>
      %dma_wait3A_535 = arith.constant 0 : i32
      %dma_wait3A_536 = tpu.memref_slice %arg46[%run_scoped3A_14, %dma_wait3A_535] : memref<5x128xf32, #tpu.memory_space<vmem>> -> memref<1x128xf32, #tpu.memory_space<vmem>>
      %dma_wait3A_537 = tpu.memref_squeeze %dma_wait3A_536 : memref<1x128xf32, #tpu.memory_space<vmem>> -> memref<128xf32, #tpu.memory_space<vmem>>
      %dma_wait3A_538 = arith.constant 0 : i32
      %dma_wait3A_539 = arith.constant 0 : i32
      %dma_wait3A_540 = tpu.memref_slice %arg9[%run_scoped3A_12, %dma_wait3A_538, %dma_wait3A_539] : memref<5x8x128xf32, #tpu.memory_space<hbm>> -> memref<1x8x128xf32, #tpu.memory_space<hbm>>
      %dma_wait3A_541 = tpu.memref_squeeze %dma_wait3A_540 : memref<1x8x128xf32, #tpu.memory_space<hbm>> -> memref<8x128xf32, #tpu.memory_space<hbm>>
      %dma_wait3A_542 = arith.constant 0 : i32
      %dma_wait3A_543 = tpu.memref_slice %dma_wait3A_541[%run_scoped3A_13, %dma_wait3A_542] : memref<8x128xf32, #tpu.memory_space<hbm>> -> memref<1x128xf32, #tpu.memory_space<hbm>>
      %dma_wait3A_544 = tpu.memref_squeeze %dma_wait3A_543 : memref<1x128xf32, #tpu.memory_space<hbm>> -> memref<128xf32, #tpu.memory_space<hbm>>
      tpu.wait_dma2 semaphore(%run_scoped3A_504 : memref<!tpu.dma_semaphore, #tpu.memory_space<semaphore_mem>>) src(%dma_wait3A_544 : memref<128xf32, #tpu.memory_space<hbm>>) dst(%dma_wait3A_537 : memref<128xf32, #tpu.memory_space<vmem>>)
      tpu.yield
    }) : () -> ()
    %run_scoped3A_15 = arith.constant 4 : i32
    %run_scoped3A_16 = arith.constant 0 : i32
    %run_scoped3A_17 = arith.constant 4 : i32
    "tpu.region"() ({
      %run_scoped3A_504 = tpu.sem_alloc : memref<!tpu.dma_semaphore, #tpu.memory_space<semaphore_mem>>
      %dma_start3A_505 = arith.constant 0 : i32
      %dma_start3A_506 = tpu.memref_slice %arg46[%run_scoped3A_17, %dma_start3A_505] : memref<5x128xf32, #tpu.memory_space<vmem>> -> memref<1x128xf32, #tpu.memory_space<vmem>>
      %dma_start3A_507 = tpu.memref_squeeze %dma_start3A_506 : memref<1x128xf32, #tpu.memory_space<vmem>> -> memref<128xf32, #tpu.memory_space<vmem>>
      %dma_start3A_508 = arith.constant 0 : i32
      %dma_start3A_509 = arith.constant 0 : i32
      %dma_start3A_510 = tpu.memref_slice %arg9[%run_scoped3A_15, %dma_start3A_508, %dma_start3A_509] : memref<5x8x128xf32, #tpu.memory_space<hbm>> -> memref<1x8x128xf32, #tpu.memory_space<hbm>>
      %dma_start3A_511 = tpu.memref_squeeze %dma_start3A_510 : memref<1x8x128xf32, #tpu.memory_space<hbm>> -> memref<8x128xf32, #tpu.memory_space<hbm>>
      %dma_start3A_512 = arith.constant 0 : i32
      %dma_start3A_513 = tpu.memref_slice %dma_start3A_511[%run_scoped3A_16, %dma_start3A_512] : memref<8x128xf32, #tpu.memory_space<hbm>> -> memref<1x128xf32, #tpu.memory_space<hbm>>
      %dma_start3A_514 = tpu.memref_squeeze %dma_start3A_513 : memref<1x128xf32, #tpu.memory_space<hbm>> -> memref<128xf32, #tpu.memory_space<hbm>>
      %dma_start3A_515 = arith.constant 0 : i32
      %dma_start3A_516 = tpu.memref_slice %arg46[%run_scoped3A_17, %dma_start3A_515] : memref<5x128xf32, #tpu.memory_space<vmem>> -> memref<1x128xf32, #tpu.memory_space<vmem>>
      %dma_start3A_517 = tpu.memref_squeeze %dma_start3A_516 : memref<1x128xf32, #tpu.memory_space<vmem>> -> memref<128xf32, #tpu.memory_space<vmem>>
      %dma_start3A_518 = arith.constant 0 : i32
      %dma_start3A_519 = arith.constant 0 : i32
      %dma_start3A_520 = tpu.memref_slice %arg9[%run_scoped3A_15, %dma_start3A_518, %dma_start3A_519] : memref<5x8x128xf32, #tpu.memory_space<hbm>> -> memref<1x8x128xf32, #tpu.memory_space<hbm>>
      %dma_start3A_521 = tpu.memref_squeeze %dma_start3A_520 : memref<1x8x128xf32, #tpu.memory_space<hbm>> -> memref<8x128xf32, #tpu.memory_space<hbm>>
      %dma_start3A_522 = arith.constant 0 : i32
      %dma_start3A_523 = tpu.memref_slice %dma_start3A_521[%run_scoped3A_16, %dma_start3A_522] : memref<8x128xf32, #tpu.memory_space<hbm>> -> memref<1x128xf32, #tpu.memory_space<hbm>>
      %dma_start3A_524 = tpu.memref_squeeze %dma_start3A_523 : memref<1x128xf32, #tpu.memory_space<hbm>> -> memref<128xf32, #tpu.memory_space<hbm>>
      tpu.enqueue_dma source(%dma_start3A_524 : memref<128xf32, #tpu.memory_space<hbm>>) target(%dma_start3A_517 : memref<128xf32, #tpu.memory_space<vmem>>) target_semaphore(%run_scoped3A_504 : memref<!tpu.dma_semaphore, #tpu.memory_space<semaphore_mem>>)
      %dma_wait3A_525 = arith.constant 0 : i32
      %dma_wait3A_526 = tpu.memref_slice %arg46[%run_scoped3A_17, %dma_wait3A_525] : memref<5x128xf32, #tpu.memory_space<vmem>> -> memref<1x128xf32, #tpu.memory_space<vmem>>
      %dma_wait3A_527 = tpu.memref_squeeze %dma_wait3A_526 : memref<1x128xf32, #tpu.memory_space<vmem>> -> memref<128xf32, #tpu.memory_space<vmem>>
      %dma_wait3A_528 = arith.constant 0 : i32
      %dma_wait3A_529 = arith.constant 0 : i32
      %dma_wait3A_530 = tpu.memref_slice %arg9[%run_scoped3A_15, %dma_wait3A_528, %dma_wait3A_529] : memref<5x8x128xf32, #tpu.memory_space<hbm>> -> memref<1x8x128xf32, #tpu.memory_space<hbm>>
      %dma_wait3A_531 = tpu.memref_squeeze %dma_wait3A_530 : memref<1x8x128xf32, #tpu.memory_space<hbm>> -> memref<8x128xf32, #tpu.memory_space<hbm>>
      %dma_wait3A_532 = arith.constant 0 : i32
      %dma_wait3A_533 = tpu.memref_slice %dma_wait3A_531[%run_scoped3A_16, %dma_wait3A_532] : memref<8x128xf32, #tpu.memory_space<hbm>> -> memref<1x128xf32, #tpu.memory_space<hbm>>
      %dma_wait3A_534 = tpu.memref_squeeze %dma_wait3A_533 : memref<1x128xf32, #tpu.memory_space<hbm>> -> memref<128xf32, #tpu.memory_space<hbm>>
      %dma_wait3A_535 = arith.constant 0 : i32
      %dma_wait3A_536 = tpu.memref_slice %arg46[%run_scoped3A_17, %dma_wait3A_535] : memref<5x128xf32, #tpu.memory_space<vmem>> -> memref<1x128xf32, #tpu.memory_space<vmem>>
      %dma_wait3A_537 = tpu.memref_squeeze %dma_wait3A_536 : memref<1x128xf32, #tpu.memory_space<vmem>> -> memref<128xf32, #tpu.memory_space<vmem>>
      %dma_wait3A_538 = arith.constant 0 : i32
      %dma_wait3A_539 = arith.constant 0 : i32
      %dma_wait3A_540 = tpu.memref_slice %arg9[%run_scoped3A_15, %dma_wait3A_538, %dma_wait3A_539] : memref<5x8x128xf32, #tpu.memory_space<hbm>> -> memref<1x8x128xf32, #tpu.memory_space<hbm>>
      %dma_wait3A_541 = tpu.memref_squeeze %dma_wait3A_540 : memref<1x8x128xf32, #tpu.memory_space<hbm>> -> memref<8x128xf32, #tpu.memory_space<hbm>>
      %dma_wait3A_542 = arith.constant 0 : i32
      %dma_wait3A_543 = tpu.memref_slice %dma_wait3A_541[%run_scoped3A_16, %dma_wait3A_542] : memref<8x128xf32, #tpu.memory_space<hbm>> -> memref<1x128xf32, #tpu.memory_space<hbm>>
      %dma_wait3A_544 = tpu.memref_squeeze %dma_wait3A_543 : memref<1x128xf32, #tpu.memory_space<hbm>> -> memref<128xf32, #tpu.memory_space<hbm>>
      tpu.wait_dma2 semaphore(%run_scoped3A_504 : memref<!tpu.dma_semaphore, #tpu.memory_space<semaphore_mem>>) src(%dma_wait3A_544 : memref<128xf32, #tpu.memory_space<hbm>>) dst(%dma_wait3A_537 : memref<128xf32, #tpu.memory_space<vmem>>)
      tpu.yield
    }) : () -> ()
    %add3A_18 = arith.constant 0 : i32
    %add3A_19 = arith.addi %mul3A_2, %add3A_18 : i32
    %dma_start3A = tpu.memref_slice %arg6[%add3A_19] : memref<320000xi32, #tpu.memory_space<hbm>> -> memref<80xi32, #tpu.memory_space<hbm>>
    %dma_start3A_20 = tpu.memref_slice %arg6[%add3A_19] : memref<320000xi32, #tpu.memory_space<hbm>> -> memref<80xi32, #tpu.memory_space<hbm>>
    tpu.enqueue_dma source(%dma_start3A_20 : memref<80xi32, #tpu.memory_space<hbm>>) target(%arg12 : memref<80xi32, #tpu.memory_space<vmem>>) target_semaphore(%arg49 : memref<!tpu.dma_semaphore, #tpu.memory_space<semaphore_mem>>)
    %dma_start3A_21 = tpu.memref_slice %arg7[%add3A_19] : memref<320000xi32, #tpu.memory_space<hbm>> -> memref<80xi32, #tpu.memory_space<hbm>>
    %dma_start3A_22 = tpu.memref_slice %arg7[%add3A_19] : memref<320000xi32, #tpu.memory_space<hbm>> -> memref<80xi32, #tpu.memory_space<hbm>>
    tpu.enqueue_dma source(%dma_start3A_22 : memref<80xi32, #tpu.memory_space<hbm>>) target(%arg16 : memref<80xi32, #tpu.memory_space<vmem>>) target_semaphore(%arg49 : memref<!tpu.dma_semaphore, #tpu.memory_space<semaphore_mem>>)
    %dma_start3A_23 = tpu.memref_slice %arg5[%add3A_19] : memref<320000xf32, #tpu.memory_space<hbm>> -> memref<80xf32, #tpu.memory_space<hbm>>
    %dma_start3A_24 = tpu.memref_slice %arg5[%add3A_19] : memref<320000xf32, #tpu.memory_space<hbm>> -> memref<80xf32, #tpu.memory_space<hbm>>
    tpu.enqueue_dma source(%dma_start3A_24 : memref<80xf32, #tpu.memory_space<hbm>>) target(%arg20 : memref<80xf32, #tpu.memory_space<vmem>>) target_semaphore(%arg49 : memref<!tpu.dma_semaphore, #tpu.memory_space<semaphore_mem>>)
    %add3A_25 = arith.constant 80 : i32
    %add3A_26 = arith.addi %mul3A_2, %add3A_25 : i32
    %dma_start3A_27 = tpu.memref_slice %arg6[%add3A_26] : memref<320000xi32, #tpu.memory_space<hbm>> -> memref<80xi32, #tpu.memory_space<hbm>>
    %dma_start3A_28 = tpu.memref_slice %arg6[%add3A_26] : memref<320000xi32, #tpu.memory_space<hbm>> -> memref<80xi32, #tpu.memory_space<hbm>>
    tpu.enqueue_dma source(%dma_start3A_28 : memref<80xi32, #tpu.memory_space<hbm>>) target(%arg13 : memref<80xi32, #tpu.memory_space<vmem>>) target_semaphore(%arg50 : memref<!tpu.dma_semaphore, #tpu.memory_space<semaphore_mem>>)
    %dma_start3A_29 = tpu.memref_slice %arg7[%add3A_26] : memref<320000xi32, #tpu.memory_space<hbm>> -> memref<80xi32, #tpu.memory_space<hbm>>
    %dma_start3A_30 = tpu.memref_slice %arg7[%add3A_26] : memref<320000xi32, #tpu.memory_space<hbm>> -> memref<80xi32, #tpu.memory_space<hbm>>
    tpu.enqueue_dma source(%dma_start3A_30 : memref<80xi32, #tpu.memory_space<hbm>>) target(%arg17 : memref<80xi32, #tpu.memory_space<vmem>>) target_semaphore(%arg50 : memref<!tpu.dma_semaphore, #tpu.memory_space<semaphore_mem>>)
    %dma_start3A_31 = tpu.memref_slice %arg5[%add3A_26] : memref<320000xf32, #tpu.memory_space<hbm>> -> memref<80xf32, #tpu.memory_space<hbm>>
    %dma_start3A_32 = tpu.memref_slice %arg5[%add3A_26] : memref<320000xf32, #tpu.memory_space<hbm>> -> memref<80xf32, #tpu.memory_space<hbm>>
    tpu.enqueue_dma source(%dma_start3A_32 : memref<80xf32, #tpu.memory_space<hbm>>) target(%arg21 : memref<80xf32, #tpu.memory_space<vmem>>) target_semaphore(%arg50 : memref<!tpu.dma_semaphore, #tpu.memory_space<semaphore_mem>>)
    %add3A_33 = arith.constant 160 : i32
    %add3A_34 = arith.addi %mul3A_2, %add3A_33 : i32
    %dma_start3A_35 = tpu.memref_slice %arg6[%add3A_34] : memref<320000xi32, #tpu.memory_space<hbm>> -> memref<80xi32, #tpu.memory_space<hbm>>
    %dma_start3A_36 = tpu.memref_slice %arg6[%add3A_34] : memref<320000xi32, #tpu.memory_space<hbm>> -> memref<80xi32, #tpu.memory_space<hbm>>
    tpu.enqueue_dma source(%dma_start3A_36 : memref<80xi32, #tpu.memory_space<hbm>>) target(%arg14 : memref<80xi32, #tpu.memory_space<vmem>>) target_semaphore(%arg51 : memref<!tpu.dma_semaphore, #tpu.memory_space<semaphore_mem>>)
    %dma_start3A_37 = tpu.memref_slice %arg7[%add3A_34] : memref<320000xi32, #tpu.memory_space<hbm>> -> memref<80xi32, #tpu.memory_space<hbm>>
    %dma_start3A_38 = tpu.memref_slice %arg7[%add3A_34] : memref<320000xi32, #tpu.memory_space<hbm>> -> memref<80xi32, #tpu.memory_space<hbm>>
    tpu.enqueue_dma source(%dma_start3A_38 : memref<80xi32, #tpu.memory_space<hbm>>) target(%arg18 : memref<80xi32, #tpu.memory_space<vmem>>) target_semaphore(%arg51 : memref<!tpu.dma_semaphore, #tpu.memory_space<semaphore_mem>>)
    %dma_start3A_39 = tpu.memref_slice %arg5[%add3A_34] : memref<320000xf32, #tpu.memory_space<hbm>> -> memref<80xf32, #tpu.memory_space<hbm>>
    %dma_start3A_40 = tpu.memref_slice %arg5[%add3A_34] : memref<320000xf32, #tpu.memory_space<hbm>> -> memref<80xf32, #tpu.memory_space<hbm>>
    tpu.enqueue_dma source(%dma_start3A_40 : memref<80xf32, #tpu.memory_space<hbm>>) target(%arg22 : memref<80xf32, #tpu.memory_space<vmem>>) target_semaphore(%arg51 : memref<!tpu.dma_semaphore, #tpu.memory_space<semaphore_mem>>)
    %add3A_41 = arith.constant 240 : i32
    %add3A_42 = arith.addi %mul3A_2, %add3A_41 : i32
    %dma_start3A_43 = tpu.memref_slice %arg6[%add3A_42] : memref<320000xi32, #tpu.memory_space<hbm>> -> memref<80xi32, #tpu.memory_space<hbm>>
    %dma_start3A_44 = tpu.memref_slice %arg6[%add3A_42] : memref<320000xi32, #tpu.memory_space<hbm>> -> memref<80xi32, #tpu.memory_space<hbm>>
    tpu.enqueue_dma source(%dma_start3A_44 : memref<80xi32, #tpu.memory_space<hbm>>) target(%arg15 : memref<80xi32, #tpu.memory_space<vmem>>) target_semaphore(%arg52 : memref<!tpu.dma_semaphore, #tpu.memory_space<semaphore_mem>>)
    %dma_start3A_45 = tpu.memref_slice %arg7[%add3A_42] : memref<320000xi32, #tpu.memory_space<hbm>> -> memref<80xi32, #tpu.memory_space<hbm>>
    %dma_start3A_46 = tpu.memref_slice %arg7[%add3A_42] : memref<320000xi32, #tpu.memory_space<hbm>> -> memref<80xi32, #tpu.memory_space<hbm>>
    tpu.enqueue_dma source(%dma_start3A_46 : memref<80xi32, #tpu.memory_space<hbm>>) target(%arg19 : memref<80xi32, #tpu.memory_space<vmem>>) target_semaphore(%arg52 : memref<!tpu.dma_semaphore, #tpu.memory_space<semaphore_mem>>)
    %dma_start3A_47 = tpu.memref_slice %arg5[%add3A_42] : memref<320000xf32, #tpu.memory_space<hbm>> -> memref<80xf32, #tpu.memory_space<hbm>>
    %dma_start3A_48 = tpu.memref_slice %arg5[%add3A_42] : memref<320000xf32, #tpu.memory_space<hbm>> -> memref<80xf32, #tpu.memory_space<hbm>>
    tpu.enqueue_dma source(%dma_start3A_48 : memref<80xf32, #tpu.memory_space<hbm>>) target(%arg23 : memref<80xf32, #tpu.memory_space<vmem>>) target_semaphore(%arg52 : memref<!tpu.dma_semaphore, #tpu.memory_space<semaphore_mem>>)
    %broadcast_in_dim3A = arith.constant -3.000000e+38 : f32
    %broadcast_in_dim3A_49 = vector.broadcast %broadcast_in_dim3A : f32 to vector<16xf32>
    %get3A = arith.constant 0 : i32
    %get3A_50 = arith.index_cast %get3A : i32 to index
    %get3A_51 = arith.constant 0 : index
    %get3A_52 = tpu.vector_load %arg46[%get3A_50, %get3A_51] {strides = array<i32>} : memref<5x128xf32, #tpu.memory_space<vmem>>, vector<16xf32>,
    %max3A = arith.maximumf %broadcast_in_dim3A_49, %get3A_52 : vector<16xf32>
    %get3A_53 = arith.constant 0 : i32
    %get3A_54 = arith.index_cast %get3A_53 : i32 to index
    %get3A_55 = arith.constant 16 : index
    %get3A_56 = tpu.vector_load %arg46[%get3A_54, %get3A_55] {strides = array<i32>} : memref<5x128xf32, #tpu.memory_space<vmem>>, vector<16xf32>,
    %max3A_57 = arith.maximumf %max3A, %get3A_56 : vector<16xf32>
    %get3A_58 = arith.constant 0 : i32
    %get3A_59 = arith.index_cast %get3A_58 : i32 to index
    %get3A_60 = arith.constant 32 : index
    %get3A_61 = tpu.vector_load %arg46[%get3A_59, %get3A_60] {strides = array<i32>} : memref<5x128xf32, #tpu.memory_space<vmem>>, vector<16xf32>,
    %max3A_62 = arith.maximumf %max3A_57, %get3A_61 : vector<16xf32>
    %get3A_63 = arith.constant 0 : i32
    %get3A_64 = arith.index_cast %get3A_63 : i32 to index
    %get3A_65 = arith.constant 48 : index
    %get3A_66 = tpu.vector_load %arg46[%get3A_64, %get3A_65] {strides = array<i32>} : memref<5x128xf32, #tpu.memory_space<vmem>>, vector<16xf32>,
    %max3A_67 = arith.maximumf %max3A_62, %get3A_66 : vector<16xf32>
    %get3A_68 = arith.constant 0 : i32
    %get3A_69 = arith.index_cast %get3A_68 : i32 to index
    %get3A_70 = arith.constant 64 : index
    %get3A_71 = tpu.vector_load %arg46[%get3A_69, %get3A_70] {strides = array<i32>} : memref<5x128xf32, #tpu.memory_space<vmem>>, vector<16xf32>,
    %max3A_72 = arith.maximumf %max3A_67, %get3A_71 : vector<16xf32>
    %get3A_73 = arith.constant 0 : i32
    %get3A_74 = arith.index_cast %get3A_73 : i32 to index
    %get3A_75 = arith.constant 80 : index
    %get3A_76 = tpu.vector_load %arg46[%get3A_74, %get3A_75] {strides = array<i32>} : memref<5x128xf32, #tpu.memory_space<vmem>>, vector<16xf32>,
    %max3A_77 = arith.maximumf %max3A_72, %get3A_76 : vector<16xf32>
    %get3A_78 = arith.constant 0 : i32
    %get3A_79 = arith.index_cast %get3A_78 : i32 to index
    %get3A_80 = arith.constant 96 : index
    %get3A_81 = tpu.vector_load %arg46[%get3A_79, %get3A_80] {strides = array<i32>} : memref<5x128xf32, #tpu.memory_space<vmem>>, vector<16xf32>,
    %max3A_82 = arith.maximumf %max3A_77, %get3A_81 : vector<16xf32>
    %get3A_83 = arith.constant 0 : i32
    %get3A_84 = arith.index_cast %get3A_83 : i32 to index
    %get3A_85 = arith.constant 112 : index
    %get3A_86 = tpu.vector_load %arg46[%get3A_84, %get3A_85] {strides = array<i32>} : memref<5x128xf32, #tpu.memory_space<vmem>>, vector<16xf32>,
    %max3A_87 = arith.maximumf %max3A_82, %get3A_86 : vector<16xf32>
    %get3A_88 = arith.constant 1 : i32
    %get3A_89 = arith.index_cast %get3A_88 : i32 to index
    %get3A_90 = arith.constant 0 : index
    %get3A_91 = tpu.vector_load %arg46[%get3A_89, %get3A_90] {strides = array<i32>} : memref<5x128xf32, #tpu.memory_space<vmem>>, vector<16xf32>,
    %max3A_92 = arith.maximumf %max3A_87, %get3A_91 : vector<16xf32>
    %get3A_93 = arith.constant 1 : i32
    %get3A_94 = arith.index_cast %get3A_93 : i32 to index
    %get3A_95 = arith.constant 16 : index
    %get3A_96 = tpu.vector_load %arg46[%get3A_94, %get3A_95] {strides = array<i32>} : memref<5x128xf32, #tpu.memory_space<vmem>>, vector<16xf32>,
    %max3A_97 = arith.maximumf %max3A_92, %get3A_96 : vector<16xf32>
    %get3A_98 = arith.constant 1 : i32
    %get3A_99 = arith.index_cast %get3A_98 : i32 to index
    %get3A_100 = arith.constant 32 : index
    %get3A_101 = tpu.vector_load %arg46[%get3A_99, %get3A_100] {strides = array<i32>} : memref<5x128xf32, #tpu.memory_space<vmem>>, vector<16xf32>,
    %max3A_102 = arith.maximumf %max3A_97, %get3A_101 : vector<16xf32>
    %get3A_103 = arith.constant 1 : i32
    %get3A_104 = arith.index_cast %get3A_103 : i32 to index
    %get3A_105 = arith.constant 48 : index
    %get3A_106 = tpu.vector_load %arg46[%get3A_104, %get3A_105] {strides = array<i32>} : memref<5x128xf32, #tpu.memory_space<vmem>>, vector<16xf32>,
    %max3A_107 = arith.maximumf %max3A_102, %get3A_106 : vector<16xf32>
    %get3A_108 = arith.constant 1 : i32
    %get3A_109 = arith.index_cast %get3A_108 : i32 to index
    %get3A_110 = arith.constant 64 : index
    %get3A_111 = tpu.vector_load %arg46[%get3A_109, %get3A_110] {strides = array<i32>} : memref<5x128xf32, #tpu.memory_space<vmem>>, vector<16xf32>,
    %max3A_112 = arith.maximumf %max3A_107, %get3A_111 : vector<16xf32>
    %get3A_113 = arith.constant 1 : i32
    %get3A_114 = arith.index_cast %get3A_113 : i32 to index
    %get3A_115 = arith.constant 80 : index
    %get3A_116 = tpu.vector_load %arg46[%get3A_114, %get3A_115] {strides = array<i32>} : memref<5x128xf32, #tpu.memory_space<vmem>>, vector<16xf32>,
    %max3A_117 = arith.maximumf %max3A_112, %get3A_116 : vector<16xf32>
    %get3A_118 = arith.constant 1 : i32
    %get3A_119 = arith.index_cast %get3A_118 : i32 to index
    %get3A_120 = arith.constant 96 : index
    %get3A_121 = tpu.vector_load %arg46[%get3A_119, %get3A_120] {strides = array<i32>} : memref<5x128xf32, #tpu.memory_space<vmem>>, vector<16xf32>,
    %max3A_122 = arith.maximumf %max3A_117, %get3A_121 : vector<16xf32>
    %get3A_123 = arith.constant 1 : i32
    %get3A_124 = arith.index_cast %get3A_123 : i32 to index
    %get3A_125 = arith.constant 112 : index
    %get3A_126 = tpu.vector_load %arg46[%get3A_124, %get3A_125] {strides = array<i32>} : memref<5x128xf32, #tpu.memory_space<vmem>>, vector<16xf32>,
    %max3A_127 = arith.maximumf %max3A_122, %get3A_126 : vector<16xf32>
    %get3A_128 = arith.constant 2 : i32
    %get3A_129 = arith.index_cast %get3A_128 : i32 to index
    %get3A_130 = arith.constant 0 : index
    %get3A_131 = tpu.vector_load %arg46[%get3A_129, %get3A_130] {strides = array<i32>} : memref<5x128xf32, #tpu.memory_space<vmem>>, vector<16xf32>,
    %max3A_132 = arith.maximumf %max3A_127, %get3A_131 : vector<16xf32>
    %get3A_133 = arith.constant 2 : i32
    %get3A_134 = arith.index_cast %get3A_133 : i32 to index
    %get3A_135 = arith.constant 16 : index
    %get3A_136 = tpu.vector_load %arg46[%get3A_134, %get3A_135] {strides = array<i32>} : memref<5x128xf32, #tpu.memory_space<vmem>>, vector<16xf32>,
    %max3A_137 = arith.maximumf %max3A_132, %get3A_136 : vector<16xf32>
    %get3A_138 = arith.constant 2 : i32
    %get3A_139 = arith.index_cast %get3A_138 : i32 to index
    %get3A_140 = arith.constant 32 : index
    %get3A_141 = tpu.vector_load %arg46[%get3A_139, %get3A_140] {strides = array<i32>} : memref<5x128xf32, #tpu.memory_space<vmem>>, vector<16xf32>,
    %max3A_142 = arith.maximumf %max3A_137, %get3A_141 : vector<16xf32>
    %get3A_143 = arith.constant 2 : i32
    %get3A_144 = arith.index_cast %get3A_143 : i32 to index
    %get3A_145 = arith.constant 48 : index
    %get3A_146 = tpu.vector_load %arg46[%get3A_144, %get3A_145] {strides = array<i32>} : memref<5x128xf32, #tpu.memory_space<vmem>>, vector<16xf32>,
    %max3A_147 = arith.maximumf %max3A_142, %get3A_146 : vector<16xf32>
    %get3A_148 = arith.constant 2 : i32
    %get3A_149 = arith.index_cast %get3A_148 : i32 to index
    %get3A_150 = arith.constant 64 : index
    %get3A_151 = tpu.vector_load %arg46[%get3A_149, %get3A_150] {strides = array<i32>} : memref<5x128xf32, #tpu.memory_space<vmem>>, vector<16xf32>,
    %max3A_152 = arith.maximumf %max3A_147, %get3A_151 : vector<16xf32>
    %get3A_153 = arith.constant 2 : i32
    %get3A_154 = arith.index_cast %get3A_153 : i32 to index
    %get3A_155 = arith.constant 80 : index
    %get3A_156 = tpu.vector_load %arg46[%get3A_154, %get3A_155] {strides = array<i32>} : memref<5x128xf32, #tpu.memory_space<vmem>>, vector<16xf32>,
    %max3A_157 = arith.maximumf %max3A_152, %get3A_156 : vector<16xf32>
    %get3A_158 = arith.constant 2 : i32
    %get3A_159 = arith.index_cast %get3A_158 : i32 to index
    %get3A_160 = arith.constant 96 : index
    %get3A_161 = tpu.vector_load %arg46[%get3A_159, %get3A_160] {strides = array<i32>} : memref<5x128xf32, #tpu.memory_space<vmem>>, vector<16xf32>,
    %max3A_162 = arith.maximumf %max3A_157, %get3A_161 : vector<16xf32>
    %get3A_163 = arith.constant 2 : i32
    %get3A_164 = arith.index_cast %get3A_163 : i32 to index
    %get3A_165 = arith.constant 112 : index
    %get3A_166 = tpu.vector_load %arg46[%get3A_164, %get3A_165] {strides = array<i32>} : memref<5x128xf32, #tpu.memory_space<vmem>>, vector<16xf32>,
    %max3A_167 = arith.maximumf %max3A_162, %get3A_166 : vector<16xf32>
    %get3A_168 = arith.constant 3 : i32
    %get3A_169 = arith.index_cast %get3A_168 : i32 to index
    %get3A_170 = arith.constant 0 : index
    %get3A_171 = tpu.vector_load %arg46[%get3A_169, %get3A_170] {strides = array<i32>} : memref<5x128xf32, #tpu.memory_space<vmem>>, vector<16xf32>,
    %max3A_172 = arith.maximumf %max3A_167, %get3A_171 : vector<16xf32>
    %get3A_173 = arith.constant 3 : i32
    %get3A_174 = arith.index_cast %get3A_173 : i32 to index
    %get3A_175 = arith.constant 16 : index
    %get3A_176 = tpu.vector_load %arg46[%get3A_174, %get3A_175] {strides = array<i32>} : memref<5x128xf32, #tpu.memory_space<vmem>>, vector<16xf32>,
    %max3A_177 = arith.maximumf %max3A_172, %get3A_176 : vector<16xf32>
    %get3A_178 = arith.constant 3 : i32
    %get3A_179 = arith.index_cast %get3A_178 : i32 to index
    %get3A_180 = arith.constant 32 : index
    %get3A_181 = tpu.vector_load %arg46[%get3A_179, %get3A_180] {strides = array<i32>} : memref<5x128xf32, #tpu.memory_space<vmem>>, vector<16xf32>,
    %max3A_182 = arith.maximumf %max3A_177, %get3A_181 : vector<16xf32>
    %get3A_183 = arith.constant 3 : i32
    %get3A_184 = arith.index_cast %get3A_183 : i32 to index
    %get3A_185 = arith.constant 48 : index
    %get3A_186 = tpu.vector_load %arg46[%get3A_184, %get3A_185] {strides = array<i32>} : memref<5x128xf32, #tpu.memory_space<vmem>>, vector<16xf32>,
    %max3A_187 = arith.maximumf %max3A_182, %get3A_186 : vector<16xf32>
    %get3A_188 = arith.constant 3 : i32
    %get3A_189 = arith.index_cast %get3A_188 : i32 to index
    %get3A_190 = arith.constant 64 : index
    %get3A_191 = tpu.vector_load %arg46[%get3A_189, %get3A_190] {strides = array<i32>} : memref<5x128xf32, #tpu.memory_space<vmem>>, vector<16xf32>,
    %max3A_192 = arith.maximumf %max3A_187, %get3A_191 : vector<16xf32>
    %get3A_193 = arith.constant 3 : i32
    %get3A_194 = arith.index_cast %get3A_193 : i32 to index
    %get3A_195 = arith.constant 80 : index
    %get3A_196 = tpu.vector_load %arg46[%get3A_194, %get3A_195] {strides = array<i32>} : memref<5x128xf32, #tpu.memory_space<vmem>>, vector<16xf32>,
    %max3A_197 = arith.maximumf %max3A_192, %get3A_196 : vector<16xf32>
    %get3A_198 = arith.constant 3 : i32
    %get3A_199 = arith.index_cast %get3A_198 : i32 to index
    %get3A_200 = arith.constant 96 : index
    %get3A_201 = tpu.vector_load %arg46[%get3A_199, %get3A_200] {strides = array<i32>} : memref<5x128xf32, #tpu.memory_space<vmem>>, vector<16xf32>,
    %max3A_202 = arith.maximumf %max3A_197, %get3A_201 : vector<16xf32>
    %get3A_203 = arith.constant 3 : i32
    %get3A_204 = arith.index_cast %get3A_203 : i32 to index
    %get3A_205 = arith.constant 112 : index
    %get3A_206 = tpu.vector_load %arg46[%get3A_204, %get3A_205] {strides = array<i32>} : memref<5x128xf32, #tpu.memory_space<vmem>>, vector<16xf32>,
    %max3A_207 = arith.maximumf %max3A_202, %get3A_206 : vector<16xf32>
    %get3A_208 = arith.constant 4 : i32
    %get3A_209 = arith.index_cast %get3A_208 : i32 to index
    %get3A_210 = arith.constant 0 : index
    %get3A_211 = tpu.vector_load %arg46[%get3A_209, %get3A_210] {strides = array<i32>} : memref<5x128xf32, #tpu.memory_space<vmem>>, vector<16xf32>,
    %max3A_212 = arith.maximumf %max3A_207, %get3A_211 : vector<16xf32>
    %get3A_213 = arith.constant 4 : i32
    %get3A_214 = arith.index_cast %get3A_213 : i32 to index
    %get3A_215 = arith.constant 16 : index
    %get3A_216 = tpu.vector_load %arg46[%get3A_214, %get3A_215] {strides = array<i32>} : memref<5x128xf32, #tpu.memory_space<vmem>>, vector<16xf32>,
    %max3A_217 = arith.maximumf %max3A_212, %get3A_216 : vector<16xf32>
    %get3A_218 = arith.constant 4 : i32
    %get3A_219 = arith.index_cast %get3A_218 : i32 to index
    %get3A_220 = arith.constant 32 : index
    %get3A_221 = tpu.vector_load %arg46[%get3A_219, %get3A_220] {strides = array<i32>} : memref<5x128xf32, #tpu.memory_space<vmem>>, vector<16xf32>,
    %max3A_222 = arith.maximumf %max3A_217, %get3A_221 : vector<16xf32>
    %get3A_223 = arith.constant 4 : i32
    %get3A_224 = arith.index_cast %get3A_223 : i32 to index
    %get3A_225 = arith.constant 48 : index
    %get3A_226 = tpu.vector_load %arg46[%get3A_224, %get3A_225] {strides = array<i32>} : memref<5x128xf32, #tpu.memory_space<vmem>>, vector<16xf32>,
    %max3A_227 = arith.maximumf %max3A_222, %get3A_226 : vector<16xf32>
    %get3A_228 = arith.constant 4 : i32
    %get3A_229 = arith.index_cast %get3A_228 : i32 to index
    %get3A_230 = arith.constant 64 : index
    %get3A_231 = tpu.vector_load %arg46[%get3A_229, %get3A_230] {strides = array<i32>} : memref<5x128xf32, #tpu.memory_space<vmem>>, vector<16xf32>,
    %max3A_232 = arith.maximumf %max3A_227, %get3A_231 : vector<16xf32>
    %get3A_233 = arith.constant 4 : i32
    %get3A_234 = arith.index_cast %get3A_233 : i32 to index
    %get3A_235 = arith.constant 80 : index
    %get3A_236 = tpu.vector_load %arg46[%get3A_234, %get3A_235] {strides = array<i32>} : memref<5x128xf32, #tpu.memory_space<vmem>>, vector<16xf32>,
    %max3A_237 = arith.maximumf %max3A_232, %get3A_236 : vector<16xf32>
    %get3A_238 = arith.constant 4 : i32
    %get3A_239 = arith.index_cast %get3A_238 : i32 to index
    %get3A_240 = arith.constant 96 : index
    %get3A_241 = tpu.vector_load %arg46[%get3A_239, %get3A_240] {strides = array<i32>} : memref<5x128xf32, #tpu.memory_space<vmem>>, vector<16xf32>,
    %max3A_242 = arith.maximumf %max3A_237, %get3A_241 : vector<16xf32>
    %get3A_243 = arith.constant 4 : i32
    %get3A_244 = arith.index_cast %get3A_243 : i32 to index
    %get3A_245 = arith.constant 112 : index
    %get3A_246 = tpu.vector_load %arg46[%get3A_244, %get3A_245] {strides = array<i32>} : memref<5x128xf32, #tpu.memory_space<vmem>>, vector<16xf32>,
    %max3A_247 = arith.maximumf %max3A_242, %get3A_246 : vector<16xf32>
    %get3A_248 = arith.constant 0 : index
    %get3A_249 = tpu.vector_load %arg44[%get3A_248] {strides = array<i32>} : memref<16xf32, #tpu.memory_space<vmem>>, vector<16xf32>,
    %add3A_250 = arith.addf %get3A_249, %max3A_247 : vector<16xf32>
    %max3A_251 = arith.constant 0.000000e+00 : f32
    %max3A_252 = vector.broadcast %max3A_251 : f32 to vector<16xf32>
    %max3A_253 = arith.maximumf %add3A_250, %max3A_252 : vector<16xf32>
    %swap3A = arith.constant 0 : index
    %swap3A_254 = tpu.vector_load %arg44[%swap3A] {strides = array<i32>} : memref<16xf32, #tpu.memory_space<vmem>>, vector<16xf32>,
    tpu.vector_store %arg44[%swap3A], %max3A_253 {strides = array<i32>} : memref<16xf32, #tpu.memory_space<vmem>>, vector<16xf32>,
    %scan3A = arith.constant 0 : i32
    %scan3A_255 = arith.constant 80 : i32
    %scan3A_256 = arith.addi %scan3A, %scan3A_255 : i32
    %scan3A_257 = arith.constant 1 : i32
    scf.for %scan3A_504 = %scan3A to %scan3A_256 step %scan3A_257  : i32 {
      %mul3A_505 = arith.constant 1 : i32
      %mul3A_506 = arith.muli %scan3A_504, %mul3A_505 : i32
      %add3A_507 = arith.constant 0 : i32
      %add3A_508 = arith.addi %add3A_507, %mul3A_506 : i32
      %scan3A_509 = arith.constant 0 : i32
      %scan3A_510 = arith.constant 8 : i32
      %scan3A_511 = arith.addi %scan3A_509, %scan3A_510 : i32
      %scan3A_512 = arith.constant 1 : i32
      scf.for %scan3A_514 = %scan3A_509 to %scan3A_511 step %scan3A_512  : i32 {
        %mul3A_515 = arith.constant 1 : i32
        %mul3A_516 = arith.muli %scan3A_514, %mul3A_515 : i32
        %add3A_517 = arith.constant 0 : i32
        %add3A_518 = arith.addi %add3A_517, %mul3A_516 : i32
        %broadcast_in_dim3A_519 = arith.constant 0.000000e+00 : f32
        %broadcast_in_dim3A_520 = vector.broadcast %broadcast_in_dim3A_519 : f32 to vector<16xf32>
        %mul3A_521 = arith.constant 16 : i32
        %mul3A_522 = arith.muli %add3A_518, %mul3A_521 : i32
        %swap3A_523 = arith.index_cast %add3A_508 : i32 to index
        %swap3A_524 = arith.index_cast %mul3A_522 : i32 to index
        %swap3A_525 = tpu.vector_load %arg40[%swap3A_523, %swap3A_524] {strides = array<i32>} : memref<80x128xf32, #tpu.memory_space<vmem>>, vector<16xf32>,
        tpu.vector_store %arg40[%swap3A_523, %swap3A_524], %broadcast_in_dim3A_520 {strides = array<i32>} : memref<80x128xf32, #tpu.memory_space<vmem>>, vector<16xf32>,
      }
      %scan3A_513 = arith.constant 8 : i32
    }
    %scan3A_258 = arith.constant 80 : i32
    %scan3A_259 = arith.constant 0 : i32
    %scan3A_260 = arith.constant 8 : i32
    %scan3A_261 = arith.addi %scan3A_259, %scan3A_260 : i32
    %scan3A_262 = arith.constant 1 : i32
    scf.for %scan3A_504 = %scan3A_259 to %scan3A_261 step %scan3A_262  : i32 {
      %mul3A_505 = arith.constant 1 : i32
      %mul3A_506 = arith.muli %scan3A_504, %mul3A_505 : i32
      %add3A_507 = arith.constant 0 : i32
      %add3A_508 = arith.addi %add3A_507, %mul3A_506 : i32
      %broadcast_in_dim3A_509 = arith.constant 0.000000e+00 : f32
      %broadcast_in_dim3A_510 = vector.broadcast %broadcast_in_dim3A_509 : f32 to vector<16xf32>
      %mul3A_511 = arith.constant 16 : i32
      %mul3A_512 = arith.muli %add3A_508, %mul3A_511 : i32
      %swap3A_513 = arith.index_cast %mul3A_512 : i32 to index
      %swap3A_514 = tpu.vector_load %arg45[%swap3A_513] {strides = array<i32>} : memref<128xf32, #tpu.memory_space<vmem>>, vector<16xf32>,
      tpu.vector_store %arg45[%swap3A_513], %broadcast_in_dim3A_510 {strides = array<i32>} : memref<128xf32, #tpu.memory_space<vmem>>, vector<16xf32>,
    }
    %scan3A_263 = arith.constant 8 : i32
    %mul3A_264 = arith.constant 640 : i32
    %mul3A_265 = arith.muli %arg1, %mul3A_264 : i32
    %add3A_266 = arith.constant 0 : i32
    %add3A_267 = arith.addi %mul3A_265, %add3A_266 : i32
    "tpu.region"() ({
      %run_scoped3A_504 = tpu.sem_alloc : memref<!tpu.dma_semaphore, #tpu.memory_space<semaphore_mem>>
      %dma_start3A_505 = arith.constant 0 : i32
      %dma_start3A_506 = tpu.memref_slice %arg47[%add3A_267, %dma_start3A_505] : memref<10240x128xf32, #tpu.memory_space<vmem_shared>> -> memref<80x128xf32, #tpu.memory_space<vmem_shared>>
      %dma_start3A_507 = arith.constant 0 : i32
      %dma_start3A_508 = tpu.memref_slice %arg47[%add3A_267, %dma_start3A_507] : memref<10240x128xf32, #tpu.memory_space<vmem_shared>> -> memref<80x128xf32, #tpu.memory_space<vmem_shared>>
      tpu.enqueue_dma source(%arg40 : memref<80x128xf32, #tpu.memory_space<vmem>>) target(%dma_start3A_508 : memref<80x128xf32, #tpu.memory_space<vmem_shared>>) target_semaphore(%run_scoped3A_504 : memref<!tpu.dma_semaphore, #tpu.memory_space<semaphore_mem>>)
      %dma_wait3A_509 = arith.constant 0 : i32
      %dma_wait3A_510 = tpu.memref_slice %arg47[%add3A_267, %dma_wait3A_509] : memref<10240x128xf32, #tpu.memory_space<vmem_shared>> -> memref<80x128xf32, #tpu.memory_space<vmem_shared>>
      %dma_wait3A_511 = arith.constant 0 : i32
      %dma_wait3A_512 = tpu.memref_slice %arg47[%add3A_267, %dma_wait3A_511] : memref<10240x128xf32, #tpu.memory_space<vmem_shared>> -> memref<80x128xf32, #tpu.memory_space<vmem_shared>>
      tpu.wait_dma2 semaphore(%run_scoped3A_504 : memref<!tpu.dma_semaphore, #tpu.memory_space<semaphore_mem>>) src(%arg40 : memref<80x128xf32, #tpu.memory_space<vmem>>) dst(%dma_wait3A_512 : memref<80x128xf32, #tpu.memory_space<vmem_shared>>)
      tpu.yield
    }) : () -> ()
    %mul3A_268 = arith.constant 640 : i32
    %mul3A_269 = arith.muli %arg1, %mul3A_268 : i32
    %add3A_270 = arith.constant 80 : i32
    %add3A_271 = arith.addi %mul3A_269, %add3A_270 : i32
    "tpu.region"() ({
      %run_scoped3A_504 = tpu.sem_alloc : memref<!tpu.dma_semaphore, #tpu.memory_space<semaphore_mem>>
      %dma_start3A_505 = arith.constant 0 : i32
      %dma_start3A_506 = tpu.memref_slice %arg47[%add3A_271, %dma_start3A_505] : memref<10240x128xf32, #tpu.memory_space<vmem_shared>> -> memref<80x128xf32, #tpu.memory_space<vmem_shared>>
      %dma_start3A_507 = arith.constant 0 : i32
      %dma_start3A_508 = tpu.memref_slice %arg47[%add3A_271, %dma_start3A_507] : memref<10240x128xf32, #tpu.memory_space<vmem_shared>> -> memref<80x128xf32, #tpu.memory_space<vmem_shared>>
      tpu.enqueue_dma source(%arg40 : memref<80x128xf32, #tpu.memory_space<vmem>>) target(%dma_start3A_508 : memref<80x128xf32, #tpu.memory_space<vmem_shared>>) target_semaphore(%run_scoped3A_504 : memref<!tpu.dma_semaphore, #tpu.memory_space<semaphore_mem>>)
      %dma_wait3A_509 = arith.constant 0 : i32
      %dma_wait3A_510 = tpu.memref_slice %arg47[%add3A_271, %dma_wait3A_509] : memref<10240x128xf32, #tpu.memory_space<vmem_shared>> -> memref<80x128xf32, #tpu.memory_space<vmem_shared>>
      %dma_wait3A_511 = arith.constant 0 : i32
      %dma_wait3A_512 = tpu.memref_slice %arg47[%add3A_271, %dma_wait3A_511] : memref<10240x128xf32, #tpu.memory_space<vmem_shared>> -> memref<80x128xf32, #tpu.memory_space<vmem_shared>>
      tpu.wait_dma2 semaphore(%run_scoped3A_504 : memref<!tpu.dma_semaphore, #tpu.memory_space<semaphore_mem>>) src(%arg40 : memref<80x128xf32, #tpu.memory_space<vmem>>) dst(%dma_wait3A_512 : memref<80x128xf32, #tpu.memory_space<vmem_shared>>)
      tpu.yield
    }) : () -> ()
    %mul3A_272 = arith.constant 640 : i32
    %mul3A_273 = arith.muli %arg1, %mul3A_272 : i32
    %add3A_274 = arith.constant 160 : i32
    %add3A_275 = arith.addi %mul3A_273, %add3A_274 : i32
    "tpu.region"() ({
      %run_scoped3A_504 = tpu.sem_alloc : memref<!tpu.dma_semaphore, #tpu.memory_space<semaphore_mem>>
      %dma_start3A_505 = arith.constant 0 : i32
      %dma_start3A_506 = tpu.memref_slice %arg47[%add3A_275, %dma_start3A_505] : memref<10240x128xf32, #tpu.memory_space<vmem_shared>> -> memref<80x128xf32, #tpu.memory_space<vmem_shared>>
      %dma_start3A_507 = arith.constant 0 : i32
      %dma_start3A_508 = tpu.memref_slice %arg47[%add3A_275, %dma_start3A_507] : memref<10240x128xf32, #tpu.memory_space<vmem_shared>> -> memref<80x128xf32, #tpu.memory_space<vmem_shared>>
      tpu.enqueue_dma source(%arg40 : memref<80x128xf32, #tpu.memory_space<vmem>>) target(%dma_start3A_508 : memref<80x128xf32, #tpu.memory_space<vmem_shared>>) target_semaphore(%run_scoped3A_504 : memref<!tpu.dma_semaphore, #tpu.memory_space<semaphore_mem>>)
      %dma_wait3A_509 = arith.constant 0 : i32
      %dma_wait3A_510 = tpu.memref_slice %arg47[%add3A_275, %dma_wait3A_509] : memref<10240x128xf32, #tpu.memory_space<vmem_shared>> -> memref<80x128xf32, #tpu.memory_space<vmem_shared>>
      %dma_wait3A_511 = arith.constant 0 : i32
      %dma_wait3A_512 = tpu.memref_slice %arg47[%add3A_275, %dma_wait3A_511] : memref<10240x128xf32, #tpu.memory_space<vmem_shared>> -> memref<80x128xf32, #tpu.memory_space<vmem_shared>>
      tpu.wait_dma2 semaphore(%run_scoped3A_504 : memref<!tpu.dma_semaphore, #tpu.memory_space<semaphore_mem>>) src(%arg40 : memref<80x128xf32, #tpu.memory_space<vmem>>) dst(%dma_wait3A_512 : memref<80x128xf32, #tpu.memory_space<vmem_shared>>)
      tpu.yield
    }) : () -> ()
    %mul3A_276 = arith.constant 640 : i32
    %mul3A_277 = arith.muli %arg1, %mul3A_276 : i32
    %add3A_278 = arith.constant 240 : i32
    %add3A_279 = arith.addi %mul3A_277, %add3A_278 : i32
    "tpu.region"() ({
      %run_scoped3A_504 = tpu.sem_alloc : memref<!tpu.dma_semaphore, #tpu.memory_space<semaphore_mem>>
      %dma_start3A_505 = arith.constant 0 : i32
      %dma_start3A_506 = tpu.memref_slice %arg47[%add3A_279, %dma_start3A_505] : memref<10240x128xf32, #tpu.memory_space<vmem_shared>> -> memref<80x128xf32, #tpu.memory_space<vmem_shared>>
      %dma_start3A_507 = arith.constant 0 : i32
      %dma_start3A_508 = tpu.memref_slice %arg47[%add3A_279, %dma_start3A_507] : memref<10240x128xf32, #tpu.memory_space<vmem_shared>> -> memref<80x128xf32, #tpu.memory_space<vmem_shared>>
      tpu.enqueue_dma source(%arg40 : memref<80x128xf32, #tpu.memory_space<vmem>>) target(%dma_start3A_508 : memref<80x128xf32, #tpu.memory_space<vmem_shared>>) target_semaphore(%run_scoped3A_504 : memref<!tpu.dma_semaphore, #tpu.memory_space<semaphore_mem>>)
      %dma_wait3A_509 = arith.constant 0 : i32
      %dma_wait3A_510 = tpu.memref_slice %arg47[%add3A_279, %dma_wait3A_509] : memref<10240x128xf32, #tpu.memory_space<vmem_shared>> -> memref<80x128xf32, #tpu.memory_space<vmem_shared>>
      %dma_wait3A_511 = arith.constant 0 : i32
      %dma_wait3A_512 = tpu.memref_slice %arg47[%add3A_279, %dma_wait3A_511] : memref<10240x128xf32, #tpu.memory_space<vmem_shared>> -> memref<80x128xf32, #tpu.memory_space<vmem_shared>>
      tpu.wait_dma2 semaphore(%run_scoped3A_504 : memref<!tpu.dma_semaphore, #tpu.memory_space<semaphore_mem>>) src(%arg40 : memref<80x128xf32, #tpu.memory_space<vmem>>) dst(%dma_wait3A_512 : memref<80x128xf32, #tpu.memory_space<vmem_shared>>)
      tpu.yield
    }) : () -> ()
    %mul3A_280 = arith.constant 640 : i32
    %mul3A_281 = arith.muli %arg1, %mul3A_280 : i32
    %add3A_282 = arith.constant 320 : i32
    %add3A_283 = arith.addi %mul3A_281, %add3A_282 : i32
    "tpu.region"() ({
      %run_scoped3A_504 = tpu.sem_alloc : memref<!tpu.dma_semaphore, #tpu.memory_space<semaphore_mem>>
      %dma_start3A_505 = arith.constant 0 : i32
      %dma_start3A_506 = tpu.memref_slice %arg47[%add3A_283, %dma_start3A_505] : memref<10240x128xf32, #tpu.memory_space<vmem_shared>> -> memref<80x128xf32, #tpu.memory_space<vmem_shared>>
      %dma_start3A_507 = arith.constant 0 : i32
      %dma_start3A_508 = tpu.memref_slice %arg47[%add3A_283, %dma_start3A_507] : memref<10240x128xf32, #tpu.memory_space<vmem_shared>> -> memref<80x128xf32, #tpu.memory_space<vmem_shared>>
      tpu.enqueue_dma source(%arg40 : memref<80x128xf32, #tpu.memory_space<vmem>>) target(%dma_start3A_508 : memref<80x128xf32, #tpu.memory_space<vmem_shared>>) target_semaphore(%run_scoped3A_504 : memref<!tpu.dma_semaphore, #tpu.memory_space<semaphore_mem>>)
      %dma_wait3A_509 = arith.constant 0 : i32
      %dma_wait3A_510 = tpu.memref_slice %arg47[%add3A_283, %dma_wait3A_509] : memref<10240x128xf32, #tpu.memory_space<vmem_shared>> -> memref<80x128xf32, #tpu.memory_space<vmem_shared>>
      %dma_wait3A_511 = arith.constant 0 : i32
      %dma_wait3A_512 = tpu.memref_slice %arg47[%add3A_283, %dma_wait3A_511] : memref<10240x128xf32, #tpu.memory_space<vmem_shared>> -> memref<80x128xf32, #tpu.memory_space<vmem_shared>>
      tpu.wait_dma2 semaphore(%run_scoped3A_504 : memref<!tpu.dma_semaphore, #tpu.memory_space<semaphore_mem>>) src(%arg40 : memref<80x128xf32, #tpu.memory_space<vmem>>) dst(%dma_wait3A_512 : memref<80x128xf32, #tpu.memory_space<vmem_shared>>)
      tpu.yield
    }) : () -> ()
    %mul3A_284 = arith.constant 640 : i32
    %mul3A_285 = arith.muli %arg1, %mul3A_284 : i32
    %add3A_286 = arith.constant 400 : i32
    %add3A_287 = arith.addi %mul3A_285, %add3A_286 : i32
    "tpu.region"() ({
      %run_scoped3A_504 = tpu.sem_alloc : memref<!tpu.dma_semaphore, #tpu.memory_space<semaphore_mem>>
      %dma_start3A_505 = arith.constant 0 : i32
      %dma_start3A_506 = tpu.memref_slice %arg47[%add3A_287, %dma_start3A_505] : memref<10240x128xf32, #tpu.memory_space<vmem_shared>> -> memref<80x128xf32, #tpu.memory_space<vmem_shared>>
      %dma_start3A_507 = arith.constant 0 : i32
      %dma_start3A_508 = tpu.memref_slice %arg47[%add3A_287, %dma_start3A_507] : memref<10240x128xf32, #tpu.memory_space<vmem_shared>> -> memref<80x128xf32, #tpu.memory_space<vmem_shared>>
      tpu.enqueue_dma source(%arg40 : memref<80x128xf32, #tpu.memory_space<vmem>>) target(%dma_start3A_508 : memref<80x128xf32, #tpu.memory_space<vmem_shared>>) target_semaphore(%run_scoped3A_504 : memref<!tpu.dma_semaphore, #tpu.memory_space<semaphore_mem>>)
      %dma_wait3A_509 = arith.constant 0 : i32
      %dma_wait3A_510 = tpu.memref_slice %arg47[%add3A_287, %dma_wait3A_509] : memref<10240x128xf32, #tpu.memory_space<vmem_shared>> -> memref<80x128xf32, #tpu.memory_space<vmem_shared>>
      %dma_wait3A_511 = arith.constant 0 : i32
      %dma_wait3A_512 = tpu.memref_slice %arg47[%add3A_287, %dma_wait3A_511] : memref<10240x128xf32, #tpu.memory_space<vmem_shared>> -> memref<80x128xf32, #tpu.memory_space<vmem_shared>>
      tpu.wait_dma2 semaphore(%run_scoped3A_504 : memref<!tpu.dma_semaphore, #tpu.memory_space<semaphore_mem>>) src(%arg40 : memref<80x128xf32, #tpu.memory_space<vmem>>) dst(%dma_wait3A_512 : memref<80x128xf32, #tpu.memory_space<vmem_shared>>)
      tpu.yield
    }) : () -> ()
    %mul3A_288 = arith.constant 640 : i32
    %mul3A_289 = arith.muli %arg1, %mul3A_288 : i32
    %add3A_290 = arith.constant 480 : i32
    %add3A_291 = arith.addi %mul3A_289, %add3A_290 : i32
    "tpu.region"() ({
      %run_scoped3A_504 = tpu.sem_alloc : memref<!tpu.dma_semaphore, #tpu.memory_space<semaphore_mem>>
      %dma_start3A_505 = arith.constant 0 : i32
      %dma_start3A_506 = tpu.memref_slice %arg47[%add3A_291, %dma_start3A_505] : memref<10240x128xf32, #tpu.memory_space<vmem_shared>> -> memref<80x128xf32, #tpu.memory_space<vmem_shared>>
      %dma_start3A_507 = arith.constant 0 : i32
      %dma_start3A_508 = tpu.memref_slice %arg47[%add3A_291, %dma_start3A_507] : memref<10240x128xf32, #tpu.memory_space<vmem_shared>> -> memref<80x128xf32, #tpu.memory_space<vmem_shared>>
      tpu.enqueue_dma source(%arg40 : memref<80x128xf32, #tpu.memory_space<vmem>>) target(%dma_start3A_508 : memref<80x128xf32, #tpu.memory_space<vmem_shared>>) target_semaphore(%run_scoped3A_504 : memref<!tpu.dma_semaphore, #tpu.memory_space<semaphore_mem>>)
      %dma_wait3A_509 = arith.constant 0 : i32
      %dma_wait3A_510 = tpu.memref_slice %arg47[%add3A_291, %dma_wait3A_509] : memref<10240x128xf32, #tpu.memory_space<vmem_shared>> -> memref<80x128xf32, #tpu.memory_space<vmem_shared>>
      %dma_wait3A_511 = arith.constant 0 : i32
      %dma_wait3A_512 = tpu.memref_slice %arg47[%add3A_291, %dma_wait3A_511] : memref<10240x128xf32, #tpu.memory_space<vmem_shared>> -> memref<80x128xf32, #tpu.memory_space<vmem_shared>>
      tpu.wait_dma2 semaphore(%run_scoped3A_504 : memref<!tpu.dma_semaphore, #tpu.memory_space<semaphore_mem>>) src(%arg40 : memref<80x128xf32, #tpu.memory_space<vmem>>) dst(%dma_wait3A_512 : memref<80x128xf32, #tpu.memory_space<vmem_shared>>)
      tpu.yield
    }) : () -> ()
    %mul3A_292 = arith.constant 640 : i32
    %mul3A_293 = arith.muli %arg1, %mul3A_292 : i32
    %add3A_294 = arith.constant 560 : i32
    %add3A_295 = arith.addi %mul3A_293, %add3A_294 : i32
    "tpu.region"() ({
      %run_scoped3A_504 = tpu.sem_alloc : memref<!tpu.dma_semaphore, #tpu.memory_space<semaphore_mem>>
      %dma_start3A_505 = arith.constant 0 : i32
      %dma_start3A_506 = tpu.memref_slice %arg47[%add3A_295, %dma_start3A_505] : memref<10240x128xf32, #tpu.memory_space<vmem_shared>> -> memref<80x128xf32, #tpu.memory_space<vmem_shared>>
      %dma_start3A_507 = arith.constant 0 : i32
      %dma_start3A_508 = tpu.memref_slice %arg47[%add3A_295, %dma_start3A_507] : memref<10240x128xf32, #tpu.memory_space<vmem_shared>> -> memref<80x128xf32, #tpu.memory_space<vmem_shared>>
      tpu.enqueue_dma source(%arg40 : memref<80x128xf32, #tpu.memory_space<vmem>>) target(%dma_start3A_508 : memref<80x128xf32, #tpu.memory_space<vmem_shared>>) target_semaphore(%run_scoped3A_504 : memref<!tpu.dma_semaphore, #tpu.memory_space<semaphore_mem>>)
      %dma_wait3A_509 = arith.constant 0 : i32
      %dma_wait3A_510 = tpu.memref_slice %arg47[%add3A_295, %dma_wait3A_509] : memref<10240x128xf32, #tpu.memory_space<vmem_shared>> -> memref<80x128xf32, #tpu.memory_space<vmem_shared>>
      %dma_wait3A_511 = arith.constant 0 : i32
      %dma_wait3A_512 = tpu.memref_slice %arg47[%add3A_295, %dma_wait3A_511] : memref<10240x128xf32, #tpu.memory_space<vmem_shared>> -> memref<80x128xf32, #tpu.memory_space<vmem_shared>>
      tpu.wait_dma2 semaphore(%run_scoped3A_504 : memref<!tpu.dma_semaphore, #tpu.memory_space<semaphore_mem>>) src(%arg40 : memref<80x128xf32, #tpu.memory_space<vmem>>) dst(%dma_wait3A_512 : memref<80x128xf32, #tpu.memory_space<vmem_shared>>)
      tpu.yield
    }) : () -> ()
    %mul3A_296 = arith.constant 640 : i32
    %mul3A_297 = arith.muli %arg1, %mul3A_296 : i32
    %add3A_298 = arith.constant 0 : i32
    %add3A_299 = arith.addi %mul3A_297, %add3A_298 : i32
    "tpu.region"() ({
      %run_scoped3A_504 = tpu.sem_alloc : memref<!tpu.dma_semaphore, #tpu.memory_space<semaphore_mem>>
      %dma_start3A_505 = tpu.memref_slice %arg48[%add3A_299] : memref<10240xf32, #tpu.memory_space<vmem_shared>> -> memref<128xf32, #tpu.memory_space<vmem_shared>>
      %dma_start3A_506 = tpu.memref_slice %arg48[%add3A_299] : memref<10240xf32, #tpu.memory_space<vmem_shared>> -> memref<128xf32, #tpu.memory_space<vmem_shared>>
      tpu.enqueue_dma source(%arg45 : memref<128xf32, #tpu.memory_space<vmem>>) target(%dma_start3A_506 : memref<128xf32, #tpu.memory_space<vmem_shared>>) target_semaphore(%run_scoped3A_504 : memref<!tpu.dma_semaphore, #tpu.memory_space<semaphore_mem>>)
      %dma_wait3A_507 = tpu.memref_slice %arg48[%add3A_299] : memref<10240xf32, #tpu.memory_space<vmem_shared>> -> memref<128xf32, #tpu.memory_space<vmem_shared>>
      %dma_wait3A_508 = tpu.memref_slice %arg48[%add3A_299] : memref<10240xf32, #tpu.memory_space<vmem_shared>> -> memref<128xf32, #tpu.memory_space<vmem_shared>>
      tpu.wait_dma2 semaphore(%run_scoped3A_504 : memref<!tpu.dma_semaphore, #tpu.memory_space<semaphore_mem>>) src(%arg45 : memref<128xf32, #tpu.memory_space<vmem>>) dst(%dma_wait3A_508 : memref<128xf32, #tpu.memory_space<vmem_shared>>)
      tpu.yield
    }) : () -> ()
    %mul3A_300 = arith.constant 640 : i32
    %mul3A_301 = arith.muli %arg1, %mul3A_300 : i32
    %add3A_302 = arith.constant 128 : i32
    %add3A_303 = arith.addi %mul3A_301, %add3A_302 : i32
    "tpu.region"() ({
      %run_scoped3A_504 = tpu.sem_alloc : memref<!tpu.dma_semaphore, #tpu.memory_space<semaphore_mem>>
      %dma_start3A_505 = tpu.memref_slice %arg48[%add3A_303] : memref<10240xf32, #tpu.memory_space<vmem_shared>> -> memref<128xf32, #tpu.memory_space<vmem_shared>>
      %dma_start3A_506 = tpu.memref_slice %arg48[%add3A_303] : memref<10240xf32, #tpu.memory_space<vmem_shared>> -> memref<128xf32, #tpu.memory_space<vmem_shared>>
      tpu.enqueue_dma source(%arg45 : memref<128xf32, #tpu.memory_space<vmem>>) target(%dma_start3A_506 : memref<128xf32, #tpu.memory_space<vmem_shared>>) target_semaphore(%run_scoped3A_504 : memref<!tpu.dma_semaphore, #tpu.memory_space<semaphore_mem>>)
      %dma_wait3A_507 = tpu.memref_slice %arg48[%add3A_303] : memref<10240xf32, #tpu.memory_space<vmem_shared>> -> memref<128xf32, #tpu.memory_space<vmem_shared>>
      %dma_wait3A_508 = tpu.memref_slice %arg48[%add3A_303] : memref<10240xf32, #tpu.memory_space<vmem_shared>> -> memref<128xf32, #tpu.memory_space<vmem_shared>>
      tpu.wait_dma2 semaphore(%run_scoped3A_504 : memref<!tpu.dma_semaphore, #tpu.memory_space<semaphore_mem>>) src(%arg45 : memref<128xf32, #tpu.memory_space<vmem>>) dst(%dma_wait3A_508 : memref<128xf32, #tpu.memory_space<vmem_shared>>)
      tpu.yield
    }) : () -> ()
    %mul3A_304 = arith.constant 640 : i32
    %mul3A_305 = arith.muli %arg1, %mul3A_304 : i32
    %add3A_306 = arith.constant 256 : i32
    %add3A_307 = arith.addi %mul3A_305, %add3A_306 : i32
    "tpu.region"() ({
      %run_scoped3A_504 = tpu.sem_alloc : memref<!tpu.dma_semaphore, #tpu.memory_space<semaphore_mem>>
      %dma_start3A_505 = tpu.memref_slice %arg48[%add3A_307] : memref<10240xf32, #tpu.memory_space<vmem_shared>> -> memref<128xf32, #tpu.memory_space<vmem_shared>>
      %dma_start3A_506 = tpu.memref_slice %arg48[%add3A_307] : memref<10240xf32, #tpu.memory_space<vmem_shared>> -> memref<128xf32, #tpu.memory_space<vmem_shared>>
      tpu.enqueue_dma source(%arg45 : memref<128xf32, #tpu.memory_space<vmem>>) target(%dma_start3A_506 : memref<128xf32, #tpu.memory_space<vmem_shared>>) target_semaphore(%run_scoped3A_504 : memref<!tpu.dma_semaphore, #tpu.memory_space<semaphore_mem>>)
      %dma_wait3A_507 = tpu.memref_slice %arg48[%add3A_307] : memref<10240xf32, #tpu.memory_space<vmem_shared>> -> memref<128xf32, #tpu.memory_space<vmem_shared>>
      %dma_wait3A_508 = tpu.memref_slice %arg48[%add3A_307] : memref<10240xf32, #tpu.memory_space<vmem_shared>> -> memref<128xf32, #tpu.memory_space<vmem_shared>>
      tpu.wait_dma2 semaphore(%run_scoped3A_504 : memref<!tpu.dma_semaphore, #tpu.memory_space<semaphore_mem>>) src(%arg45 : memref<128xf32, #tpu.memory_space<vmem>>) dst(%dma_wait3A_508 : memref<128xf32, #tpu.memory_space<vmem_shared>>)
      tpu.yield
    }) : () -> ()
    %mul3A_308 = arith.constant 640 : i32
    %mul3A_309 = arith.muli %arg1, %mul3A_308 : i32
    %add3A_310 = arith.constant 384 : i32
    %add3A_311 = arith.addi %mul3A_309, %add3A_310 : i32
    "tpu.region"() ({
      %run_scoped3A_504 = tpu.sem_alloc : memref<!tpu.dma_semaphore, #tpu.memory_space<semaphore_mem>>
      %dma_start3A_505 = tpu.memref_slice %arg48[%add3A_311] : memref<10240xf32, #tpu.memory_space<vmem_shared>> -> memref<128xf32, #tpu.memory_space<vmem_shared>>
      %dma_start3A_506 = tpu.memref_slice %arg48[%add3A_311] : memref<10240xf32, #tpu.memory_space<vmem_shared>> -> memref<128xf32, #tpu.memory_space<vmem_shared>>
      tpu.enqueue_dma source(%arg45 : memref<128xf32, #tpu.memory_space<vmem>>) target(%dma_start3A_506 : memref<128xf32, #tpu.memory_space<vmem_shared>>) target_semaphore(%run_scoped3A_504 : memref<!tpu.dma_semaphore, #tpu.memory_space<semaphore_mem>>)
      %dma_wait3A_507 = tpu.memref_slice %arg48[%add3A_311] : memref<10240xf32, #tpu.memory_space<vmem_shared>> -> memref<128xf32, #tpu.memory_space<vmem_shared>>
      %dma_wait3A_508 = tpu.memref_slice %arg48[%add3A_311] : memref<10240xf32, #tpu.memory_space<vmem_shared>> -> memref<128xf32, #tpu.memory_space<vmem_shared>>
      tpu.wait_dma2 semaphore(%run_scoped3A_504 : memref<!tpu.dma_semaphore, #tpu.memory_space<semaphore_mem>>) src(%arg45 : memref<128xf32, #tpu.memory_space<vmem>>) dst(%dma_wait3A_508 : memref<128xf32, #tpu.memory_space<vmem_shared>>)
      tpu.yield
    }) : () -> ()
    %mul3A_312 = arith.constant 640 : i32
    %mul3A_313 = arith.muli %arg1, %mul3A_312 : i32
    %add3A_314 = arith.constant 512 : i32
    %add3A_315 = arith.addi %mul3A_313, %add3A_314 : i32
    "tpu.region"() ({
      %run_scoped3A_504 = tpu.sem_alloc : memref<!tpu.dma_semaphore, #tpu.memory_space<semaphore_mem>>
      %dma_start3A_505 = tpu.memref_slice %arg48[%add3A_315] : memref<10240xf32, #tpu.memory_space<vmem_shared>> -> memref<128xf32, #tpu.memory_space<vmem_shared>>
      %dma_start3A_506 = tpu.memref_slice %arg48[%add3A_315] : memref<10240xf32, #tpu.memory_space<vmem_shared>> -> memref<128xf32, #tpu.memory_space<vmem_shared>>
      tpu.enqueue_dma source(%arg45 : memref<128xf32, #tpu.memory_space<vmem>>) target(%dma_start3A_506 : memref<128xf32, #tpu.memory_space<vmem_shared>>) target_semaphore(%run_scoped3A_504 : memref<!tpu.dma_semaphore, #tpu.memory_space<semaphore_mem>>)
      %dma_wait3A_507 = tpu.memref_slice %arg48[%add3A_315] : memref<10240xf32, #tpu.memory_space<vmem_shared>> -> memref<128xf32, #tpu.memory_space<vmem_shared>>
      %dma_wait3A_508 = tpu.memref_slice %arg48[%add3A_315] : memref<10240xf32, #tpu.memory_space<vmem_shared>> -> memref<128xf32, #tpu.memory_space<vmem_shared>>
      tpu.wait_dma2 semaphore(%run_scoped3A_504 : memref<!tpu.dma_semaphore, #tpu.memory_space<semaphore_mem>>) src(%arg45 : memref<128xf32, #tpu.memory_space<vmem>>) dst(%dma_wait3A_508 : memref<128xf32, #tpu.memory_space<vmem_shared>>)
      tpu.yield
    }) : () -> ()
    %barrier3A = arith.constant 0 : index
    tpu.barrier barrier_id(%barrier3A)
    %add3A_316 = arith.constant 0 : i32
    %add3A_317 = arith.addi %mul3A_2, %add3A_316 : i32
    %dma_wait3A = tpu.memref_slice %arg6[%add3A_317] : memref<320000xi32, #tpu.memory_space<hbm>> -> memref<80xi32, #tpu.memory_space<hbm>>
    %dma_wait3A_318 = tpu.memref_slice %arg6[%add3A_317] : memref<320000xi32, #tpu.memory_space<hbm>> -> memref<80xi32, #tpu.memory_space<hbm>>
    tpu.wait_dma2 semaphore(%arg49 : memref<!tpu.dma_semaphore, #tpu.memory_space<semaphore_mem>>) src(%dma_wait3A_318 : memref<80xi32, #tpu.memory_space<hbm>>) dst(%arg12 : memref<80xi32, #tpu.memory_space<vmem>>)
    %dma_wait3A_319 = tpu.memref_slice %arg7[%add3A_317] : memref<320000xi32, #tpu.memory_space<hbm>> -> memref<80xi32, #tpu.memory_space<hbm>>
    %dma_wait3A_320 = tpu.memref_slice %arg7[%add3A_317] : memref<320000xi32, #tpu.memory_space<hbm>> -> memref<80xi32, #tpu.memory_space<hbm>>
    tpu.wait_dma2 semaphore(%arg49 : memref<!tpu.dma_semaphore, #tpu.memory_space<semaphore_mem>>) src(%dma_wait3A_320 : memref<80xi32, #tpu.memory_space<hbm>>) dst(%arg16 : memref<80xi32, #tpu.memory_space<vmem>>)
    %dma_wait3A_321 = tpu.memref_slice %arg5[%add3A_317] : memref<320000xf32, #tpu.memory_space<hbm>> -> memref<80xf32, #tpu.memory_space<hbm>>
    %dma_wait3A_322 = tpu.memref_slice %arg5[%add3A_317] : memref<320000xf32, #tpu.memory_space<hbm>> -> memref<80xf32, #tpu.memory_space<hbm>>
    tpu.wait_dma2 semaphore(%arg49 : memref<!tpu.dma_semaphore, #tpu.memory_space<semaphore_mem>>) src(%dma_wait3A_322 : memref<80xf32, #tpu.memory_space<hbm>>) dst(%arg20 : memref<80xf32, #tpu.memory_space<vmem>>)
    %dma_start3A_323 = arith.constant 0 : i32
    %dma_start3A_324 = tpu.memref_slice %arg3[%dma_start3A_323] : memref<10000xf32, #tpu.memory_space<hbm>> -> memref<10000xf32, #tpu.memory_space<hbm>>
    tpu.enqueue_indirect_dma source(%dma_start3A_324 : memref<10000xf32, #tpu.memory_space<hbm>>) target(%arg24 : memref<80xf32, #tpu.memory_space<vmem>>) offsets(%arg12 : memref<80xi32, #tpu.memory_space<vmem>>) semaphore(%arg53 : memref<!tpu.dma_semaphore, #tpu.memory_space<semaphore_mem>>)
    %dma_start3A_325 = arith.constant 0 : i32
    %dma_start3A_326 = tpu.memref_slice %arg4[%dma_start3A_325] : memref<10000xf32, #tpu.memory_space<hbm>> -> memref<10000xf32, #tpu.memory_space<hbm>>
    tpu.enqueue_indirect_dma source(%dma_start3A_326 : memref<10000xf32, #tpu.memory_space<hbm>>) target(%arg28 : memref<80xf32, #tpu.memory_space<vmem>>) offsets(%arg16 : memref<80xi32, #tpu.memory_space<vmem>>) semaphore(%arg53 : memref<!tpu.dma_semaphore, #tpu.memory_space<semaphore_mem>>)
    %dma_start3A_327 = arith.constant 0 : i32
    %dma_start3A_328 = arith.constant 0 : i32
    %dma_start3A_329 = tpu.memref_slice %arg2[%dma_start3A_327, %dma_start3A_328] : memref<10000x128xf32, #tpu.memory_space<hbm>> -> memref<10000x128xf32, #tpu.memory_space<hbm>>
    tpu.enqueue_indirect_dma source(%dma_start3A_329 : memref<10000x128xf32, #tpu.memory_space<hbm>>) target(%arg40 : memref<80x128xf32, #tpu.memory_space<vmem>>) offsets(%arg12 : memref<80xi32, #tpu.memory_space<vmem>>) semaphore(%arg53 : memref<!tpu.dma_semaphore, #tpu.memory_space<semaphore_mem>>)
    %add3A_330 = arith.constant 80 : i32
    %add3A_331 = arith.addi %mul3A_2, %add3A_330 : i32
    %dma_wait3A_332 = tpu.memref_slice %arg6[%add3A_331] : memref<320000xi32, #tpu.memory_space<hbm>> -> memref<80xi32, #tpu.memory_space<hbm>>
    %dma_wait3A_333 = tpu.memref_slice %arg6[%add3A_331] : memref<320000xi32, #tpu.memory_space<hbm>> -> memref<80xi32, #tpu.memory_space<hbm>>
    tpu.wait_dma2 semaphore(%arg50 : memref<!tpu.dma_semaphore, #tpu.memory_space<semaphore_mem>>) src(%dma_wait3A_333 : memref<80xi32, #tpu.memory_space<hbm>>) dst(%arg13 : memref<80xi32, #tpu.memory_space<vmem>>)
    %dma_wait3A_334 = tpu.memref_slice %arg7[%add3A_331] : memref<320000xi32, #tpu.memory_space<hbm>> -> memref<80xi32, #tpu.memory_space<hbm>>
    %dma_wait3A_335 = tpu.memref_slice %arg7[%add3A_331] : memref<320000xi32, #tpu.memory_space<hbm>> -> memref<80xi32, #tpu.memory_space<hbm>>
    tpu.wait_dma2 semaphore(%arg50 : memref<!tpu.dma_semaphore, #tpu.memory_space<semaphore_mem>>) src(%dma_wait3A_335 : memref<80xi32, #tpu.memory_space<hbm>>) dst(%arg17 : memref<80xi32, #tpu.memory_space<vmem>>)
    %dma_wait3A_336 = tpu.memref_slice %arg5[%add3A_331] : memref<320000xf32, #tpu.memory_space<hbm>> -> memref<80xf32, #tpu.memory_space<hbm>>
    %dma_wait3A_337 = tpu.memref_slice %arg5[%add3A_331] : memref<320000xf32, #tpu.memory_space<hbm>> -> memref<80xf32, #tpu.memory_space<hbm>>
    tpu.wait_dma2 semaphore(%arg50 : memref<!tpu.dma_semaphore, #tpu.memory_space<semaphore_mem>>) src(%dma_wait3A_337 : memref<80xf32, #tpu.memory_space<hbm>>) dst(%arg21 : memref<80xf32, #tpu.memory_space<vmem>>)
    %dma_start3A_338 = arith.constant 0 : i32
    %dma_start3A_339 = tpu.memref_slice %arg3[%dma_start3A_338] : memref<10000xf32, #tpu.memory_space<hbm>> -> memref<10000xf32, #tpu.memory_space<hbm>>
    tpu.enqueue_indirect_dma source(%dma_start3A_339 : memref<10000xf32, #tpu.memory_space<hbm>>) target(%arg25 : memref<80xf32, #tpu.memory_space<vmem>>) offsets(%arg13 : memref<80xi32, #tpu.memory_space<vmem>>) semaphore(%arg54 : memref<!tpu.dma_semaphore, #tpu.memory_space<semaphore_mem>>)
    %dma_start3A_340 = arith.constant 0 : i32
    %dma_start3A_341 = tpu.memref_slice %arg4[%dma_start3A_340] : memref<10000xf32, #tpu.memory_space<hbm>> -> memref<10000xf32, #tpu.memory_space<hbm>>
    tpu.enqueue_indirect_dma source(%dma_start3A_341 : memref<10000xf32, #tpu.memory_space<hbm>>) target(%arg29 : memref<80xf32, #tpu.memory_space<vmem>>) offsets(%arg17 : memref<80xi32, #tpu.memory_space<vmem>>) semaphore(%arg54 : memref<!tpu.dma_semaphore, #tpu.memory_space<semaphore_mem>>)
    %dma_start3A_342 = arith.constant 0 : i32
    %dma_start3A_343 = arith.constant 0 : i32
    %dma_start3A_344 = tpu.memref_slice %arg2[%dma_start3A_342, %dma_start3A_343] : memref<10000x128xf32, #tpu.memory_space<hbm>> -> memref<10000x128xf32, #tpu.memory_space<hbm>>
    tpu.enqueue_indirect_dma source(%dma_start3A_344 : memref<10000x128xf32, #tpu.memory_space<hbm>>) target(%arg41 : memref<80x128xf32, #tpu.memory_space<vmem>>) offsets(%arg13 : memref<80xi32, #tpu.memory_space<vmem>>) semaphore(%arg54 : memref<!tpu.dma_semaphore, #tpu.memory_space<semaphore_mem>>)
    %scan3A_345 = arith.constant 0 : i32
    %scan3A_346 = arith.constant 31 : i32
    %scan3A_347 = arith.addi %scan3A_345, %scan3A_346 : i32
    %scan3A_348 = arith.constant 1 : i32
    scf.for %scan3A_504 = %scan3A_345 to %scan3A_347 step %scan3A_348  : i32 {
      %mul3A_505 = arith.constant 1 : i32
      %mul3A_506 = arith.muli %scan3A_504, %mul3A_505 : i32
      %add3A_507 = arith.constant 0 : i32
      %add3A_508 = arith.addi %add3A_507, %mul3A_506 : i32
      %mul3A_509 = arith.constant 4 : i32
      %mul3A_510 = arith.muli %add3A_508, %mul3A_509 : i32
      %add3A_511 = arith.constant 0 : i32
      %add3A_512 = arith.addi %mul3A_510, %add3A_511 : i32
      %dma_wait3A_513 = arith.constant 0 : i32
      %dma_wait3A_514 = tpu.memref_slice %arg3[%dma_wait3A_513] : memref<10000xf32, #tpu.memory_space<hbm>> -> memref<10000xf32, #tpu.memory_space<hbm>>
      tpu.wait_indirect_dma semaphore(%arg53 : memref<!tpu.dma_semaphore, #tpu.memory_space<semaphore_mem>>) src(%dma_wait3A_514 : memref<10000xf32, #tpu.memory_space<hbm>>) dst(%arg24 : memref<80xf32, #tpu.memory_space<vmem>>)
      %dma_wait3A_515 = arith.constant 0 : i32
      %dma_wait3A_516 = tpu.memref_slice %arg4[%dma_wait3A_515] : memref<10000xf32, #tpu.memory_space<hbm>> -> memref<10000xf32, #tpu.memory_space<hbm>>
      tpu.wait_indirect_dma semaphore(%arg53 : memref<!tpu.dma_semaphore, #tpu.memory_space<semaphore_mem>>) src(%dma_wait3A_516 : memref<10000xf32, #tpu.memory_space<hbm>>) dst(%arg28 : memref<80xf32, #tpu.memory_space<vmem>>)
      %dma_wait3A_517 = arith.constant 0 : i32
      %dma_wait3A_518 = arith.constant 0 : i32
      %dma_wait3A_519 = tpu.memref_slice %arg2[%dma_wait3A_517, %dma_wait3A_518] : memref<10000x128xf32, #tpu.memory_space<hbm>> -> memref<10000x128xf32, #tpu.memory_space<hbm>>
      tpu.wait_indirect_dma semaphore(%arg53 : memref<!tpu.dma_semaphore, #tpu.memory_space<semaphore_mem>>) src(%dma_wait3A_519 : memref<10000x128xf32, #tpu.memory_space<hbm>>) dst(%arg40 : memref<80x128xf32, #tpu.memory_space<vmem>>)
      %ge3A_520 = arith.constant 2 : i32
      %ge3A_521 = arith.cmpi sge, %add3A_512, %ge3A_520 : i32
      %convert_element_type3A = arith.extui %ge3A_521 : i1 to i32
      %cond3A = arith.constant 0 : i32
      %cond3A_522 = arith.cmpi ne, %convert_element_type3A, %cond3A : i32
      scf.if %cond3A_522 {
        %dma_wait3A_1134 = arith.constant 0 : i32
        %dma_wait3A_1135 = arith.constant 0 : i32
        %dma_wait3A_1136 = tpu.memref_slice %arg47[%dma_wait3A_1134, %dma_wait3A_1135] : memref<10240x128xf32, #tpu.memory_space<vmem_shared>> -> memref<10240x128xf32, #tpu.memory_space<vmem_shared>>
        tpu.wait_indirect_dma semaphore(%arg59 : memref<!tpu.dma_semaphore, #tpu.memory_space<semaphore_mem>>) src(%arg42 : memref<80x128xf32, #tpu.memory_space<vmem>>) dst(%dma_wait3A_1136 : memref<10240x128xf32, #tpu.memory_space<vmem_shared>>)
        %dma_wait3A_1137 = arith.constant 0 : i32
        %dma_wait3A_1138 = tpu.memref_slice %arg48[%dma_wait3A_1137] : memref<10240xf32, #tpu.memory_space<vmem_shared>> -> memref<10240xf32, #tpu.memory_space<vmem_shared>>
        tpu.wait_indirect_dma semaphore(%arg59 : memref<!tpu.dma_semaphore, #tpu.memory_space<semaphore_mem>>) src(%arg34 : memref<80xf32, #tpu.memory_space<vmem>>) dst(%dma_wait3A_1138 : memref<10240xf32, #tpu.memory_space<vmem_shared>>)
      } else {
      }
      %add3A_523 = arith.constant 2 : i32
      %add3A_524 = arith.addi %add3A_512, %add3A_523 : i32
      %lt3A = arith.constant 125 : i32
      %lt3A_525 = arith.cmpi slt, %add3A_524, %lt3A : i32
      %convert_element_type3A_526 = arith.extui %lt3A_525 : i1 to i32
      %cond3A_527 = arith.constant 0 : i32
      %cond3A_528 = arith.cmpi ne, %convert_element_type3A_526, %cond3A_527 : i32
      scf.if %cond3A_528 {
        %add3A_1134 = arith.constant 2 : i32
        %add3A_1135 = arith.addi %add3A_512, %add3A_1134 : i32
        %mul3A_1136 = arith.constant 80 : i32
        %mul3A_1137 = arith.muli %add3A_1135, %mul3A_1136 : i32
        %add3A_1138 = arith.addi %mul3A_2, %mul3A_1137 : i32
        %dma_wait3A_1139 = tpu.memref_slice %arg6[%add3A_1138] : memref<320000xi32, #tpu.memory_space<hbm>> -> memref<80xi32, #tpu.memory_space<hbm>>
        %dma_wait3A_1140 = tpu.memref_slice %arg6[%add3A_1138] : memref<320000xi32, #tpu.memory_space<hbm>> -> memref<80xi32, #tpu.memory_space<hbm>>
        tpu.wait_dma2 semaphore(%arg51 : memref<!tpu.dma_semaphore, #tpu.memory_space<semaphore_mem>>) src(%dma_wait3A_1140 : memref<80xi32, #tpu.memory_space<hbm>>) dst(%arg14 : memref<80xi32, #tpu.memory_space<vmem>>)
        %dma_wait3A_1141 = tpu.memref_slice %arg7[%add3A_1138] : memref<320000xi32, #tpu.memory_space<hbm>> -> memref<80xi32, #tpu.memory_space<hbm>>
        %dma_wait3A_1142 = tpu.memref_slice %arg7[%add3A_1138] : memref<320000xi32, #tpu.memory_space<hbm>> -> memref<80xi32, #tpu.memory_space<hbm>>
        tpu.wait_dma2 semaphore(%arg51 : memref<!tpu.dma_semaphore, #tpu.memory_space<semaphore_mem>>) src(%dma_wait3A_1142 : memref<80xi32, #tpu.memory_space<hbm>>) dst(%arg18 : memref<80xi32, #tpu.memory_space<vmem>>)
        %dma_wait3A_1143 = tpu.memref_slice %arg5[%add3A_1138] : memref<320000xf32, #tpu.memory_space<hbm>> -> memref<80xf32, #tpu.memory_space<hbm>>
        %dma_wait3A_1144 = tpu.memref_slice %arg5[%add3A_1138] : memref<320000xf32, #tpu.memory_space<hbm>> -> memref<80xf32, #tpu.memory_space<hbm>>
        tpu.wait_dma2 semaphore(%arg51 : memref<!tpu.dma_semaphore, #tpu.memory_space<semaphore_mem>>) src(%dma_wait3A_1144 : memref<80xf32, #tpu.memory_space<hbm>>) dst(%arg22 : memref<80xf32, #tpu.memory_space<vmem>>)
        %dma_start3A_1145 = arith.constant 0 : i32
        %dma_start3A_1146 = tpu.memref_slice %arg3[%dma_start3A_1145] : memref<10000xf32, #tpu.memory_space<hbm>> -> memref<10000xf32, #tpu.memory_space<hbm>>
        tpu.enqueue_indirect_dma source(%dma_start3A_1146 : memref<10000xf32, #tpu.memory_space<hbm>>) target(%arg26 : memref<80xf32, #tpu.memory_space<vmem>>) offsets(%arg14 : memref<80xi32, #tpu.memory_space<vmem>>) semaphore(%arg55 : memref<!tpu.dma_semaphore, #tpu.memory_space<semaphore_mem>>)
        %dma_start3A_1147 = arith.constant 0 : i32
        %dma_start3A_1148 = tpu.memref_slice %arg4[%dma_start3A_1147] : memref<10000xf32, #tpu.memory_space<hbm>> -> memref<10000xf32, #tpu.memory_space<hbm>>
        tpu.enqueue_indirect_dma source(%dma_start3A_1148 : memref<10000xf32, #tpu.memory_space<hbm>>) target(%arg30 : memref<80xf32, #tpu.memory_space<vmem>>) offsets(%arg18 : memref<80xi32, #tpu.memory_space<vmem>>) semaphore(%arg55 : memref<!tpu.dma_semaphore, #tpu.memory_space<semaphore_mem>>)
        %dma_start3A_1149 = arith.constant 0 : i32
        %dma_start3A_1150 = arith.constant 0 : i32
        %dma_start3A_1151 = tpu.memref_slice %arg2[%dma_start3A_1149, %dma_start3A_1150] : memref<10000x128xf32, #tpu.memory_space<hbm>> -> memref<10000x128xf32, #tpu.memory_space<hbm>>
        tpu.enqueue_indirect_dma source(%dma_start3A_1151 : memref<10000x128xf32, #tpu.memory_space<hbm>>) target(%arg42 : memref<80x128xf32, #tpu.memory_space<vmem>>) offsets(%arg14 : memref<80xi32, #tpu.memory_space<vmem>>) semaphore(%arg55 : memref<!tpu.dma_semaphore, #tpu.memory_space<semaphore_mem>>)
      } else {
      }
      %get3A_529 = arith.constant 0 : index
      %get3A_530 = tpu.vector_load %arg44[%get3A_529] {strides = array<i32>} : memref<16xf32, #tpu.memory_space<vmem>>, vector<16xf32>,
      %get3A_531 = arith.constant 0 : index
      %get3A_532 = tpu.vector_load %arg24[%get3A_531] {strides = array<i32>} : memref<80xf32, #tpu.memory_space<vmem>>, vector<16xf32>,
      %get3A_533 = arith.constant 0 : index
      %get3A_534 = tpu.vector_load %arg28[%get3A_533] {strides = array<i32>} : memref<80xf32, #tpu.memory_space<vmem>>, vector<16xf32>,
      %add3A_535 = arith.addf %get3A_532, %get3A_534 : vector<16xf32>
      %get3A_536 = arith.constant 0 : index
      %get3A_537 = tpu.vector_load %arg20[%get3A_536] {strides = array<i32>} : memref<80xf32, #tpu.memory_space<vmem>>, vector<16xf32>,
      %add3A_538 = arith.addf %add3A_535, %get3A_537 : vector<16xf32>
      %ge3A_539 = arith.constant 0.000000e+00 : f32
      %ge3A_540 = vector.broadcast %ge3A_539 : f32 to vector<16xf32>
      %ge3A_541 = arith.cmpf oge, %add3A_538, %ge3A_540 : vector<16xf32>
      %mul3A_542 = arith.constant 2.000000e-01 : f32
      %mul3A_543 = vector.broadcast %mul3A_542 : f32 to vector<16xf32>
      %mul3A_544 = arith.mulf %mul3A_543, %add3A_538 : vector<16xf32>
      %select_n3A_545 = arith.select %ge3A_541, %add3A_538, %mul3A_544 : vector<16xi1>, vector<16xf32>
      %sub3A_546 = arith.subf %select_n3A_545, %get3A_530 : vector<16xf32>
      %exp3A_547 = math.exp %sub3A_546 : vector<16xf32>
      %swap3A_548 = arith.constant 0 : index
      %swap3A_549 = tpu.vector_load %arg32[%swap3A_548] {strides = array<i32>} : memref<80xf32, #tpu.memory_space<vmem>>, vector<16xf32>,
      tpu.vector_store %arg32[%swap3A_548], %exp3A_547 {strides = array<i32>} : memref<80xf32, #tpu.memory_space<vmem>>, vector<16xf32>,
      %get3A_550 = arith.constant 0 : index
      %get3A_551 = tpu.vector_load %arg16[%get3A_550] {strides = array<i32>} : memref<80xi32, #tpu.memory_space<vmem>>, vector<16xi32>,
      %swap3A_552 = arith.constant 0 : index
      %swap3A_553 = tpu.vector_load %arg36[%swap3A_552] {strides = array<i32>} : memref<80xi32, #tpu.memory_space<vmem>>, vector<16xi32>,
      tpu.vector_store %arg36[%swap3A_552], %get3A_551 {strides = array<i32>} : memref<80xi32, #tpu.memory_space<vmem>>, vector<16xi32>,
      %get3A_554 = arith.constant 16 : index
      %get3A_555 = tpu.vector_load %arg24[%get3A_554] {strides = array<i32>} : memref<80xf32, #tpu.memory_space<vmem>>, vector<16xf32>,
      %get3A_556 = arith.constant 16 : index
      %get3A_557 = tpu.vector_load %arg28[%get3A_556] {strides = array<i32>} : memref<80xf32, #tpu.memory_space<vmem>>, vector<16xf32>,
      %add3A_558 = arith.addf %get3A_555, %get3A_557 : vector<16xf32>
      %get3A_559 = arith.constant 16 : index
      %get3A_560 = tpu.vector_load %arg20[%get3A_559] {strides = array<i32>} : memref<80xf32, #tpu.memory_space<vmem>>, vector<16xf32>,
      %add3A_561 = arith.addf %add3A_558, %get3A_560 : vector<16xf32>
      %ge3A_562 = arith.constant 0.000000e+00 : f32
      %ge3A_563 = vector.broadcast %ge3A_562 : f32 to vector<16xf32>
      %ge3A_564 = arith.cmpf oge, %add3A_561, %ge3A_563 : vector<16xf32>
      %mul3A_565 = arith.constant 2.000000e-01 : f32
      %mul3A_566 = vector.broadcast %mul3A_565 : f32 to vector<16xf32>
      %mul3A_567 = arith.mulf %mul3A_566, %add3A_561 : vector<16xf32>
      %select_n3A_568 = arith.select %ge3A_564, %add3A_561, %mul3A_567 : vector<16xi1>, vector<16xf32>
      %sub3A_569 = arith.subf %select_n3A_568, %get3A_530 : vector<16xf32>
      %exp3A_570 = math.exp %sub3A_569 : vector<16xf32>
      %swap3A_571 = arith.constant 16 : index
      %swap3A_572 = tpu.vector_load %arg32[%swap3A_571] {strides = array<i32>} : memref<80xf32, #tpu.memory_space<vmem>>, vector<16xf32>,
      tpu.vector_store %arg32[%swap3A_571], %exp3A_570 {strides = array<i32>} : memref<80xf32, #tpu.memory_space<vmem>>, vector<16xf32>,
      %get3A_573 = arith.constant 16 : index
      %get3A_574 = tpu.vector_load %arg16[%get3A_573] {strides = array<i32>} : memref<80xi32, #tpu.memory_space<vmem>>, vector<16xi32>,
      %swap3A_575 = arith.constant 16 : index
      %swap3A_576 = tpu.vector_load %arg36[%swap3A_575] {strides = array<i32>} : memref<80xi32, #tpu.memory_space<vmem>>, vector<16xi32>,
      tpu.vector_store %arg36[%swap3A_575], %get3A_574 {strides = array<i32>} : memref<80xi32, #tpu.memory_space<vmem>>, vector<16xi32>,
      %get3A_577 = arith.constant 32 : index
      %get3A_578 = tpu.vector_load %arg24[%get3A_577] {strides = array<i32>} : memref<80xf32, #tpu.memory_space<vmem>>, vector<16xf32>,
      %get3A_579 = arith.constant 32 : index
      %get3A_580 = tpu.vector_load %arg28[%get3A_579] {strides = array<i32>} : memref<80xf32, #tpu.memory_space<vmem>>, vector<16xf32>,
      %add3A_581 = arith.addf %get3A_578, %get3A_580 : vector<16xf32>
      %get3A_582 = arith.constant 32 : index
      %get3A_583 = tpu.vector_load %arg20[%get3A_582] {strides = array<i32>} : memref<80xf32, #tpu.memory_space<vmem>>, vector<16xf32>,
      %add3A_584 = arith.addf %add3A_581, %get3A_583 : vector<16xf32>
      %ge3A_585 = arith.constant 0.000000e+00 : f32
      %ge3A_586 = vector.broadcast %ge3A_585 : f32 to vector<16xf32>
      %ge3A_587 = arith.cmpf oge, %add3A_584, %ge3A_586 : vector<16xf32>
      %mul3A_588 = arith.constant 2.000000e-01 : f32
      %mul3A_589 = vector.broadcast %mul3A_588 : f32 to vector<16xf32>
      %mul3A_590 = arith.mulf %mul3A_589, %add3A_584 : vector<16xf32>
      %select_n3A_591 = arith.select %ge3A_587, %add3A_584, %mul3A_590 : vector<16xi1>, vector<16xf32>
      %sub3A_592 = arith.subf %select_n3A_591, %get3A_530 : vector<16xf32>
      %exp3A_593 = math.exp %sub3A_592 : vector<16xf32>
      %swap3A_594 = arith.constant 32 : index
      %swap3A_595 = tpu.vector_load %arg32[%swap3A_594] {strides = array<i32>} : memref<80xf32, #tpu.memory_space<vmem>>, vector<16xf32>,
      tpu.vector_store %arg32[%swap3A_594], %exp3A_593 {strides = array<i32>} : memref<80xf32, #tpu.memory_space<vmem>>, vector<16xf32>,
      %get3A_596 = arith.constant 32 : index
      %get3A_597 = tpu.vector_load %arg16[%get3A_596] {strides = array<i32>} : memref<80xi32, #tpu.memory_space<vmem>>, vector<16xi32>,
      %swap3A_598 = arith.constant 32 : index
      %swap3A_599 = tpu.vector_load %arg36[%swap3A_598] {strides = array<i32>} : memref<80xi32, #tpu.memory_space<vmem>>, vector<16xi32>,
      tpu.vector_store %arg36[%swap3A_598], %get3A_597 {strides = array<i32>} : memref<80xi32, #tpu.memory_space<vmem>>, vector<16xi32>,
      %get3A_600 = arith.constant 48 : index
      %get3A_601 = tpu.vector_load %arg24[%get3A_600] {strides = array<i32>} : memref<80xf32, #tpu.memory_space<vmem>>, vector<16xf32>,
      %get3A_602 = arith.constant 48 : index
      %get3A_603 = tpu.vector_load %arg28[%get3A_602] {strides = array<i32>} : memref<80xf32, #tpu.memory_space<vmem>>, vector<16xf32>,
      %add3A_604 = arith.addf %get3A_601, %get3A_603 : vector<16xf32>
      %get3A_605 = arith.constant 48 : index
      %get3A_606 = tpu.vector_load %arg20[%get3A_605] {strides = array<i32>} : memref<80xf32, #tpu.memory_space<vmem>>, vector<16xf32>,
      %add3A_607 = arith.addf %add3A_604, %get3A_606 : vector<16xf32>
      %ge3A_608 = arith.constant 0.000000e+00 : f32
      %ge3A_609 = vector.broadcast %ge3A_608 : f32 to vector<16xf32>
      %ge3A_610 = arith.cmpf oge, %add3A_607, %ge3A_609 : vector<16xf32>
      %mul3A_611 = arith.constant 2.000000e-01 : f32
      %mul3A_612 = vector.broadcast %mul3A_611 : f32 to vector<16xf32>
      %mul3A_613 = arith.mulf %mul3A_612, %add3A_607 : vector<16xf32>
      %select_n3A_614 = arith.select %ge3A_610, %add3A_607, %mul3A_613 : vector<16xi1>, vector<16xf32>
      %sub3A_615 = arith.subf %select_n3A_614, %get3A_530 : vector<16xf32>
      %exp3A_616 = math.exp %sub3A_615 : vector<16xf32>
      %swap3A_617 = arith.constant 48 : index
      %swap3A_618 = tpu.vector_load %arg32[%swap3A_617] {strides = array<i32>} : memref<80xf32, #tpu.memory_space<vmem>>, vector<16xf32>,
      tpu.vector_store %arg32[%swap3A_617], %exp3A_616 {strides = array<i32>} : memref<80xf32, #tpu.memory_space<vmem>>, vector<16xf32>,
      %get3A_619 = arith.constant 48 : index
      %get3A_620 = tpu.vector_load %arg16[%get3A_619] {strides = array<i32>} : memref<80xi32, #tpu.memory_space<vmem>>, vector<16xi32>,
      %swap3A_621 = arith.constant 48 : index
      %swap3A_622 = tpu.vector_load %arg36[%swap3A_621] {strides = array<i32>} : memref<80xi32, #tpu.memory_space<vmem>>, vector<16xi32>,
      tpu.vector_store %arg36[%swap3A_621], %get3A_620 {strides = array<i32>} : memref<80xi32, #tpu.memory_space<vmem>>, vector<16xi32>,
      %get3A_623 = arith.constant 64 : index
      %get3A_624 = tpu.vector_load %arg24[%get3A_623] {strides = array<i32>} : memref<80xf32, #tpu.memory_space<vmem>>, vector<16xf32>,
      %get3A_625 = arith.constant 64 : index
      %get3A_626 = tpu.vector_load %arg28[%get3A_625] {strides = array<i32>} : memref<80xf32, #tpu.memory_space<vmem>>, vector<16xf32>,
      %add3A_627 = arith.addf %get3A_624, %get3A_626 : vector<16xf32>
      %get3A_628 = arith.constant 64 : index
      %get3A_629 = tpu.vector_load %arg20[%get3A_628] {strides = array<i32>} : memref<80xf32, #tpu.memory_space<vmem>>, vector<16xf32>,
      %add3A_630 = arith.addf %add3A_627, %get3A_629 : vector<16xf32>
      %ge3A_631 = arith.constant 0.000000e+00 : f32
      %ge3A_632 = vector.broadcast %ge3A_631 : f32 to vector<16xf32>
      %ge3A_633 = arith.cmpf oge, %add3A_630, %ge3A_632 : vector<16xf32>
      %mul3A_634 = arith.constant 2.000000e-01 : f32
      %mul3A_635 = vector.broadcast %mul3A_634 : f32 to vector<16xf32>
      %mul3A_636 = arith.mulf %mul3A_635, %add3A_630 : vector<16xf32>
      %select_n3A_637 = arith.select %ge3A_633, %add3A_630, %mul3A_636 : vector<16xi1>, vector<16xf32>
      %sub3A_638 = arith.subf %select_n3A_637, %get3A_530 : vector<16xf32>
      %exp3A_639 = math.exp %sub3A_638 : vector<16xf32>
      %swap3A_640 = arith.constant 64 : index
      %swap3A_641 = tpu.vector_load %arg32[%swap3A_640] {strides = array<i32>} : memref<80xf32, #tpu.memory_space<vmem>>, vector<16xf32>,
      tpu.vector_store %arg32[%swap3A_640], %exp3A_639 {strides = array<i32>} : memref<80xf32, #tpu.memory_space<vmem>>, vector<16xf32>,
      %get3A_642 = arith.constant 64 : index
      %get3A_643 = tpu.vector_load %arg16[%get3A_642] {strides = array<i32>} : memref<80xi32, #tpu.memory_space<vmem>>, vector<16xi32>,
      %swap3A_644 = arith.constant 64 : index
      %swap3A_645 = tpu.vector_load %arg36[%swap3A_644] {strides = array<i32>} : memref<80xi32, #tpu.memory_space<vmem>>, vector<16xi32>,
      tpu.vector_store %arg36[%swap3A_644], %get3A_643 {strides = array<i32>} : memref<80xi32, #tpu.memory_space<vmem>>, vector<16xi32>,
      %scan3A_646 = arith.constant 0 : i32
      %scan3A_647 = arith.constant 20 : i32
      %scan3A_648 = arith.addi %scan3A_646, %scan3A_647 : i32
      %scan3A_649 = arith.constant 1 : i32
      scf.for %scan3A_1134 = %scan3A_646 to %scan3A_648 step %scan3A_649  : i32 {
        %mul3A_1135 = arith.constant 1 : i32
        %mul3A_1136 = arith.muli %scan3A_1134, %mul3A_1135 : i32
        %add3A_1137 = arith.constant 0 : i32
        %add3A_1138 = arith.addi %add3A_1137, %mul3A_1136 : i32
        %mul3A_1139 = arith.constant 4 : i32
        %mul3A_1140 = arith.muli %add3A_1138, %mul3A_1139 : i32
        %add3A_1141 = arith.constant 0 : i32
        %add3A_1142 = arith.addi %mul3A_1140, %add3A_1141 : i32
        %broadcast_in_dim3A_1143 = vector.broadcast %add3A_1142 : i32 to vector<16xi32>
        %gather3A = tpu.vector_load_idx %arg32[%broadcast_in_dim3A_1143] : memref<80xf32, #tpu.memory_space<vmem>>[vector<16xi32>], vector<16xf32>,
        %get3A_1144 = arith.index_cast %add3A_1142 : i32 to index
        %get3A_1145 = arith.constant 0 : index
        %get3A_1146 = tpu.vector_load %arg40[%get3A_1144, %get3A_1145] {strides = array<i32>} : memref<80x128xf32, #tpu.memory_space<vmem>>, vector<16xf32>,
        %mul3A_1147 = arith.mulf %get3A_1146, %gather3A : vector<16xf32>
        %swap3A_1148 = arith.index_cast %add3A_1142 : i32 to index
        %swap3A_1149 = arith.constant 0 : index
        %swap3A_1150 = tpu.vector_load %arg40[%swap3A_1148, %swap3A_1149] {strides = array<i32>} : memref<80x128xf32, #tpu.memory_space<vmem>>, vector<16xf32>,
        tpu.vector_store %arg40[%swap3A_1148, %swap3A_1149], %mul3A_1147 {strides = array<i32>} : memref<80x128xf32, #tpu.memory_space<vmem>>, vector<16xf32>,
        %get3A_1151 = arith.index_cast %add3A_1142 : i32 to index
        %get3A_1152 = arith.constant 16 : index
        %get3A_1153 = tpu.vector_load %arg40[%get3A_1151, %get3A_1152] {strides = array<i32>} : memref<80x128xf32, #tpu.memory_space<vmem>>, vector<16xf32>,
        %mul3A_1154 = arith.mulf %get3A_1153, %gather3A : vector<16xf32>
        %swap3A_1155 = arith.index_cast %add3A_1142 : i32 to index
        %swap3A_1156 = arith.constant 16 : index
        %swap3A_1157 = tpu.vector_load %arg40[%swap3A_1155, %swap3A_1156] {strides = array<i32>} : memref<80x128xf32, #tpu.memory_space<vmem>>, vector<16xf32>,
        tpu.vector_store %arg40[%swap3A_1155, %swap3A_1156], %mul3A_1154 {strides = array<i32>} : memref<80x128xf32, #tpu.memory_space<vmem>>, vector<16xf32>,
        %get3A_1158 = arith.index_cast %add3A_1142 : i32 to index
        %get3A_1159 = arith.constant 32 : index
        %get3A_1160 = tpu.vector_load %arg40[%get3A_1158, %get3A_1159] {strides = array<i32>} : memref<80x128xf32, #tpu.memory_space<vmem>>, vector<16xf32>,
        %mul3A_1161 = arith.mulf %get3A_1160, %gather3A : vector<16xf32>
        %swap3A_1162 = arith.index_cast %add3A_1142 : i32 to index
        %swap3A_1163 = arith.constant 32 : index
        %swap3A_1164 = tpu.vector_load %arg40[%swap3A_1162, %swap3A_1163] {strides = array<i32>} : memref<80x128xf32, #tpu.memory_space<vmem>>, vector<16xf32>,
        tpu.vector_store %arg40[%swap3A_1162, %swap3A_1163], %mul3A_1161 {strides = array<i32>} : memref<80x128xf32, #tpu.memory_space<vmem>>, vector<16xf32>,
        %get3A_1165 = arith.index_cast %add3A_1142 : i32 to index
        %get3A_1166 = arith.constant 48 : index
        %get3A_1167 = tpu.vector_load %arg40[%get3A_1165, %get3A_1166] {strides = array<i32>} : memref<80x128xf32, #tpu.memory_space<vmem>>, vector<16xf32>,
        %mul3A_1168 = arith.mulf %get3A_1167, %gather3A : vector<16xf32>
        %swap3A_1169 = arith.index_cast %add3A_1142 : i32 to index
        %swap3A_1170 = arith.constant 48 : index
        %swap3A_1171 = tpu.vector_load %arg40[%swap3A_1169, %swap3A_1170] {strides = array<i32>} : memref<80x128xf32, #tpu.memory_space<vmem>>, vector<16xf32>,
        tpu.vector_store %arg40[%swap3A_1169, %swap3A_1170], %mul3A_1168 {strides = array<i32>} : memref<80x128xf32, #tpu.memory_space<vmem>>, vector<16xf32>,
        %get3A_1172 = arith.index_cast %add3A_1142 : i32 to index
        %get3A_1173 = arith.constant 64 : index
        %get3A_1174 = tpu.vector_load %arg40[%get3A_1172, %get3A_1173] {strides = array<i32>} : memref<80x128xf32, #tpu.memory_space<vmem>>, vector<16xf32>,
        %mul3A_1175 = arith.mulf %get3A_1174, %gather3A : vector<16xf32>
        %swap3A_1176 = arith.index_cast %add3A_1142 : i32 to index
        %swap3A_1177 = arith.constant 64 : index
        %swap3A_1178 = tpu.vector_load %arg40[%swap3A_1176, %swap3A_1177] {strides = array<i32>} : memref<80x128xf32, #tpu.memory_space<vmem>>, vector<16xf32>,
        tpu.vector_store %arg40[%swap3A_1176, %swap3A_1177], %mul3A_1175 {strides = array<i32>} : memref<80x128xf32, #tpu.memory_space<vmem>>, vector<16xf32>,
        %get3A_1179 = arith.index_cast %add3A_1142 : i32 to index
        %get3A_1180 = arith.constant 80 : index
        %get3A_1181 = tpu.vector_load %arg40[%get3A_1179, %get3A_1180] {strides = array<i32>} : memref<80x128xf32, #tpu.memory_space<vmem>>, vector<16xf32>,
        %mul3A_1182 = arith.mulf %get3A_1181, %gather3A : vector<16xf32>
        %swap3A_1183 = arith.index_cast %add3A_1142 : i32 to index
        %swap3A_1184 = arith.constant 80 : index
        %swap3A_1185 = tpu.vector_load %arg40[%swap3A_1183, %swap3A_1184] {strides = array<i32>} : memref<80x128xf32, #tpu.memory_space<vmem>>, vector<16xf32>,
        tpu.vector_store %arg40[%swap3A_1183, %swap3A_1184], %mul3A_1182 {strides = array<i32>} : memref<80x128xf32, #tpu.memory_space<vmem>>, vector<16xf32>,
        %get3A_1186 = arith.index_cast %add3A_1142 : i32 to index
        %get3A_1187 = arith.constant 96 : index
        %get3A_1188 = tpu.vector_load %arg40[%get3A_1186, %get3A_1187] {strides = array<i32>} : memref<80x128xf32, #tpu.memory_space<vmem>>, vector<16xf32>,
        %mul3A_1189 = arith.mulf %get3A_1188, %gather3A : vector<16xf32>
        %swap3A_1190 = arith.index_cast %add3A_1142 : i32 to index
        %swap3A_1191 = arith.constant 96 : index
        %swap3A_1192 = tpu.vector_load %arg40[%swap3A_1190, %swap3A_1191] {strides = array<i32>} : memref<80x128xf32, #tpu.memory_space<vmem>>, vector<16xf32>,
        tpu.vector_store %arg40[%swap3A_1190, %swap3A_1191], %mul3A_1189 {strides = array<i32>} : memref<80x128xf32, #tpu.memory_space<vmem>>, vector<16xf32>,
        %get3A_1193 = arith.index_cast %add3A_1142 : i32 to index
        %get3A_1194 = arith.constant 112 : index
        %get3A_1195 = tpu.vector_load %arg40[%get3A_1193, %get3A_1194] {strides = array<i32>} : memref<80x128xf32, #tpu.memory_space<vmem>>, vector<16xf32>,
        %mul3A_1196 = arith.mulf %get3A_1195, %gather3A : vector<16xf32>
        %swap3A_1197 = arith.index_cast %add3A_1142 : i32 to index
        %swap3A_1198 = arith.constant 112 : index
        %swap3A_1199 = tpu.vector_load %arg40[%swap3A_1197, %swap3A_1198] {strides = array<i32>} : memref<80x128xf32, #tpu.memory_space<vmem>>, vector<16xf32>,
        tpu.vector_store %arg40[%swap3A_1197, %swap3A_1198], %mul3A_1196 {strides = array<i32>} : memref<80x128xf32, #tpu.memory_space<vmem>>, vector<16xf32>,
        %add3A_1200 = arith.constant 1 : i32
        %add3A_1201 = arith.addi %mul3A_1140, %add3A_1200 : i32
        %broadcast_in_dim3A_1202 = vector.broadcast %add3A_1201 : i32 to vector<16xi32>
        %gather3A_1203 = tpu.vector_load_idx %arg32[%broadcast_in_dim3A_1202] : memref<80xf32, #tpu.memory_space<vmem>>[vector<16xi32>], vector<16xf32>,
        %get3A_1204 = arith.index_cast %add3A_1201 : i32 to index
        %get3A_1205 = arith.constant 0 : index
        %get3A_1206 = tpu.vector_load %arg40[%get3A_1204, %get3A_1205] {strides = array<i32>} : memref<80x128xf32, #tpu.memory_space<vmem>>, vector<16xf32>,
        %mul3A_1207 = arith.mulf %get3A_1206, %gather3A_1203 : vector<16xf32>
        %swap3A_1208 = arith.index_cast %add3A_1201 : i32 to index
        %swap3A_1209 = arith.constant 0 : index
        %swap3A_1210 = tpu.vector_load %arg40[%swap3A_1208, %swap3A_1209] {strides = array<i32>} : memref<80x128xf32, #tpu.memory_space<vmem>>, vector<16xf32>,
        tpu.vector_store %arg40[%swap3A_1208, %swap3A_1209], %mul3A_1207 {strides = array<i32>} : memref<80x128xf32, #tpu.memory_space<vmem>>, vector<16xf32>,
        %get3A_1211 = arith.index_cast %add3A_1201 : i32 to index
        %get3A_1212 = arith.constant 16 : index
        %get3A_1213 = tpu.vector_load %arg40[%get3A_1211, %get3A_1212] {strides = array<i32>} : memref<80x128xf32, #tpu.memory_space<vmem>>, vector<16xf32>,
        %mul3A_1214 = arith.mulf %get3A_1213, %gather3A_1203 : vector<16xf32>
        %swap3A_1215 = arith.index_cast %add3A_1201 : i32 to index
        %swap3A_1216 = arith.constant 16 : index
        %swap3A_1217 = tpu.vector_load %arg40[%swap3A_1215, %swap3A_1216] {strides = array<i32>} : memref<80x128xf32, #tpu.memory_space<vmem>>, vector<16xf32>,
        tpu.vector_store %arg40[%swap3A_1215, %swap3A_1216], %mul3A_1214 {strides = array<i32>} : memref<80x128xf32, #tpu.memory_space<vmem>>, vector<16xf32>,
        %get3A_1218 = arith.index_cast %add3A_1201 : i32 to index
        %get3A_1219 = arith.constant 32 : index
        %get3A_1220 = tpu.vector_load %arg40[%get3A_1218, %get3A_1219] {strides = array<i32>} : memref<80x128xf32, #tpu.memory_space<vmem>>, vector<16xf32>,
        %mul3A_1221 = arith.mulf %get3A_1220, %gather3A_1203 : vector<16xf32>
        %swap3A_1222 = arith.index_cast %add3A_1201 : i32 to index
        %swap3A_1223 = arith.constant 32 : index
        %swap3A_1224 = tpu.vector_load %arg40[%swap3A_1222, %swap3A_1223] {strides = array<i32>} : memref<80x128xf32, #tpu.memory_space<vmem>>, vector<16xf32>,
        tpu.vector_store %arg40[%swap3A_1222, %swap3A_1223], %mul3A_1221 {strides = array<i32>} : memref<80x128xf32, #tpu.memory_space<vmem>>, vector<16xf32>,
        %get3A_1225 = arith.index_cast %add3A_1201 : i32 to index
        %get3A_1226 = arith.constant 48 : index
        %get3A_1227 = tpu.vector_load %arg40[%get3A_1225, %get3A_1226] {strides = array<i32>} : memref<80x128xf32, #tpu.memory_space<vmem>>, vector<16xf32>,
        %mul3A_1228 = arith.mulf %get3A_1227, %gather3A_1203 : vector<16xf32>
        %swap3A_1229 = arith.index_cast %add3A_1201 : i32 to index
        %swap3A_1230 = arith.constant 48 : index
        %swap3A_1231 = tpu.vector_load %arg40[%swap3A_1229, %swap3A_1230] {strides = array<i32>} : memref<80x128xf32, #tpu.memory_space<vmem>>, vector<16xf32>,
        tpu.vector_store %arg40[%swap3A_1229, %swap3A_1230], %mul3A_1228 {strides = array<i32>} : memref<80x128xf32, #tpu.memory_space<vmem>>, vector<16xf32>,
        %get3A_1232 = arith.index_cast %add3A_1201 : i32 to index
        %get3A_1233 = arith.constant 64 : index
        %get3A_1234 = tpu.vector_load %arg40[%get3A_1232, %get3A_1233] {strides = array<i32>} : memref<80x128xf32, #tpu.memory_space<vmem>>, vector<16xf32>,
        %mul3A_1235 = arith.mulf %get3A_1234, %gather3A_1203 : vector<16xf32>
        %swap3A_1236 = arith.index_cast %add3A_1201 : i32 to index
        %swap3A_1237 = arith.constant 64 : index
        %swap3A_1238 = tpu.vector_load %arg40[%swap3A_1236, %swap3A_1237] {strides = array<i32>} : memref<80x128xf32, #tpu.memory_space<vmem>>, vector<16xf32>,
        tpu.vector_store %arg40[%swap3A_1236, %swap3A_1237], %mul3A_1235 {strides = array<i32>} : memref<80x128xf32, #tpu.memory_space<vmem>>, vector<16xf32>,
        %get3A_1239 = arith.index_cast %add3A_1201 : i32 to index
        %get3A_1240 = arith.constant 80 : index
        %get3A_1241 = tpu.vector_load %arg40[%get3A_1239, %get3A_1240] {strides = array<i32>} : memref<80x128xf32, #tpu.memory_space<vmem>>, vector<16xf32>,
        %mul3A_1242 = arith.mulf %get3A_1241, %gather3A_1203 : vector<16xf32>
        %swap3A_1243 = arith.index_cast %add3A_1201 : i32 to index
        %swap3A_1244 = arith.constant 80 : index
        %swap3A_1245 = tpu.vector_load %arg40[%swap3A_1243, %swap3A_1244] {strides = array<i32>} : memref<80x128xf32, #tpu.memory_space<vmem>>, vector<16xf32>,
        tpu.vector_store %arg40[%swap3A_1243, %swap3A_1244], %mul3A_1242 {strides = array<i32>} : memref<80x128xf32, #tpu.memory_space<vmem>>, vector<16xf32>,
        %get3A_1246 = arith.index_cast %add3A_1201 : i32 to index
        %get3A_1247 = arith.constant 96 : index
        %get3A_1248 = tpu.vector_load %arg40[%get3A_1246, %get3A_1247] {strides = array<i32>} : memref<80x128xf32, #tpu.memory_space<vmem>>, vector<16xf32>,
        %mul3A_1249 = arith.mulf %get3A_1248, %gather3A_1203 : vector<16xf32>
        %swap3A_1250 = arith.index_cast %add3A_1201 : i32 to index
        %swap3A_1251 = arith.constant 96 : index
        %swap3A_1252 = tpu.vector_load %arg40[%swap3A_1250, %swap3A_1251] {strides = array<i32>} : memref<80x128xf32, #tpu.memory_space<vmem>>, vector<16xf32>,
        tpu.vector_store %arg40[%swap3A_1250, %swap3A_1251], %mul3A_1249 {strides = array<i32>} : memref<80x128xf32, #tpu.memory_space<vmem>>, vector<16xf32>,
        %get3A_1253 = arith.index_cast %add3A_1201 : i32 to index
        %get3A_1254 = arith.constant 112 : index
        %get3A_1255 = tpu.vector_load %arg40[%get3A_1253, %get3A_1254] {strides = array<i32>} : memref<80x128xf32, #tpu.memory_space<vmem>>, vector<16xf32>,
        %mul3A_1256 = arith.mulf %get3A_1255, %gather3A_1203 : vector<16xf32>
        %swap3A_1257 = arith.index_cast %add3A_1201 : i32 to index
        %swap3A_1258 = arith.constant 112 : index
        %swap3A_1259 = tpu.vector_load %arg40[%swap3A_1257, %swap3A_1258] {strides = array<i32>} : memref<80x128xf32, #tpu.memory_space<vmem>>, vector<16xf32>,
        tpu.vector_store %arg40[%swap3A_1257, %swap3A_1258], %mul3A_1256 {strides = array<i32>} : memref<80x128xf32, #tpu.memory_space<vmem>>, vector<16xf32>,
        %add3A_1260 = arith.constant 2 : i32
        %add3A_1261 = arith.addi %mul3A_1140, %add3A_1260 : i32
        %broadcast_in_dim3A_1262 = vector.broadcast %add3A_1261 : i32 to vector<16xi32>
        %gather3A_1263 = tpu.vector_load_idx %arg32[%broadcast_in_dim3A_1262] : memref<80xf32, #tpu.memory_space<vmem>>[vector<16xi32>], vector<16xf32>,
        %get3A_1264 = arith.index_cast %add3A_1261 : i32 to index
        %get3A_1265 = arith.constant 0 : index
        %get3A_1266 = tpu.vector_load %arg40[%get3A_1264, %get3A_1265] {strides = array<i32>} : memref<80x128xf32, #tpu.memory_space<vmem>>, vector<16xf32>,
        %mul3A_1267 = arith.mulf %get3A_1266, %gather3A_1263 : vector<16xf32>
        %swap3A_1268 = arith.index_cast %add3A_1261 : i32 to index
        %swap3A_1269 = arith.constant 0 : index
        %swap3A_1270 = tpu.vector_load %arg40[%swap3A_1268, %swap3A_1269] {strides = array<i32>} : memref<80x128xf32, #tpu.memory_space<vmem>>, vector<16xf32>,
        tpu.vector_store %arg40[%swap3A_1268, %swap3A_1269], %mul3A_1267 {strides = array<i32>} : memref<80x128xf32, #tpu.memory_space<vmem>>, vector<16xf32>,
        %get3A_1271 = arith.index_cast %add3A_1261 : i32 to index
        %get3A_1272 = arith.constant 16 : index
        %get3A_1273 = tpu.vector_load %arg40[%get3A_1271, %get3A_1272] {strides = array<i32>} : memref<80x128xf32, #tpu.memory_space<vmem>>, vector<16xf32>,
        %mul3A_1274 = arith.mulf %get3A_1273, %gather3A_1263 : vector<16xf32>
        %swap3A_1275 = arith.index_cast %add3A_1261 : i32 to index
        %swap3A_1276 = arith.constant 16 : index
        %swap3A_1277 = tpu.vector_load %arg40[%swap3A_1275, %swap3A_1276] {strides = array<i32>} : memref<80x128xf32, #tpu.memory_space<vmem>>, vector<16xf32>,
        tpu.vector_store %arg40[%swap3A_1275, %swap3A_1276], %mul3A_1274 {strides = array<i32>} : memref<80x128xf32, #tpu.memory_space<vmem>>, vector<16xf32>,
        %get3A_1278 = arith.index_cast %add3A_1261 : i32 to index
        %get3A_1279 = arith.constant 32 : index
        %get3A_1280 = tpu.vector_load %arg40[%get3A_1278, %get3A_1279] {strides = array<i32>} : memref<80x128xf32, #tpu.memory_space<vmem>>, vector<16xf32>,
        %mul3A_1281 = arith.mulf %get3A_1280, %gather3A_1263 : vector<16xf32>
        %swap3A_1282 = arith.index_cast %add3A_1261 : i32 to index
        %swap3A_1283 = arith.constant 32 : index
        %swap3A_1284 = tpu.vector_load %arg40[%swap3A_1282, %swap3A_1283] {strides = array<i32>} : memref<80x128xf32, #tpu.memory_space<vmem>>, vector<16xf32>,
        tpu.vector_store %arg40[%swap3A_1282, %swap3A_1283], %mul3A_1281 {strides = array<i32>} : memref<80x128xf32, #tpu.memory_space<vmem>>, vector<16xf32>,
        %get3A_1285 = arith.index_cast %add3A_1261 : i32 to index
        %get3A_1286 = arith.constant 48 : index
        %get3A_1287 = tpu.vector_load %arg40[%get3A_1285, %get3A_1286] {strides = array<i32>} : memref<80x128xf32, #tpu.memory_space<vmem>>, vector<16xf32>,
        %mul3A_1288 = arith.mulf %get3A_1287, %gather3A_1263 : vector<16xf32>
        %swap3A_1289 = arith.index_cast %add3A_1261 : i32 to index
        %swap3A_1290 = arith.constant 48 : index
        %swap3A_1291 = tpu.vector_load %arg40[%swap3A_1289, %swap3A_1290] {strides = array<i32>} : memref<80x128xf32, #tpu.memory_space<vmem>>, vector<16xf32>,
        tpu.vector_store %arg40[%swap3A_1289, %swap3A_1290], %mul3A_1288 {strides = array<i32>} : memref<80x128xf32, #tpu.memory_space<vmem>>, vector<16xf32>,
        %get3A_1292 = arith.index_cast %add3A_1261 : i32 to index
        %get3A_1293 = arith.constant 64 : index
        %get3A_1294 = tpu.vector_load %arg40[%get3A_1292, %get3A_1293] {strides = array<i32>} : memref<80x128xf32, #tpu.memory_space<vmem>>, vector<16xf32>,
        %mul3A_1295 = arith.mulf %get3A_1294, %gather3A_1263 : vector<16xf32>
        %swap3A_1296 = arith.index_cast %add3A_1261 : i32 to index
        %swap3A_1297 = arith.constant 64 : index
        %swap3A_1298 = tpu.vector_load %arg40[%swap3A_1296, %swap3A_1297] {strides = array<i32>} : memref<80x128xf32, #tpu.memory_space<vmem>>, vector<16xf32>,
        tpu.vector_store %arg40[%swap3A_1296, %swap3A_1297], %mul3A_1295 {strides = array<i32>} : memref<80x128xf32, #tpu.memory_space<vmem>>, vector<16xf32>,
        %get3A_1299 = arith.index_cast %add3A_1261 : i32 to index
        %get3A_1300 = arith.constant 80 : index
        %get3A_1301 = tpu.vector_load %arg40[%get3A_1299, %get3A_1300] {strides = array<i32>} : memref<80x128xf32, #tpu.memory_space<vmem>>, vector<16xf32>,
        %mul3A_1302 = arith.mulf %get3A_1301, %gather3A_1263 : vector<16xf32>
        %swap3A_1303 = arith.index_cast %add3A_1261 : i32 to index
        %swap3A_1304 = arith.constant 80 : index
        %swap3A_1305 = tpu.vector_load %arg40[%swap3A_1303, %swap3A_1304] {strides = array<i32>} : memref<80x128xf32, #tpu.memory_space<vmem>>, vector<16xf32>,
        tpu.vector_store %arg40[%swap3A_1303, %swap3A_1304], %mul3A_1302 {strides = array<i32>} : memref<80x128xf32, #tpu.memory_space<vmem>>, vector<16xf32>,
        %get3A_1306 = arith.index_cast %add3A_1261 : i32 to index
        %get3A_1307 = arith.constant 96 : index
        %get3A_1308 = tpu.vector_load %arg40[%get3A_1306, %get3A_1307] {strides = array<i32>} : memref<80x128xf32, #tpu.memory_space<vmem>>, vector<16xf32>,
        %mul3A_1309 = arith.mulf %get3A_1308, %gather3A_1263 : vector<16xf32>
        %swap3A_1310 = arith.index_cast %add3A_1261 : i32 to index
        %swap3A_1311 = arith.constant 96 : index
        %swap3A_1312 = tpu.vector_load %arg40[%swap3A_1310, %swap3A_1311] {strides = array<i32>} : memref<80x128xf32, #tpu.memory_space<vmem>>, vector<16xf32>,
        tpu.vector_store %arg40[%swap3A_1310, %swap3A_1311], %mul3A_1309 {strides = array<i32>} : memref<80x128xf32, #tpu.memory_space<vmem>>, vector<16xf32>,
        %get3A_1313 = arith.index_cast %add3A_1261 : i32 to index
        %get3A_1314 = arith.constant 112 : index
        %get3A_1315 = tpu.vector_load %arg40[%get3A_1313, %get3A_1314] {strides = array<i32>} : memref<80x128xf32, #tpu.memory_space<vmem>>, vector<16xf32>,
        %mul3A_1316 = arith.mulf %get3A_1315, %gather3A_1263 : vector<16xf32>
        %swap3A_1317 = arith.index_cast %add3A_1261 : i32 to index
        %swap3A_1318 = arith.constant 112 : index
        %swap3A_1319 = tpu.vector_load %arg40[%swap3A_1317, %swap3A_1318] {strides = array<i32>} : memref<80x128xf32, #tpu.memory_space<vmem>>, vector<16xf32>,
        tpu.vector_store %arg40[%swap3A_1317, %swap3A_1318], %mul3A_1316 {strides = array<i32>} : memref<80x128xf32, #tpu.memory_space<vmem>>, vector<16xf32>,
        %add3A_1320 = arith.constant 3 : i32
        %add3A_1321 = arith.addi %mul3A_1140, %add3A_1320 : i32
        %broadcast_in_dim3A_1322 = vector.broadcast %add3A_1321 : i32 to vector<16xi32>
        %gather3A_1323 = tpu.vector_load_idx %arg32[%broadcast_in_dim3A_1322] : memref<80xf32, #tpu.memory_space<vmem>>[vector<16xi32>], vector<16xf32>,
        %get3A_1324 = arith.index_cast %add3A_1321 : i32 to index
        %get3A_1325 = arith.constant 0 : index
        %get3A_1326 = tpu.vector_load %arg40[%get3A_1324, %get3A_1325] {strides = array<i32>} : memref<80x128xf32, #tpu.memory_space<vmem>>, vector<16xf32>,
        %mul3A_1327 = arith.mulf %get3A_1326, %gather3A_1323 : vector<16xf32>
        %swap3A_1328 = arith.index_cast %add3A_1321 : i32 to index
        %swap3A_1329 = arith.constant 0 : index
        %swap3A_1330 = tpu.vector_load %arg40[%swap3A_1328, %swap3A_1329] {strides = array<i32>} : memref<80x128xf32, #tpu.memory_space<vmem>>, vector<16xf32>,
        tpu.vector_store %arg40[%swap3A_1328, %swap3A_1329], %mul3A_1327 {strides = array<i32>} : memref<80x128xf32, #tpu.memory_space<vmem>>, vector<16xf32>,
        %get3A_1331 = arith.index_cast %add3A_1321 : i32 to index
        %get3A_1332 = arith.constant 16 : index
        %get3A_1333 = tpu.vector_load %arg40[%get3A_1331, %get3A_1332] {strides = array<i32>} : memref<80x128xf32, #tpu.memory_space<vmem>>, vector<16xf32>,
        %mul3A_1334 = arith.mulf %get3A_1333, %gather3A_1323 : vector<16xf32>
        %swap3A_1335 = arith.index_cast %add3A_1321 : i32 to index
        %swap3A_1336 = arith.constant 16 : index
        %swap3A_1337 = tpu.vector_load %arg40[%swap3A_1335, %swap3A_1336] {strides = array<i32>} : memref<80x128xf32, #tpu.memory_space<vmem>>, vector<16xf32>,
        tpu.vector_store %arg40[%swap3A_1335, %swap3A_1336], %mul3A_1334 {strides = array<i32>} : memref<80x128xf32, #tpu.memory_space<vmem>>, vector<16xf32>,
        %get3A_1338 = arith.index_cast %add3A_1321 : i32 to index
        %get3A_1339 = arith.constant 32 : index
        %get3A_1340 = tpu.vector_load %arg40[%get3A_1338, %get3A_1339] {strides = array<i32>} : memref<80x128xf32, #tpu.memory_space<vmem>>, vector<16xf32>,
        %mul3A_1341 = arith.mulf %get3A_1340, %gather3A_1323 : vector<16xf32>
        %swap3A_1342 = arith.index_cast %add3A_1321 : i32 to index
        %swap3A_1343 = arith.constant 32 : index
        %swap3A_1344 = tpu.vector_load %arg40[%swap3A_1342, %swap3A_1343] {strides = array<i32>} : memref<80x128xf32, #tpu.memory_space<vmem>>, vector<16xf32>,
        tpu.vector_store %arg40[%swap3A_1342, %swap3A_1343], %mul3A_1341 {strides = array<i32>} : memref<80x128xf32, #tpu.memory_space<vmem>>, vector<16xf32>,
        %get3A_1345 = arith.index_cast %add3A_1321 : i32 to index
        %get3A_1346 = arith.constant 48 : index
        %get3A_1347 = tpu.vector_load %arg40[%get3A_1345, %get3A_1346] {strides = array<i32>} : memref<80x128xf32, #tpu.memory_space<vmem>>, vector<16xf32>,
        %mul3A_1348 = arith.mulf %get3A_1347, %gather3A_1323 : vector<16xf32>
        %swap3A_1349 = arith.index_cast %add3A_1321 : i32 to index
        %swap3A_1350 = arith.constant 48 : index
        %swap3A_1351 = tpu.vector_load %arg40[%swap3A_1349, %swap3A_1350] {strides = array<i32>} : memref<80x128xf32, #tpu.memory_space<vmem>>, vector<16xf32>,
        tpu.vector_store %arg40[%swap3A_1349, %swap3A_1350], %mul3A_1348 {strides = array<i32>} : memref<80x128xf32, #tpu.memory_space<vmem>>, vector<16xf32>,
        %get3A_1352 = arith.index_cast %add3A_1321 : i32 to index
        %get3A_1353 = arith.constant 64 : index
        %get3A_1354 = tpu.vector_load %arg40[%get3A_1352, %get3A_1353] {strides = array<i32>} : memref<80x128xf32, #tpu.memory_space<vmem>>, vector<16xf32>,
        %mul3A_1355 = arith.mulf %get3A_1354, %gather3A_1323 : vector<16xf32>
        %swap3A_1356 = arith.index_cast %add3A_1321 : i32 to index
        %swap3A_1357 = arith.constant 64 : index
        %swap3A_1358 = tpu.vector_load %arg40[%swap3A_1356, %swap3A_1357] {strides = array<i32>} : memref<80x128xf32, #tpu.memory_space<vmem>>, vector<16xf32>,
        tpu.vector_store %arg40[%swap3A_1356, %swap3A_1357], %mul3A_1355 {strides = array<i32>} : memref<80x128xf32, #tpu.memory_space<vmem>>, vector<16xf32>,
        %get3A_1359 = arith.index_cast %add3A_1321 : i32 to index
        %get3A_1360 = arith.constant 80 : index
        %get3A_1361 = tpu.vector_load %arg40[%get3A_1359, %get3A_1360] {strides = array<i32>} : memref<80x128xf32, #tpu.memory_space<vmem>>, vector<16xf32>,
        %mul3A_1362 = arith.mulf %get3A_1361, %gather3A_1323 : vector<16xf32>
        %swap3A_1363 = arith.index_cast %add3A_1321 : i32 to index
        %swap3A_1364 = arith.constant 80 : index
        %swap3A_1365 = tpu.vector_load %arg40[%swap3A_1363, %swap3A_1364] {strides = array<i32>} : memref<80x128xf32, #tpu.memory_space<vmem>>, vector<16xf32>,
        tpu.vector_store %arg40[%swap3A_1363, %swap3A_1364], %mul3A_1362 {strides = array<i32>} : memref<80x128xf32, #tpu.memory_space<vmem>>, vector<16xf32>,
        %get3A_1366 = arith.index_cast %add3A_1321 : i32 to index
        %get3A_1367 = arith.constant 96 : index
        %get3A_1368 = tpu.vector_load %arg40[%get3A_1366, %get3A_1367] {strides = array<i32>} : memref<80x128xf32, #tpu.memory_space<vmem>>, vector<16xf32>,
        %mul3A_1369 = arith.mulf %get3A_1368, %gather3A_1323 : vector<16xf32>
        %swap3A_1370 = arith.index_cast %add3A_1321 : i32 to index
        %swap3A_1371 = arith.constant 96 : index
        %swap3A_1372 = tpu.vector_load %arg40[%swap3A_1370, %swap3A_1371] {strides = array<i32>} : memref<80x128xf32, #tpu.memory_space<vmem>>, vector<16xf32>,
        tpu.vector_store %arg40[%swap3A_1370, %swap3A_1371], %mul3A_1369 {strides = array<i32>} : memref<80x128xf32, #tpu.memory_space<vmem>>, vector<16xf32>,
        %get3A_1373 = arith.index_cast %add3A_1321 : i32 to index
        %get3A_1374 = arith.constant 112 : index
        %get3A_1375 = tpu.vector_load %arg40[%get3A_1373, %get3A_1374] {strides = array<i32>} : memref<80x128xf32, #tpu.memory_space<vmem>>, vector<16xf32>,
        %mul3A_1376 = arith.mulf %get3A_1375, %gather3A_1323 : vector<16xf32>
        %swap3A_1377 = arith.index_cast %add3A_1321 : i32 to index
        %swap3A_1378 = arith.constant 112 : index
        %swap3A_1379 = tpu.vector_load %arg40[%swap3A_1377, %swap3A_1378] {strides = array<i32>} : memref<80x128xf32, #tpu.memory_space<vmem>>, vector<16xf32>,
        tpu.vector_store %arg40[%swap3A_1377, %swap3A_1378], %mul3A_1376 {strides = array<i32>} : memref<80x128xf32, #tpu.memory_space<vmem>>, vector<16xf32>,
      }
      %scan3A_650 = arith.constant 20 : i32
      %add3A_651 = arith.constant 4 : i32
      %add3A_652 = arith.addi %add3A_512, %add3A_651 : i32
      %lt3A_653 = arith.constant 125 : i32
      %lt3A_654 = arith.cmpi slt, %add3A_652, %lt3A_653 : i32
      %convert_element_type3A_655 = arith.extui %lt3A_654 : i1 to i32
      %cond3A_656 = arith.constant 0 : i32
      %cond3A_657 = arith.cmpi ne, %convert_element_type3A_655, %cond3A_656 : i32
      scf.if %cond3A_657 {
        %add3A_1134 = arith.constant 4 : i32
        %add3A_1135 = arith.addi %add3A_512, %add3A_1134 : i32
        %mul3A_1136 = arith.constant 80 : i32
        %mul3A_1137 = arith.muli %add3A_1135, %mul3A_1136 : i32
        %add3A_1138 = arith.addi %mul3A_2, %mul3A_1137 : i32
        %dma_start3A_1139 = tpu.memref_slice %arg6[%add3A_1138] : memref<320000xi32, #tpu.memory_space<hbm>> -> memref<80xi32, #tpu.memory_space<hbm>>
        %dma_start3A_1140 = tpu.memref_slice %arg6[%add3A_1138] : memref<320000xi32, #tpu.memory_space<hbm>> -> memref<80xi32, #tpu.memory_space<hbm>>
        tpu.enqueue_dma source(%dma_start3A_1140 : memref<80xi32, #tpu.memory_space<hbm>>) target(%arg12 : memref<80xi32, #tpu.memory_space<vmem>>) target_semaphore(%arg49 : memref<!tpu.dma_semaphore, #tpu.memory_space<semaphore_mem>>)
        %dma_start3A_1141 = tpu.memref_slice %arg7[%add3A_1138] : memref<320000xi32, #tpu.memory_space<hbm>> -> memref<80xi32, #tpu.memory_space<hbm>>
        %dma_start3A_1142 = tpu.memref_slice %arg7[%add3A_1138] : memref<320000xi32, #tpu.memory_space<hbm>> -> memref<80xi32, #tpu.memory_space<hbm>>
        tpu.enqueue_dma source(%dma_start3A_1142 : memref<80xi32, #tpu.memory_space<hbm>>) target(%arg16 : memref<80xi32, #tpu.memory_space<vmem>>) target_semaphore(%arg49 : memref<!tpu.dma_semaphore, #tpu.memory_space<semaphore_mem>>)
        %dma_start3A_1143 = tpu.memref_slice %arg5[%add3A_1138] : memref<320000xf32, #tpu.memory_space<hbm>> -> memref<80xf32, #tpu.memory_space<hbm>>
        %dma_start3A_1144 = tpu.memref_slice %arg5[%add3A_1138] : memref<320000xf32, #tpu.memory_space<hbm>> -> memref<80xf32, #tpu.memory_space<hbm>>
        tpu.enqueue_dma source(%dma_start3A_1144 : memref<80xf32, #tpu.memory_space<hbm>>) target(%arg20 : memref<80xf32, #tpu.memory_space<vmem>>) target_semaphore(%arg49 : memref<!tpu.dma_semaphore, #tpu.memory_space<semaphore_mem>>)
      } else {
      }
      %dma_start3A_658 = arith.constant 0 : i32
      %dma_start3A_659 = arith.constant 0 : i32
      %dma_start3A_660 = tpu.memref_slice %arg47[%dma_start3A_658, %dma_start3A_659] : memref<10240x128xf32, #tpu.memory_space<vmem_shared>> -> memref<10240x128xf32, #tpu.memory_space<vmem_shared>>
      tpu.enqueue_indirect_dma source(%arg40 : memref<80x128xf32, #tpu.memory_space<vmem>>) target(%dma_start3A_660 : memref<10240x128xf32, #tpu.memory_space<vmem_shared>>) offsets(%arg36 : memref<80xi32, #tpu.memory_space<vmem>>) semaphore(%arg57 : memref<!tpu.dma_semaphore, #tpu.memory_space<semaphore_mem>>) {add = true}
      %dma_start3A_661 = arith.constant 0 : i32
      %dma_start3A_662 = tpu.memref_slice %arg48[%dma_start3A_661] : memref<10240xf32, #tpu.memory_space<vmem_shared>> -> memref<10240xf32, #tpu.memory_space<vmem_shared>>
      tpu.enqueue_indirect_dma source(%arg32 : memref<80xf32, #tpu.memory_space<vmem>>) target(%dma_start3A_662 : memref<10240xf32, #tpu.memory_space<vmem_shared>>) offsets(%arg36 : memref<80xi32, #tpu.memory_space<vmem>>) semaphore(%arg57 : memref<!tpu.dma_semaphore, #tpu.memory_space<semaphore_mem>>) {add = true}
      %mul3A_663 = arith.constant 4 : i32
      %mul3A_664 = arith.muli %add3A_508, %mul3A_663 : i32
      %add3A_665 = arith.constant 1 : i32
      %add3A_666 = arith.addi %mul3A_664, %add3A_665 : i32
      %dma_wait3A_667 = arith.constant 0 : i32
      %dma_wait3A_668 = tpu.memref_slice %arg3[%dma_wait3A_667] : memref<10000xf32, #tpu.memory_space<hbm>> -> memref<10000xf32, #tpu.memory_space<hbm>>
      tpu.wait_indirect_dma semaphore(%arg54 : memref<!tpu.dma_semaphore, #tpu.memory_space<semaphore_mem>>) src(%dma_wait3A_668 : memref<10000xf32, #tpu.memory_space<hbm>>) dst(%arg25 : memref<80xf32, #tpu.memory_space<vmem>>)
      %dma_wait3A_669 = arith.constant 0 : i32
      %dma_wait3A_670 = tpu.memref_slice %arg4[%dma_wait3A_669] : memref<10000xf32, #tpu.memory_space<hbm>> -> memref<10000xf32, #tpu.memory_space<hbm>>
      tpu.wait_indirect_dma semaphore(%arg54 : memref<!tpu.dma_semaphore, #tpu.memory_space<semaphore_mem>>) src(%dma_wait3A_670 : memref<10000xf32, #tpu.memory_space<hbm>>) dst(%arg29 : memref<80xf32, #tpu.memory_space<vmem>>)
      %dma_wait3A_671 = arith.constant 0 : i32
      %dma_wait3A_672 = arith.constant 0 : i32
      %dma_wait3A_673 = tpu.memref_slice %arg2[%dma_wait3A_671, %dma_wait3A_672] : memref<10000x128xf32, #tpu.memory_space<hbm>> -> memref<10000x128xf32, #tpu.memory_space<hbm>>
      tpu.wait_indirect_dma semaphore(%arg54 : memref<!tpu.dma_semaphore, #tpu.memory_space<semaphore_mem>>) src(%dma_wait3A_673 : memref<10000x128xf32, #tpu.memory_space<hbm>>) dst(%arg41 : memref<80x128xf32, #tpu.memory_space<vmem>>)
      %ge3A_674 = arith.constant 2 : i32
      %ge3A_675 = arith.cmpi sge, %add3A_666, %ge3A_674 : i32
      %convert_element_type3A_676 = arith.extui %ge3A_675 : i1 to i32
      %cond3A_677 = arith.constant 0 : i32
      %cond3A_678 = arith.cmpi ne, %convert_element_type3A_676, %cond3A_677 : i32
      scf.if %cond3A_678 {
        %dma_wait3A_1134 = arith.constant 0 : i32
        %dma_wait3A_1135 = arith.constant 0 : i32
        %dma_wait3A_1136 = tpu.memref_slice %arg47[%dma_wait3A_1134, %dma_wait3A_1135] : memref<10240x128xf32, #tpu.memory_space<vmem_shared>> -> memref<10240x128xf32, #tpu.memory_space<vmem_shared>>
        tpu.wait_indirect_dma semaphore(%arg60 : memref<!tpu.dma_semaphore, #tpu.memory_space<semaphore_mem>>) src(%arg43 : memref<80x128xf32, #tpu.memory_space<vmem>>) dst(%dma_wait3A_1136 : memref<10240x128xf32, #tpu.memory_space<vmem_shared>>)
        %dma_wait3A_1137 = arith.constant 0 : i32
        %dma_wait3A_1138 = tpu.memref_slice %arg48[%dma_wait3A_1137] : memref<10240xf32, #tpu.memory_space<vmem_shared>> -> memref<10240xf32, #tpu.memory_space<vmem_shared>>
        tpu.wait_indirect_dma semaphore(%arg60 : memref<!tpu.dma_semaphore, #tpu.memory_space<semaphore_mem>>) src(%arg35 : memref<80xf32, #tpu.memory_space<vmem>>) dst(%dma_wait3A_1138 : memref<10240xf32, #tpu.memory_space<vmem_shared>>)
      } else {
      }
      %add3A_679 = arith.constant 2 : i32
      %add3A_680 = arith.addi %add3A_666, %add3A_679 : i32
      %lt3A_681 = arith.constant 125 : i32
      %lt3A_682 = arith.cmpi slt, %add3A_680, %lt3A_681 : i32
      %convert_element_type3A_683 = arith.extui %lt3A_682 : i1 to i32
      %cond3A_684 = arith.constant 0 : i32
      %cond3A_685 = arith.cmpi ne, %convert_element_type3A_683, %cond3A_684 : i32
      scf.if %cond3A_685 {
        %add3A_1134 = arith.constant 2 : i32
        %add3A_1135 = arith.addi %add3A_666, %add3A_1134 : i32
        %mul3A_1136 = arith.constant 80 : i32
        %mul3A_1137 = arith.muli %add3A_1135, %mul3A_1136 : i32
        %add3A_1138 = arith.addi %mul3A_2, %mul3A_1137 : i32
        %dma_wait3A_1139 = tpu.memref_slice %arg6[%add3A_1138] : memref<320000xi32, #tpu.memory_space<hbm>> -> memref<80xi32, #tpu.memory_space<hbm>>
        %dma_wait3A_1140 = tpu.memref_slice %arg6[%add3A_1138] : memref<320000xi32, #tpu.memory_space<hbm>> -> memref<80xi32, #tpu.memory_space<hbm>>
        tpu.wait_dma2 semaphore(%arg52 : memref<!tpu.dma_semaphore, #tpu.memory_space<semaphore_mem>>) src(%dma_wait3A_1140 : memref<80xi32, #tpu.memory_space<hbm>>) dst(%arg15 : memref<80xi32, #tpu.memory_space<vmem>>)
        %dma_wait3A_1141 = tpu.memref_slice %arg7[%add3A_1138] : memref<320000xi32, #tpu.memory_space<hbm>> -> memref<80xi32, #tpu.memory_space<hbm>>
        %dma_wait3A_1142 = tpu.memref_slice %arg7[%add3A_1138] : memref<320000xi32, #tpu.memory_space<hbm>> -> memref<80xi32, #tpu.memory_space<hbm>>
        tpu.wait_dma2 semaphore(%arg52 : memref<!tpu.dma_semaphore, #tpu.memory_space<semaphore_mem>>) src(%dma_wait3A_1142 : memref<80xi32, #tpu.memory_space<hbm>>) dst(%arg19 : memref<80xi32, #tpu.memory_space<vmem>>)
        %dma_wait3A_1143 = tpu.memref_slice %arg5[%add3A_1138] : memref<320000xf32, #tpu.memory_space<hbm>> -> memref<80xf32, #tpu.memory_space<hbm>>
        %dma_wait3A_1144 = tpu.memref_slice %arg5[%add3A_1138] : memref<320000xf32, #tpu.memory_space<hbm>> -> memref<80xf32, #tpu.memory_space<hbm>>
        tpu.wait_dma2 semaphore(%arg52 : memref<!tpu.dma_semaphore, #tpu.memory_space<semaphore_mem>>) src(%dma_wait3A_1144 : memref<80xf32, #tpu.memory_space<hbm>>) dst(%arg23 : memref<80xf32, #tpu.memory_space<vmem>>)
        %dma_start3A_1145 = arith.constant 0 : i32
        %dma_start3A_1146 = tpu.memref_slice %arg3[%dma_start3A_1145] : memref<10000xf32, #tpu.memory_space<hbm>> -> memref<10000xf32, #tpu.memory_space<hbm>>
        tpu.enqueue_indirect_dma source(%dma_start3A_1146 : memref<10000xf32, #tpu.memory_space<hbm>>) target(%arg27 : memref<80xf32, #tpu.memory_space<vmem>>) offsets(%arg15 : memref<80xi32, #tpu.memory_space<vmem>>) semaphore(%arg56 : memref<!tpu.dma_semaphore, #tpu.memory_space<semaphore_mem>>)
        %dma_start3A_1147 = arith.constant 0 : i32
        %dma_start3A_1148 = tpu.memref_slice %arg4[%dma_start3A_1147] : memref<10000xf32, #tpu.memory_space<hbm>> -> memref<10000xf32, #tpu.memory_space<hbm>>
        tpu.enqueue_indirect_dma source(%dma_start3A_1148 : memref<10000xf32, #tpu.memory_space<hbm>>) target(%arg31 : memref<80xf32, #tpu.memory_space<vmem>>) offsets(%arg19 : memref<80xi32, #tpu.memory_space<vmem>>) semaphore(%arg56 : memref<!tpu.dma_semaphore, #tpu.memory_space<semaphore_mem>>)
        %dma_start3A_1149 = arith.constant 0 : i32
        %dma_start3A_1150 = arith.constant 0 : i32
        %dma_start3A_1151 = tpu.memref_slice %arg2[%dma_start3A_1149, %dma_start3A_1150] : memref<10000x128xf32, #tpu.memory_space<hbm>> -> memref<10000x128xf32, #tpu.memory_space<hbm>>
        tpu.enqueue_indirect_dma source(%dma_start3A_1151 : memref<10000x128xf32, #tpu.memory_space<hbm>>) target(%arg43 : memref<80x128xf32, #tpu.memory_space<vmem>>) offsets(%arg15 : memref<80xi32, #tpu.memory_space<vmem>>) semaphore(%arg56 : memref<!tpu.dma_semaphore, #tpu.memory_space<semaphore_mem>>)
      } else {
      }
      %get3A_686 = arith.constant 0 : index
      %get3A_687 = tpu.vector_load %arg44[%get3A_686] {strides = array<i32>} : memref<16xf32, #tpu.memory_space<vmem>>, vector<16xf32>,
      %get3A_688 = arith.constant 0 : index
      %get3A_689 = tpu.vector_load %arg25[%get3A_688] {strides = array<i32>} : memref<80xf32, #tpu.memory_space<vmem>>, vector<16xf32>,
      %get3A_690 = arith.constant 0 : index
      %get3A_691 = tpu.vector_load %arg29[%get3A_690] {strides = array<i32>} : memref<80xf32, #tpu.memory_space<vmem>>, vector<16xf32>,
      %add3A_692 = arith.addf %get3A_689, %get3A_691 : vector<16xf32>
      %get3A_693 = arith.constant 0 : index
      %get3A_694 = tpu.vector_load %arg21[%get3A_693] {strides = array<i32>} : memref<80xf32, #tpu.memory_space<vmem>>, vector<16xf32>,
      %add3A_695 = arith.addf %add3A_692, %get3A_694 : vector<16xf32>
      %ge3A_696 = arith.constant 0.000000e+00 : f32
      %ge3A_697 = vector.broadcast %ge3A_696 : f32 to vector<16xf32>
      %ge3A_698 = arith.cmpf oge, %add3A_695, %ge3A_697 : vector<16xf32>
      %mul3A_699 = arith.constant 2.000000e-01 : f32
      %mul3A_700 = vector.broadcast %mul3A_699 : f32 to vector<16xf32>
      %mul3A_701 = arith.mulf %mul3A_700, %add3A_695 : vector<16xf32>
      %select_n3A_702 = arith.select %ge3A_698, %add3A_695, %mul3A_701 : vector<16xi1>, vector<16xf32>
      %sub3A_703 = arith.subf %select_n3A_702, %get3A_687 : vector<16xf32>
      %exp3A_704 = math.exp %sub3A_703 : vector<16xf32>
      %swap3A_705 = arith.constant 0 : index
      %swap3A_706 = tpu.vector_load %arg33[%swap3A_705] {strides = array<i32>} : memref<80xf32, #tpu.memory_space<vmem>>, vector<16xf32>,
      tpu.vector_store %arg33[%swap3A_705], %exp3A_704 {strides = array<i32>} : memref<80xf32, #tpu.memory_space<vmem>>, vector<16xf32>,
      %get3A_707 = arith.constant 0 : index
      %get3A_708 = tpu.vector_load %arg17[%get3A_707] {strides = array<i32>} : memref<80xi32, #tpu.memory_space<vmem>>, vector<16xi32>,
      %swap3A_709 = arith.constant 0 : index
      %swap3A_710 = tpu.vector_load %arg37[%swap3A_709] {strides = array<i32>} : memref<80xi32, #tpu.memory_space<vmem>>, vector<16xi32>,
      tpu.vector_store %arg37[%swap3A_709], %get3A_708 {strides = array<i32>} : memref<80xi32, #tpu.memory_space<vmem>>, vector<16xi32>,
      %get3A_711 = arith.constant 16 : index
      %get3A_712 = tpu.vector_load %arg25[%get3A_711] {strides = array<i32>} : memref<80xf32, #tpu.memory_space<vmem>>, vector<16xf32>,
      %get3A_713 = arith.constant 16 : index
      %get3A_714 = tpu.vector_load %arg29[%get3A_713] {strides = array<i32>} : memref<80xf32, #tpu.memory_space<vmem>>, vector<16xf32>,
      %add3A_715 = arith.addf %get3A_712, %get3A_714 : vector<16xf32>
      %get3A_716 = arith.constant 16 : index
      %get3A_717 = tpu.vector_load %arg21[%get3A_716] {strides = array<i32>} : memref<80xf32, #tpu.memory_space<vmem>>, vector<16xf32>,
      %add3A_718 = arith.addf %add3A_715, %get3A_717 : vector<16xf32>
      %ge3A_719 = arith.constant 0.000000e+00 : f32
      %ge3A_720 = vector.broadcast %ge3A_719 : f32 to vector<16xf32>
      %ge3A_721 = arith.cmpf oge, %add3A_718, %ge3A_720 : vector<16xf32>
      %mul3A_722 = arith.constant 2.000000e-01 : f32
      %mul3A_723 = vector.broadcast %mul3A_722 : f32 to vector<16xf32>
      %mul3A_724 = arith.mulf %mul3A_723, %add3A_718 : vector<16xf32>
      %select_n3A_725 = arith.select %ge3A_721, %add3A_718, %mul3A_724 : vector<16xi1>, vector<16xf32>
      %sub3A_726 = arith.subf %select_n3A_725, %get3A_687 : vector<16xf32>
      %exp3A_727 = math.exp %sub3A_726 : vector<16xf32>
      %swap3A_728 = arith.constant 16 : index
      %swap3A_729 = tpu.vector_load %arg33[%swap3A_728] {strides = array<i32>} : memref<80xf32, #tpu.memory_space<vmem>>, vector<16xf32>,
      tpu.vector_store %arg33[%swap3A_728], %exp3A_727 {strides = array<i32>} : memref<80xf32, #tpu.memory_space<vmem>>, vector<16xf32>,
      %get3A_730 = arith.constant 16 : index
      %get3A_731 = tpu.vector_load %arg17[%get3A_730] {strides = array<i32>} : memref<80xi32, #tpu.memory_space<vmem>>, vector<16xi32>,
      %swap3A_732 = arith.constant 16 : index
      %swap3A_733 = tpu.vector_load %arg37[%swap3A_732] {strides = array<i32>} : memref<80xi32, #tpu.memory_space<vmem>>, vector<16xi32>,
      tpu.vector_store %arg37[%swap3A_732], %get3A_731 {strides = array<i32>} : memref<80xi32, #tpu.memory_space<vmem>>, vector<16xi32>,
      %get3A_734 = arith.constant 32 : index
      %get3A_735 = tpu.vector_load %arg25[%get3A_734] {strides = array<i32>} : memref<80xf32, #tpu.memory_space<vmem>>, vector<16xf32>,
      %get3A_736 = arith.constant 32 : index
      %get3A_737 = tpu.vector_load %arg29[%get3A_736] {strides = array<i32>} : memref<80xf32, #tpu.memory_space<vmem>>, vector<16xf32>,
      %add3A_738 = arith.addf %get3A_735, %get3A_737 : vector<16xf32>
      %get3A_739 = arith.constant 32 : index
      %get3A_740 = tpu.vector_load %arg21[%get3A_739] {strides = array<i32>} : memref<80xf32, #tpu.memory_space<vmem>>, vector<16xf32>,
      %add3A_741 = arith.addf %add3A_738, %get3A_740 : vector<16xf32>
      %ge3A_742 = arith.constant 0.000000e+00 : f32
      %ge3A_743 = vector.broadcast %ge3A_742 : f32 to vector<16xf32>
      %ge3A_744 = arith.cmpf oge, %add3A_741, %ge3A_743 : vector<16xf32>
      %mul3A_745 = arith.constant 2.000000e-01 : f32
      %mul3A_746 = vector.broadcast %mul3A_745 : f32 to vector<16xf32>
      %mul3A_747 = arith.mulf %mul3A_746, %add3A_741 : vector<16xf32>
      %select_n3A_748 = arith.select %ge3A_744, %add3A_741, %mul3A_747 : vector<16xi1>, vector<16xf32>
      %sub3A_749 = arith.subf %select_n3A_748, %get3A_687 : vector<16xf32>
      %exp3A_750 = math.exp %sub3A_749 : vector<16xf32>
      %swap3A_751 = arith.constant 32 : index
      %swap3A_752 = tpu.vector_load %arg33[%swap3A_751] {strides = array<i32>} : memref<80xf32, #tpu.memory_space<vmem>>, vector<16xf32>,
      tpu.vector_store %arg33[%swap3A_751], %exp3A_750 {strides = array<i32>} : memref<80xf32, #tpu.memory_space<vmem>>, vector<16xf32>,
      %get3A_753 = arith.constant 32 : index
      %get3A_754 = tpu.vector_load %arg17[%get3A_753] {strides = array<i32>} : memref<80xi32, #tpu.memory_space<vmem>>, vector<16xi32>,
      %swap3A_755 = arith.constant 32 : index
      %swap3A_756 = tpu.vector_load %arg37[%swap3A_755] {strides = array<i32>} : memref<80xi32, #tpu.memory_space<vmem>>, vector<16xi32>,
      tpu.vector_store %arg37[%swap3A_755], %get3A_754 {strides = array<i32>} : memref<80xi32, #tpu.memory_space<vmem>>, vector<16xi32>,
      %get3A_757 = arith.constant 48 : index
      %get3A_758 = tpu.vector_load %arg25[%get3A_757] {strides = array<i32>} : memref<80xf32, #tpu.memory_space<vmem>>, vector<16xf32>,
      %get3A_759 = arith.constant 48 : index
      %get3A_760 = tpu.vector_load %arg29[%get3A_759] {strides = array<i32>} : memref<80xf32, #tpu.memory_space<vmem>>, vector<16xf32>,
      %add3A_761 = arith.addf %get3A_758, %get3A_760 : vector<16xf32>
      %get3A_762 = arith.constant 48 : index
      %get3A_763 = tpu.vector_load %arg21[%get3A_762] {strides = array<i32>} : memref<80xf32, #tpu.memory_space<vmem>>, vector<16xf32>,
      %add3A_764 = arith.addf %add3A_761, %get3A_763 : vector<16xf32>
      %ge3A_765 = arith.constant 0.000000e+00 : f32
      %ge3A_766 = vector.broadcast %ge3A_765 : f32 to vector<16xf32>
      %ge3A_767 = arith.cmpf oge, %add3A_764, %ge3A_766 : vector<16xf32>
      %mul3A_768 = arith.constant 2.000000e-01 : f32
      %mul3A_769 = vector.broadcast %mul3A_768 : f32 to vector<16xf32>
      %mul3A_770 = arith.mulf %mul3A_769, %add3A_764 : vector<16xf32>
      %select_n3A_771 = arith.select %ge3A_767, %add3A_764, %mul3A_770 : vector<16xi1>, vector<16xf32>
      %sub3A_772 = arith.subf %select_n3A_771, %get3A_687 : vector<16xf32>
      %exp3A_773 = math.exp %sub3A_772 : vector<16xf32>
      %swap3A_774 = arith.constant 48 : index
      %swap3A_775 = tpu.vector_load %arg33[%swap3A_774] {strides = array<i32>} : memref<80xf32, #tpu.memory_space<vmem>>, vector<16xf32>,
      tpu.vector_store %arg33[%swap3A_774], %exp3A_773 {strides = array<i32>} : memref<80xf32, #tpu.memory_space<vmem>>, vector<16xf32>,
      %get3A_776 = arith.constant 48 : index
      %get3A_777 = tpu.vector_load %arg17[%get3A_776] {strides = array<i32>} : memref<80xi32, #tpu.memory_space<vmem>>, vector<16xi32>,
      %swap3A_778 = arith.constant 48 : index
      %swap3A_779 = tpu.vector_load %arg37[%swap3A_778] {strides = array<i32>} : memref<80xi32, #tpu.memory_space<vmem>>, vector<16xi32>,
      tpu.vector_store %arg37[%swap3A_778], %get3A_777 {strides = array<i32>} : memref<80xi32, #tpu.memory_space<vmem>>, vector<16xi32>,
      %get3A_780 = arith.constant 64 : index
      %get3A_781 = tpu.vector_load %arg25[%get3A_780] {strides = array<i32>} : memref<80xf32, #tpu.memory_space<vmem>>, vector<16xf32>,
      %get3A_782 = arith.constant 64 : index
      %get3A_783 = tpu.vector_load %arg29[%get3A_782] {strides = array<i32>} : memref<80xf32, #tpu.memory_space<vmem>>, vector<16xf32>,
      %add3A_784 = arith.addf %get3A_781, %get3A_783 : vector<16xf32>
      %get3A_785 = arith.constant 64 : index
      %get3A_786 = tpu.vector_load %arg21[%get3A_785] {strides = array<i32>} : memref<80xf32, #tpu.memory_space<vmem>>, vector<16xf32>,
      %add3A_787 = arith.addf %add3A_784, %get3A_786 : vector<16xf32>
      %ge3A_788 = arith.constant 0.000000e+00 : f32
      %ge3A_789 = vector.broadcast %ge3A_788 : f32 to vector<16xf32>
      %ge3A_790 = arith.cmpf oge, %add3A_787, %ge3A_789 : vector<16xf32>
      %mul3A_791 = arith.constant 2.000000e-01 : f32
      %mul3A_792 = vector.broadcast %mul3A_791 : f32 to vector<16xf32>
      %mul3A_793 = arith.mulf %mul3A_792, %add3A_787 : vector<16xf32>
      %select_n3A_794 = arith.select %ge3A_790, %add3A_787, %mul3A_793 : vector<16xi1>, vector<16xf32>
      %sub3A_795 = arith.subf %select_n3A_794, %get3A_687 : vector<16xf32>
      %exp3A_796 = math.exp %sub3A_795 : vector<16xf32>
      %swap3A_797 = arith.constant 64 : index
      %swap3A_798 = tpu.vector_load %arg33[%swap3A_797] {strides = array<i32>} : memref<80xf32, #tpu.memory_space<vmem>>, vector<16xf32>,
      tpu.vector_store %arg33[%swap3A_797], %exp3A_796 {strides = array<i32>} : memref<80xf32, #tpu.memory_space<vmem>>, vector<16xf32>,
      %get3A_799 = arith.constant 64 : index
      %get3A_800 = tpu.vector_load %arg17[%get3A_799] {strides = array<i32>} : memref<80xi32, #tpu.memory_space<vmem>>, vector<16xi32>,
      %swap3A_801 = arith.constant 64 : index
      %swap3A_802 = tpu.vector_load %arg37[%swap3A_801] {strides = array<i32>} : memref<80xi32, #tpu.memory_space<vmem>>, vector<16xi32>,
      tpu.vector_store %arg37[%swap3A_801], %get3A_800 {strides = array<i32>} : memref<80xi32, #tpu.memory_space<vmem>>, vector<16xi32>,
      %scan3A_803 = arith.constant 0 : i32
      %scan3A_804 = arith.constant 20 : i32
      %scan3A_805 = arith.addi %scan3A_803, %scan3A_804 : i32
      %scan3A_806 = arith.constant 1 : i32
      scf.for %scan3A_1134 = %scan3A_803 to %scan3A_805 step %scan3A_806  : i32 {
        %mul3A_1135 = arith.constant 1 : i32
        %mul3A_1136 = arith.muli %scan3A_1134, %mul3A_1135 : i32
        %add3A_1137 = arith.constant 0 : i32
        %add3A_1138 = arith.addi %add3A_1137, %mul3A_1136 : i32
        %mul3A_1139 = arith.constant 4 : i32
        %mul3A_1140 = arith.muli %add3A_1138, %mul3A_1139 : i32
        %add3A_1141 = arith.constant 0 : i32
        %add3A_1142 = arith.addi %mul3A_1140, %add3A_1141 : i32
        %broadcast_in_dim3A_1143 = vector.broadcast %add3A_1142 : i32 to vector<16xi32>
        %gather3A = tpu.vector_load_idx %arg33[%broadcast_in_dim3A_1143] : memref<80xf32, #tpu.memory_space<vmem>>[vector<16xi32>], vector<16xf32>,
        %get3A_1144 = arith.index_cast %add3A_1142 : i32 to index
        %get3A_1145 = arith.constant 0 : index
        %get3A_1146 = tpu.vector_load %arg41[%get3A_1144, %get3A_1145] {strides = array<i32>} : memref<80x128xf32, #tpu.memory_space<vmem>>, vector<16xf32>,
        %mul3A_1147 = arith.mulf %get3A_1146, %gather3A : vector<16xf32>
        %swap3A_1148 = arith.index_cast %add3A_1142 : i32 to index
        %swap3A_1149 = arith.constant 0 : index
        %swap3A_1150 = tpu.vector_load %arg41[%swap3A_1148, %swap3A_1149] {strides = array<i32>} : memref<80x128xf32, #tpu.memory_space<vmem>>, vector<16xf32>,
        tpu.vector_store %arg41[%swap3A_1148, %swap3A_1149], %mul3A_1147 {strides = array<i32>} : memref<80x128xf32, #tpu.memory_space<vmem>>, vector<16xf32>,
        %get3A_1151 = arith.index_cast %add3A_1142 : i32 to index
        %get3A_1152 = arith.constant 16 : index
        %get3A_1153 = tpu.vector_load %arg41[%get3A_1151, %get3A_1152] {strides = array<i32>} : memref<80x128xf32, #tpu.memory_space<vmem>>, vector<16xf32>,
        %mul3A_1154 = arith.mulf %get3A_1153, %gather3A : vector<16xf32>
        %swap3A_1155 = arith.index_cast %add3A_1142 : i32 to index
        %swap3A_1156 = arith.constant 16 : index
        %swap3A_1157 = tpu.vector_load %arg41[%swap3A_1155, %swap3A_1156] {strides = array<i32>} : memref<80x128xf32, #tpu.memory_space<vmem>>, vector<16xf32>,
        tpu.vector_store %arg41[%swap3A_1155, %swap3A_1156], %mul3A_1154 {strides = array<i32>} : memref<80x128xf32, #tpu.memory_space<vmem>>, vector<16xf32>,
        %get3A_1158 = arith.index_cast %add3A_1142 : i32 to index
        %get3A_1159 = arith.constant 32 : index
        %get3A_1160 = tpu.vector_load %arg41[%get3A_1158, %get3A_1159] {strides = array<i32>} : memref<80x128xf32, #tpu.memory_space<vmem>>, vector<16xf32>,
        %mul3A_1161 = arith.mulf %get3A_1160, %gather3A : vector<16xf32>
        %swap3A_1162 = arith.index_cast %add3A_1142 : i32 to index
        %swap3A_1163 = arith.constant 32 : index
        %swap3A_1164 = tpu.vector_load %arg41[%swap3A_1162, %swap3A_1163] {strides = array<i32>} : memref<80x128xf32, #tpu.memory_space<vmem>>, vector<16xf32>,
        tpu.vector_store %arg41[%swap3A_1162, %swap3A_1163], %mul3A_1161 {strides = array<i32>} : memref<80x128xf32, #tpu.memory_space<vmem>>, vector<16xf32>,
        %get3A_1165 = arith.index_cast %add3A_1142 : i32 to index
        %get3A_1166 = arith.constant 48 : index
        %get3A_1167 = tpu.vector_load %arg41[%get3A_1165, %get3A_1166] {strides = array<i32>} : memref<80x128xf32, #tpu.memory_space<vmem>>, vector<16xf32>,
        %mul3A_1168 = arith.mulf %get3A_1167, %gather3A : vector<16xf32>
        %swap3A_1169 = arith.index_cast %add3A_1142 : i32 to index
        %swap3A_1170 = arith.constant 48 : index
        %swap3A_1171 = tpu.vector_load %arg41[%swap3A_1169, %swap3A_1170] {strides = array<i32>} : memref<80x128xf32, #tpu.memory_space<vmem>>, vector<16xf32>,
        tpu.vector_store %arg41[%swap3A_1169, %swap3A_1170], %mul3A_1168 {strides = array<i32>} : memref<80x128xf32, #tpu.memory_space<vmem>>, vector<16xf32>,
        %get3A_1172 = arith.index_cast %add3A_1142 : i32 to index
        %get3A_1173 = arith.constant 64 : index
        %get3A_1174 = tpu.vector_load %arg41[%get3A_1172, %get3A_1173] {strides = array<i32>} : memref<80x128xf32, #tpu.memory_space<vmem>>, vector<16xf32>,
        %mul3A_1175 = arith.mulf %get3A_1174, %gather3A : vector<16xf32>
        %swap3A_1176 = arith.index_cast %add3A_1142 : i32 to index
        %swap3A_1177 = arith.constant 64 : index
        %swap3A_1178 = tpu.vector_load %arg41[%swap3A_1176, %swap3A_1177] {strides = array<i32>} : memref<80x128xf32, #tpu.memory_space<vmem>>, vector<16xf32>,
        tpu.vector_store %arg41[%swap3A_1176, %swap3A_1177], %mul3A_1175 {strides = array<i32>} : memref<80x128xf32, #tpu.memory_space<vmem>>, vector<16xf32>,
        %get3A_1179 = arith.index_cast %add3A_1142 : i32 to index
        %get3A_1180 = arith.constant 80 : index
        %get3A_1181 = tpu.vector_load %arg41[%get3A_1179, %get3A_1180] {strides = array<i32>} : memref<80x128xf32, #tpu.memory_space<vmem>>, vector<16xf32>,
        %mul3A_1182 = arith.mulf %get3A_1181, %gather3A : vector<16xf32>
        %swap3A_1183 = arith.index_cast %add3A_1142 : i32 to index
        %swap3A_1184 = arith.constant 80 : index
        %swap3A_1185 = tpu.vector_load %arg41[%swap3A_1183, %swap3A_1184] {strides = array<i32>} : memref<80x128xf32, #tpu.memory_space<vmem>>, vector<16xf32>,
        tpu.vector_store %arg41[%swap3A_1183, %swap3A_1184], %mul3A_1182 {strides = array<i32>} : memref<80x128xf32, #tpu.memory_space<vmem>>, vector<16xf32>,
        %get3A_1186 = arith.index_cast %add3A_1142 : i32 to index
        %get3A_1187 = arith.constant 96 : index
        %get3A_1188 = tpu.vector_load %arg41[%get3A_1186, %get3A_1187] {strides = array<i32>} : memref<80x128xf32, #tpu.memory_space<vmem>>, vector<16xf32>,
        %mul3A_1189 = arith.mulf %get3A_1188, %gather3A : vector<16xf32>
        %swap3A_1190 = arith.index_cast %add3A_1142 : i32 to index
        %swap3A_1191 = arith.constant 96 : index
        %swap3A_1192 = tpu.vector_load %arg41[%swap3A_1190, %swap3A_1191] {strides = array<i32>} : memref<80x128xf32, #tpu.memory_space<vmem>>, vector<16xf32>,
        tpu.vector_store %arg41[%swap3A_1190, %swap3A_1191], %mul3A_1189 {strides = array<i32>} : memref<80x128xf32, #tpu.memory_space<vmem>>, vector<16xf32>,
        %get3A_1193 = arith.index_cast %add3A_1142 : i32 to index
        %get3A_1194 = arith.constant 112 : index
        %get3A_1195 = tpu.vector_load %arg41[%get3A_1193, %get3A_1194] {strides = array<i32>} : memref<80x128xf32, #tpu.memory_space<vmem>>, vector<16xf32>,
        %mul3A_1196 = arith.mulf %get3A_1195, %gather3A : vector<16xf32>
        %swap3A_1197 = arith.index_cast %add3A_1142 : i32 to index
        %swap3A_1198 = arith.constant 112 : index
        %swap3A_1199 = tpu.vector_load %arg41[%swap3A_1197, %swap3A_1198] {strides = array<i32>} : memref<80x128xf32, #tpu.memory_space<vmem>>, vector<16xf32>,
        tpu.vector_store %arg41[%swap3A_1197, %swap3A_1198], %mul3A_1196 {strides = array<i32>} : memref<80x128xf32, #tpu.memory_space<vmem>>, vector<16xf32>,
        %add3A_1200 = arith.constant 1 : i32
        %add3A_1201 = arith.addi %mul3A_1140, %add3A_1200 : i32
        %broadcast_in_dim3A_1202 = vector.broadcast %add3A_1201 : i32 to vector<16xi32>
        %gather3A_1203 = tpu.vector_load_idx %arg33[%broadcast_in_dim3A_1202] : memref<80xf32, #tpu.memory_space<vmem>>[vector<16xi32>], vector<16xf32>,
        %get3A_1204 = arith.index_cast %add3A_1201 : i32 to index
        %get3A_1205 = arith.constant 0 : index
        %get3A_1206 = tpu.vector_load %arg41[%get3A_1204, %get3A_1205] {strides = array<i32>} : memref<80x128xf32, #tpu.memory_space<vmem>>, vector<16xf32>,
        %mul3A_1207 = arith.mulf %get3A_1206, %gather3A_1203 : vector<16xf32>
        %swap3A_1208 = arith.index_cast %add3A_1201 : i32 to index
        %swap3A_1209 = arith.constant 0 : index
        %swap3A_1210 = tpu.vector_load %arg41[%swap3A_1208, %swap3A_1209] {strides = array<i32>} : memref<80x128xf32, #tpu.memory_space<vmem>>, vector<16xf32>,
        tpu.vector_store %arg41[%swap3A_1208, %swap3A_1209], %mul3A_1207 {strides = array<i32>} : memref<80x128xf32, #tpu.memory_space<vmem>>, vector<16xf32>,
        %get3A_1211 = arith.index_cast %add3A_1201 : i32 to index
        %get3A_1212 = arith.constant 16 : index
        %get3A_1213 = tpu.vector_load %arg41[%get3A_1211, %get3A_1212] {strides = array<i32>} : memref<80x128xf32, #tpu.memory_space<vmem>>, vector<16xf32>,
        %mul3A_1214 = arith.mulf %get3A_1213, %gather3A_1203 : vector<16xf32>
        %swap3A_1215 = arith.index_cast %add3A_1201 : i32 to index
        %swap3A_1216 = arith.constant 16 : index
        %swap3A_1217 = tpu.vector_load %arg41[%swap3A_1215, %swap3A_1216] {strides = array<i32>} : memref<80x128xf32, #tpu.memory_space<vmem>>, vector<16xf32>,
        tpu.vector_store %arg41[%swap3A_1215, %swap3A_1216], %mul3A_1214 {strides = array<i32>} : memref<80x128xf32, #tpu.memory_space<vmem>>, vector<16xf32>,
        %get3A_1218 = arith.index_cast %add3A_1201 : i32 to index
        %get3A_1219 = arith.constant 32 : index
        %get3A_1220 = tpu.vector_load %arg41[%get3A_1218, %get3A_1219] {strides = array<i32>} : memref<80x128xf32, #tpu.memory_space<vmem>>, vector<16xf32>,
        %mul3A_1221 = arith.mulf %get3A_1220, %gather3A_1203 : vector<16xf32>
        %swap3A_1222 = arith.index_cast %add3A_1201 : i32 to index
        %swap3A_1223 = arith.constant 32 : index
        %swap3A_1224 = tpu.vector_load %arg41[%swap3A_1222, %swap3A_1223] {strides = array<i32>} : memref<80x128xf32, #tpu.memory_space<vmem>>, vector<16xf32>,
        tpu.vector_store %arg41[%swap3A_1222, %swap3A_1223], %mul3A_1221 {strides = array<i32>} : memref<80x128xf32, #tpu.memory_space<vmem>>, vector<16xf32>,
        %get3A_1225 = arith.index_cast %add3A_1201 : i32 to index
        %get3A_1226 = arith.constant 48 : index
        %get3A_1227 = tpu.vector_load %arg41[%get3A_1225, %get3A_1226] {strides = array<i32>} : memref<80x128xf32, #tpu.memory_space<vmem>>, vector<16xf32>,
        %mul3A_1228 = arith.mulf %get3A_1227, %gather3A_1203 : vector<16xf32>
        %swap3A_1229 = arith.index_cast %add3A_1201 : i32 to index
        %swap3A_1230 = arith.constant 48 : index
        %swap3A_1231 = tpu.vector_load %arg41[%swap3A_1229, %swap3A_1230] {strides = array<i32>} : memref<80x128xf32, #tpu.memory_space<vmem>>, vector<16xf32>,
        tpu.vector_store %arg41[%swap3A_1229, %swap3A_1230], %mul3A_1228 {strides = array<i32>} : memref<80x128xf32, #tpu.memory_space<vmem>>, vector<16xf32>,
        %get3A_1232 = arith.index_cast %add3A_1201 : i32 to index
        %get3A_1233 = arith.constant 64 : index
        %get3A_1234 = tpu.vector_load %arg41[%get3A_1232, %get3A_1233] {strides = array<i32>} : memref<80x128xf32, #tpu.memory_space<vmem>>, vector<16xf32>,
        %mul3A_1235 = arith.mulf %get3A_1234, %gather3A_1203 : vector<16xf32>
        %swap3A_1236 = arith.index_cast %add3A_1201 : i32 to index
        %swap3A_1237 = arith.constant 64 : index
        %swap3A_1238 = tpu.vector_load %arg41[%swap3A_1236, %swap3A_1237] {strides = array<i32>} : memref<80x128xf32, #tpu.memory_space<vmem>>, vector<16xf32>,
        tpu.vector_store %arg41[%swap3A_1236, %swap3A_1237], %mul3A_1235 {strides = array<i32>} : memref<80x128xf32, #tpu.memory_space<vmem>>, vector<16xf32>,
        %get3A_1239 = arith.index_cast %add3A_1201 : i32 to index
        %get3A_1240 = arith.constant 80 : index
        %get3A_1241 = tpu.vector_load %arg41[%get3A_1239, %get3A_1240] {strides = array<i32>} : memref<80x128xf32, #tpu.memory_space<vmem>>, vector<16xf32>,
        %mul3A_1242 = arith.mulf %get3A_1241, %gather3A_1203 : vector<16xf32>
        %swap3A_1243 = arith.index_cast %add3A_1201 : i32 to index
        %swap3A_1244 = arith.constant 80 : index
        %swap3A_1245 = tpu.vector_load %arg41[%swap3A_1243, %swap3A_1244] {strides = array<i32>} : memref<80x128xf32, #tpu.memory_space<vmem>>, vector<16xf32>,
        tpu.vector_store %arg41[%swap3A_1243, %swap3A_1244], %mul3A_1242 {strides = array<i32>} : memref<80x128xf32, #tpu.memory_space<vmem>>, vector<16xf32>,
        %get3A_1246 = arith.index_cast %add3A_1201 : i32 to index
        %get3A_1247 = arith.constant 96 : index
        %get3A_1248 = tpu.vector_load %arg41[%get3A_1246, %get3A_1247] {strides = array<i32>} : memref<80x128xf32, #tpu.memory_space<vmem>>, vector<16xf32>,
        %mul3A_1249 = arith.mulf %get3A_1248, %gather3A_1203 : vector<16xf32>
        %swap3A_1250 = arith.index_cast %add3A_1201 : i32 to index
        %swap3A_1251 = arith.constant 96 : index
        %swap3A_1252 = tpu.vector_load %arg41[%swap3A_1250, %swap3A_1251] {strides = array<i32>} : memref<80x128xf32, #tpu.memory_space<vmem>>, vector<16xf32>,
        tpu.vector_store %arg41[%swap3A_1250, %swap3A_1251], %mul3A_1249 {strides = array<i32>} : memref<80x128xf32, #tpu.memory_space<vmem>>, vector<16xf32>,
        %get3A_1253 = arith.index_cast %add3A_1201 : i32 to index
        %get3A_1254 = arith.constant 112 : index
        %get3A_1255 = tpu.vector_load %arg41[%get3A_1253, %get3A_1254] {strides = array<i32>} : memref<80x128xf32, #tpu.memory_space<vmem>>, vector<16xf32>,
        %mul3A_1256 = arith.mulf %get3A_1255, %gather3A_1203 : vector<16xf32>
        %swap3A_1257 = arith.index_cast %add3A_1201 : i32 to index
        %swap3A_1258 = arith.constant 112 : index
        %swap3A_1259 = tpu.vector_load %arg41[%swap3A_1257, %swap3A_1258] {strides = array<i32>} : memref<80x128xf32, #tpu.memory_space<vmem>>, vector<16xf32>,
        tpu.vector_store %arg41[%swap3A_1257, %swap3A_1258], %mul3A_1256 {strides = array<i32>} : memref<80x128xf32, #tpu.memory_space<vmem>>, vector<16xf32>,
        %add3A_1260 = arith.constant 2 : i32
        %add3A_1261 = arith.addi %mul3A_1140, %add3A_1260 : i32
        %broadcast_in_dim3A_1262 = vector.broadcast %add3A_1261 : i32 to vector<16xi32>
        %gather3A_1263 = tpu.vector_load_idx %arg33[%broadcast_in_dim3A_1262] : memref<80xf32, #tpu.memory_space<vmem>>[vector<16xi32>], vector<16xf32>,
        %get3A_1264 = arith.index_cast %add3A_1261 : i32 to index
        %get3A_1265 = arith.constant 0 : index
        %get3A_1266 = tpu.vector_load %arg41[%get3A_1264, %get3A_1265] {strides = array<i32>} : memref<80x128xf32, #tpu.memory_space<vmem>>, vector<16xf32>,
        %mul3A_1267 = arith.mulf %get3A_1266, %gather3A_1263 : vector<16xf32>
        %swap3A_1268 = arith.index_cast %add3A_1261 : i32 to index
        %swap3A_1269 = arith.constant 0 : index
        %swap3A_1270 = tpu.vector_load %arg41[%swap3A_1268, %swap3A_1269] {strides = array<i32>} : memref<80x128xf32, #tpu.memory_space<vmem>>, vector<16xf32>,
        tpu.vector_store %arg41[%swap3A_1268, %swap3A_1269], %mul3A_1267 {strides = array<i32>} : memref<80x128xf32, #tpu.memory_space<vmem>>, vector<16xf32>,
        %get3A_1271 = arith.index_cast %add3A_1261 : i32 to index
        %get3A_1272 = arith.constant 16 : index
        %get3A_1273 = tpu.vector_load %arg41[%get3A_1271, %get3A_1272] {strides = array<i32>} : memref<80x128xf32, #tpu.memory_space<vmem>>, vector<16xf32>,
        %mul3A_1274 = arith.mulf %get3A_1273, %gather3A_1263 : vector<16xf32>
        %swap3A_1275 = arith.index_cast %add3A_1261 : i32 to index
        %swap3A_1276 = arith.constant 16 : index
        %swap3A_1277 = tpu.vector_load %arg41[%swap3A_1275, %swap3A_1276] {strides = array<i32>} : memref<80x128xf32, #tpu.memory_space<vmem>>, vector<16xf32>,
        tpu.vector_store %arg41[%swap3A_1275, %swap3A_1276], %mul3A_1274 {strides = array<i32>} : memref<80x128xf32, #tpu.memory_space<vmem>>, vector<16xf32>,
        %get3A_1278 = arith.index_cast %add3A_1261 : i32 to index
        %get3A_1279 = arith.constant 32 : index
        %get3A_1280 = tpu.vector_load %arg41[%get3A_1278, %get3A_1279] {strides = array<i32>} : memref<80x128xf32, #tpu.memory_space<vmem>>, vector<16xf32>,
        %mul3A_1281 = arith.mulf %get3A_1280, %gather3A_1263 : vector<16xf32>
        %swap3A_1282 = arith.index_cast %add3A_1261 : i32 to index
        %swap3A_1283 = arith.constant 32 : index
        %swap3A_1284 = tpu.vector_load %arg41[%swap3A_1282, %swap3A_1283] {strides = array<i32>} : memref<80x128xf32, #tpu.memory_space<vmem>>, vector<16xf32>,
        tpu.vector_store %arg41[%swap3A_1282, %swap3A_1283], %mul3A_1281 {strides = array<i32>} : memref<80x128xf32, #tpu.memory_space<vmem>>, vector<16xf32>,
        %get3A_1285 = arith.index_cast %add3A_1261 : i32 to index
        %get3A_1286 = arith.constant 48 : index
        %get3A_1287 = tpu.vector_load %arg41[%get3A_1285, %get3A_1286] {strides = array<i32>} : memref<80x128xf32, #tpu.memory_space<vmem>>, vector<16xf32>,
        %mul3A_1288 = arith.mulf %get3A_1287, %gather3A_1263 : vector<16xf32>
        %swap3A_1289 = arith.index_cast %add3A_1261 : i32 to index
        %swap3A_1290 = arith.constant 48 : index
        %swap3A_1291 = tpu.vector_load %arg41[%swap3A_1289, %swap3A_1290] {strides = array<i32>} : memref<80x128xf32, #tpu.memory_space<vmem>>, vector<16xf32>,
        tpu.vector_store %arg41[%swap3A_1289, %swap3A_1290], %mul3A_1288 {strides = array<i32>} : memref<80x128xf32, #tpu.memory_space<vmem>>, vector<16xf32>,
        %get3A_1292 = arith.index_cast %add3A_1261 : i32 to index
        %get3A_1293 = arith.constant 64 : index
        %get3A_1294 = tpu.vector_load %arg41[%get3A_1292, %get3A_1293] {strides = array<i32>} : memref<80x128xf32, #tpu.memory_space<vmem>>, vector<16xf32>,
        %mul3A_1295 = arith.mulf %get3A_1294, %gather3A_1263 : vector<16xf32>
        %swap3A_1296 = arith.index_cast %add3A_1261 : i32 to index
        %swap3A_1297 = arith.constant 64 : index
        %swap3A_1298 = tpu.vector_load %arg41[%swap3A_1296, %swap3A_1297] {strides = array<i32>} : memref<80x128xf32, #tpu.memory_space<vmem>>, vector<16xf32>,
        tpu.vector_store %arg41[%swap3A_1296, %swap3A_1297], %mul3A_1295 {strides = array<i32>} : memref<80x128xf32, #tpu.memory_space<vmem>>, vector<16xf32>,
        %get3A_1299 = arith.index_cast %add3A_1261 : i32 to index
        %get3A_1300 = arith.constant 80 : index
        %get3A_1301 = tpu.vector_load %arg41[%get3A_1299, %get3A_1300] {strides = array<i32>} : memref<80x128xf32, #tpu.memory_space<vmem>>, vector<16xf32>,
        %mul3A_1302 = arith.mulf %get3A_1301, %gather3A_1263 : vector<16xf32>
        %swap3A_1303 = arith.index_cast %add3A_1261 : i32 to index
        %swap3A_1304 = arith.constant 80 : index
        %swap3A_1305 = tpu.vector_load %arg41[%swap3A_1303, %swap3A_1304] {strides = array<i32>} : memref<80x128xf32, #tpu.memory_space<vmem>>, vector<16xf32>,
        tpu.vector_store %arg41[%swap3A_1303, %swap3A_1304], %mul3A_1302 {strides = array<i32>} : memref<80x128xf32, #tpu.memory_space<vmem>>, vector<16xf32>,
        %get3A_1306 = arith.index_cast %add3A_1261 : i32 to index
        %get3A_1307 = arith.constant 96 : index
        %get3A_1308 = tpu.vector_load %arg41[%get3A_1306, %get3A_1307] {strides = array<i32>} : memref<80x128xf32, #tpu.memory_space<vmem>>, vector<16xf32>,
        %mul3A_1309 = arith.mulf %get3A_1308, %gather3A_1263 : vector<16xf32>
        %swap3A_1310 = arith.index_cast %add3A_1261 : i32 to index
        %swap3A_1311 = arith.constant 96 : index
        %swap3A_1312 = tpu.vector_load %arg41[%swap3A_1310, %swap3A_1311] {strides = array<i32>} : memref<80x128xf32, #tpu.memory_space<vmem>>, vector<16xf32>,
        tpu.vector_store %arg41[%swap3A_1310, %swap3A_1311], %mul3A_1309 {strides = array<i32>} : memref<80x128xf32, #tpu.memory_space<vmem>>, vector<16xf32>,
        %get3A_1313 = arith.index_cast %add3A_1261 : i32 to index
        %get3A_1314 = arith.constant 112 : index
        %get3A_1315 = tpu.vector_load %arg41[%get3A_1313, %get3A_1314] {strides = array<i32>} : memref<80x128xf32, #tpu.memory_space<vmem>>, vector<16xf32>,
        %mul3A_1316 = arith.mulf %get3A_1315, %gather3A_1263 : vector<16xf32>
        %swap3A_1317 = arith.index_cast %add3A_1261 : i32 to index
        %swap3A_1318 = arith.constant 112 : index
        %swap3A_1319 = tpu.vector_load %arg41[%swap3A_1317, %swap3A_1318] {strides = array<i32>} : memref<80x128xf32, #tpu.memory_space<vmem>>, vector<16xf32>,
        tpu.vector_store %arg41[%swap3A_1317, %swap3A_1318], %mul3A_1316 {strides = array<i32>} : memref<80x128xf32, #tpu.memory_space<vmem>>, vector<16xf32>,
        %add3A_1320 = arith.constant 3 : i32
        %add3A_1321 = arith.addi %mul3A_1140, %add3A_1320 : i32
        %broadcast_in_dim3A_1322 = vector.broadcast %add3A_1321 : i32 to vector<16xi32>
        %gather3A_1323 = tpu.vector_load_idx %arg33[%broadcast_in_dim3A_1322] : memref<80xf32, #tpu.memory_space<vmem>>[vector<16xi32>], vector<16xf32>,
        %get3A_1324 = arith.index_cast %add3A_1321 : i32 to index
        %get3A_1325 = arith.constant 0 : index
        %get3A_1326 = tpu.vector_load %arg41[%get3A_1324, %get3A_1325] {strides = array<i32>} : memref<80x128xf32, #tpu.memory_space<vmem>>, vector<16xf32>,
        %mul3A_1327 = arith.mulf %get3A_1326, %gather3A_1323 : vector<16xf32>
        %swap3A_1328 = arith.index_cast %add3A_1321 : i32 to index
        %swap3A_1329 = arith.constant 0 : index
        %swap3A_1330 = tpu.vector_load %arg41[%swap3A_1328, %swap3A_1329] {strides = array<i32>} : memref<80x128xf32, #tpu.memory_space<vmem>>, vector<16xf32>,
        tpu.vector_store %arg41[%swap3A_1328, %swap3A_1329], %mul3A_1327 {strides = array<i32>} : memref<80x128xf32, #tpu.memory_space<vmem>>, vector<16xf32>,
        %get3A_1331 = arith.index_cast %add3A_1321 : i32 to index
        %get3A_1332 = arith.constant 16 : index
        %get3A_1333 = tpu.vector_load %arg41[%get3A_1331, %get3A_1332] {strides = array<i32>} : memref<80x128xf32, #tpu.memory_space<vmem>>, vector<16xf32>,
        %mul3A_1334 = arith.mulf %get3A_1333, %gather3A_1323 : vector<16xf32>
        %swap3A_1335 = arith.index_cast %add3A_1321 : i32 to index
        %swap3A_1336 = arith.constant 16 : index
        %swap3A_1337 = tpu.vector_load %arg41[%swap3A_1335, %swap3A_1336] {strides = array<i32>} : memref<80x128xf32, #tpu.memory_space<vmem>>, vector<16xf32>,
        tpu.vector_store %arg41[%swap3A_1335, %swap3A_1336], %mul3A_1334 {strides = array<i32>} : memref<80x128xf32, #tpu.memory_space<vmem>>, vector<16xf32>,
        %get3A_1338 = arith.index_cast %add3A_1321 : i32 to index
        %get3A_1339 = arith.constant 32 : index
        %get3A_1340 = tpu.vector_load %arg41[%get3A_1338, %get3A_1339] {strides = array<i32>} : memref<80x128xf32, #tpu.memory_space<vmem>>, vector<16xf32>,
        %mul3A_1341 = arith.mulf %get3A_1340, %gather3A_1323 : vector<16xf32>
        %swap3A_1342 = arith.index_cast %add3A_1321 : i32 to index
        %swap3A_1343 = arith.constant 32 : index
        %swap3A_1344 = tpu.vector_load %arg41[%swap3A_1342, %swap3A_1343] {strides = array<i32>} : memref<80x128xf32, #tpu.memory_space<vmem>>, vector<16xf32>,
        tpu.vector_store %arg41[%swap3A_1342, %swap3A_1343], %mul3A_1341 {strides = array<i32>} : memref<80x128xf32, #tpu.memory_space<vmem>>, vector<16xf32>,
        %get3A_1345 = arith.index_cast %add3A_1321 : i32 to index
        %get3A_1346 = arith.constant 48 : index
        %get3A_1347 = tpu.vector_load %arg41[%get3A_1345, %get3A_1346] {strides = array<i32>} : memref<80x128xf32, #tpu.memory_space<vmem>>, vector<16xf32>,
        %mul3A_1348 = arith.mulf %get3A_1347, %gather3A_1323 : vector<16xf32>
        %swap3A_1349 = arith.index_cast %add3A_1321 : i32 to index
        %swap3A_1350 = arith.constant 48 : index
        %swap3A_1351 = tpu.vector_load %arg41[%swap3A_1349, %swap3A_1350] {strides = array<i32>} : memref<80x128xf32, #tpu.memory_space<vmem>>, vector<16xf32>,
        tpu.vector_store %arg41[%swap3A_1349, %swap3A_1350], %mul3A_1348 {strides = array<i32>} : memref<80x128xf32, #tpu.memory_space<vmem>>, vector<16xf32>,
        %get3A_1352 = arith.index_cast %add3A_1321 : i32 to index
        %get3A_1353 = arith.constant 64 : index
        %get3A_1354 = tpu.vector_load %arg41[%get3A_1352, %get3A_1353] {strides = array<i32>} : memref<80x128xf32, #tpu.memory_space<vmem>>, vector<16xf32>,
        %mul3A_1355 = arith.mulf %get3A_1354, %gather3A_1323 : vector<16xf32>
        %swap3A_1356 = arith.index_cast %add3A_1321 : i32 to index
        %swap3A_1357 = arith.constant 64 : index
        %swap3A_1358 = tpu.vector_load %arg41[%swap3A_1356, %swap3A_1357] {strides = array<i32>} : memref<80x128xf32, #tpu.memory_space<vmem>>, vector<16xf32>,
        tpu.vector_store %arg41[%swap3A_1356, %swap3A_1357], %mul3A_1355 {strides = array<i32>} : memref<80x128xf32, #tpu.memory_space<vmem>>, vector<16xf32>,
        %get3A_1359 = arith.index_cast %add3A_1321 : i32 to index
        %get3A_1360 = arith.constant 80 : index
        %get3A_1361 = tpu.vector_load %arg41[%get3A_1359, %get3A_1360] {strides = array<i32>} : memref<80x128xf32, #tpu.memory_space<vmem>>, vector<16xf32>,
        %mul3A_1362 = arith.mulf %get3A_1361, %gather3A_1323 : vector<16xf32>
        %swap3A_1363 = arith.index_cast %add3A_1321 : i32 to index
        %swap3A_1364 = arith.constant 80 : index
        %swap3A_1365 = tpu.vector_load %arg41[%swap3A_1363, %swap3A_1364] {strides = array<i32>} : memref<80x128xf32, #tpu.memory_space<vmem>>, vector<16xf32>,
        tpu.vector_store %arg41[%swap3A_1363, %swap3A_1364], %mul3A_1362 {strides = array<i32>} : memref<80x128xf32, #tpu.memory_space<vmem>>, vector<16xf32>,
        %get3A_1366 = arith.index_cast %add3A_1321 : i32 to index
        %get3A_1367 = arith.constant 96 : index
        %get3A_1368 = tpu.vector_load %arg41[%get3A_1366, %get3A_1367] {strides = array<i32>} : memref<80x128xf32, #tpu.memory_space<vmem>>, vector<16xf32>,
        %mul3A_1369 = arith.mulf %get3A_1368, %gather3A_1323 : vector<16xf32>
        %swap3A_1370 = arith.index_cast %add3A_1321 : i32 to index
        %swap3A_1371 = arith.constant 96 : index
        %swap3A_1372 = tpu.vector_load %arg41[%swap3A_1370, %swap3A_1371] {strides = array<i32>} : memref<80x128xf32, #tpu.memory_space<vmem>>, vector<16xf32>,
        tpu.vector_store %arg41[%swap3A_1370, %swap3A_1371], %mul3A_1369 {strides = array<i32>} : memref<80x128xf32, #tpu.memory_space<vmem>>, vector<16xf32>,
        %get3A_1373 = arith.index_cast %add3A_1321 : i32 to index
        %get3A_1374 = arith.constant 112 : index
        %get3A_1375 = tpu.vector_load %arg41[%get3A_1373, %get3A_1374] {strides = array<i32>} : memref<80x128xf32, #tpu.memory_space<vmem>>, vector<16xf32>,
        %mul3A_1376 = arith.mulf %get3A_1375, %gather3A_1323 : vector<16xf32>
        %swap3A_1377 = arith.index_cast %add3A_1321 : i32 to index
        %swap3A_1378 = arith.constant 112 : index
        %swap3A_1379 = tpu.vector_load %arg41[%swap3A_1377, %swap3A_1378] {strides = array<i32>} : memref<80x128xf32, #tpu.memory_space<vmem>>, vector<16xf32>,
        tpu.vector_store %arg41[%swap3A_1377, %swap3A_1378], %mul3A_1376 {strides = array<i32>} : memref<80x128xf32, #tpu.memory_space<vmem>>, vector<16xf32>,
      }
      %scan3A_807 = arith.constant 20 : i32
      %add3A_808 = arith.constant 4 : i32
      %add3A_809 = arith.addi %add3A_666, %add3A_808 : i32
      %lt3A_810 = arith.constant 125 : i32
      %lt3A_811 = arith.cmpi slt, %add3A_809, %lt3A_810 : i32
      %convert_element_type3A_812 = arith.extui %lt3A_811 : i1 to i32
      %cond3A_813 = arith.constant 0 : i32
      %cond3A_814 = arith.cmpi ne, %convert_element_type3A_812, %cond3A_813 : i32
      scf.if %cond3A_814 {
        %add3A_1134 = arith.constant 4 : i32
        %add3A_1135 = arith.addi %add3A_666, %add3A_1134 : i32
        %mul3A_1136 = arith.constant 80 : i32
        %mul3A_1137 = arith.muli %add3A_1135, %mul3A_1136 : i32
        %add3A_1138 = arith.addi %mul3A_2, %mul3A_1137 : i32
        %dma_start3A_1139 = tpu.memref_slice %arg6[%add3A_1138] : memref<320000xi32, #tpu.memory_space<hbm>> -> memref<80xi32, #tpu.memory_space<hbm>>
        %dma_start3A_1140 = tpu.memref_slice %arg6[%add3A_1138] : memref<320000xi32, #tpu.memory_space<hbm>> -> memref<80xi32, #tpu.memory_space<hbm>>
        tpu.enqueue_dma source(%dma_start3A_1140 : memref<80xi32, #tpu.memory_space<hbm>>) target(%arg13 : memref<80xi32, #tpu.memory_space<vmem>>) target_semaphore(%arg50 : memref<!tpu.dma_semaphore, #tpu.memory_space<semaphore_mem>>)
        %dma_start3A_1141 = tpu.memref_slice %arg7[%add3A_1138] : memref<320000xi32, #tpu.memory_space<hbm>> -> memref<80xi32, #tpu.memory_space<hbm>>
        %dma_start3A_1142 = tpu.memref_slice %arg7[%add3A_1138] : memref<320000xi32, #tpu.memory_space<hbm>> -> memref<80xi32, #tpu.memory_space<hbm>>
        tpu.enqueue_dma source(%dma_start3A_1142 : memref<80xi32, #tpu.memory_space<hbm>>) target(%arg17 : memref<80xi32, #tpu.memory_space<vmem>>) target_semaphore(%arg50 : memref<!tpu.dma_semaphore, #tpu.memory_space<semaphore_mem>>)
        %dma_start3A_1143 = tpu.memref_slice %arg5[%add3A_1138] : memref<320000xf32, #tpu.memory_space<hbm>> -> memref<80xf32, #tpu.memory_space<hbm>>
        %dma_start3A_1144 = tpu.memref_slice %arg5[%add3A_1138] : memref<320000xf32, #tpu.memory_space<hbm>> -> memref<80xf32, #tpu.memory_space<hbm>>
        tpu.enqueue_dma source(%dma_start3A_1144 : memref<80xf32, #tpu.memory_space<hbm>>) target(%arg21 : memref<80xf32, #tpu.memory_space<vmem>>) target_semaphore(%arg50 : memref<!tpu.dma_semaphore, #tpu.memory_space<semaphore_mem>>)
      } else {
      }
      %dma_start3A_815 = arith.constant 0 : i32
      %dma_start3A_816 = arith.constant 0 : i32
      %dma_start3A_817 = tpu.memref_slice %arg47[%dma_start3A_815, %dma_start3A_816] : memref<10240x128xf32, #tpu.memory_space<vmem_shared>> -> memref<10240x128xf32, #tpu.memory_space<vmem_shared>>
      tpu.enqueue_indirect_dma source(%arg41 : memref<80x128xf32, #tpu.memory_space<vmem>>) target(%dma_start3A_817 : memref<10240x128xf32, #tpu.memory_space<vmem_shared>>) offsets(%arg37 : memref<80xi32, #tpu.memory_space<vmem>>) semaphore(%arg58 : memref<!tpu.dma_semaphore, #tpu.memory_space<semaphore_mem>>) {add = true}
      %dma_start3A_818 = arith.constant 0 : i32
      %dma_start3A_819 = tpu.memref_slice %arg48[%dma_start3A_818] : memref<10240xf32, #tpu.memory_space<vmem_shared>> -> memref<10240xf32, #tpu.memory_space<vmem_shared>>
      tpu.enqueue_indirect_dma source(%arg33 : memref<80xf32, #tpu.memory_space<vmem>>) target(%dma_start3A_819 : memref<10240xf32, #tpu.memory_space<vmem_shared>>) offsets(%arg37 : memref<80xi32, #tpu.memory_space<vmem>>) semaphore(%arg58 : memref<!tpu.dma_semaphore, #tpu.memory_space<semaphore_mem>>) {add = true}
      %mul3A_820 = arith.constant 4 : i32
      %mul3A_821 = arith.muli %add3A_508, %mul3A_820 : i32
      %add3A_822 = arith.constant 2 : i32
      %add3A_823 = arith.addi %mul3A_821, %add3A_822 : i32
      %dma_wait3A_824 = arith.constant 0 : i32
      %dma_wait3A_825 = tpu.memref_slice %arg3[%dma_wait3A_824] : memref<10000xf32, #tpu.memory_space<hbm>> -> memref<10000xf32, #tpu.memory_space<hbm>>
      tpu.wait_indirect_dma semaphore(%arg55 : memref<!tpu.dma_semaphore, #tpu.memory_space<semaphore_mem>>) src(%dma_wait3A_825 : memref<10000xf32, #tpu.memory_space<hbm>>) dst(%arg26 : memref<80xf32, #tpu.memory_space<vmem>>)
      %dma_wait3A_826 = arith.constant 0 : i32
      %dma_wait3A_827 = tpu.memref_slice %arg4[%dma_wait3A_826] : memref<10000xf32, #tpu.memory_space<hbm>> -> memref<10000xf32, #tpu.memory_space<hbm>>
      tpu.wait_indirect_dma semaphore(%arg55 : memref<!tpu.dma_semaphore, #tpu.memory_space<semaphore_mem>>) src(%dma_wait3A_827 : memref<10000xf32, #tpu.memory_space<hbm>>) dst(%arg30 : memref<80xf32, #tpu.memory_space<vmem>>)
      %dma_wait3A_828 = arith.constant 0 : i32
      %dma_wait3A_829 = arith.constant 0 : i32
      %dma_wait3A_830 = tpu.memref_slice %arg2[%dma_wait3A_828, %dma_wait3A_829] : memref<10000x128xf32, #tpu.memory_space<hbm>> -> memref<10000x128xf32, #tpu.memory_space<hbm>>
      tpu.wait_indirect_dma semaphore(%arg55 : memref<!tpu.dma_semaphore, #tpu.memory_space<semaphore_mem>>) src(%dma_wait3A_830 : memref<10000x128xf32, #tpu.memory_space<hbm>>) dst(%arg42 : memref<80x128xf32, #tpu.memory_space<vmem>>)
      %ge3A_831 = arith.constant 2 : i32
      %ge3A_832 = arith.cmpi sge, %add3A_823, %ge3A_831 : i32
      %convert_element_type3A_833 = arith.extui %ge3A_832 : i1 to i32
      %cond3A_834 = arith.constant 0 : i32
      %cond3A_835 = arith.cmpi ne, %convert_element_type3A_833, %cond3A_834 : i32
      scf.if %cond3A_835 {
        %dma_wait3A_1134 = arith.constant 0 : i32
        %dma_wait3A_1135 = arith.constant 0 : i32
        %dma_wait3A_1136 = tpu.memref_slice %arg47[%dma_wait3A_1134, %dma_wait3A_1135] : memref<10240x128xf32, #tpu.memory_space<vmem_shared>> -> memref<10240x128xf32, #tpu.memory_space<vmem_shared>>
        tpu.wait_indirect_dma semaphore(%arg57 : memref<!tpu.dma_semaphore, #tpu.memory_space<semaphore_mem>>) src(%arg40 : memref<80x128xf32, #tpu.memory_space<vmem>>) dst(%dma_wait3A_1136 : memref<10240x128xf32, #tpu.memory_space<vmem_shared>>)
        %dma_wait3A_1137 = arith.constant 0 : i32
        %dma_wait3A_1138 = tpu.memref_slice %arg48[%dma_wait3A_1137] : memref<10240xf32, #tpu.memory_space<vmem_shared>> -> memref<10240xf32, #tpu.memory_space<vmem_shared>>
        tpu.wait_indirect_dma semaphore(%arg57 : memref<!tpu.dma_semaphore, #tpu.memory_space<semaphore_mem>>) src(%arg32 : memref<80xf32, #tpu.memory_space<vmem>>) dst(%dma_wait3A_1138 : memref<10240xf32, #tpu.memory_space<vmem_shared>>)
      } else {
      }
      %add3A_836 = arith.constant 2 : i32
      %add3A_837 = arith.addi %add3A_823, %add3A_836 : i32
      %lt3A_838 = arith.constant 125 : i32
      %lt3A_839 = arith.cmpi slt, %add3A_837, %lt3A_838 : i32
      %convert_element_type3A_840 = arith.extui %lt3A_839 : i1 to i32
      %cond3A_841 = arith.constant 0 : i32
      %cond3A_842 = arith.cmpi ne, %convert_element_type3A_840, %cond3A_841 : i32
      scf.if %cond3A_842 {
        %add3A_1134 = arith.constant 2 : i32
        %add3A_1135 = arith.addi %add3A_823, %add3A_1134 : i32
        %mul3A_1136 = arith.constant 80 : i32
        %mul3A_1137 = arith.muli %add3A_1135, %mul3A_1136 : i32
        %add3A_1138 = arith.addi %mul3A_2, %mul3A_1137 : i32
        %dma_wait3A_1139 = tpu.memref_slice %arg6[%add3A_1138] : memref<320000xi32, #tpu.memory_space<hbm>> -> memref<80xi32, #tpu.memory_space<hbm>>
        %dma_wait3A_1140 = tpu.memref_slice %arg6[%add3A_1138] : memref<320000xi32, #tpu.memory_space<hbm>> -> memref<80xi32, #tpu.memory_space<hbm>>
        tpu.wait_dma2 semaphore(%arg49 : memref<!tpu.dma_semaphore, #tpu.memory_space<semaphore_mem>>) src(%dma_wait3A_1140 : memref<80xi32, #tpu.memory_space<hbm>>) dst(%arg12 : memref<80xi32, #tpu.memory_space<vmem>>)
        %dma_wait3A_1141 = tpu.memref_slice %arg7[%add3A_1138] : memref<320000xi32, #tpu.memory_space<hbm>> -> memref<80xi32, #tpu.memory_space<hbm>>
        %dma_wait3A_1142 = tpu.memref_slice %arg7[%add3A_1138] : memref<320000xi32, #tpu.memory_space<hbm>> -> memref<80xi32, #tpu.memory_space<hbm>>
        tpu.wait_dma2 semaphore(%arg49 : memref<!tpu.dma_semaphore, #tpu.memory_space<semaphore_mem>>) src(%dma_wait3A_1142 : memref<80xi32, #tpu.memory_space<hbm>>) dst(%arg16 : memref<80xi32, #tpu.memory_space<vmem>>)
        %dma_wait3A_1143 = tpu.memref_slice %arg5[%add3A_1138] : memref<320000xf32, #tpu.memory_space<hbm>> -> memref<80xf32, #tpu.memory_space<hbm>>
        %dma_wait3A_1144 = tpu.memref_slice %arg5[%add3A_1138] : memref<320000xf32, #tpu.memory_space<hbm>> -> memref<80xf32, #tpu.memory_space<hbm>>
        tpu.wait_dma2 semaphore(%arg49 : memref<!tpu.dma_semaphore, #tpu.memory_space<semaphore_mem>>) src(%dma_wait3A_1144 : memref<80xf32, #tpu.memory_space<hbm>>) dst(%arg20 : memref<80xf32, #tpu.memory_space<vmem>>)
        %dma_start3A_1145 = arith.constant 0 : i32
        %dma_start3A_1146 = tpu.memref_slice %arg3[%dma_start3A_1145] : memref<10000xf32, #tpu.memory_space<hbm>> -> memref<10000xf32, #tpu.memory_space<hbm>>
        tpu.enqueue_indirect_dma source(%dma_start3A_1146 : memref<10000xf32, #tpu.memory_space<hbm>>) target(%arg24 : memref<80xf32, #tpu.memory_space<vmem>>) offsets(%arg12 : memref<80xi32, #tpu.memory_space<vmem>>) semaphore(%arg53 : memref<!tpu.dma_semaphore, #tpu.memory_space<semaphore_mem>>)
        %dma_start3A_1147 = arith.constant 0 : i32
        %dma_start3A_1148 = tpu.memref_slice %arg4[%dma_start3A_1147] : memref<10000xf32, #tpu.memory_space<hbm>> -> memref<10000xf32, #tpu.memory_space<hbm>>
        tpu.enqueue_indirect_dma source(%dma_start3A_1148 : memref<10000xf32, #tpu.memory_space<hbm>>) target(%arg28 : memref<80xf32, #tpu.memory_space<vmem>>) offsets(%arg16 : memref<80xi32, #tpu.memory_space<vmem>>) semaphore(%arg53 : memref<!tpu.dma_semaphore, #tpu.memory_space<semaphore_mem>>)
        %dma_start3A_1149 = arith.constant 0 : i32
        %dma_start3A_1150 = arith.constant 0 : i32
        %dma_start3A_1151 = tpu.memref_slice %arg2[%dma_start3A_1149, %dma_start3A_1150] : memref<10000x128xf32, #tpu.memory_space<hbm>> -> memref<10000x128xf32, #tpu.memory_space<hbm>>
        tpu.enqueue_indirect_dma source(%dma_start3A_1151 : memref<10000x128xf32, #tpu.memory_space<hbm>>) target(%arg40 : memref<80x128xf32, #tpu.memory_space<vmem>>) offsets(%arg12 : memref<80xi32, #tpu.memory_space<vmem>>) semaphore(%arg53 : memref<!tpu.dma_semaphore, #tpu.memory_space<semaphore_mem>>)
      } else {
      }
      %get3A_843 = arith.constant 0 : index
      %get3A_844 = tpu.vector_load %arg44[%get3A_843] {strides = array<i32>} : memref<16xf32, #tpu.memory_space<vmem>>, vector<16xf32>,
      %get3A_845 = arith.constant 0 : index
      %get3A_846 = tpu.vector_load %arg26[%get3A_845] {strides = array<i32>} : memref<80xf32, #tpu.memory_space<vmem>>, vector<16xf32>,
      %get3A_847 = arith.constant 0 : index
      %get3A_848 = tpu.vector_load %arg30[%get3A_847] {strides = array<i32>} : memref<80xf32, #tpu.memory_space<vmem>>, vector<16xf32>,
      %add3A_849 = arith.addf %get3A_846, %get3A_848 : vector<16xf32>
      %get3A_850 = arith.constant 0 : index
      %get3A_851 = tpu.vector_load %arg22[%get3A_850] {strides = array<i32>} : memref<80xf32, #tpu.memory_space<vmem>>, vector<16xf32>,
      %add3A_852 = arith.addf %add3A_849, %get3A_851 : vector<16xf32>
      %ge3A_853 = arith.constant 0.000000e+00 : f32
      %ge3A_854 = vector.broadcast %ge3A_853 : f32 to vector<16xf32>
      %ge3A_855 = arith.cmpf oge, %add3A_852, %ge3A_854 : vector<16xf32>
      %mul3A_856 = arith.constant 2.000000e-01 : f32
      %mul3A_857 = vector.broadcast %mul3A_856 : f32 to vector<16xf32>
      %mul3A_858 = arith.mulf %mul3A_857, %add3A_852 : vector<16xf32>
      %select_n3A_859 = arith.select %ge3A_855, %add3A_852, %mul3A_858 : vector<16xi1>, vector<16xf32>
      %sub3A_860 = arith.subf %select_n3A_859, %get3A_844 : vector<16xf32>
      %exp3A_861 = math.exp %sub3A_860 : vector<16xf32>
      %swap3A_862 = arith.constant 0 : index
      %swap3A_863 = tpu.vector_load %arg34[%swap3A_862] {strides = array<i32>} : memref<80xf32, #tpu.memory_space<vmem>>, vector<16xf32>,
      tpu.vector_store %arg34[%swap3A_862], %exp3A_861 {strides = array<i32>} : memref<80xf32, #tpu.memory_space<vmem>>, vector<16xf32>,
      %get3A_864 = arith.constant 0 : index
      %get3A_865 = tpu.vector_load %arg18[%get3A_864] {strides = array<i32>} : memref<80xi32, #tpu.memory_space<vmem>>, vector<16xi32>,
      %swap3A_866 = arith.constant 0 : index
      %swap3A_867 = tpu.vector_load %arg38[%swap3A_866] {strides = array<i32>} : memref<80xi32, #tpu.memory_space<vmem>>, vector<16xi32>,
      tpu.vector_store %arg38[%swap3A_866], %get3A_865 {strides = array<i32>} : memref<80xi32, #tpu.memory_space<vmem>>, vector<16xi32>,
      %get3A_868 = arith.constant 16 : index
      %get3A_869 = tpu.vector_load %arg26[%get3A_868] {strides = array<i32>} : memref<80xf32, #tpu.memory_space<vmem>>, vector<16xf32>,
      %get3A_870 = arith.constant 16 : index
      %get3A_871 = tpu.vector_load %arg30[%get3A_870] {strides = array<i32>} : memref<80xf32, #tpu.memory_space<vmem>>, vector<16xf32>,
      %add3A_872 = arith.addf %get3A_869, %get3A_871 : vector<16xf32>
      %get3A_873 = arith.constant 16 : index
      %get3A_874 = tpu.vector_load %arg22[%get3A_873] {strides = array<i32>} : memref<80xf32, #tpu.memory_space<vmem>>, vector<16xf32>,
      %add3A_875 = arith.addf %add3A_872, %get3A_874 : vector<16xf32>
      %ge3A_876 = arith.constant 0.000000e+00 : f32
      %ge3A_877 = vector.broadcast %ge3A_876 : f32 to vector<16xf32>
      %ge3A_878 = arith.cmpf oge, %add3A_875, %ge3A_877 : vector<16xf32>
      %mul3A_879 = arith.constant 2.000000e-01 : f32
      %mul3A_880 = vector.broadcast %mul3A_879 : f32 to vector<16xf32>
      %mul3A_881 = arith.mulf %mul3A_880, %add3A_875 : vector<16xf32>
      %select_n3A_882 = arith.select %ge3A_878, %add3A_875, %mul3A_881 : vector<16xi1>, vector<16xf32>
      %sub3A_883 = arith.subf %select_n3A_882, %get3A_844 : vector<16xf32>
      %exp3A_884 = math.exp %sub3A_883 : vector<16xf32>
      %swap3A_885 = arith.constant 16 : index
      %swap3A_886 = tpu.vector_load %arg34[%swap3A_885] {strides = array<i32>} : memref<80xf32, #tpu.memory_space<vmem>>, vector<16xf32>,
      tpu.vector_store %arg34[%swap3A_885], %exp3A_884 {strides = array<i32>} : memref<80xf32, #tpu.memory_space<vmem>>, vector<16xf32>,
      %get3A_887 = arith.constant 16 : index
      %get3A_888 = tpu.vector_load %arg18[%get3A_887] {strides = array<i32>} : memref<80xi32, #tpu.memory_space<vmem>>, vector<16xi32>,
      %swap3A_889 = arith.constant 16 : index
      %swap3A_890 = tpu.vector_load %arg38[%swap3A_889] {strides = array<i32>} : memref<80xi32, #tpu.memory_space<vmem>>, vector<16xi32>,
      tpu.vector_store %arg38[%swap3A_889], %get3A_888 {strides = array<i32>} : memref<80xi32, #tpu.memory_space<vmem>>, vector<16xi32>,
      %get3A_891 = arith.constant 32 : index
      %get3A_892 = tpu.vector_load %arg26[%get3A_891] {strides = array<i32>} : memref<80xf32, #tpu.memory_space<vmem>>, vector<16xf32>,
      %get3A_893 = arith.constant 32 : index
      %get3A_894 = tpu.vector_load %arg30[%get3A_893] {strides = array<i32>} : memref<80xf32, #tpu.memory_space<vmem>>, vector<16xf32>,
      %add3A_895 = arith.addf %get3A_892, %get3A_894 : vector<16xf32>
      %get3A_896 = arith.constant 32 : index
      %get3A_897 = tpu.vector_load %arg22[%get3A_896] {strides = array<i32>} : memref<80xf32, #tpu.memory_space<vmem>>, vector<16xf32>,
      %add3A_898 = arith.addf %add3A_895, %get3A_897 : vector<16xf32>
      %ge3A_899 = arith.constant 0.000000e+00 : f32
      %ge3A_900 = vector.broadcast %ge3A_899 : f32 to vector<16xf32>
      %ge3A_901 = arith.cmpf oge, %add3A_898, %ge3A_900 : vector<16xf32>
      %mul3A_902 = arith.constant 2.000000e-01 : f32
      %mul3A_903 = vector.broadcast %mul3A_902 : f32 to vector<16xf32>
      %mul3A_904 = arith.mulf %mul3A_903, %add3A_898 : vector<16xf32>
      %select_n3A_905 = arith.select %ge3A_901, %add3A_898, %mul3A_904 : vector<16xi1>, vector<16xf32>
      %sub3A_906 = arith.subf %select_n3A_905, %get3A_844 : vector<16xf32>
      %exp3A_907 = math.exp %sub3A_906 : vector<16xf32>
      %swap3A_908 = arith.constant 32 : index
      %swap3A_909 = tpu.vector_load %arg34[%swap3A_908] {strides = array<i32>} : memref<80xf32, #tpu.memory_space<vmem>>, vector<16xf32>,
      tpu.vector_store %arg34[%swap3A_908], %exp3A_907 {strides = array<i32>} : memref<80xf32, #tpu.memory_space<vmem>>, vector<16xf32>,
      %get3A_910 = arith.constant 32 : index
      %get3A_911 = tpu.vector_load %arg18[%get3A_910] {strides = array<i32>} : memref<80xi32, #tpu.memory_space<vmem>>, vector<16xi32>,
      %swap3A_912 = arith.constant 32 : index
      %swap3A_913 = tpu.vector_load %arg38[%swap3A_912] {strides = array<i32>} : memref<80xi32, #tpu.memory_space<vmem>>, vector<16xi32>,
      tpu.vector_store %arg38[%swap3A_912], %get3A_911 {strides = array<i32>} : memref<80xi32, #tpu.memory_space<vmem>>, vector<16xi32>,
      %get3A_914 = arith.constant 48 : index
      %get3A_915 = tpu.vector_load %arg26[%get3A_914] {strides = array<i32>} : memref<80xf32, #tpu.memory_space<vmem>>, vector<16xf32>,
      %get3A_916 = arith.constant 48 : index
      %get3A_917 = tpu.vector_load %arg30[%get3A_916] {strides = array<i32>} : memref<80xf32, #tpu.memory_space<vmem>>, vector<16xf32>,
      %add3A_918 = arith.addf %get3A_915, %get3A_917 : vector<16xf32>
      %get3A_919 = arith.constant 48 : index
      %get3A_920 = tpu.vector_load %arg22[%get3A_919] {strides = array<i32>} : memref<80xf32, #tpu.memory_space<vmem>>, vector<16xf32>,
      %add3A_921 = arith.addf %add3A_918, %get3A_920 : vector<16xf32>
      %ge3A_922 = arith.constant 0.000000e+00 : f32
      %ge3A_923 = vector.broadcast %ge3A_922 : f32 to vector<16xf32>
      %ge3A_924 = arith.cmpf oge, %add3A_921, %ge3A_923 : vector<16xf32>
      %mul3A_925 = arith.constant 2.000000e-01 : f32
      %mul3A_926 = vector.broadcast %mul3A_925 : f32 to vector<16xf32>
      %mul3A_927 = arith.mulf %mul3A_926, %add3A_921 : vector<16xf32>
      %select_n3A_928 = arith.select %ge3A_924, %add3A_921, %mul3A_927 : vector<16xi1>, vector<16xf32>
      %sub3A_929 = arith.subf %select_n3A_928, %get3A_844 : vector<16xf32>
      %exp3A_930 = math.exp %sub3A_929 : vector<16xf32>
      %swap3A_931 = arith.constant 48 : index
      %swap3A_932 = tpu.vector_load %arg34[%swap3A_931] {strides = array<i32>} : memref<80xf32, #tpu.memory_space<vmem>>, vector<16xf32>,
      tpu.vector_store %arg34[%swap3A_931], %exp3A_930 {strides = array<i32>} : memref<80xf32, #tpu.memory_space<vmem>>, vector<16xf32>,
      %get3A_933 = arith.constant 48 : index
      %get3A_934 = tpu.vector_load %arg18[%get3A_933] {strides = array<i32>} : memref<80xi32, #tpu.memory_space<vmem>>, vector<16xi32>,
      %swap3A_935 = arith.constant 48 : index
      %swap3A_936 = tpu.vector_load %arg38[%swap3A_935] {strides = array<i32>} : memref<80xi32, #tpu.memory_space<vmem>>, vector<16xi32>,
      tpu.vector_store %arg38[%swap3A_935], %get3A_934 {strides = array<i32>} : memref<80xi32, #tpu.memory_space<vmem>>, vector<16xi32>,
      %get3A_937 = arith.constant 64 : index
      %get3A_938 = tpu.vector_load %arg26[%get3A_937] {strides = array<i32>} : memref<80xf32, #tpu.memory_space<vmem>>, vector<16xf32>,
      %get3A_939 = arith.constant 64 : index
      %get3A_940 = tpu.vector_load %arg30[%get3A_939] {strides = array<i32>} : memref<80xf32, #tpu.memory_space<vmem>>, vector<16xf32>,
      %add3A_941 = arith.addf %get3A_938, %get3A_940 : vector<16xf32>
      %get3A_942 = arith.constant 64 : index
      %get3A_943 = tpu.vector_load %arg22[%get3A_942] {strides = array<i32>} : memref<80xf32, #tpu.memory_space<vmem>>, vector<16xf32>,
      %add3A_944 = arith.addf %add3A_941, %get3A_943 : vector<16xf32>
      %ge3A_945 = arith.constant 0.000000e+00 : f32
      %ge3A_946 = vector.broadcast %ge3A_945 : f32 to vector<16xf32>
      %ge3A_947 = arith.cmpf oge, %add3A_944, %ge3A_946 : vector<16xf32>
      %mul3A_948 = arith.constant 2.000000e-01 : f32
      %mul3A_949 = vector.broadcast %mul3A_948 : f32 to vector<16xf32>
      %mul3A_950 = arith.mulf %mul3A_949, %add3A_944 : vector<16xf32>
      %select_n3A_951 = arith.select %ge3A_947, %add3A_944, %mul3A_950 : vector<16xi1>, vector<16xf32>
      %sub3A_952 = arith.subf %select_n3A_951, %get3A_844 : vector<16xf32>
      %exp3A_953 = math.exp %sub3A_952 : vector<16xf32>
      %swap3A_954 = arith.constant 64 : index
      %swap3A_955 = tpu.vector_load %arg34[%swap3A_954] {strides = array<i32>} : memref<80xf32, #tpu.memory_space<vmem>>, vector<16xf32>,
      tpu.vector_store %arg34[%swap3A_954], %exp3A_953 {strides = array<i32>} : memref<80xf32, #tpu.memory_space<vmem>>, vector<16xf32>,
      %get3A_956 = arith.constant 64 : index
      %get3A_957 = tpu.vector_load %arg18[%get3A_956] {strides = array<i32>} : memref<80xi32, #tpu.memory_space<vmem>>, vector<16xi32>,
      %swap3A_958 = arith.constant 64 : index
      %swap3A_959 = tpu.vector_load %arg38[%swap3A_958] {strides = array<i32>} : memref<80xi32, #tpu.memory_space<vmem>>, vector<16xi32>,
      tpu.vector_store %arg38[%swap3A_958], %get3A_957 {strides = array<i32>} : memref<80xi32, #tpu.memory_space<vmem>>, vector<16xi32>,
      %scan3A_960 = arith.constant 0 : i32
      %scan3A_961 = arith.constant 20 : i32
      %scan3A_962 = arith.addi %scan3A_960, %scan3A_961 : i32
      %scan3A_963 = arith.constant 1 : i32
      scf.for %scan3A_1134 = %scan3A_960 to %scan3A_962 step %scan3A_963  : i32 {
        %mul3A_1135 = arith.constant 1 : i32
        %mul3A_1136 = arith.muli %scan3A_1134, %mul3A_1135 : i32
        %add3A_1137 = arith.constant 0 : i32
        %add3A_1138 = arith.addi %add3A_1137, %mul3A_1136 : i32
        %mul3A_1139 = arith.constant 4 : i32
        %mul3A_1140 = arith.muli %add3A_1138, %mul3A_1139 : i32
        %add3A_1141 = arith.constant 0 : i32
        %add3A_1142 = arith.addi %mul3A_1140, %add3A_1141 : i32
        %broadcast_in_dim3A_1143 = vector.broadcast %add3A_1142 : i32 to vector<16xi32>
        %gather3A = tpu.vector_load_idx %arg34[%broadcast_in_dim3A_1143] : memref<80xf32, #tpu.memory_space<vmem>>[vector<16xi32>], vector<16xf32>,
        %get3A_1144 = arith.index_cast %add3A_1142 : i32 to index
        %get3A_1145 = arith.constant 0 : index
        %get3A_1146 = tpu.vector_load %arg42[%get3A_1144, %get3A_1145] {strides = array<i32>} : memref<80x128xf32, #tpu.memory_space<vmem>>, vector<16xf32>,
        %mul3A_1147 = arith.mulf %get3A_1146, %gather3A : vector<16xf32>
        %swap3A_1148 = arith.index_cast %add3A_1142 : i32 to index
        %swap3A_1149 = arith.constant 0 : index
        %swap3A_1150 = tpu.vector_load %arg42[%swap3A_1148, %swap3A_1149] {strides = array<i32>} : memref<80x128xf32, #tpu.memory_space<vmem>>, vector<16xf32>,
        tpu.vector_store %arg42[%swap3A_1148, %swap3A_1149], %mul3A_1147 {strides = array<i32>} : memref<80x128xf32, #tpu.memory_space<vmem>>, vector<16xf32>,
        %get3A_1151 = arith.index_cast %add3A_1142 : i32 to index
        %get3A_1152 = arith.constant 16 : index
        %get3A_1153 = tpu.vector_load %arg42[%get3A_1151, %get3A_1152] {strides = array<i32>} : memref<80x128xf32, #tpu.memory_space<vmem>>, vector<16xf32>,
        %mul3A_1154 = arith.mulf %get3A_1153, %gather3A : vector<16xf32>
        %swap3A_1155 = arith.index_cast %add3A_1142 : i32 to index
        %swap3A_1156 = arith.constant 16 : index
        %swap3A_1157 = tpu.vector_load %arg42[%swap3A_1155, %swap3A_1156] {strides = array<i32>} : memref<80x128xf32, #tpu.memory_space<vmem>>, vector<16xf32>,
        tpu.vector_store %arg42[%swap3A_1155, %swap3A_1156], %mul3A_1154 {strides = array<i32>} : memref<80x128xf32, #tpu.memory_space<vmem>>, vector<16xf32>,
        %get3A_1158 = arith.index_cast %add3A_1142 : i32 to index
        %get3A_1159 = arith.constant 32 : index
        %get3A_1160 = tpu.vector_load %arg42[%get3A_1158, %get3A_1159] {strides = array<i32>} : memref<80x128xf32, #tpu.memory_space<vmem>>, vector<16xf32>,
        %mul3A_1161 = arith.mulf %get3A_1160, %gather3A : vector<16xf32>
        %swap3A_1162 = arith.index_cast %add3A_1142 : i32 to index
        %swap3A_1163 = arith.constant 32 : index
        %swap3A_1164 = tpu.vector_load %arg42[%swap3A_1162, %swap3A_1163] {strides = array<i32>} : memref<80x128xf32, #tpu.memory_space<vmem>>, vector<16xf32>,
        tpu.vector_store %arg42[%swap3A_1162, %swap3A_1163], %mul3A_1161 {strides = array<i32>} : memref<80x128xf32, #tpu.memory_space<vmem>>, vector<16xf32>,
        %get3A_1165 = arith.index_cast %add3A_1142 : i32 to index
        %get3A_1166 = arith.constant 48 : index
        %get3A_1167 = tpu.vector_load %arg42[%get3A_1165, %get3A_1166] {strides = array<i32>} : memref<80x128xf32, #tpu.memory_space<vmem>>, vector<16xf32>,
        %mul3A_1168 = arith.mulf %get3A_1167, %gather3A : vector<16xf32>
        %swap3A_1169 = arith.index_cast %add3A_1142 : i32 to index
        %swap3A_1170 = arith.constant 48 : index
        %swap3A_1171 = tpu.vector_load %arg42[%swap3A_1169, %swap3A_1170] {strides = array<i32>} : memref<80x128xf32, #tpu.memory_space<vmem>>, vector<16xf32>,
        tpu.vector_store %arg42[%swap3A_1169, %swap3A_1170], %mul3A_1168 {strides = array<i32>} : memref<80x128xf32, #tpu.memory_space<vmem>>, vector<16xf32>,
        %get3A_1172 = arith.index_cast %add3A_1142 : i32 to index
        %get3A_1173 = arith.constant 64 : index
        %get3A_1174 = tpu.vector_load %arg42[%get3A_1172, %get3A_1173] {strides = array<i32>} : memref<80x128xf32, #tpu.memory_space<vmem>>, vector<16xf32>,
        %mul3A_1175 = arith.mulf %get3A_1174, %gather3A : vector<16xf32>
        %swap3A_1176 = arith.index_cast %add3A_1142 : i32 to index
        %swap3A_1177 = arith.constant 64 : index
        %swap3A_1178 = tpu.vector_load %arg42[%swap3A_1176, %swap3A_1177] {strides = array<i32>} : memref<80x128xf32, #tpu.memory_space<vmem>>, vector<16xf32>,
        tpu.vector_store %arg42[%swap3A_1176, %swap3A_1177], %mul3A_1175 {strides = array<i32>} : memref<80x128xf32, #tpu.memory_space<vmem>>, vector<16xf32>,
        %get3A_1179 = arith.index_cast %add3A_1142 : i32 to index
        %get3A_1180 = arith.constant 80 : index
        %get3A_1181 = tpu.vector_load %arg42[%get3A_1179, %get3A_1180] {strides = array<i32>} : memref<80x128xf32, #tpu.memory_space<vmem>>, vector<16xf32>,
        %mul3A_1182 = arith.mulf %get3A_1181, %gather3A : vector<16xf32>
        %swap3A_1183 = arith.index_cast %add3A_1142 : i32 to index
        %swap3A_1184 = arith.constant 80 : index
        %swap3A_1185 = tpu.vector_load %arg42[%swap3A_1183, %swap3A_1184] {strides = array<i32>} : memref<80x128xf32, #tpu.memory_space<vmem>>, vector<16xf32>,
        tpu.vector_store %arg42[%swap3A_1183, %swap3A_1184], %mul3A_1182 {strides = array<i32>} : memref<80x128xf32, #tpu.memory_space<vmem>>, vector<16xf32>,
        %get3A_1186 = arith.index_cast %add3A_1142 : i32 to index
        %get3A_1187 = arith.constant 96 : index
        %get3A_1188 = tpu.vector_load %arg42[%get3A_1186, %get3A_1187] {strides = array<i32>} : memref<80x128xf32, #tpu.memory_space<vmem>>, vector<16xf32>,
        %mul3A_1189 = arith.mulf %get3A_1188, %gather3A : vector<16xf32>
        %swap3A_1190 = arith.index_cast %add3A_1142 : i32 to index
        %swap3A_1191 = arith.constant 96 : index
        %swap3A_1192 = tpu.vector_load %arg42[%swap3A_1190, %swap3A_1191] {strides = array<i32>} : memref<80x128xf32, #tpu.memory_space<vmem>>, vector<16xf32>,
        tpu.vector_store %arg42[%swap3A_1190, %swap3A_1191], %mul3A_1189 {strides = array<i32>} : memref<80x128xf32, #tpu.memory_space<vmem>>, vector<16xf32>,
        %get3A_1193 = arith.index_cast %add3A_1142 : i32 to index
        %get3A_1194 = arith.constant 112 : index
        %get3A_1195 = tpu.vector_load %arg42[%get3A_1193, %get3A_1194] {strides = array<i32>} : memref<80x128xf32, #tpu.memory_space<vmem>>, vector<16xf32>,
        %mul3A_1196 = arith.mulf %get3A_1195, %gather3A : vector<16xf32>
        %swap3A_1197 = arith.index_cast %add3A_1142 : i32 to index
        %swap3A_1198 = arith.constant 112 : index
        %swap3A_1199 = tpu.vector_load %arg42[%swap3A_1197, %swap3A_1198] {strides = array<i32>} : memref<80x128xf32, #tpu.memory_space<vmem>>, vector<16xf32>,
        tpu.vector_store %arg42[%swap3A_1197, %swap3A_1198], %mul3A_1196 {strides = array<i32>} : memref<80x128xf32, #tpu.memory_space<vmem>>, vector<16xf32>,
        %add3A_1200 = arith.constant 1 : i32
        %add3A_1201 = arith.addi %mul3A_1140, %add3A_1200 : i32
        %broadcast_in_dim3A_1202 = vector.broadcast %add3A_1201 : i32 to vector<16xi32>
        %gather3A_1203 = tpu.vector_load_idx %arg34[%broadcast_in_dim3A_1202] : memref<80xf32, #tpu.memory_space<vmem>>[vector<16xi32>], vector<16xf32>,
        %get3A_1204 = arith.index_cast %add3A_1201 : i32 to index
        %get3A_1205 = arith.constant 0 : index
        %get3A_1206 = tpu.vector_load %arg42[%get3A_1204, %get3A_1205] {strides = array<i32>} : memref<80x128xf32, #tpu.memory_space<vmem>>, vector<16xf32>,
        %mul3A_1207 = arith.mulf %get3A_1206, %gather3A_1203 : vector<16xf32>
        %swap3A_1208 = arith.index_cast %add3A_1201 : i32 to index
        %swap3A_1209 = arith.constant 0 : index
        %swap3A_1210 = tpu.vector_load %arg42[%swap3A_1208, %swap3A_1209] {strides = array<i32>} : memref<80x128xf32, #tpu.memory_space<vmem>>, vector<16xf32>,
        tpu.vector_store %arg42[%swap3A_1208, %swap3A_1209], %mul3A_1207 {strides = array<i32>} : memref<80x128xf32, #tpu.memory_space<vmem>>, vector<16xf32>,
        %get3A_1211 = arith.index_cast %add3A_1201 : i32 to index
        %get3A_1212 = arith.constant 16 : index
        %get3A_1213 = tpu.vector_load %arg42[%get3A_1211, %get3A_1212] {strides = array<i32>} : memref<80x128xf32, #tpu.memory_space<vmem>>, vector<16xf32>,
        %mul3A_1214 = arith.mulf %get3A_1213, %gather3A_1203 : vector<16xf32>
        %swap3A_1215 = arith.index_cast %add3A_1201 : i32 to index
        %swap3A_1216 = arith.constant 16 : index
        %swap3A_1217 = tpu.vector_load %arg42[%swap3A_1215, %swap3A_1216] {strides = array<i32>} : memref<80x128xf32, #tpu.memory_space<vmem>>, vector<16xf32>,
        tpu.vector_store %arg42[%swap3A_1215, %swap3A_1216], %mul3A_1214 {strides = array<i32>} : memref<80x128xf32, #tpu.memory_space<vmem>>, vector<16xf32>,
        %get3A_1218 = arith.index_cast %add3A_1201 : i32 to index
        %get3A_1219 = arith.constant 32 : index
        %get3A_1220 = tpu.vector_load %arg42[%get3A_1218, %get3A_1219] {strides = array<i32>} : memref<80x128xf32, #tpu.memory_space<vmem>>, vector<16xf32>,
        %mul3A_1221 = arith.mulf %get3A_1220, %gather3A_1203 : vector<16xf32>
        %swap3A_1222 = arith.index_cast %add3A_1201 : i32 to index
        %swap3A_1223 = arith.constant 32 : index
        %swap3A_1224 = tpu.vector_load %arg42[%swap3A_1222, %swap3A_1223] {strides = array<i32>} : memref<80x128xf32, #tpu.memory_space<vmem>>, vector<16xf32>,
        tpu.vector_store %arg42[%swap3A_1222, %swap3A_1223], %mul3A_1221 {strides = array<i32>} : memref<80x128xf32, #tpu.memory_space<vmem>>, vector<16xf32>,
        %get3A_1225 = arith.index_cast %add3A_1201 : i32 to index
        %get3A_1226 = arith.constant 48 : index
        %get3A_1227 = tpu.vector_load %arg42[%get3A_1225, %get3A_1226] {strides = array<i32>} : memref<80x128xf32, #tpu.memory_space<vmem>>, vector<16xf32>,
        %mul3A_1228 = arith.mulf %get3A_1227, %gather3A_1203 : vector<16xf32>
        %swap3A_1229 = arith.index_cast %add3A_1201 : i32 to index
        %swap3A_1230 = arith.constant 48 : index
        %swap3A_1231 = tpu.vector_load %arg42[%swap3A_1229, %swap3A_1230] {strides = array<i32>} : memref<80x128xf32, #tpu.memory_space<vmem>>, vector<16xf32>,
        tpu.vector_store %arg42[%swap3A_1229, %swap3A_1230], %mul3A_1228 {strides = array<i32>} : memref<80x128xf32, #tpu.memory_space<vmem>>, vector<16xf32>,
        %get3A_1232 = arith.index_cast %add3A_1201 : i32 to index
        %get3A_1233 = arith.constant 64 : index
        %get3A_1234 = tpu.vector_load %arg42[%get3A_1232, %get3A_1233] {strides = array<i32>} : memref<80x128xf32, #tpu.memory_space<vmem>>, vector<16xf32>,
        %mul3A_1235 = arith.mulf %get3A_1234, %gather3A_1203 : vector<16xf32>
        %swap3A_1236 = arith.index_cast %add3A_1201 : i32 to index
        %swap3A_1237 = arith.constant 64 : index
        %swap3A_1238 = tpu.vector_load %arg42[%swap3A_1236, %swap3A_1237] {strides = array<i32>} : memref<80x128xf32, #tpu.memory_space<vmem>>, vector<16xf32>,
        tpu.vector_store %arg42[%swap3A_1236, %swap3A_1237], %mul3A_1235 {strides = array<i32>} : memref<80x128xf32, #tpu.memory_space<vmem>>, vector<16xf32>,
        %get3A_1239 = arith.index_cast %add3A_1201 : i32 to index
        %get3A_1240 = arith.constant 80 : index
        %get3A_1241 = tpu.vector_load %arg42[%get3A_1239, %get3A_1240] {strides = array<i32>} : memref<80x128xf32, #tpu.memory_space<vmem>>, vector<16xf32>,
        %mul3A_1242 = arith.mulf %get3A_1241, %gather3A_1203 : vector<16xf32>
        %swap3A_1243 = arith.index_cast %add3A_1201 : i32 to index
        %swap3A_1244 = arith.constant 80 : index
        %swap3A_1245 = tpu.vector_load %arg42[%swap3A_1243, %swap3A_1244] {strides = array<i32>} : memref<80x128xf32, #tpu.memory_space<vmem>>, vector<16xf32>,
        tpu.vector_store %arg42[%swap3A_1243, %swap3A_1244], %mul3A_1242 {strides = array<i32>} : memref<80x128xf32, #tpu.memory_space<vmem>>, vector<16xf32>,
        %get3A_1246 = arith.index_cast %add3A_1201 : i32 to index
        %get3A_1247 = arith.constant 96 : index
        %get3A_1248 = tpu.vector_load %arg42[%get3A_1246, %get3A_1247] {strides = array<i32>} : memref<80x128xf32, #tpu.memory_space<vmem>>, vector<16xf32>,
        %mul3A_1249 = arith.mulf %get3A_1248, %gather3A_1203 : vector<16xf32>
        %swap3A_1250 = arith.index_cast %add3A_1201 : i32 to index
        %swap3A_1251 = arith.constant 96 : index
        %swap3A_1252 = tpu.vector_load %arg42[%swap3A_1250, %swap3A_1251] {strides = array<i32>} : memref<80x128xf32, #tpu.memory_space<vmem>>, vector<16xf32>,
        tpu.vector_store %arg42[%swap3A_1250, %swap3A_1251], %mul3A_1249 {strides = array<i32>} : memref<80x128xf32, #tpu.memory_space<vmem>>, vector<16xf32>,
        %get3A_1253 = arith.index_cast %add3A_1201 : i32 to index
        %get3A_1254 = arith.constant 112 : index
        %get3A_1255 = tpu.vector_load %arg42[%get3A_1253, %get3A_1254] {strides = array<i32>} : memref<80x128xf32, #tpu.memory_space<vmem>>, vector<16xf32>,
        %mul3A_1256 = arith.mulf %get3A_1255, %gather3A_1203 : vector<16xf32>
        %swap3A_1257 = arith.index_cast %add3A_1201 : i32 to index
        %swap3A_1258 = arith.constant 112 : index
        %swap3A_1259 = tpu.vector_load %arg42[%swap3A_1257, %swap3A_1258] {strides = array<i32>} : memref<80x128xf32, #tpu.memory_space<vmem>>, vector<16xf32>,
        tpu.vector_store %arg42[%swap3A_1257, %swap3A_1258], %mul3A_1256 {strides = array<i32>} : memref<80x128xf32, #tpu.memory_space<vmem>>, vector<16xf32>,
        %add3A_1260 = arith.constant 2 : i32
        %add3A_1261 = arith.addi %mul3A_1140, %add3A_1260 : i32
        %broadcast_in_dim3A_1262 = vector.broadcast %add3A_1261 : i32 to vector<16xi32>
        %gather3A_1263 = tpu.vector_load_idx %arg34[%broadcast_in_dim3A_1262] : memref<80xf32, #tpu.memory_space<vmem>>[vector<16xi32>], vector<16xf32>,
        %get3A_1264 = arith.index_cast %add3A_1261 : i32 to index
        %get3A_1265 = arith.constant 0 : index
        %get3A_1266 = tpu.vector_load %arg42[%get3A_1264, %get3A_1265] {strides = array<i32>} : memref<80x128xf32, #tpu.memory_space<vmem>>, vector<16xf32>,
        %mul3A_1267 = arith.mulf %get3A_1266, %gather3A_1263 : vector<16xf32>
        %swap3A_1268 = arith.index_cast %add3A_1261 : i32 to index
        %swap3A_1269 = arith.constant 0 : index
        %swap3A_1270 = tpu.vector_load %arg42[%swap3A_1268, %swap3A_1269] {strides = array<i32>} : memref<80x128xf32, #tpu.memory_space<vmem>>, vector<16xf32>,
        tpu.vector_store %arg42[%swap3A_1268, %swap3A_1269], %mul3A_1267 {strides = array<i32>} : memref<80x128xf32, #tpu.memory_space<vmem>>, vector<16xf32>,
        %get3A_1271 = arith.index_cast %add3A_1261 : i32 to index
        %get3A_1272 = arith.constant 16 : index
        %get3A_1273 = tpu.vector_load %arg42[%get3A_1271, %get3A_1272] {strides = array<i32>} : memref<80x128xf32, #tpu.memory_space<vmem>>, vector<16xf32>,
        %mul3A_1274 = arith.mulf %get3A_1273, %gather3A_1263 : vector<16xf32>
        %swap3A_1275 = arith.index_cast %add3A_1261 : i32 to index
        %swap3A_1276 = arith.constant 16 : index
        %swap3A_1277 = tpu.vector_load %arg42[%swap3A_1275, %swap3A_1276] {strides = array<i32>} : memref<80x128xf32, #tpu.memory_space<vmem>>, vector<16xf32>,
        tpu.vector_store %arg42[%swap3A_1275, %swap3A_1276], %mul3A_1274 {strides = array<i32>} : memref<80x128xf32, #tpu.memory_space<vmem>>, vector<16xf32>,
        %get3A_1278 = arith.index_cast %add3A_1261 : i32 to index
        %get3A_1279 = arith.constant 32 : index
        %get3A_1280 = tpu.vector_load %arg42[%get3A_1278, %get3A_1279] {strides = array<i32>} : memref<80x128xf32, #tpu.memory_space<vmem>>, vector<16xf32>,
        %mul3A_1281 = arith.mulf %get3A_1280, %gather3A_1263 : vector<16xf32>
        %swap3A_1282 = arith.index_cast %add3A_1261 : i32 to index
        %swap3A_1283 = arith.constant 32 : index
        %swap3A_1284 = tpu.vector_load %arg42[%swap3A_1282, %swap3A_1283] {strides = array<i32>} : memref<80x128xf32, #tpu.memory_space<vmem>>, vector<16xf32>,
        tpu.vector_store %arg42[%swap3A_1282, %swap3A_1283], %mul3A_1281 {strides = array<i32>} : memref<80x128xf32, #tpu.memory_space<vmem>>, vector<16xf32>,
        %get3A_1285 = arith.index_cast %add3A_1261 : i32 to index
        %get3A_1286 = arith.constant 48 : index
        %get3A_1287 = tpu.vector_load %arg42[%get3A_1285, %get3A_1286] {strides = array<i32>} : memref<80x128xf32, #tpu.memory_space<vmem>>, vector<16xf32>,
        %mul3A_1288 = arith.mulf %get3A_1287, %gather3A_1263 : vector<16xf32>
        %swap3A_1289 = arith.index_cast %add3A_1261 : i32 to index
        %swap3A_1290 = arith.constant 48 : index
        %swap3A_1291 = tpu.vector_load %arg42[%swap3A_1289, %swap3A_1290] {strides = array<i32>} : memref<80x128xf32, #tpu.memory_space<vmem>>, vector<16xf32>,
        tpu.vector_store %arg42[%swap3A_1289, %swap3A_1290], %mul3A_1288 {strides = array<i32>} : memref<80x128xf32, #tpu.memory_space<vmem>>, vector<16xf32>,
        %get3A_1292 = arith.index_cast %add3A_1261 : i32 to index
        %get3A_1293 = arith.constant 64 : index
        %get3A_1294 = tpu.vector_load %arg42[%get3A_1292, %get3A_1293] {strides = array<i32>} : memref<80x128xf32, #tpu.memory_space<vmem>>, vector<16xf32>,
        %mul3A_1295 = arith.mulf %get3A_1294, %gather3A_1263 : vector<16xf32>
        %swap3A_1296 = arith.index_cast %add3A_1261 : i32 to index
        %swap3A_1297 = arith.constant 64 : index
        %swap3A_1298 = tpu.vector_load %arg42[%swap3A_1296, %swap3A_1297] {strides = array<i32>} : memref<80x128xf32, #tpu.memory_space<vmem>>, vector<16xf32>,
        tpu.vector_store %arg42[%swap3A_1296, %swap3A_1297], %mul3A_1295 {strides = array<i32>} : memref<80x128xf32, #tpu.memory_space<vmem>>, vector<16xf32>,
        %get3A_1299 = arith.index_cast %add3A_1261 : i32 to index
        %get3A_1300 = arith.constant 80 : index
        %get3A_1301 = tpu.vector_load %arg42[%get3A_1299, %get3A_1300] {strides = array<i32>} : memref<80x128xf32, #tpu.memory_space<vmem>>, vector<16xf32>,
        %mul3A_1302 = arith.mulf %get3A_1301, %gather3A_1263 : vector<16xf32>
        %swap3A_1303 = arith.index_cast %add3A_1261 : i32 to index
        %swap3A_1304 = arith.constant 80 : index
        %swap3A_1305 = tpu.vector_load %arg42[%swap3A_1303, %swap3A_1304] {strides = array<i32>} : memref<80x128xf32, #tpu.memory_space<vmem>>, vector<16xf32>,
        tpu.vector_store %arg42[%swap3A_1303, %swap3A_1304], %mul3A_1302 {strides = array<i32>} : memref<80x128xf32, #tpu.memory_space<vmem>>, vector<16xf32>,
        %get3A_1306 = arith.index_cast %add3A_1261 : i32 to index
        %get3A_1307 = arith.constant 96 : index
        %get3A_1308 = tpu.vector_load %arg42[%get3A_1306, %get3A_1307] {strides = array<i32>} : memref<80x128xf32, #tpu.memory_space<vmem>>, vector<16xf32>,
        %mul3A_1309 = arith.mulf %get3A_1308, %gather3A_1263 : vector<16xf32>
        %swap3A_1310 = arith.index_cast %add3A_1261 : i32 to index
        %swap3A_1311 = arith.constant 96 : index
        %swap3A_1312 = tpu.vector_load %arg42[%swap3A_1310, %swap3A_1311] {strides = array<i32>} : memref<80x128xf32, #tpu.memory_space<vmem>>, vector<16xf32>,
        tpu.vector_store %arg42[%swap3A_1310, %swap3A_1311], %mul3A_1309 {strides = array<i32>} : memref<80x128xf32, #tpu.memory_space<vmem>>, vector<16xf32>,
        %get3A_1313 = arith.index_cast %add3A_1261 : i32 to index
        %get3A_1314 = arith.constant 112 : index
        %get3A_1315 = tpu.vector_load %arg42[%get3A_1313, %get3A_1314] {strides = array<i32>} : memref<80x128xf32, #tpu.memory_space<vmem>>, vector<16xf32>,
        %mul3A_1316 = arith.mulf %get3A_1315, %gather3A_1263 : vector<16xf32>
        %swap3A_1317 = arith.index_cast %add3A_1261 : i32 to index
        %swap3A_1318 = arith.constant 112 : index
        %swap3A_1319 = tpu.vector_load %arg42[%swap3A_1317, %swap3A_1318] {strides = array<i32>} : memref<80x128xf32, #tpu.memory_space<vmem>>, vector<16xf32>,
        tpu.vector_store %arg42[%swap3A_1317, %swap3A_1318], %mul3A_1316 {strides = array<i32>} : memref<80x128xf32, #tpu.memory_space<vmem>>, vector<16xf32>,
        %add3A_1320 = arith.constant 3 : i32
        %add3A_1321 = arith.addi %mul3A_1140, %add3A_1320 : i32
        %broadcast_in_dim3A_1322 = vector.broadcast %add3A_1321 : i32 to vector<16xi32>
        %gather3A_1323 = tpu.vector_load_idx %arg34[%broadcast_in_dim3A_1322] : memref<80xf32, #tpu.memory_space<vmem>>[vector<16xi32>], vector<16xf32>,
        %get3A_1324 = arith.index_cast %add3A_1321 : i32 to index
        %get3A_1325 = arith.constant 0 : index
        %get3A_1326 = tpu.vector_load %arg42[%get3A_1324, %get3A_1325] {strides = array<i32>} : memref<80x128xf32, #tpu.memory_space<vmem>>, vector<16xf32>,
        %mul3A_1327 = arith.mulf %get3A_1326, %gather3A_1323 : vector<16xf32>
        %swap3A_1328 = arith.index_cast %add3A_1321 : i32 to index
        %swap3A_1329 = arith.constant 0 : index
        %swap3A_1330 = tpu.vector_load %arg42[%swap3A_1328, %swap3A_1329] {strides = array<i32>} : memref<80x128xf32, #tpu.memory_space<vmem>>, vector<16xf32>,
        tpu.vector_store %arg42[%swap3A_1328, %swap3A_1329], %mul3A_1327 {strides = array<i32>} : memref<80x128xf32, #tpu.memory_space<vmem>>, vector<16xf32>,
        %get3A_1331 = arith.index_cast %add3A_1321 : i32 to index
        %get3A_1332 = arith.constant 16 : index
        %get3A_1333 = tpu.vector_load %arg42[%get3A_1331, %get3A_1332] {strides = array<i32>} : memref<80x128xf32, #tpu.memory_space<vmem>>, vector<16xf32>,
        %mul3A_1334 = arith.mulf %get3A_1333, %gather3A_1323 : vector<16xf32>
        %swap3A_1335 = arith.index_cast %add3A_1321 : i32 to index
        %swap3A_1336 = arith.constant 16 : index
        %swap3A_1337 = tpu.vector_load %arg42[%swap3A_1335, %swap3A_1336] {strides = array<i32>} : memref<80x128xf32, #tpu.memory_space<vmem>>, vector<16xf32>,
        tpu.vector_store %arg42[%swap3A_1335, %swap3A_1336], %mul3A_1334 {strides = array<i32>} : memref<80x128xf32, #tpu.memory_space<vmem>>, vector<16xf32>,
        %get3A_1338 = arith.index_cast %add3A_1321 : i32 to index
        %get3A_1339 = arith.constant 32 : index
        %get3A_1340 = tpu.vector_load %arg42[%get3A_1338, %get3A_1339] {strides = array<i32>} : memref<80x128xf32, #tpu.memory_space<vmem>>, vector<16xf32>,
        %mul3A_1341 = arith.mulf %get3A_1340, %gather3A_1323 : vector<16xf32>
        %swap3A_1342 = arith.index_cast %add3A_1321 : i32 to index
        %swap3A_1343 = arith.constant 32 : index
        %swap3A_1344 = tpu.vector_load %arg42[%swap3A_1342, %swap3A_1343] {strides = array<i32>} : memref<80x128xf32, #tpu.memory_space<vmem>>, vector<16xf32>,
        tpu.vector_store %arg42[%swap3A_1342, %swap3A_1343], %mul3A_1341 {strides = array<i32>} : memref<80x128xf32, #tpu.memory_space<vmem>>, vector<16xf32>,
        %get3A_1345 = arith.index_cast %add3A_1321 : i32 to index
        %get3A_1346 = arith.constant 48 : index
        %get3A_1347 = tpu.vector_load %arg42[%get3A_1345, %get3A_1346] {strides = array<i32>} : memref<80x128xf32, #tpu.memory_space<vmem>>, vector<16xf32>,
        %mul3A_1348 = arith.mulf %get3A_1347, %gather3A_1323 : vector<16xf32>
        %swap3A_1349 = arith.index_cast %add3A_1321 : i32 to index
        %swap3A_1350 = arith.constant 48 : index
        %swap3A_1351 = tpu.vector_load %arg42[%swap3A_1349, %swap3A_1350] {strides = array<i32>} : memref<80x128xf32, #tpu.memory_space<vmem>>, vector<16xf32>,
        tpu.vector_store %arg42[%swap3A_1349, %swap3A_1350], %mul3A_1348 {strides = array<i32>} : memref<80x128xf32, #tpu.memory_space<vmem>>, vector<16xf32>,
        %get3A_1352 = arith.index_cast %add3A_1321 : i32 to index
        %get3A_1353 = arith.constant 64 : index
        %get3A_1354 = tpu.vector_load %arg42[%get3A_1352, %get3A_1353] {strides = array<i32>} : memref<80x128xf32, #tpu.memory_space<vmem>>, vector<16xf32>,
        %mul3A_1355 = arith.mulf %get3A_1354, %gather3A_1323 : vector<16xf32>
        %swap3A_1356 = arith.index_cast %add3A_1321 : i32 to index
        %swap3A_1357 = arith.constant 64 : index
        %swap3A_1358 = tpu.vector_load %arg42[%swap3A_1356, %swap3A_1357] {strides = array<i32>} : memref<80x128xf32, #tpu.memory_space<vmem>>, vector<16xf32>,
        tpu.vector_store %arg42[%swap3A_1356, %swap3A_1357], %mul3A_1355 {strides = array<i32>} : memref<80x128xf32, #tpu.memory_space<vmem>>, vector<16xf32>,
        %get3A_1359 = arith.index_cast %add3A_1321 : i32 to index
        %get3A_1360 = arith.constant 80 : index
        %get3A_1361 = tpu.vector_load %arg42[%get3A_1359, %get3A_1360] {strides = array<i32>} : memref<80x128xf32, #tpu.memory_space<vmem>>, vector<16xf32>,
        %mul3A_1362 = arith.mulf %get3A_1361, %gather3A_1323 : vector<16xf32>
        %swap3A_1363 = arith.index_cast %add3A_1321 : i32 to index
        %swap3A_1364 = arith.constant 80 : index
        %swap3A_1365 = tpu.vector_load %arg42[%swap3A_1363, %swap3A_1364] {strides = array<i32>} : memref<80x128xf32, #tpu.memory_space<vmem>>, vector<16xf32>,
        tpu.vector_store %arg42[%swap3A_1363, %swap3A_1364], %mul3A_1362 {strides = array<i32>} : memref<80x128xf32, #tpu.memory_space<vmem>>, vector<16xf32>,
        %get3A_1366 = arith.index_cast %add3A_1321 : i32 to index
        %get3A_1367 = arith.constant 96 : index
        %get3A_1368 = tpu.vector_load %arg42[%get3A_1366, %get3A_1367] {strides = array<i32>} : memref<80x128xf32, #tpu.memory_space<vmem>>, vector<16xf32>,
        %mul3A_1369 = arith.mulf %get3A_1368, %gather3A_1323 : vector<16xf32>
        %swap3A_1370 = arith.index_cast %add3A_1321 : i32 to index
        %swap3A_1371 = arith.constant 96 : index
        %swap3A_1372 = tpu.vector_load %arg42[%swap3A_1370, %swap3A_1371] {strides = array<i32>} : memref<80x128xf32, #tpu.memory_space<vmem>>, vector<16xf32>,
        tpu.vector_store %arg42[%swap3A_1370, %swap3A_1371], %mul3A_1369 {strides = array<i32>} : memref<80x128xf32, #tpu.memory_space<vmem>>, vector<16xf32>,
        %get3A_1373 = arith.index_cast %add3A_1321 : i32 to index
        %get3A_1374 = arith.constant 112 : index
        %get3A_1375 = tpu.vector_load %arg42[%get3A_1373, %get3A_1374] {strides = array<i32>} : memref<80x128xf32, #tpu.memory_space<vmem>>, vector<16xf32>,
        %mul3A_1376 = arith.mulf %get3A_1375, %gather3A_1323 : vector<16xf32>
        %swap3A_1377 = arith.index_cast %add3A_1321 : i32 to index
        %swap3A_1378 = arith.constant 112 : index
        %swap3A_1379 = tpu.vector_load %arg42[%swap3A_1377, %swap3A_1378] {strides = array<i32>} : memref<80x128xf32, #tpu.memory_space<vmem>>, vector<16xf32>,
        tpu.vector_store %arg42[%swap3A_1377, %swap3A_1378], %mul3A_1376 {strides = array<i32>} : memref<80x128xf32, #tpu.memory_space<vmem>>, vector<16xf32>,
      }
      %scan3A_964 = arith.constant 20 : i32
      %add3A_965 = arith.constant 4 : i32
      %add3A_966 = arith.addi %add3A_823, %add3A_965 : i32
      %lt3A_967 = arith.constant 125 : i32
      %lt3A_968 = arith.cmpi slt, %add3A_966, %lt3A_967 : i32
      %convert_element_type3A_969 = arith.extui %lt3A_968 : i1 to i32
      %cond3A_970 = arith.constant 0 : i32
      %cond3A_971 = arith.cmpi ne, %convert_element_type3A_969, %cond3A_970 : i32
      scf.if %cond3A_971 {
        %add3A_1134 = arith.constant 4 : i32
        %add3A_1135 = arith.addi %add3A_823, %add3A_1134 : i32
        %mul3A_1136 = arith.constant 80 : i32
        %mul3A_1137 = arith.muli %add3A_1135, %mul3A_1136 : i32
        %add3A_1138 = arith.addi %mul3A_2, %mul3A_1137 : i32
        %dma_start3A_1139 = tpu.memref_slice %arg6[%add3A_1138] : memref<320000xi32, #tpu.memory_space<hbm>> -> memref<80xi32, #tpu.memory_space<hbm>>
        %dma_start3A_1140 = tpu.memref_slice %arg6[%add3A_1138] : memref<320000xi32, #tpu.memory_space<hbm>> -> memref<80xi32, #tpu.memory_space<hbm>>
        tpu.enqueue_dma source(%dma_start3A_1140 : memref<80xi32, #tpu.memory_space<hbm>>) target(%arg14 : memref<80xi32, #tpu.memory_space<vmem>>) target_semaphore(%arg51 : memref<!tpu.dma_semaphore, #tpu.memory_space<semaphore_mem>>)
        %dma_start3A_1141 = tpu.memref_slice %arg7[%add3A_1138] : memref<320000xi32, #tpu.memory_space<hbm>> -> memref<80xi32, #tpu.memory_space<hbm>>
        %dma_start3A_1142 = tpu.memref_slice %arg7[%add3A_1138] : memref<320000xi32, #tpu.memory_space<hbm>> -> memref<80xi32, #tpu.memory_space<hbm>>
        tpu.enqueue_dma source(%dma_start3A_1142 : memref<80xi32, #tpu.memory_space<hbm>>) target(%arg18 : memref<80xi32, #tpu.memory_space<vmem>>) target_semaphore(%arg51 : memref<!tpu.dma_semaphore, #tpu.memory_space<semaphore_mem>>)
        %dma_start3A_1143 = tpu.memref_slice %arg5[%add3A_1138] : memref<320000xf32, #tpu.memory_space<hbm>> -> memref<80xf32, #tpu.memory_space<hbm>>
        %dma_start3A_1144 = tpu.memref_slice %arg5[%add3A_1138] : memref<320000xf32, #tpu.memory_space<hbm>> -> memref<80xf32, #tpu.memory_space<hbm>>
        tpu.enqueue_dma source(%dma_start3A_1144 : memref<80xf32, #tpu.memory_space<hbm>>) target(%arg22 : memref<80xf32, #tpu.memory_space<vmem>>) target_semaphore(%arg51 : memref<!tpu.dma_semaphore, #tpu.memory_space<semaphore_mem>>)
      } else {
      }
      %dma_start3A_972 = arith.constant 0 : i32
      %dma_start3A_973 = arith.constant 0 : i32
      %dma_start3A_974 = tpu.memref_slice %arg47[%dma_start3A_972, %dma_start3A_973] : memref<10240x128xf32, #tpu.memory_space<vmem_shared>> -> memref<10240x128xf32, #tpu.memory_space<vmem_shared>>
      tpu.enqueue_indirect_dma source(%arg42 : memref<80x128xf32, #tpu.memory_space<vmem>>) target(%dma_start3A_974 : memref<10240x128xf32, #tpu.memory_space<vmem_shared>>) offsets(%arg38 : memref<80xi32, #tpu.memory_space<vmem>>) semaphore(%arg59 : memref<!tpu.dma_semaphore, #tpu.memory_space<semaphore_mem>>) {add = true}
      %dma_start3A_975 = arith.constant 0 : i32
      %dma_start3A_976 = tpu.memref_slice %arg48[%dma_start3A_975] : memref<10240xf32, #tpu.memory_space<vmem_shared>> -> memref<10240xf32, #tpu.memory_space<vmem_shared>>
      tpu.enqueue_indirect_dma source(%arg34 : memref<80xf32, #tpu.memory_space<vmem>>) target(%dma_start3A_976 : memref<10240xf32, #tpu.memory_space<vmem_shared>>) offsets(%arg38 : memref<80xi32, #tpu.memory_space<vmem>>) semaphore(%arg59 : memref<!tpu.dma_semaphore, #tpu.memory_space<semaphore_mem>>) {add = true}
      %mul3A_977 = arith.constant 4 : i32
      %mul3A_978 = arith.muli %add3A_508, %mul3A_977 : i32
      %add3A_979 = arith.constant 3 : i32
      %add3A_980 = arith.addi %mul3A_978, %add3A_979 : i32
      %dma_wait3A_981 = arith.constant 0 : i32
      %dma_wait3A_982 = tpu.memref_slice %arg3[%dma_wait3A_981] : memref<10000xf32, #tpu.memory_space<hbm>> -> memref<10000xf32, #tpu.memory_space<hbm>>
      tpu.wait_indirect_dma semaphore(%arg56 : memref<!tpu.dma_semaphore, #tpu.memory_space<semaphore_mem>>) src(%dma_wait3A_982 : memref<10000xf32, #tpu.memory_space<hbm>>) dst(%arg27 : memref<80xf32, #tpu.memory_space<vmem>>)
      %dma_wait3A_983 = arith.constant 0 : i32
      %dma_wait3A_984 = tpu.memref_slice %arg4[%dma_wait3A_983] : memref<10000xf32, #tpu.memory_space<hbm>> -> memref<10000xf32, #tpu.memory_space<hbm>>
      tpu.wait_indirect_dma semaphore(%arg56 : memref<!tpu.dma_semaphore, #tpu.memory_space<semaphore_mem>>) src(%dma_wait3A_984 : memref<10000xf32, #tpu.memory_space<hbm>>) dst(%arg31 : memref<80xf32, #tpu.memory_space<vmem>>)
      %dma_wait3A_985 = arith.constant 0 : i32
      %dma_wait3A_986 = arith.constant 0 : i32
      %dma_wait3A_987 = tpu.memref_slice %arg2[%dma_wait3A_985, %dma_wait3A_986] : memref<10000x128xf32, #tpu.memory_space<hbm>> -> memref<10000x128xf32, #tpu.memory_space<hbm>>
      tpu.wait_indirect_dma semaphore(%arg56 : memref<!tpu.dma_semaphore, #tpu.memory_space<semaphore_mem>>) src(%dma_wait3A_987 : memref<10000x128xf32, #tpu.memory_space<hbm>>) dst(%arg43 : memref<80x128xf32, #tpu.memory_space<vmem>>)
      %ge3A_988 = arith.constant 2 : i32
      %ge3A_989 = arith.cmpi sge, %add3A_980, %ge3A_988 : i32
      %convert_element_type3A_990 = arith.extui %ge3A_989 : i1 to i32
      %cond3A_991 = arith.constant 0 : i32
      %cond3A_992 = arith.cmpi ne, %convert_element_type3A_990, %cond3A_991 : i32
      scf.if %cond3A_992 {
        %dma_wait3A_1134 = arith.constant 0 : i32
        %dma_wait3A_1135 = arith.constant 0 : i32
        %dma_wait3A_1136 = tpu.memref_slice %arg47[%dma_wait3A_1134, %dma_wait3A_1135] : memref<10240x128xf32, #tpu.memory_space<vmem_shared>> -> memref<10240x128xf32, #tpu.memory_space<vmem_shared>>
        tpu.wait_indirect_dma semaphore(%arg58 : memref<!tpu.dma_semaphore, #tpu.memory_space<semaphore_mem>>) src(%arg41 : memref<80x128xf32, #tpu.memory_space<vmem>>) dst(%dma_wait3A_1136 : memref<10240x128xf32, #tpu.memory_space<vmem_shared>>)
        %dma_wait3A_1137 = arith.constant 0 : i32
        %dma_wait3A_1138 = tpu.memref_slice %arg48[%dma_wait3A_1137] : memref<10240xf32, #tpu.memory_space<vmem_shared>> -> memref<10240xf32, #tpu.memory_space<vmem_shared>>
        tpu.wait_indirect_dma semaphore(%arg58 : memref<!tpu.dma_semaphore, #tpu.memory_space<semaphore_mem>>) src(%arg33 : memref<80xf32, #tpu.memory_space<vmem>>) dst(%dma_wait3A_1138 : memref<10240xf32, #tpu.memory_space<vmem_shared>>)
      } else {
      }
      %add3A_993 = arith.constant 2 : i32
      %add3A_994 = arith.addi %add3A_980, %add3A_993 : i32
      %lt3A_995 = arith.constant 125 : i32
      %lt3A_996 = arith.cmpi slt, %add3A_994, %lt3A_995 : i32
      %convert_element_type3A_997 = arith.extui %lt3A_996 : i1 to i32
      %cond3A_998 = arith.constant 0 : i32
      %cond3A_999 = arith.cmpi ne, %convert_element_type3A_997, %cond3A_998 : i32
      scf.if %cond3A_999 {
        %add3A_1134 = arith.constant 2 : i32
        %add3A_1135 = arith.addi %add3A_980, %add3A_1134 : i32
        %mul3A_1136 = arith.constant 80 : i32
        %mul3A_1137 = arith.muli %add3A_1135, %mul3A_1136 : i32
        %add3A_1138 = arith.addi %mul3A_2, %mul3A_1137 : i32
        %dma_wait3A_1139 = tpu.memref_slice %arg6[%add3A_1138] : memref<320000xi32, #tpu.memory_space<hbm>> -> memref<80xi32, #tpu.memory_space<hbm>>
        %dma_wait3A_1140 = tpu.memref_slice %arg6[%add3A_1138] : memref<320000xi32, #tpu.memory_space<hbm>> -> memref<80xi32, #tpu.memory_space<hbm>>
        tpu.wait_dma2 semaphore(%arg50 : memref<!tpu.dma_semaphore, #tpu.memory_space<semaphore_mem>>) src(%dma_wait3A_1140 : memref<80xi32, #tpu.memory_space<hbm>>) dst(%arg13 : memref<80xi32, #tpu.memory_space<vmem>>)
        %dma_wait3A_1141 = tpu.memref_slice %arg7[%add3A_1138] : memref<320000xi32, #tpu.memory_space<hbm>> -> memref<80xi32, #tpu.memory_space<hbm>>
        %dma_wait3A_1142 = tpu.memref_slice %arg7[%add3A_1138] : memref<320000xi32, #tpu.memory_space<hbm>> -> memref<80xi32, #tpu.memory_space<hbm>>
        tpu.wait_dma2 semaphore(%arg50 : memref<!tpu.dma_semaphore, #tpu.memory_space<semaphore_mem>>) src(%dma_wait3A_1142 : memref<80xi32, #tpu.memory_space<hbm>>) dst(%arg17 : memref<80xi32, #tpu.memory_space<vmem>>)
        %dma_wait3A_1143 = tpu.memref_slice %arg5[%add3A_1138] : memref<320000xf32, #tpu.memory_space<hbm>> -> memref<80xf32, #tpu.memory_space<hbm>>
        %dma_wait3A_1144 = tpu.memref_slice %arg5[%add3A_1138] : memref<320000xf32, #tpu.memory_space<hbm>> -> memref<80xf32, #tpu.memory_space<hbm>>
        tpu.wait_dma2 semaphore(%arg50 : memref<!tpu.dma_semaphore, #tpu.memory_space<semaphore_mem>>) src(%dma_wait3A_1144 : memref<80xf32, #tpu.memory_space<hbm>>) dst(%arg21 : memref<80xf32, #tpu.memory_space<vmem>>)
        %dma_start3A_1145 = arith.constant 0 : i32
        %dma_start3A_1146 = tpu.memref_slice %arg3[%dma_start3A_1145] : memref<10000xf32, #tpu.memory_space<hbm>> -> memref<10000xf32, #tpu.memory_space<hbm>>
        tpu.enqueue_indirect_dma source(%dma_start3A_1146 : memref<10000xf32, #tpu.memory_space<hbm>>) target(%arg25 : memref<80xf32, #tpu.memory_space<vmem>>) offsets(%arg13 : memref<80xi32, #tpu.memory_space<vmem>>) semaphore(%arg54 : memref<!tpu.dma_semaphore, #tpu.memory_space<semaphore_mem>>)
        %dma_start3A_1147 = arith.constant 0 : i32
        %dma_start3A_1148 = tpu.memref_slice %arg4[%dma_start3A_1147] : memref<10000xf32, #tpu.memory_space<hbm>> -> memref<10000xf32, #tpu.memory_space<hbm>>
        tpu.enqueue_indirect_dma source(%dma_start3A_1148 : memref<10000xf32, #tpu.memory_space<hbm>>) target(%arg29 : memref<80xf32, #tpu.memory_space<vmem>>) offsets(%arg17 : memref<80xi32, #tpu.memory_space<vmem>>) semaphore(%arg54 : memref<!tpu.dma_semaphore, #tpu.memory_space<semaphore_mem>>)
        %dma_start3A_1149 = arith.constant 0 : i32
        %dma_start3A_1150 = arith.constant 0 : i32
        %dma_start3A_1151 = tpu.memref_slice %arg2[%dma_start3A_1149, %dma_start3A_1150] : memref<10000x128xf32, #tpu.memory_space<hbm>> -> memref<10000x128xf32, #tpu.memory_space<hbm>>
        tpu.enqueue_indirect_dma source(%dma_start3A_1151 : memref<10000x128xf32, #tpu.memory_space<hbm>>) target(%arg41 : memref<80x128xf32, #tpu.memory_space<vmem>>) offsets(%arg13 : memref<80xi32, #tpu.memory_space<vmem>>) semaphore(%arg54 : memref<!tpu.dma_semaphore, #tpu.memory_space<semaphore_mem>>)
      } else {
      }
      %get3A_1000 = arith.constant 0 : index
      %get3A_1001 = tpu.vector_load %arg44[%get3A_1000] {strides = array<i32>} : memref<16xf32, #tpu.memory_space<vmem>>, vector<16xf32>,
      %get3A_1002 = arith.constant 0 : index
      %get3A_1003 = tpu.vector_load %arg27[%get3A_1002] {strides = array<i32>} : memref<80xf32, #tpu.memory_space<vmem>>, vector<16xf32>,
      %get3A_1004 = arith.constant 0 : index
      %get3A_1005 = tpu.vector_load %arg31[%get3A_1004] {strides = array<i32>} : memref<80xf32, #tpu.memory_space<vmem>>, vector<16xf32>,
      %add3A_1006 = arith.addf %get3A_1003, %get3A_1005 : vector<16xf32>
      %get3A_1007 = arith.constant 0 : index
      %get3A_1008 = tpu.vector_load %arg23[%get3A_1007] {strides = array<i32>} : memref<80xf32, #tpu.memory_space<vmem>>, vector<16xf32>,
      %add3A_1009 = arith.addf %add3A_1006, %get3A_1008 : vector<16xf32>
      %ge3A_1010 = arith.constant 0.000000e+00 : f32
      %ge3A_1011 = vector.broadcast %ge3A_1010 : f32 to vector<16xf32>
      %ge3A_1012 = arith.cmpf oge, %add3A_1009, %ge3A_1011 : vector<16xf32>
      %mul3A_1013 = arith.constant 2.000000e-01 : f32
      %mul3A_1014 = vector.broadcast %mul3A_1013 : f32 to vector<16xf32>
      %mul3A_1015 = arith.mulf %mul3A_1014, %add3A_1009 : vector<16xf32>
      %select_n3A_1016 = arith.select %ge3A_1012, %add3A_1009, %mul3A_1015 : vector<16xi1>, vector<16xf32>
      %sub3A_1017 = arith.subf %select_n3A_1016, %get3A_1001 : vector<16xf32>
      %exp3A_1018 = math.exp %sub3A_1017 : vector<16xf32>
      %swap3A_1019 = arith.constant 0 : index
      %swap3A_1020 = tpu.vector_load %arg35[%swap3A_1019] {strides = array<i32>} : memref<80xf32, #tpu.memory_space<vmem>>, vector<16xf32>,
      tpu.vector_store %arg35[%swap3A_1019], %exp3A_1018 {strides = array<i32>} : memref<80xf32, #tpu.memory_space<vmem>>, vector<16xf32>,
      %get3A_1021 = arith.constant 0 : index
      %get3A_1022 = tpu.vector_load %arg19[%get3A_1021] {strides = array<i32>} : memref<80xi32, #tpu.memory_space<vmem>>, vector<16xi32>,
      %swap3A_1023 = arith.constant 0 : index
      %swap3A_1024 = tpu.vector_load %arg39[%swap3A_1023] {strides = array<i32>} : memref<80xi32, #tpu.memory_space<vmem>>, vector<16xi32>,
      tpu.vector_store %arg39[%swap3A_1023], %get3A_1022 {strides = array<i32>} : memref<80xi32, #tpu.memory_space<vmem>>, vector<16xi32>,
      %get3A_1025 = arith.constant 16 : index
      %get3A_1026 = tpu.vector_load %arg27[%get3A_1025] {strides = array<i32>} : memref<80xf32, #tpu.memory_space<vmem>>, vector<16xf32>,
      %get3A_1027 = arith.constant 16 : index
      %get3A_1028 = tpu.vector_load %arg31[%get3A_1027] {strides = array<i32>} : memref<80xf32, #tpu.memory_space<vmem>>, vector<16xf32>,
      %add3A_1029 = arith.addf %get3A_1026, %get3A_1028 : vector<16xf32>
      %get3A_1030 = arith.constant 16 : index
      %get3A_1031 = tpu.vector_load %arg23[%get3A_1030] {strides = array<i32>} : memref<80xf32, #tpu.memory_space<vmem>>, vector<16xf32>,
      %add3A_1032 = arith.addf %add3A_1029, %get3A_1031 : vector<16xf32>
      %ge3A_1033 = arith.constant 0.000000e+00 : f32
      %ge3A_1034 = vector.broadcast %ge3A_1033 : f32 to vector<16xf32>
      %ge3A_1035 = arith.cmpf oge, %add3A_1032, %ge3A_1034 : vector<16xf32>
      %mul3A_1036 = arith.constant 2.000000e-01 : f32
      %mul3A_1037 = vector.broadcast %mul3A_1036 : f32 to vector<16xf32>
      %mul3A_1038 = arith.mulf %mul3A_1037, %add3A_1032 : vector<16xf32>
      %select_n3A_1039 = arith.select %ge3A_1035, %add3A_1032, %mul3A_1038 : vector<16xi1>, vector<16xf32>
      %sub3A_1040 = arith.subf %select_n3A_1039, %get3A_1001 : vector<16xf32>
      %exp3A_1041 = math.exp %sub3A_1040 : vector<16xf32>
      %swap3A_1042 = arith.constant 16 : index
      %swap3A_1043 = tpu.vector_load %arg35[%swap3A_1042] {strides = array<i32>} : memref<80xf32, #tpu.memory_space<vmem>>, vector<16xf32>,
      tpu.vector_store %arg35[%swap3A_1042], %exp3A_1041 {strides = array<i32>} : memref<80xf32, #tpu.memory_space<vmem>>, vector<16xf32>,
      %get3A_1044 = arith.constant 16 : index
      %get3A_1045 = tpu.vector_load %arg19[%get3A_1044] {strides = array<i32>} : memref<80xi32, #tpu.memory_space<vmem>>, vector<16xi32>,
      %swap3A_1046 = arith.constant 16 : index
      %swap3A_1047 = tpu.vector_load %arg39[%swap3A_1046] {strides = array<i32>} : memref<80xi32, #tpu.memory_space<vmem>>, vector<16xi32>,
      tpu.vector_store %arg39[%swap3A_1046], %get3A_1045 {strides = array<i32>} : memref<80xi32, #tpu.memory_space<vmem>>, vector<16xi32>,
      %get3A_1048 = arith.constant 32 : index
      %get3A_1049 = tpu.vector_load %arg27[%get3A_1048] {strides = array<i32>} : memref<80xf32, #tpu.memory_space<vmem>>, vector<16xf32>,
      %get3A_1050 = arith.constant 32 : index
      %get3A_1051 = tpu.vector_load %arg31[%get3A_1050] {strides = array<i32>} : memref<80xf32, #tpu.memory_space<vmem>>, vector<16xf32>,
      %add3A_1052 = arith.addf %get3A_1049, %get3A_1051 : vector<16xf32>
      %get3A_1053 = arith.constant 32 : index
      %get3A_1054 = tpu.vector_load %arg23[%get3A_1053] {strides = array<i32>} : memref<80xf32, #tpu.memory_space<vmem>>, vector<16xf32>,
      %add3A_1055 = arith.addf %add3A_1052, %get3A_1054 : vector<16xf32>
      %ge3A_1056 = arith.constant 0.000000e+00 : f32
      %ge3A_1057 = vector.broadcast %ge3A_1056 : f32 to vector<16xf32>
      %ge3A_1058 = arith.cmpf oge, %add3A_1055, %ge3A_1057 : vector<16xf32>
      %mul3A_1059 = arith.constant 2.000000e-01 : f32
      %mul3A_1060 = vector.broadcast %mul3A_1059 : f32 to vector<16xf32>
      %mul3A_1061 = arith.mulf %mul3A_1060, %add3A_1055 : vector<16xf32>
      %select_n3A_1062 = arith.select %ge3A_1058, %add3A_1055, %mul3A_1061 : vector<16xi1>, vector<16xf32>
      %sub3A_1063 = arith.subf %select_n3A_1062, %get3A_1001 : vector<16xf32>
      %exp3A_1064 = math.exp %sub3A_1063 : vector<16xf32>
      %swap3A_1065 = arith.constant 32 : index
      %swap3A_1066 = tpu.vector_load %arg35[%swap3A_1065] {strides = array<i32>} : memref<80xf32, #tpu.memory_space<vmem>>, vector<16xf32>,
      tpu.vector_store %arg35[%swap3A_1065], %exp3A_1064 {strides = array<i32>} : memref<80xf32, #tpu.memory_space<vmem>>, vector<16xf32>,
      %get3A_1067 = arith.constant 32 : index
      %get3A_1068 = tpu.vector_load %arg19[%get3A_1067] {strides = array<i32>} : memref<80xi32, #tpu.memory_space<vmem>>, vector<16xi32>,
      %swap3A_1069 = arith.constant 32 : index
      %swap3A_1070 = tpu.vector_load %arg39[%swap3A_1069] {strides = array<i32>} : memref<80xi32, #tpu.memory_space<vmem>>, vector<16xi32>,
      tpu.vector_store %arg39[%swap3A_1069], %get3A_1068 {strides = array<i32>} : memref<80xi32, #tpu.memory_space<vmem>>, vector<16xi32>,
      %get3A_1071 = arith.constant 48 : index
      %get3A_1072 = tpu.vector_load %arg27[%get3A_1071] {strides = array<i32>} : memref<80xf32, #tpu.memory_space<vmem>>, vector<16xf32>,
      %get3A_1073 = arith.constant 48 : index
      %get3A_1074 = tpu.vector_load %arg31[%get3A_1073] {strides = array<i32>} : memref<80xf32, #tpu.memory_space<vmem>>, vector<16xf32>,
      %add3A_1075 = arith.addf %get3A_1072, %get3A_1074 : vector<16xf32>
      %get3A_1076 = arith.constant 48 : index
      %get3A_1077 = tpu.vector_load %arg23[%get3A_1076] {strides = array<i32>} : memref<80xf32, #tpu.memory_space<vmem>>, vector<16xf32>,
      %add3A_1078 = arith.addf %add3A_1075, %get3A_1077 : vector<16xf32>
      %ge3A_1079 = arith.constant 0.000000e+00 : f32
      %ge3A_1080 = vector.broadcast %ge3A_1079 : f32 to vector<16xf32>
      %ge3A_1081 = arith.cmpf oge, %add3A_1078, %ge3A_1080 : vector<16xf32>
      %mul3A_1082 = arith.constant 2.000000e-01 : f32
      %mul3A_1083 = vector.broadcast %mul3A_1082 : f32 to vector<16xf32>
      %mul3A_1084 = arith.mulf %mul3A_1083, %add3A_1078 : vector<16xf32>
      %select_n3A_1085 = arith.select %ge3A_1081, %add3A_1078, %mul3A_1084 : vector<16xi1>, vector<16xf32>
      %sub3A_1086 = arith.subf %select_n3A_1085, %get3A_1001 : vector<16xf32>
      %exp3A_1087 = math.exp %sub3A_1086 : vector<16xf32>
      %swap3A_1088 = arith.constant 48 : index
      %swap3A_1089 = tpu.vector_load %arg35[%swap3A_1088] {strides = array<i32>} : memref<80xf32, #tpu.memory_space<vmem>>, vector<16xf32>,
      tpu.vector_store %arg35[%swap3A_1088], %exp3A_1087 {strides = array<i32>} : memref<80xf32, #tpu.memory_space<vmem>>, vector<16xf32>,
      %get3A_1090 = arith.constant 48 : index
      %get3A_1091 = tpu.vector_load %arg19[%get3A_1090] {strides = array<i32>} : memref<80xi32, #tpu.memory_space<vmem>>, vector<16xi32>,
      %swap3A_1092 = arith.constant 48 : index
      %swap3A_1093 = tpu.vector_load %arg39[%swap3A_1092] {strides = array<i32>} : memref<80xi32, #tpu.memory_space<vmem>>, vector<16xi32>,
      tpu.vector_store %arg39[%swap3A_1092], %get3A_1091 {strides = array<i32>} : memref<80xi32, #tpu.memory_space<vmem>>, vector<16xi32>,
      %get3A_1094 = arith.constant 64 : index
      %get3A_1095 = tpu.vector_load %arg27[%get3A_1094] {strides = array<i32>} : memref<80xf32, #tpu.memory_space<vmem>>, vector<16xf32>,
      %get3A_1096 = arith.constant 64 : index
      %get3A_1097 = tpu.vector_load %arg31[%get3A_1096] {strides = array<i32>} : memref<80xf32, #tpu.memory_space<vmem>>, vector<16xf32>,
      %add3A_1098 = arith.addf %get3A_1095, %get3A_1097 : vector<16xf32>
      %get3A_1099 = arith.constant 64 : index
      %get3A_1100 = tpu.vector_load %arg23[%get3A_1099] {strides = array<i32>} : memref<80xf32, #tpu.memory_space<vmem>>, vector<16xf32>,
      %add3A_1101 = arith.addf %add3A_1098, %get3A_1100 : vector<16xf32>
      %ge3A_1102 = arith.constant 0.000000e+00 : f32
      %ge3A_1103 = vector.broadcast %ge3A_1102 : f32 to vector<16xf32>
      %ge3A_1104 = arith.cmpf oge, %add3A_1101, %ge3A_1103 : vector<16xf32>
      %mul3A_1105 = arith.constant 2.000000e-01 : f32
      %mul3A_1106 = vector.broadcast %mul3A_1105 : f32 to vector<16xf32>
      %mul3A_1107 = arith.mulf %mul3A_1106, %add3A_1101 : vector<16xf32>
      %select_n3A_1108 = arith.select %ge3A_1104, %add3A_1101, %mul3A_1107 : vector<16xi1>, vector<16xf32>
      %sub3A_1109 = arith.subf %select_n3A_1108, %get3A_1001 : vector<16xf32>
      %exp3A_1110 = math.exp %sub3A_1109 : vector<16xf32>
      %swap3A_1111 = arith.constant 64 : index
      %swap3A_1112 = tpu.vector_load %arg35[%swap3A_1111] {strides = array<i32>} : memref<80xf32, #tpu.memory_space<vmem>>, vector<16xf32>,
      tpu.vector_store %arg35[%swap3A_1111], %exp3A_1110 {strides = array<i32>} : memref<80xf32, #tpu.memory_space<vmem>>, vector<16xf32>,
      %get3A_1113 = arith.constant 64 : index
      %get3A_1114 = tpu.vector_load %arg19[%get3A_1113] {strides = array<i32>} : memref<80xi32, #tpu.memory_space<vmem>>, vector<16xi32>,
      %swap3A_1115 = arith.constant 64 : index
      %swap3A_1116 = tpu.vector_load %arg39[%swap3A_1115] {strides = array<i32>} : memref<80xi32, #tpu.memory_space<vmem>>, vector<16xi32>,
      tpu.vector_store %arg39[%swap3A_1115], %get3A_1114 {strides = array<i32>} : memref<80xi32, #tpu.memory_space<vmem>>, vector<16xi32>,
      %scan3A_1117 = arith.constant 0 : i32
      %scan3A_1118 = arith.constant 20 : i32
      %scan3A_1119 = arith.addi %scan3A_1117, %scan3A_1118 : i32
      %scan3A_1120 = arith.constant 1 : i32
      scf.for %scan3A_1134 = %scan3A_1117 to %scan3A_1119 step %scan3A_1120  : i32 {
        %mul3A_1135 = arith.constant 1 : i32
        %mul3A_1136 = arith.muli %scan3A_1134, %mul3A_1135 : i32
        %add3A_1137 = arith.constant 0 : i32
        %add3A_1138 = arith.addi %add3A_1137, %mul3A_1136 : i32
        %mul3A_1139 = arith.constant 4 : i32
        %mul3A_1140 = arith.muli %add3A_1138, %mul3A_1139 : i32
        %add3A_1141 = arith.constant 0 : i32
        %add3A_1142 = arith.addi %mul3A_1140, %add3A_1141 : i32
        %broadcast_in_dim3A_1143 = vector.broadcast %add3A_1142 : i32 to vector<16xi32>
        %gather3A = tpu.vector_load_idx %arg35[%broadcast_in_dim3A_1143] : memref<80xf32, #tpu.memory_space<vmem>>[vector<16xi32>], vector<16xf32>,
        %get3A_1144 = arith.index_cast %add3A_1142 : i32 to index
        %get3A_1145 = arith.constant 0 : index
        %get3A_1146 = tpu.vector_load %arg43[%get3A_1144, %get3A_1145] {strides = array<i32>} : memref<80x128xf32, #tpu.memory_space<vmem>>, vector<16xf32>,
        %mul3A_1147 = arith.mulf %get3A_1146, %gather3A : vector<16xf32>
        %swap3A_1148 = arith.index_cast %add3A_1142 : i32 to index
        %swap3A_1149 = arith.constant 0 : index
        %swap3A_1150 = tpu.vector_load %arg43[%swap3A_1148, %swap3A_1149] {strides = array<i32>} : memref<80x128xf32, #tpu.memory_space<vmem>>, vector<16xf32>,
        tpu.vector_store %arg43[%swap3A_1148, %swap3A_1149], %mul3A_1147 {strides = array<i32>} : memref<80x128xf32, #tpu.memory_space<vmem>>, vector<16xf32>,
        %get3A_1151 = arith.index_cast %add3A_1142 : i32 to index
        %get3A_1152 = arith.constant 16 : index
        %get3A_1153 = tpu.vector_load %arg43[%get3A_1151, %get3A_1152] {strides = array<i32>} : memref<80x128xf32, #tpu.memory_space<vmem>>, vector<16xf32>,
        %mul3A_1154 = arith.mulf %get3A_1153, %gather3A : vector<16xf32>
        %swap3A_1155 = arith.index_cast %add3A_1142 : i32 to index
        %swap3A_1156 = arith.constant 16 : index
        %swap3A_1157 = tpu.vector_load %arg43[%swap3A_1155, %swap3A_1156] {strides = array<i32>} : memref<80x128xf32, #tpu.memory_space<vmem>>, vector<16xf32>,
        tpu.vector_store %arg43[%swap3A_1155, %swap3A_1156], %mul3A_1154 {strides = array<i32>} : memref<80x128xf32, #tpu.memory_space<vmem>>, vector<16xf32>,
        %get3A_1158 = arith.index_cast %add3A_1142 : i32 to index
        %get3A_1159 = arith.constant 32 : index
        %get3A_1160 = tpu.vector_load %arg43[%get3A_1158, %get3A_1159] {strides = array<i32>} : memref<80x128xf32, #tpu.memory_space<vmem>>, vector<16xf32>,
        %mul3A_1161 = arith.mulf %get3A_1160, %gather3A : vector<16xf32>
        %swap3A_1162 = arith.index_cast %add3A_1142 : i32 to index
        %swap3A_1163 = arith.constant 32 : index
        %swap3A_1164 = tpu.vector_load %arg43[%swap3A_1162, %swap3A_1163] {strides = array<i32>} : memref<80x128xf32, #tpu.memory_space<vmem>>, vector<16xf32>,
        tpu.vector_store %arg43[%swap3A_1162, %swap3A_1163], %mul3A_1161 {strides = array<i32>} : memref<80x128xf32, #tpu.memory_space<vmem>>, vector<16xf32>,
        %get3A_1165 = arith.index_cast %add3A_1142 : i32 to index
        %get3A_1166 = arith.constant 48 : index
        %get3A_1167 = tpu.vector_load %arg43[%get3A_1165, %get3A_1166] {strides = array<i32>} : memref<80x128xf32, #tpu.memory_space<vmem>>, vector<16xf32>,
        %mul3A_1168 = arith.mulf %get3A_1167, %gather3A : vector<16xf32>
        %swap3A_1169 = arith.index_cast %add3A_1142 : i32 to index
        %swap3A_1170 = arith.constant 48 : index
        %swap3A_1171 = tpu.vector_load %arg43[%swap3A_1169, %swap3A_1170] {strides = array<i32>} : memref<80x128xf32, #tpu.memory_space<vmem>>, vector<16xf32>,
        tpu.vector_store %arg43[%swap3A_1169, %swap3A_1170], %mul3A_1168 {strides = array<i32>} : memref<80x128xf32, #tpu.memory_space<vmem>>, vector<16xf32>,
        %get3A_1172 = arith.index_cast %add3A_1142 : i32 to index
        %get3A_1173 = arith.constant 64 : index
        %get3A_1174 = tpu.vector_load %arg43[%get3A_1172, %get3A_1173] {strides = array<i32>} : memref<80x128xf32, #tpu.memory_space<vmem>>, vector<16xf32>,
        %mul3A_1175 = arith.mulf %get3A_1174, %gather3A : vector<16xf32>
        %swap3A_1176 = arith.index_cast %add3A_1142 : i32 to index
        %swap3A_1177 = arith.constant 64 : index
        %swap3A_1178 = tpu.vector_load %arg43[%swap3A_1176, %swap3A_1177] {strides = array<i32>} : memref<80x128xf32, #tpu.memory_space<vmem>>, vector<16xf32>,
        tpu.vector_store %arg43[%swap3A_1176, %swap3A_1177], %mul3A_1175 {strides = array<i32>} : memref<80x128xf32, #tpu.memory_space<vmem>>, vector<16xf32>,
        %get3A_1179 = arith.index_cast %add3A_1142 : i32 to index
        %get3A_1180 = arith.constant 80 : index
        %get3A_1181 = tpu.vector_load %arg43[%get3A_1179, %get3A_1180] {strides = array<i32>} : memref<80x128xf32, #tpu.memory_space<vmem>>, vector<16xf32>,
        %mul3A_1182 = arith.mulf %get3A_1181, %gather3A : vector<16xf32>
        %swap3A_1183 = arith.index_cast %add3A_1142 : i32 to index
        %swap3A_1184 = arith.constant 80 : index
        %swap3A_1185 = tpu.vector_load %arg43[%swap3A_1183, %swap3A_1184] {strides = array<i32>} : memref<80x128xf32, #tpu.memory_space<vmem>>, vector<16xf32>,
        tpu.vector_store %arg43[%swap3A_1183, %swap3A_1184], %mul3A_1182 {strides = array<i32>} : memref<80x128xf32, #tpu.memory_space<vmem>>, vector<16xf32>,
        %get3A_1186 = arith.index_cast %add3A_1142 : i32 to index
        %get3A_1187 = arith.constant 96 : index
        %get3A_1188 = tpu.vector_load %arg43[%get3A_1186, %get3A_1187] {strides = array<i32>} : memref<80x128xf32, #tpu.memory_space<vmem>>, vector<16xf32>,
        %mul3A_1189 = arith.mulf %get3A_1188, %gather3A : vector<16xf32>
        %swap3A_1190 = arith.index_cast %add3A_1142 : i32 to index
        %swap3A_1191 = arith.constant 96 : index
        %swap3A_1192 = tpu.vector_load %arg43[%swap3A_1190, %swap3A_1191] {strides = array<i32>} : memref<80x128xf32, #tpu.memory_space<vmem>>, vector<16xf32>,
        tpu.vector_store %arg43[%swap3A_1190, %swap3A_1191], %mul3A_1189 {strides = array<i32>} : memref<80x128xf32, #tpu.memory_space<vmem>>, vector<16xf32>,
        %get3A_1193 = arith.index_cast %add3A_1142 : i32 to index
        %get3A_1194 = arith.constant 112 : index
        %get3A_1195 = tpu.vector_load %arg43[%get3A_1193, %get3A_1194] {strides = array<i32>} : memref<80x128xf32, #tpu.memory_space<vmem>>, vector<16xf32>,
        %mul3A_1196 = arith.mulf %get3A_1195, %gather3A : vector<16xf32>
        %swap3A_1197 = arith.index_cast %add3A_1142 : i32 to index
        %swap3A_1198 = arith.constant 112 : index
        %swap3A_1199 = tpu.vector_load %arg43[%swap3A_1197, %swap3A_1198] {strides = array<i32>} : memref<80x128xf32, #tpu.memory_space<vmem>>, vector<16xf32>,
        tpu.vector_store %arg43[%swap3A_1197, %swap3A_1198], %mul3A_1196 {strides = array<i32>} : memref<80x128xf32, #tpu.memory_space<vmem>>, vector<16xf32>,
        %add3A_1200 = arith.constant 1 : i32
        %add3A_1201 = arith.addi %mul3A_1140, %add3A_1200 : i32
        %broadcast_in_dim3A_1202 = vector.broadcast %add3A_1201 : i32 to vector<16xi32>
        %gather3A_1203 = tpu.vector_load_idx %arg35[%broadcast_in_dim3A_1202] : memref<80xf32, #tpu.memory_space<vmem>>[vector<16xi32>], vector<16xf32>,
        %get3A_1204 = arith.index_cast %add3A_1201 : i32 to index
        %get3A_1205 = arith.constant 0 : index
        %get3A_1206 = tpu.vector_load %arg43[%get3A_1204, %get3A_1205] {strides = array<i32>} : memref<80x128xf32, #tpu.memory_space<vmem>>, vector<16xf32>,
        %mul3A_1207 = arith.mulf %get3A_1206, %gather3A_1203 : vector<16xf32>
        %swap3A_1208 = arith.index_cast %add3A_1201 : i32 to index
        %swap3A_1209 = arith.constant 0 : index
        %swap3A_1210 = tpu.vector_load %arg43[%swap3A_1208, %swap3A_1209] {strides = array<i32>} : memref<80x128xf32, #tpu.memory_space<vmem>>, vector<16xf32>,
        tpu.vector_store %arg43[%swap3A_1208, %swap3A_1209], %mul3A_1207 {strides = array<i32>} : memref<80x128xf32, #tpu.memory_space<vmem>>, vector<16xf32>,
        %get3A_1211 = arith.index_cast %add3A_1201 : i32 to index
        %get3A_1212 = arith.constant 16 : index
        %get3A_1213 = tpu.vector_load %arg43[%get3A_1211, %get3A_1212] {strides = array<i32>} : memref<80x128xf32, #tpu.memory_space<vmem>>, vector<16xf32>,
        %mul3A_1214 = arith.mulf %get3A_1213, %gather3A_1203 : vector<16xf32>
        %swap3A_1215 = arith.index_cast %add3A_1201 : i32 to index
        %swap3A_1216 = arith.constant 16 : index
        %swap3A_1217 = tpu.vector_load %arg43[%swap3A_1215, %swap3A_1216] {strides = array<i32>} : memref<80x128xf32, #tpu.memory_space<vmem>>, vector<16xf32>,
        tpu.vector_store %arg43[%swap3A_1215, %swap3A_1216], %mul3A_1214 {strides = array<i32>} : memref<80x128xf32, #tpu.memory_space<vmem>>, vector<16xf32>,
        %get3A_1218 = arith.index_cast %add3A_1201 : i32 to index
        %get3A_1219 = arith.constant 32 : index
        %get3A_1220 = tpu.vector_load %arg43[%get3A_1218, %get3A_1219] {strides = array<i32>} : memref<80x128xf32, #tpu.memory_space<vmem>>, vector<16xf32>,
        %mul3A_1221 = arith.mulf %get3A_1220, %gather3A_1203 : vector<16xf32>
        %swap3A_1222 = arith.index_cast %add3A_1201 : i32 to index
        %swap3A_1223 = arith.constant 32 : index
        %swap3A_1224 = tpu.vector_load %arg43[%swap3A_1222, %swap3A_1223] {strides = array<i32>} : memref<80x128xf32, #tpu.memory_space<vmem>>, vector<16xf32>,
        tpu.vector_store %arg43[%swap3A_1222, %swap3A_1223], %mul3A_1221 {strides = array<i32>} : memref<80x128xf32, #tpu.memory_space<vmem>>, vector<16xf32>,
        %get3A_1225 = arith.index_cast %add3A_1201 : i32 to index
        %get3A_1226 = arith.constant 48 : index
        %get3A_1227 = tpu.vector_load %arg43[%get3A_1225, %get3A_1226] {strides = array<i32>} : memref<80x128xf32, #tpu.memory_space<vmem>>, vector<16xf32>,
        %mul3A_1228 = arith.mulf %get3A_1227, %gather3A_1203 : vector<16xf32>
        %swap3A_1229 = arith.index_cast %add3A_1201 : i32 to index
        %swap3A_1230 = arith.constant 48 : index
        %swap3A_1231 = tpu.vector_load %arg43[%swap3A_1229, %swap3A_1230] {strides = array<i32>} : memref<80x128xf32, #tpu.memory_space<vmem>>, vector<16xf32>,
        tpu.vector_store %arg43[%swap3A_1229, %swap3A_1230], %mul3A_1228 {strides = array<i32>} : memref<80x128xf32, #tpu.memory_space<vmem>>, vector<16xf32>,
        %get3A_1232 = arith.index_cast %add3A_1201 : i32 to index
        %get3A_1233 = arith.constant 64 : index
        %get3A_1234 = tpu.vector_load %arg43[%get3A_1232, %get3A_1233] {strides = array<i32>} : memref<80x128xf32, #tpu.memory_space<vmem>>, vector<16xf32>,
        %mul3A_1235 = arith.mulf %get3A_1234, %gather3A_1203 : vector<16xf32>
        %swap3A_1236 = arith.index_cast %add3A_1201 : i32 to index
        %swap3A_1237 = arith.constant 64 : index
        %swap3A_1238 = tpu.vector_load %arg43[%swap3A_1236, %swap3A_1237] {strides = array<i32>} : memref<80x128xf32, #tpu.memory_space<vmem>>, vector<16xf32>,
        tpu.vector_store %arg43[%swap3A_1236, %swap3A_1237], %mul3A_1235 {strides = array<i32>} : memref<80x128xf32, #tpu.memory_space<vmem>>, vector<16xf32>,
        %get3A_1239 = arith.index_cast %add3A_1201 : i32 to index
        %get3A_1240 = arith.constant 80 : index
        %get3A_1241 = tpu.vector_load %arg43[%get3A_1239, %get3A_1240] {strides = array<i32>} : memref<80x128xf32, #tpu.memory_space<vmem>>, vector<16xf32>,
        %mul3A_1242 = arith.mulf %get3A_1241, %gather3A_1203 : vector<16xf32>
        %swap3A_1243 = arith.index_cast %add3A_1201 : i32 to index
        %swap3A_1244 = arith.constant 80 : index
        %swap3A_1245 = tpu.vector_load %arg43[%swap3A_1243, %swap3A_1244] {strides = array<i32>} : memref<80x128xf32, #tpu.memory_space<vmem>>, vector<16xf32>,
        tpu.vector_store %arg43[%swap3A_1243, %swap3A_1244], %mul3A_1242 {strides = array<i32>} : memref<80x128xf32, #tpu.memory_space<vmem>>, vector<16xf32>,
        %get3A_1246 = arith.index_cast %add3A_1201 : i32 to index
        %get3A_1247 = arith.constant 96 : index
        %get3A_1248 = tpu.vector_load %arg43[%get3A_1246, %get3A_1247] {strides = array<i32>} : memref<80x128xf32, #tpu.memory_space<vmem>>, vector<16xf32>,
        %mul3A_1249 = arith.mulf %get3A_1248, %gather3A_1203 : vector<16xf32>
        %swap3A_1250 = arith.index_cast %add3A_1201 : i32 to index
        %swap3A_1251 = arith.constant 96 : index
        %swap3A_1252 = tpu.vector_load %arg43[%swap3A_1250, %swap3A_1251] {strides = array<i32>} : memref<80x128xf32, #tpu.memory_space<vmem>>, vector<16xf32>,
        tpu.vector_store %arg43[%swap3A_1250, %swap3A_1251], %mul3A_1249 {strides = array<i32>} : memref<80x128xf32, #tpu.memory_space<vmem>>, vector<16xf32>,
        %get3A_1253 = arith.index_cast %add3A_1201 : i32 to index
        %get3A_1254 = arith.constant 112 : index
        %get3A_1255 = tpu.vector_load %arg43[%get3A_1253, %get3A_1254] {strides = array<i32>} : memref<80x128xf32, #tpu.memory_space<vmem>>, vector<16xf32>,
        %mul3A_1256 = arith.mulf %get3A_1255, %gather3A_1203 : vector<16xf32>
        %swap3A_1257 = arith.index_cast %add3A_1201 : i32 to index
        %swap3A_1258 = arith.constant 112 : index
        %swap3A_1259 = tpu.vector_load %arg43[%swap3A_1257, %swap3A_1258] {strides = array<i32>} : memref<80x128xf32, #tpu.memory_space<vmem>>, vector<16xf32>,
        tpu.vector_store %arg43[%swap3A_1257, %swap3A_1258], %mul3A_1256 {strides = array<i32>} : memref<80x128xf32, #tpu.memory_space<vmem>>, vector<16xf32>,
        %add3A_1260 = arith.constant 2 : i32
        %add3A_1261 = arith.addi %mul3A_1140, %add3A_1260 : i32
        %broadcast_in_dim3A_1262 = vector.broadcast %add3A_1261 : i32 to vector<16xi32>
        %gather3A_1263 = tpu.vector_load_idx %arg35[%broadcast_in_dim3A_1262] : memref<80xf32, #tpu.memory_space<vmem>>[vector<16xi32>], vector<16xf32>,
        %get3A_1264 = arith.index_cast %add3A_1261 : i32 to index
        %get3A_1265 = arith.constant 0 : index
        %get3A_1266 = tpu.vector_load %arg43[%get3A_1264, %get3A_1265] {strides = array<i32>} : memref<80x128xf32, #tpu.memory_space<vmem>>, vector<16xf32>,
        %mul3A_1267 = arith.mulf %get3A_1266, %gather3A_1263 : vector<16xf32>
        %swap3A_1268 = arith.index_cast %add3A_1261 : i32 to index
        %swap3A_1269 = arith.constant 0 : index
        %swap3A_1270 = tpu.vector_load %arg43[%swap3A_1268, %swap3A_1269] {strides = array<i32>} : memref<80x128xf32, #tpu.memory_space<vmem>>, vector<16xf32>,
        tpu.vector_store %arg43[%swap3A_1268, %swap3A_1269], %mul3A_1267 {strides = array<i32>} : memref<80x128xf32, #tpu.memory_space<vmem>>, vector<16xf32>,
        %get3A_1271 = arith.index_cast %add3A_1261 : i32 to index
        %get3A_1272 = arith.constant 16 : index
        %get3A_1273 = tpu.vector_load %arg43[%get3A_1271, %get3A_1272] {strides = array<i32>} : memref<80x128xf32, #tpu.memory_space<vmem>>, vector<16xf32>,
        %mul3A_1274 = arith.mulf %get3A_1273, %gather3A_1263 : vector<16xf32>
        %swap3A_1275 = arith.index_cast %add3A_1261 : i32 to index
        %swap3A_1276 = arith.constant 16 : index
        %swap3A_1277 = tpu.vector_load %arg43[%swap3A_1275, %swap3A_1276] {strides = array<i32>} : memref<80x128xf32, #tpu.memory_space<vmem>>, vector<16xf32>,
        tpu.vector_store %arg43[%swap3A_1275, %swap3A_1276], %mul3A_1274 {strides = array<i32>} : memref<80x128xf32, #tpu.memory_space<vmem>>, vector<16xf32>,
        %get3A_1278 = arith.index_cast %add3A_1261 : i32 to index
        %get3A_1279 = arith.constant 32 : index
        %get3A_1280 = tpu.vector_load %arg43[%get3A_1278, %get3A_1279] {strides = array<i32>} : memref<80x128xf32, #tpu.memory_space<vmem>>, vector<16xf32>,
        %mul3A_1281 = arith.mulf %get3A_1280, %gather3A_1263 : vector<16xf32>
        %swap3A_1282 = arith.index_cast %add3A_1261 : i32 to index
        %swap3A_1283 = arith.constant 32 : index
        %swap3A_1284 = tpu.vector_load %arg43[%swap3A_1282, %swap3A_1283] {strides = array<i32>} : memref<80x128xf32, #tpu.memory_space<vmem>>, vector<16xf32>,
        tpu.vector_store %arg43[%swap3A_1282, %swap3A_1283], %mul3A_1281 {strides = array<i32>} : memref<80x128xf32, #tpu.memory_space<vmem>>, vector<16xf32>,
        %get3A_1285 = arith.index_cast %add3A_1261 : i32 to index
        %get3A_1286 = arith.constant 48 : index
        %get3A_1287 = tpu.vector_load %arg43[%get3A_1285, %get3A_1286] {strides = array<i32>} : memref<80x128xf32, #tpu.memory_space<vmem>>, vector<16xf32>,
        %mul3A_1288 = arith.mulf %get3A_1287, %gather3A_1263 : vector<16xf32>
        %swap3A_1289 = arith.index_cast %add3A_1261 : i32 to index
        %swap3A_1290 = arith.constant 48 : index
        %swap3A_1291 = tpu.vector_load %arg43[%swap3A_1289, %swap3A_1290] {strides = array<i32>} : memref<80x128xf32, #tpu.memory_space<vmem>>, vector<16xf32>,
        tpu.vector_store %arg43[%swap3A_1289, %swap3A_1290], %mul3A_1288 {strides = array<i32>} : memref<80x128xf32, #tpu.memory_space<vmem>>, vector<16xf32>,
        %get3A_1292 = arith.index_cast %add3A_1261 : i32 to index
        %get3A_1293 = arith.constant 64 : index
        %get3A_1294 = tpu.vector_load %arg43[%get3A_1292, %get3A_1293] {strides = array<i32>} : memref<80x128xf32, #tpu.memory_space<vmem>>, vector<16xf32>,
        %mul3A_1295 = arith.mulf %get3A_1294, %gather3A_1263 : vector<16xf32>
        %swap3A_1296 = arith.index_cast %add3A_1261 : i32 to index
        %swap3A_1297 = arith.constant 64 : index
        %swap3A_1298 = tpu.vector_load %arg43[%swap3A_1296, %swap3A_1297] {strides = array<i32>} : memref<80x128xf32, #tpu.memory_space<vmem>>, vector<16xf32>,
        tpu.vector_store %arg43[%swap3A_1296, %swap3A_1297], %mul3A_1295 {strides = array<i32>} : memref<80x128xf32, #tpu.memory_space<vmem>>, vector<16xf32>,
        %get3A_1299 = arith.index_cast %add3A_1261 : i32 to index
        %get3A_1300 = arith.constant 80 : index
        %get3A_1301 = tpu.vector_load %arg43[%get3A_1299, %get3A_1300] {strides = array<i32>} : memref<80x128xf32, #tpu.memory_space<vmem>>, vector<16xf32>,
        %mul3A_1302 = arith.mulf %get3A_1301, %gather3A_1263 : vector<16xf32>
        %swap3A_1303 = arith.index_cast %add3A_1261 : i32 to index
        %swap3A_1304 = arith.constant 80 : index
        %swap3A_1305 = tpu.vector_load %arg43[%swap3A_1303, %swap3A_1304] {strides = array<i32>} : memref<80x128xf32, #tpu.memory_space<vmem>>, vector<16xf32>,
        tpu.vector_store %arg43[%swap3A_1303, %swap3A_1304], %mul3A_1302 {strides = array<i32>} : memref<80x128xf32, #tpu.memory_space<vmem>>, vector<16xf32>,
        %get3A_1306 = arith.index_cast %add3A_1261 : i32 to index
        %get3A_1307 = arith.constant 96 : index
        %get3A_1308 = tpu.vector_load %arg43[%get3A_1306, %get3A_1307] {strides = array<i32>} : memref<80x128xf32, #tpu.memory_space<vmem>>, vector<16xf32>,
        %mul3A_1309 = arith.mulf %get3A_1308, %gather3A_1263 : vector<16xf32>
        %swap3A_1310 = arith.index_cast %add3A_1261 : i32 to index
        %swap3A_1311 = arith.constant 96 : index
        %swap3A_1312 = tpu.vector_load %arg43[%swap3A_1310, %swap3A_1311] {strides = array<i32>} : memref<80x128xf32, #tpu.memory_space<vmem>>, vector<16xf32>,
        tpu.vector_store %arg43[%swap3A_1310, %swap3A_1311], %mul3A_1309 {strides = array<i32>} : memref<80x128xf32, #tpu.memory_space<vmem>>, vector<16xf32>,
        %get3A_1313 = arith.index_cast %add3A_1261 : i32 to index
        %get3A_1314 = arith.constant 112 : index
        %get3A_1315 = tpu.vector_load %arg43[%get3A_1313, %get3A_1314] {strides = array<i32>} : memref<80x128xf32, #tpu.memory_space<vmem>>, vector<16xf32>,
        %mul3A_1316 = arith.mulf %get3A_1315, %gather3A_1263 : vector<16xf32>
        %swap3A_1317 = arith.index_cast %add3A_1261 : i32 to index
        %swap3A_1318 = arith.constant 112 : index
        %swap3A_1319 = tpu.vector_load %arg43[%swap3A_1317, %swap3A_1318] {strides = array<i32>} : memref<80x128xf32, #tpu.memory_space<vmem>>, vector<16xf32>,
        tpu.vector_store %arg43[%swap3A_1317, %swap3A_1318], %mul3A_1316 {strides = array<i32>} : memref<80x128xf32, #tpu.memory_space<vmem>>, vector<16xf32>,
        %add3A_1320 = arith.constant 3 : i32
        %add3A_1321 = arith.addi %mul3A_1140, %add3A_1320 : i32
        %broadcast_in_dim3A_1322 = vector.broadcast %add3A_1321 : i32 to vector<16xi32>
        %gather3A_1323 = tpu.vector_load_idx %arg35[%broadcast_in_dim3A_1322] : memref<80xf32, #tpu.memory_space<vmem>>[vector<16xi32>], vector<16xf32>,
        %get3A_1324 = arith.index_cast %add3A_1321 : i32 to index
        %get3A_1325 = arith.constant 0 : index
        %get3A_1326 = tpu.vector_load %arg43[%get3A_1324, %get3A_1325] {strides = array<i32>} : memref<80x128xf32, #tpu.memory_space<vmem>>, vector<16xf32>,
        %mul3A_1327 = arith.mulf %get3A_1326, %gather3A_1323 : vector<16xf32>
        %swap3A_1328 = arith.index_cast %add3A_1321 : i32 to index
        %swap3A_1329 = arith.constant 0 : index
        %swap3A_1330 = tpu.vector_load %arg43[%swap3A_1328, %swap3A_1329] {strides = array<i32>} : memref<80x128xf32, #tpu.memory_space<vmem>>, vector<16xf32>,
        tpu.vector_store %arg43[%swap3A_1328, %swap3A_1329], %mul3A_1327 {strides = array<i32>} : memref<80x128xf32, #tpu.memory_space<vmem>>, vector<16xf32>,
        %get3A_1331 = arith.index_cast %add3A_1321 : i32 to index
        %get3A_1332 = arith.constant 16 : index
        %get3A_1333 = tpu.vector_load %arg43[%get3A_1331, %get3A_1332] {strides = array<i32>} : memref<80x128xf32, #tpu.memory_space<vmem>>, vector<16xf32>,
        %mul3A_1334 = arith.mulf %get3A_1333, %gather3A_1323 : vector<16xf32>
        %swap3A_1335 = arith.index_cast %add3A_1321 : i32 to index
        %swap3A_1336 = arith.constant 16 : index
        %swap3A_1337 = tpu.vector_load %arg43[%swap3A_1335, %swap3A_1336] {strides = array<i32>} : memref<80x128xf32, #tpu.memory_space<vmem>>, vector<16xf32>,
        tpu.vector_store %arg43[%swap3A_1335, %swap3A_1336], %mul3A_1334 {strides = array<i32>} : memref<80x128xf32, #tpu.memory_space<vmem>>, vector<16xf32>,
        %get3A_1338 = arith.index_cast %add3A_1321 : i32 to index
        %get3A_1339 = arith.constant 32 : index
        %get3A_1340 = tpu.vector_load %arg43[%get3A_1338, %get3A_1339] {strides = array<i32>} : memref<80x128xf32, #tpu.memory_space<vmem>>, vector<16xf32>,
        %mul3A_1341 = arith.mulf %get3A_1340, %gather3A_1323 : vector<16xf32>
        %swap3A_1342 = arith.index_cast %add3A_1321 : i32 to index
        %swap3A_1343 = arith.constant 32 : index
        %swap3A_1344 = tpu.vector_load %arg43[%swap3A_1342, %swap3A_1343] {strides = array<i32>} : memref<80x128xf32, #tpu.memory_space<vmem>>, vector<16xf32>,
        tpu.vector_store %arg43[%swap3A_1342, %swap3A_1343], %mul3A_1341 {strides = array<i32>} : memref<80x128xf32, #tpu.memory_space<vmem>>, vector<16xf32>,
        %get3A_1345 = arith.index_cast %add3A_1321 : i32 to index
        %get3A_1346 = arith.constant 48 : index
        %get3A_1347 = tpu.vector_load %arg43[%get3A_1345, %get3A_1346] {strides = array<i32>} : memref<80x128xf32, #tpu.memory_space<vmem>>, vector<16xf32>,
        %mul3A_1348 = arith.mulf %get3A_1347, %gather3A_1323 : vector<16xf32>
        %swap3A_1349 = arith.index_cast %add3A_1321 : i32 to index
        %swap3A_1350 = arith.constant 48 : index
        %swap3A_1351 = tpu.vector_load %arg43[%swap3A_1349, %swap3A_1350] {strides = array<i32>} : memref<80x128xf32, #tpu.memory_space<vmem>>, vector<16xf32>,
        tpu.vector_store %arg43[%swap3A_1349, %swap3A_1350], %mul3A_1348 {strides = array<i32>} : memref<80x128xf32, #tpu.memory_space<vmem>>, vector<16xf32>,
        %get3A_1352 = arith.index_cast %add3A_1321 : i32 to index
        %get3A_1353 = arith.constant 64 : index
        %get3A_1354 = tpu.vector_load %arg43[%get3A_1352, %get3A_1353] {strides = array<i32>} : memref<80x128xf32, #tpu.memory_space<vmem>>, vector<16xf32>,
        %mul3A_1355 = arith.mulf %get3A_1354, %gather3A_1323 : vector<16xf32>
        %swap3A_1356 = arith.index_cast %add3A_1321 : i32 to index
        %swap3A_1357 = arith.constant 64 : index
        %swap3A_1358 = tpu.vector_load %arg43[%swap3A_1356, %swap3A_1357] {strides = array<i32>} : memref<80x128xf32, #tpu.memory_space<vmem>>, vector<16xf32>,
        tpu.vector_store %arg43[%swap3A_1356, %swap3A_1357], %mul3A_1355 {strides = array<i32>} : memref<80x128xf32, #tpu.memory_space<vmem>>, vector<16xf32>,
        %get3A_1359 = arith.index_cast %add3A_1321 : i32 to index
        %get3A_1360 = arith.constant 80 : index
        %get3A_1361 = tpu.vector_load %arg43[%get3A_1359, %get3A_1360] {strides = array<i32>} : memref<80x128xf32, #tpu.memory_space<vmem>>, vector<16xf32>,
        %mul3A_1362 = arith.mulf %get3A_1361, %gather3A_1323 : vector<16xf32>
        %swap3A_1363 = arith.index_cast %add3A_1321 : i32 to index
        %swap3A_1364 = arith.constant 80 : index
        %swap3A_1365 = tpu.vector_load %arg43[%swap3A_1363, %swap3A_1364] {strides = array<i32>} : memref<80x128xf32, #tpu.memory_space<vmem>>, vector<16xf32>,
        tpu.vector_store %arg43[%swap3A_1363, %swap3A_1364], %mul3A_1362 {strides = array<i32>} : memref<80x128xf32, #tpu.memory_space<vmem>>, vector<16xf32>,
        %get3A_1366 = arith.index_cast %add3A_1321 : i32 to index
        %get3A_1367 = arith.constant 96 : index
        %get3A_1368 = tpu.vector_load %arg43[%get3A_1366, %get3A_1367] {strides = array<i32>} : memref<80x128xf32, #tpu.memory_space<vmem>>, vector<16xf32>,
        %mul3A_1369 = arith.mulf %get3A_1368, %gather3A_1323 : vector<16xf32>
        %swap3A_1370 = arith.index_cast %add3A_1321 : i32 to index
        %swap3A_1371 = arith.constant 96 : index
        %swap3A_1372 = tpu.vector_load %arg43[%swap3A_1370, %swap3A_1371] {strides = array<i32>} : memref<80x128xf32, #tpu.memory_space<vmem>>, vector<16xf32>,
        tpu.vector_store %arg43[%swap3A_1370, %swap3A_1371], %mul3A_1369 {strides = array<i32>} : memref<80x128xf32, #tpu.memory_space<vmem>>, vector<16xf32>,
        %get3A_1373 = arith.index_cast %add3A_1321 : i32 to index
        %get3A_1374 = arith.constant 112 : index
        %get3A_1375 = tpu.vector_load %arg43[%get3A_1373, %get3A_1374] {strides = array<i32>} : memref<80x128xf32, #tpu.memory_space<vmem>>, vector<16xf32>,
        %mul3A_1376 = arith.mulf %get3A_1375, %gather3A_1323 : vector<16xf32>
        %swap3A_1377 = arith.index_cast %add3A_1321 : i32 to index
        %swap3A_1378 = arith.constant 112 : index
        %swap3A_1379 = tpu.vector_load %arg43[%swap3A_1377, %swap3A_1378] {strides = array<i32>} : memref<80x128xf32, #tpu.memory_space<vmem>>, vector<16xf32>,
        tpu.vector_store %arg43[%swap3A_1377, %swap3A_1378], %mul3A_1376 {strides = array<i32>} : memref<80x128xf32, #tpu.memory_space<vmem>>, vector<16xf32>,
      }
      %scan3A_1121 = arith.constant 20 : i32
      %add3A_1122 = arith.constant 4 : i32
      %add3A_1123 = arith.addi %add3A_980, %add3A_1122 : i32
      %lt3A_1124 = arith.constant 125 : i32
      %lt3A_1125 = arith.cmpi slt, %add3A_1123, %lt3A_1124 : i32
      %convert_element_type3A_1126 = arith.extui %lt3A_1125 : i1 to i32
      %cond3A_1127 = arith.constant 0 : i32
      %cond3A_1128 = arith.cmpi ne, %convert_element_type3A_1126, %cond3A_1127 : i32
      scf.if %cond3A_1128 {
        %add3A_1134 = arith.constant 4 : i32
        %add3A_1135 = arith.addi %add3A_980, %add3A_1134 : i32
        %mul3A_1136 = arith.constant 80 : i32
        %mul3A_1137 = arith.muli %add3A_1135, %mul3A_1136 : i32
        %add3A_1138 = arith.addi %mul3A_2, %mul3A_1137 : i32
        %dma_start3A_1139 = tpu.memref_slice %arg6[%add3A_1138] : memref<320000xi32, #tpu.memory_space<hbm>> -> memref<80xi32, #tpu.memory_space<hbm>>
        %dma_start3A_1140 = tpu.memref_slice %arg6[%add3A_1138] : memref<320000xi32, #tpu.memory_space<hbm>> -> memref<80xi32, #tpu.memory_space<hbm>>
        tpu.enqueue_dma source(%dma_start3A_1140 : memref<80xi32, #tpu.memory_space<hbm>>) target(%arg15 : memref<80xi32, #tpu.memory_space<vmem>>) target_semaphore(%arg52 : memref<!tpu.dma_semaphore, #tpu.memory_space<semaphore_mem>>)
        %dma_start3A_1141 = tpu.memref_slice %arg7[%add3A_1138] : memref<320000xi32, #tpu.memory_space<hbm>> -> memref<80xi32, #tpu.memory_space<hbm>>
        %dma_start3A_1142 = tpu.memref_slice %arg7[%add3A_1138] : memref<320000xi32, #tpu.memory_space<hbm>> -> memref<80xi32, #tpu.memory_space<hbm>>
        tpu.enqueue_dma source(%dma_start3A_1142 : memref<80xi32, #tpu.memory_space<hbm>>) target(%arg19 : memref<80xi32, #tpu.memory_space<vmem>>) target_semaphore(%arg52 : memref<!tpu.dma_semaphore, #tpu.memory_space<semaphore_mem>>)
        %dma_start3A_1143 = tpu.memref_slice %arg5[%add3A_1138] : memref<320000xf32, #tpu.memory_space<hbm>> -> memref<80xf32, #tpu.memory_space<hbm>>
        %dma_start3A_1144 = tpu.memref_slice %arg5[%add3A_1138] : memref<320000xf32, #tpu.memory_space<hbm>> -> memref<80xf32, #tpu.memory_space<hbm>>
        tpu.enqueue_dma source(%dma_start3A_1144 : memref<80xf32, #tpu.memory_space<hbm>>) target(%arg23 : memref<80xf32, #tpu.memory_space<vmem>>) target_semaphore(%arg52 : memref<!tpu.dma_semaphore, #tpu.memory_space<semaphore_mem>>)
      } else {
      }
      %dma_start3A_1129 = arith.constant 0 : i32
      %dma_start3A_1130 = arith.constant 0 : i32
      %dma_start3A_1131 = tpu.memref_slice %arg47[%dma_start3A_1129, %dma_start3A_1130] : memref<10240x128xf32, #tpu.memory_space<vmem_shared>> -> memref<10240x128xf32, #tpu.memory_space<vmem_shared>>
      tpu.enqueue_indirect_dma source(%arg43 : memref<80x128xf32, #tpu.memory_space<vmem>>) target(%dma_start3A_1131 : memref<10240x128xf32, #tpu.memory_space<vmem_shared>>) offsets(%arg39 : memref<80xi32, #tpu.memory_space<vmem>>) semaphore(%arg60 : memref<!tpu.dma_semaphore, #tpu.memory_space<semaphore_mem>>) {add = true}
      %dma_start3A_1132 = arith.constant 0 : i32
      %dma_start3A_1133 = tpu.memref_slice %arg48[%dma_start3A_1132] : memref<10240xf32, #tpu.memory_space<vmem_shared>> -> memref<10240xf32, #tpu.memory_space<vmem_shared>>
      tpu.enqueue_indirect_dma source(%arg35 : memref<80xf32, #tpu.memory_space<vmem>>) target(%dma_start3A_1133 : memref<10240xf32, #tpu.memory_space<vmem_shared>>) offsets(%arg39 : memref<80xi32, #tpu.memory_space<vmem>>) semaphore(%arg60 : memref<!tpu.dma_semaphore, #tpu.memory_space<semaphore_mem>>) {add = true}
    }
    %scan3A_349 = arith.constant 31 : i32
    %dma_wait3A_350 = arith.constant 0 : i32
    %dma_wait3A_351 = tpu.memref_slice %arg3[%dma_wait3A_350] : memref<10000xf32, #tpu.memory_space<hbm>> -> memref<10000xf32, #tpu.memory_space<hbm>>
    tpu.wait_indirect_dma semaphore(%arg53 : memref<!tpu.dma_semaphore, #tpu.memory_space<semaphore_mem>>) src(%dma_wait3A_351 : memref<10000xf32, #tpu.memory_space<hbm>>) dst(%arg24 : memref<80xf32, #tpu.memory_space<vmem>>)
    %dma_wait3A_352 = arith.constant 0 : i32
    %dma_wait3A_353 = tpu.memref_slice %arg4[%dma_wait3A_352] : memref<10000xf32, #tpu.memory_space<hbm>> -> memref<10000xf32, #tpu.memory_space<hbm>>
    tpu.wait_indirect_dma semaphore(%arg53 : memref<!tpu.dma_semaphore, #tpu.memory_space<semaphore_mem>>) src(%dma_wait3A_353 : memref<10000xf32, #tpu.memory_space<hbm>>) dst(%arg28 : memref<80xf32, #tpu.memory_space<vmem>>)
    %dma_wait3A_354 = arith.constant 0 : i32
    %dma_wait3A_355 = arith.constant 0 : i32
    %dma_wait3A_356 = tpu.memref_slice %arg2[%dma_wait3A_354, %dma_wait3A_355] : memref<10000x128xf32, #tpu.memory_space<hbm>> -> memref<10000x128xf32, #tpu.memory_space<hbm>>
    tpu.wait_indirect_dma semaphore(%arg53 : memref<!tpu.dma_semaphore, #tpu.memory_space<semaphore_mem>>) src(%dma_wait3A_356 : memref<10000x128xf32, #tpu.memory_space<hbm>>) dst(%arg40 : memref<80x128xf32, #tpu.memory_space<vmem>>)
    %dma_wait3A_357 = arith.constant 0 : i32
    %dma_wait3A_358 = arith.constant 0 : i32
    %dma_wait3A_359 = tpu.memref_slice %arg47[%dma_wait3A_357, %dma_wait3A_358] : memref<10240x128xf32, #tpu.memory_space<vmem_shared>> -> memref<10240x128xf32, #tpu.memory_space<vmem_shared>>
    tpu.wait_indirect_dma semaphore(%arg59 : memref<!tpu.dma_semaphore, #tpu.memory_space<semaphore_mem>>) src(%arg42 : memref<80x128xf32, #tpu.memory_space<vmem>>) dst(%dma_wait3A_359 : memref<10240x128xf32, #tpu.memory_space<vmem_shared>>)
    %dma_wait3A_360 = arith.constant 0 : i32
    %dma_wait3A_361 = tpu.memref_slice %arg48[%dma_wait3A_360] : memref<10240xf32, #tpu.memory_space<vmem_shared>> -> memref<10240xf32, #tpu.memory_space<vmem_shared>>
    tpu.wait_indirect_dma semaphore(%arg59 : memref<!tpu.dma_semaphore, #tpu.memory_space<semaphore_mem>>) src(%arg34 : memref<80xf32, #tpu.memory_space<vmem>>) dst(%dma_wait3A_361 : memref<10240xf32, #tpu.memory_space<vmem_shared>>)
    %get3A_362 = arith.constant 0 : index
    %get3A_363 = tpu.vector_load %arg44[%get3A_362] {strides = array<i32>} : memref<16xf32, #tpu.memory_space<vmem>>, vector<16xf32>,
    %get3A_364 = arith.constant 0 : index
    %get3A_365 = tpu.vector_load %arg24[%get3A_364] {strides = array<i32>} : memref<80xf32, #tpu.memory_space<vmem>>, vector<16xf32>,
    %get3A_366 = arith.constant 0 : index
    %get3A_367 = tpu.vector_load %arg28[%get3A_366] {strides = array<i32>} : memref<80xf32, #tpu.memory_space<vmem>>, vector<16xf32>,
    %add3A_368 = arith.addf %get3A_365, %get3A_367 : vector<16xf32>
    %get3A_369 = arith.constant 0 : index
    %get3A_370 = tpu.vector_load %arg20[%get3A_369] {strides = array<i32>} : memref<80xf32, #tpu.memory_space<vmem>>, vector<16xf32>,
    %add3A_371 = arith.addf %add3A_368, %get3A_370 : vector<16xf32>
    %ge3A = arith.constant 0.000000e+00 : f32
    %ge3A_372 = vector.broadcast %ge3A : f32 to vector<16xf32>
    %ge3A_373 = arith.cmpf oge, %add3A_371, %ge3A_372 : vector<16xf32>
    %mul3A_374 = arith.constant 2.000000e-01 : f32
    %mul3A_375 = vector.broadcast %mul3A_374 : f32 to vector<16xf32>
    %mul3A_376 = arith.mulf %mul3A_375, %add3A_371 : vector<16xf32>
    %select_n3A = arith.select %ge3A_373, %add3A_371, %mul3A_376 : vector<16xi1>, vector<16xf32>
    %sub3A = arith.subf %select_n3A, %get3A_363 : vector<16xf32>
    %exp3A = math.exp %sub3A : vector<16xf32>
    %swap3A_377 = arith.constant 0 : index
    %swap3A_378 = tpu.vector_load %arg32[%swap3A_377] {strides = array<i32>} : memref<80xf32, #tpu.memory_space<vmem>>, vector<16xf32>,
    tpu.vector_store %arg32[%swap3A_377], %exp3A {strides = array<i32>} : memref<80xf32, #tpu.memory_space<vmem>>, vector<16xf32>,
    %get3A_379 = arith.constant 0 : index
    %get3A_380 = tpu.vector_load %arg16[%get3A_379] {strides = array<i32>} : memref<80xi32, #tpu.memory_space<vmem>>, vector<16xi32>,
    %swap3A_381 = arith.constant 0 : index
    %swap3A_382 = tpu.vector_load %arg36[%swap3A_381] {strides = array<i32>} : memref<80xi32, #tpu.memory_space<vmem>>, vector<16xi32>,
    tpu.vector_store %arg36[%swap3A_381], %get3A_380 {strides = array<i32>} : memref<80xi32, #tpu.memory_space<vmem>>, vector<16xi32>,
    %get3A_383 = arith.constant 16 : index
    %get3A_384 = tpu.vector_load %arg24[%get3A_383] {strides = array<i32>} : memref<80xf32, #tpu.memory_space<vmem>>, vector<16xf32>,
    %get3A_385 = arith.constant 16 : index
    %get3A_386 = tpu.vector_load %arg28[%get3A_385] {strides = array<i32>} : memref<80xf32, #tpu.memory_space<vmem>>, vector<16xf32>,
    %add3A_387 = arith.addf %get3A_384, %get3A_386 : vector<16xf32>
    %get3A_388 = arith.constant 16 : index
    %get3A_389 = tpu.vector_load %arg20[%get3A_388] {strides = array<i32>} : memref<80xf32, #tpu.memory_space<vmem>>, vector<16xf32>,
    %add3A_390 = arith.addf %add3A_387, %get3A_389 : vector<16xf32>
    %ge3A_391 = arith.constant 0.000000e+00 : f32
    %ge3A_392 = vector.broadcast %ge3A_391 : f32 to vector<16xf32>
    %ge3A_393 = arith.cmpf oge, %add3A_390, %ge3A_392 : vector<16xf32>
    %mul3A_394 = arith.constant 2.000000e-01 : f32
    %mul3A_395 = vector.broadcast %mul3A_394 : f32 to vector<16xf32>
    %mul3A_396 = arith.mulf %mul3A_395, %add3A_390 : vector<16xf32>
    %select_n3A_397 = arith.select %ge3A_393, %add3A_390, %mul3A_396 : vector<16xi1>, vector<16xf32>
    %sub3A_398 = arith.subf %select_n3A_397, %get3A_363 : vector<16xf32>
    %exp3A_399 = math.exp %sub3A_398 : vector<16xf32>
    %swap3A_400 = arith.constant 16 : index
    %swap3A_401 = tpu.vector_load %arg32[%swap3A_400] {strides = array<i32>} : memref<80xf32, #tpu.memory_space<vmem>>, vector<16xf32>,
    tpu.vector_store %arg32[%swap3A_400], %exp3A_399 {strides = array<i32>} : memref<80xf32, #tpu.memory_space<vmem>>, vector<16xf32>,
    %get3A_402 = arith.constant 16 : index
    %get3A_403 = tpu.vector_load %arg16[%get3A_402] {strides = array<i32>} : memref<80xi32, #tpu.memory_space<vmem>>, vector<16xi32>,
    %swap3A_404 = arith.constant 16 : index
    %swap3A_405 = tpu.vector_load %arg36[%swap3A_404] {strides = array<i32>} : memref<80xi32, #tpu.memory_space<vmem>>, vector<16xi32>,
    tpu.vector_store %arg36[%swap3A_404], %get3A_403 {strides = array<i32>} : memref<80xi32, #tpu.memory_space<vmem>>, vector<16xi32>,
    %get3A_406 = arith.constant 32 : index
    %get3A_407 = tpu.vector_load %arg24[%get3A_406] {strides = array<i32>} : memref<80xf32, #tpu.memory_space<vmem>>, vector<16xf32>,
    %get3A_408 = arith.constant 32 : index
    %get3A_409 = tpu.vector_load %arg28[%get3A_408] {strides = array<i32>} : memref<80xf32, #tpu.memory_space<vmem>>, vector<16xf32>,
    %add3A_410 = arith.addf %get3A_407, %get3A_409 : vector<16xf32>
    %get3A_411 = arith.constant 32 : index
    %get3A_412 = tpu.vector_load %arg20[%get3A_411] {strides = array<i32>} : memref<80xf32, #tpu.memory_space<vmem>>, vector<16xf32>,
    %add3A_413 = arith.addf %add3A_410, %get3A_412 : vector<16xf32>
    %ge3A_414 = arith.constant 0.000000e+00 : f32
    %ge3A_415 = vector.broadcast %ge3A_414 : f32 to vector<16xf32>
    %ge3A_416 = arith.cmpf oge, %add3A_413, %ge3A_415 : vector<16xf32>
    %mul3A_417 = arith.constant 2.000000e-01 : f32
    %mul3A_418 = vector.broadcast %mul3A_417 : f32 to vector<16xf32>
    %mul3A_419 = arith.mulf %mul3A_418, %add3A_413 : vector<16xf32>
    %select_n3A_420 = arith.select %ge3A_416, %add3A_413, %mul3A_419 : vector<16xi1>, vector<16xf32>
    %sub3A_421 = arith.subf %select_n3A_420, %get3A_363 : vector<16xf32>
    %exp3A_422 = math.exp %sub3A_421 : vector<16xf32>
    %swap3A_423 = arith.constant 32 : index
    %swap3A_424 = tpu.vector_load %arg32[%swap3A_423] {strides = array<i32>} : memref<80xf32, #tpu.memory_space<vmem>>, vector<16xf32>,
    tpu.vector_store %arg32[%swap3A_423], %exp3A_422 {strides = array<i32>} : memref<80xf32, #tpu.memory_space<vmem>>, vector<16xf32>,
    %get3A_425 = arith.constant 32 : index
    %get3A_426 = tpu.vector_load %arg16[%get3A_425] {strides = array<i32>} : memref<80xi32, #tpu.memory_space<vmem>>, vector<16xi32>,
    %swap3A_427 = arith.constant 32 : index
    %swap3A_428 = tpu.vector_load %arg36[%swap3A_427] {strides = array<i32>} : memref<80xi32, #tpu.memory_space<vmem>>, vector<16xi32>,
    tpu.vector_store %arg36[%swap3A_427], %get3A_426 {strides = array<i32>} : memref<80xi32, #tpu.memory_space<vmem>>, vector<16xi32>,
    %get3A_429 = arith.constant 48 : index
    %get3A_430 = tpu.vector_load %arg24[%get3A_429] {strides = array<i32>} : memref<80xf32, #tpu.memory_space<vmem>>, vector<16xf32>,
    %get3A_431 = arith.constant 48 : index
    %get3A_432 = tpu.vector_load %arg28[%get3A_431] {strides = array<i32>} : memref<80xf32, #tpu.memory_space<vmem>>, vector<16xf32>,
    %add3A_433 = arith.addf %get3A_430, %get3A_432 : vector<16xf32>
    %get3A_434 = arith.constant 48 : index
    %get3A_435 = tpu.vector_load %arg20[%get3A_434] {strides = array<i32>} : memref<80xf32, #tpu.memory_space<vmem>>, vector<16xf32>,
    %add3A_436 = arith.addf %add3A_433, %get3A_435 : vector<16xf32>
    %ge3A_437 = arith.constant 0.000000e+00 : f32
    %ge3A_438 = vector.broadcast %ge3A_437 : f32 to vector<16xf32>
    %ge3A_439 = arith.cmpf oge, %add3A_436, %ge3A_438 : vector<16xf32>
    %mul3A_440 = arith.constant 2.000000e-01 : f32
    %mul3A_441 = vector.broadcast %mul3A_440 : f32 to vector<16xf32>
    %mul3A_442 = arith.mulf %mul3A_441, %add3A_436 : vector<16xf32>
    %select_n3A_443 = arith.select %ge3A_439, %add3A_436, %mul3A_442 : vector<16xi1>, vector<16xf32>
    %sub3A_444 = arith.subf %select_n3A_443, %get3A_363 : vector<16xf32>
    %exp3A_445 = math.exp %sub3A_444 : vector<16xf32>
    %swap3A_446 = arith.constant 48 : index
    %swap3A_447 = tpu.vector_load %arg32[%swap3A_446] {strides = array<i32>} : memref<80xf32, #tpu.memory_space<vmem>>, vector<16xf32>,
    tpu.vector_store %arg32[%swap3A_446], %exp3A_445 {strides = array<i32>} : memref<80xf32, #tpu.memory_space<vmem>>, vector<16xf32>,
    %get3A_448 = arith.constant 48 : index
    %get3A_449 = tpu.vector_load %arg16[%get3A_448] {strides = array<i32>} : memref<80xi32, #tpu.memory_space<vmem>>, vector<16xi32>,
    %swap3A_450 = arith.constant 48 : index
    %swap3A_451 = tpu.vector_load %arg36[%swap3A_450] {strides = array<i32>} : memref<80xi32, #tpu.memory_space<vmem>>, vector<16xi32>,
    tpu.vector_store %arg36[%swap3A_450], %get3A_449 {strides = array<i32>} : memref<80xi32, #tpu.memory_space<vmem>>, vector<16xi32>,
    %get3A_452 = arith.constant 64 : index
    %get3A_453 = tpu.vector_load %arg24[%get3A_452] {strides = array<i32>} : memref<80xf32, #tpu.memory_space<vmem>>, vector<16xf32>,
    %get3A_454 = arith.constant 64 : index
    %get3A_455 = tpu.vector_load %arg28[%get3A_454] {strides = array<i32>} : memref<80xf32, #tpu.memory_space<vmem>>, vector<16xf32>,
    %add3A_456 = arith.addf %get3A_453, %get3A_455 : vector<16xf32>
    %get3A_457 = arith.constant 64 : index
    %get3A_458 = tpu.vector_load %arg20[%get3A_457] {strides = array<i32>} : memref<80xf32, #tpu.memory_space<vmem>>, vector<16xf32>,
    %add3A_459 = arith.addf %add3A_456, %get3A_458 : vector<16xf32>
    %ge3A_460 = arith.constant 0.000000e+00 : f32
    %ge3A_461 = vector.broadcast %ge3A_460 : f32 to vector<16xf32>
    %ge3A_462 = arith.cmpf oge, %add3A_459, %ge3A_461 : vector<16xf32>
    %mul3A_463 = arith.constant 2.000000e-01 : f32
    %mul3A_464 = vector.broadcast %mul3A_463 : f32 to vector<16xf32>
    %mul3A_465 = arith.mulf %mul3A_464, %add3A_459 : vector<16xf32>
    %select_n3A_466 = arith.select %ge3A_462, %add3A_459, %mul3A_465 : vector<16xi1>, vector<16xf32>
    %sub3A_467 = arith.subf %select_n3A_466, %get3A_363 : vector<16xf32>
    %exp3A_468 = math.exp %sub3A_467 : vector<16xf32>
    %swap3A_469 = arith.constant 64 : index
    %swap3A_470 = tpu.vector_load %arg32[%swap3A_469] {strides = array<i32>} : memref<80xf32, #tpu.memory_space<vmem>>, vector<16xf32>,
    tpu.vector_store %arg32[%swap3A_469], %exp3A_468 {strides = array<i32>} : memref<80xf32, #tpu.memory_space<vmem>>, vector<16xf32>,
    %get3A_471 = arith.constant 64 : index
    %get3A_472 = tpu.vector_load %arg16[%get3A_471] {strides = array<i32>} : memref<80xi32, #tpu.memory_space<vmem>>, vector<16xi32>,
    %swap3A_473 = arith.constant 64 : index
    %swap3A_474 = tpu.vector_load %arg36[%swap3A_473] {strides = array<i32>} : memref<80xi32, #tpu.memory_space<vmem>>, vector<16xi32>,
    tpu.vector_store %arg36[%swap3A_473], %get3A_472 {strides = array<i32>} : memref<80xi32, #tpu.memory_space<vmem>>, vector<16xi32>,
    %scan3A_475 = arith.constant 0 : i32
    %scan3A_476 = arith.constant 20 : i32
    %scan3A_477 = arith.addi %scan3A_475, %scan3A_476 : i32
    %scan3A_478 = arith.constant 1 : i32
    scf.for %scan3A_504 = %scan3A_475 to %scan3A_477 step %scan3A_478  : i32 {
      %mul3A_505 = arith.constant 1 : i32
      %mul3A_506 = arith.muli %scan3A_504, %mul3A_505 : i32
      %add3A_507 = arith.constant 0 : i32
      %add3A_508 = arith.addi %add3A_507, %mul3A_506 : i32
      %mul3A_509 = arith.constant 4 : i32
      %mul3A_510 = arith.muli %add3A_508, %mul3A_509 : i32
      %add3A_511 = arith.constant 0 : i32
      %add3A_512 = arith.addi %mul3A_510, %add3A_511 : i32
      %broadcast_in_dim3A_513 = vector.broadcast %add3A_512 : i32 to vector<16xi32>
      %gather3A = tpu.vector_load_idx %arg32[%broadcast_in_dim3A_513] : memref<80xf32, #tpu.memory_space<vmem>>[vector<16xi32>], vector<16xf32>,
      %get3A_514 = arith.index_cast %add3A_512 : i32 to index
      %get3A_515 = arith.constant 0 : index
      %get3A_516 = tpu.vector_load %arg40[%get3A_514, %get3A_515] {strides = array<i32>} : memref<80x128xf32, #tpu.memory_space<vmem>>, vector<16xf32>,
      %mul3A_517 = arith.mulf %get3A_516, %gather3A : vector<16xf32>
      %swap3A_518 = arith.index_cast %add3A_512 : i32 to index
      %swap3A_519 = arith.constant 0 : index
      %swap3A_520 = tpu.vector_load %arg40[%swap3A_518, %swap3A_519] {strides = array<i32>} : memref<80x128xf32, #tpu.memory_space<vmem>>, vector<16xf32>,
      tpu.vector_store %arg40[%swap3A_518, %swap3A_519], %mul3A_517 {strides = array<i32>} : memref<80x128xf32, #tpu.memory_space<vmem>>, vector<16xf32>,
      %get3A_521 = arith.index_cast %add3A_512 : i32 to index
      %get3A_522 = arith.constant 16 : index
      %get3A_523 = tpu.vector_load %arg40[%get3A_521, %get3A_522] {strides = array<i32>} : memref<80x128xf32, #tpu.memory_space<vmem>>, vector<16xf32>,
      %mul3A_524 = arith.mulf %get3A_523, %gather3A : vector<16xf32>
      %swap3A_525 = arith.index_cast %add3A_512 : i32 to index
      %swap3A_526 = arith.constant 16 : index
      %swap3A_527 = tpu.vector_load %arg40[%swap3A_525, %swap3A_526] {strides = array<i32>} : memref<80x128xf32, #tpu.memory_space<vmem>>, vector<16xf32>,
      tpu.vector_store %arg40[%swap3A_525, %swap3A_526], %mul3A_524 {strides = array<i32>} : memref<80x128xf32, #tpu.memory_space<vmem>>, vector<16xf32>,
      %get3A_528 = arith.index_cast %add3A_512 : i32 to index
      %get3A_529 = arith.constant 32 : index
      %get3A_530 = tpu.vector_load %arg40[%get3A_528, %get3A_529] {strides = array<i32>} : memref<80x128xf32, #tpu.memory_space<vmem>>, vector<16xf32>,
      %mul3A_531 = arith.mulf %get3A_530, %gather3A : vector<16xf32>
      %swap3A_532 = arith.index_cast %add3A_512 : i32 to index
      %swap3A_533 = arith.constant 32 : index
      %swap3A_534 = tpu.vector_load %arg40[%swap3A_532, %swap3A_533] {strides = array<i32>} : memref<80x128xf32, #tpu.memory_space<vmem>>, vector<16xf32>,
      tpu.vector_store %arg40[%swap3A_532, %swap3A_533], %mul3A_531 {strides = array<i32>} : memref<80x128xf32, #tpu.memory_space<vmem>>, vector<16xf32>,
      %get3A_535 = arith.index_cast %add3A_512 : i32 to index
      %get3A_536 = arith.constant 48 : index
      %get3A_537 = tpu.vector_load %arg40[%get3A_535, %get3A_536] {strides = array<i32>} : memref<80x128xf32, #tpu.memory_space<vmem>>, vector<16xf32>,
      %mul3A_538 = arith.mulf %get3A_537, %gather3A : vector<16xf32>
      %swap3A_539 = arith.index_cast %add3A_512 : i32 to index
      %swap3A_540 = arith.constant 48 : index
      %swap3A_541 = tpu.vector_load %arg40[%swap3A_539, %swap3A_540] {strides = array<i32>} : memref<80x128xf32, #tpu.memory_space<vmem>>, vector<16xf32>,
      tpu.vector_store %arg40[%swap3A_539, %swap3A_540], %mul3A_538 {strides = array<i32>} : memref<80x128xf32, #tpu.memory_space<vmem>>, vector<16xf32>,
      %get3A_542 = arith.index_cast %add3A_512 : i32 to index
      %get3A_543 = arith.constant 64 : index
      %get3A_544 = tpu.vector_load %arg40[%get3A_542, %get3A_543] {strides = array<i32>} : memref<80x128xf32, #tpu.memory_space<vmem>>, vector<16xf32>,
      %mul3A_545 = arith.mulf %get3A_544, %gather3A : vector<16xf32>
      %swap3A_546 = arith.index_cast %add3A_512 : i32 to index
      %swap3A_547 = arith.constant 64 : index
      %swap3A_548 = tpu.vector_load %arg40[%swap3A_546, %swap3A_547] {strides = array<i32>} : memref<80x128xf32, #tpu.memory_space<vmem>>, vector<16xf32>,
      tpu.vector_store %arg40[%swap3A_546, %swap3A_547], %mul3A_545 {strides = array<i32>} : memref<80x128xf32, #tpu.memory_space<vmem>>, vector<16xf32>,
      %get3A_549 = arith.index_cast %add3A_512 : i32 to index
      %get3A_550 = arith.constant 80 : index
      %get3A_551 = tpu.vector_load %arg40[%get3A_549, %get3A_550] {strides = array<i32>} : memref<80x128xf32, #tpu.memory_space<vmem>>, vector<16xf32>,
      %mul3A_552 = arith.mulf %get3A_551, %gather3A : vector<16xf32>
      %swap3A_553 = arith.index_cast %add3A_512 : i32 to index
      %swap3A_554 = arith.constant 80 : index
      %swap3A_555 = tpu.vector_load %arg40[%swap3A_553, %swap3A_554] {strides = array<i32>} : memref<80x128xf32, #tpu.memory_space<vmem>>, vector<16xf32>,
      tpu.vector_store %arg40[%swap3A_553, %swap3A_554], %mul3A_552 {strides = array<i32>} : memref<80x128xf32, #tpu.memory_space<vmem>>, vector<16xf32>,
      %get3A_556 = arith.index_cast %add3A_512 : i32 to index
      %get3A_557 = arith.constant 96 : index
      %get3A_558 = tpu.vector_load %arg40[%get3A_556, %get3A_557] {strides = array<i32>} : memref<80x128xf32, #tpu.memory_space<vmem>>, vector<16xf32>,
      %mul3A_559 = arith.mulf %get3A_558, %gather3A : vector<16xf32>
      %swap3A_560 = arith.index_cast %add3A_512 : i32 to index
      %swap3A_561 = arith.constant 96 : index
      %swap3A_562 = tpu.vector_load %arg40[%swap3A_560, %swap3A_561] {strides = array<i32>} : memref<80x128xf32, #tpu.memory_space<vmem>>, vector<16xf32>,
      tpu.vector_store %arg40[%swap3A_560, %swap3A_561], %mul3A_559 {strides = array<i32>} : memref<80x128xf32, #tpu.memory_space<vmem>>, vector<16xf32>,
      %get3A_563 = arith.index_cast %add3A_512 : i32 to index
      %get3A_564 = arith.constant 112 : index
      %get3A_565 = tpu.vector_load %arg40[%get3A_563, %get3A_564] {strides = array<i32>} : memref<80x128xf32, #tpu.memory_space<vmem>>, vector<16xf32>,
      %mul3A_566 = arith.mulf %get3A_565, %gather3A : vector<16xf32>
      %swap3A_567 = arith.index_cast %add3A_512 : i32 to index
      %swap3A_568 = arith.constant 112 : index
      %swap3A_569 = tpu.vector_load %arg40[%swap3A_567, %swap3A_568] {strides = array<i32>} : memref<80x128xf32, #tpu.memory_space<vmem>>, vector<16xf32>,
      tpu.vector_store %arg40[%swap3A_567, %swap3A_568], %mul3A_566 {strides = array<i32>} : memref<80x128xf32, #tpu.memory_space<vmem>>, vector<16xf32>,
      %add3A_570 = arith.constant 1 : i32
      %add3A_571 = arith.addi %mul3A_510, %add3A_570 : i32
      %broadcast_in_dim3A_572 = vector.broadcast %add3A_571 : i32 to vector<16xi32>
      %gather3A_573 = tpu.vector_load_idx %arg32[%broadcast_in_dim3A_572] : memref<80xf32, #tpu.memory_space<vmem>>[vector<16xi32>], vector<16xf32>,
      %get3A_574 = arith.index_cast %add3A_571 : i32 to index
      %get3A_575 = arith.constant 0 : index
      %get3A_576 = tpu.vector_load %arg40[%get3A_574, %get3A_575] {strides = array<i32>} : memref<80x128xf32, #tpu.memory_space<vmem>>, vector<16xf32>,
      %mul3A_577 = arith.mulf %get3A_576, %gather3A_573 : vector<16xf32>
      %swap3A_578 = arith.index_cast %add3A_571 : i32 to index
      %swap3A_579 = arith.constant 0 : index
      %swap3A_580 = tpu.vector_load %arg40[%swap3A_578, %swap3A_579] {strides = array<i32>} : memref<80x128xf32, #tpu.memory_space<vmem>>, vector<16xf32>,
      tpu.vector_store %arg40[%swap3A_578, %swap3A_579], %mul3A_577 {strides = array<i32>} : memref<80x128xf32, #tpu.memory_space<vmem>>, vector<16xf32>,
      %get3A_581 = arith.index_cast %add3A_571 : i32 to index
      %get3A_582 = arith.constant 16 : index
      %get3A_583 = tpu.vector_load %arg40[%get3A_581, %get3A_582] {strides = array<i32>} : memref<80x128xf32, #tpu.memory_space<vmem>>, vector<16xf32>,
      %mul3A_584 = arith.mulf %get3A_583, %gather3A_573 : vector<16xf32>
      %swap3A_585 = arith.index_cast %add3A_571 : i32 to index
      %swap3A_586 = arith.constant 16 : index
      %swap3A_587 = tpu.vector_load %arg40[%swap3A_585, %swap3A_586] {strides = array<i32>} : memref<80x128xf32, #tpu.memory_space<vmem>>, vector<16xf32>,
      tpu.vector_store %arg40[%swap3A_585, %swap3A_586], %mul3A_584 {strides = array<i32>} : memref<80x128xf32, #tpu.memory_space<vmem>>, vector<16xf32>,
      %get3A_588 = arith.index_cast %add3A_571 : i32 to index
      %get3A_589 = arith.constant 32 : index
      %get3A_590 = tpu.vector_load %arg40[%get3A_588, %get3A_589] {strides = array<i32>} : memref<80x128xf32, #tpu.memory_space<vmem>>, vector<16xf32>,
      %mul3A_591 = arith.mulf %get3A_590, %gather3A_573 : vector<16xf32>
      %swap3A_592 = arith.index_cast %add3A_571 : i32 to index
      %swap3A_593 = arith.constant 32 : index
      %swap3A_594 = tpu.vector_load %arg40[%swap3A_592, %swap3A_593] {strides = array<i32>} : memref<80x128xf32, #tpu.memory_space<vmem>>, vector<16xf32>,
      tpu.vector_store %arg40[%swap3A_592, %swap3A_593], %mul3A_591 {strides = array<i32>} : memref<80x128xf32, #tpu.memory_space<vmem>>, vector<16xf32>,
      %get3A_595 = arith.index_cast %add3A_571 : i32 to index
      %get3A_596 = arith.constant 48 : index
      %get3A_597 = tpu.vector_load %arg40[%get3A_595, %get3A_596] {strides = array<i32>} : memref<80x128xf32, #tpu.memory_space<vmem>>, vector<16xf32>,
      %mul3A_598 = arith.mulf %get3A_597, %gather3A_573 : vector<16xf32>
      %swap3A_599 = arith.index_cast %add3A_571 : i32 to index
      %swap3A_600 = arith.constant 48 : index
      %swap3A_601 = tpu.vector_load %arg40[%swap3A_599, %swap3A_600] {strides = array<i32>} : memref<80x128xf32, #tpu.memory_space<vmem>>, vector<16xf32>,
      tpu.vector_store %arg40[%swap3A_599, %swap3A_600], %mul3A_598 {strides = array<i32>} : memref<80x128xf32, #tpu.memory_space<vmem>>, vector<16xf32>,
      %get3A_602 = arith.index_cast %add3A_571 : i32 to index
      %get3A_603 = arith.constant 64 : index
      %get3A_604 = tpu.vector_load %arg40[%get3A_602, %get3A_603] {strides = array<i32>} : memref<80x128xf32, #tpu.memory_space<vmem>>, vector<16xf32>,
      %mul3A_605 = arith.mulf %get3A_604, %gather3A_573 : vector<16xf32>
      %swap3A_606 = arith.index_cast %add3A_571 : i32 to index
      %swap3A_607 = arith.constant 64 : index
      %swap3A_608 = tpu.vector_load %arg40[%swap3A_606, %swap3A_607] {strides = array<i32>} : memref<80x128xf32, #tpu.memory_space<vmem>>, vector<16xf32>,
      tpu.vector_store %arg40[%swap3A_606, %swap3A_607], %mul3A_605 {strides = array<i32>} : memref<80x128xf32, #tpu.memory_space<vmem>>, vector<16xf32>,
      %get3A_609 = arith.index_cast %add3A_571 : i32 to index
      %get3A_610 = arith.constant 80 : index
      %get3A_611 = tpu.vector_load %arg40[%get3A_609, %get3A_610] {strides = array<i32>} : memref<80x128xf32, #tpu.memory_space<vmem>>, vector<16xf32>,
      %mul3A_612 = arith.mulf %get3A_611, %gather3A_573 : vector<16xf32>
      %swap3A_613 = arith.index_cast %add3A_571 : i32 to index
      %swap3A_614 = arith.constant 80 : index
      %swap3A_615 = tpu.vector_load %arg40[%swap3A_613, %swap3A_614] {strides = array<i32>} : memref<80x128xf32, #tpu.memory_space<vmem>>, vector<16xf32>,
      tpu.vector_store %arg40[%swap3A_613, %swap3A_614], %mul3A_612 {strides = array<i32>} : memref<80x128xf32, #tpu.memory_space<vmem>>, vector<16xf32>,
      %get3A_616 = arith.index_cast %add3A_571 : i32 to index
      %get3A_617 = arith.constant 96 : index
      %get3A_618 = tpu.vector_load %arg40[%get3A_616, %get3A_617] {strides = array<i32>} : memref<80x128xf32, #tpu.memory_space<vmem>>, vector<16xf32>,
      %mul3A_619 = arith.mulf %get3A_618, %gather3A_573 : vector<16xf32>
      %swap3A_620 = arith.index_cast %add3A_571 : i32 to index
      %swap3A_621 = arith.constant 96 : index
      %swap3A_622 = tpu.vector_load %arg40[%swap3A_620, %swap3A_621] {strides = array<i32>} : memref<80x128xf32, #tpu.memory_space<vmem>>, vector<16xf32>,
      tpu.vector_store %arg40[%swap3A_620, %swap3A_621], %mul3A_619 {strides = array<i32>} : memref<80x128xf32, #tpu.memory_space<vmem>>, vector<16xf32>,
      %get3A_623 = arith.index_cast %add3A_571 : i32 to index
      %get3A_624 = arith.constant 112 : index
      %get3A_625 = tpu.vector_load %arg40[%get3A_623, %get3A_624] {strides = array<i32>} : memref<80x128xf32, #tpu.memory_space<vmem>>, vector<16xf32>,
      %mul3A_626 = arith.mulf %get3A_625, %gather3A_573 : vector<16xf32>
      %swap3A_627 = arith.index_cast %add3A_571 : i32 to index
      %swap3A_628 = arith.constant 112 : index
      %swap3A_629 = tpu.vector_load %arg40[%swap3A_627, %swap3A_628] {strides = array<i32>} : memref<80x128xf32, #tpu.memory_space<vmem>>, vector<16xf32>,
      tpu.vector_store %arg40[%swap3A_627, %swap3A_628], %mul3A_626 {strides = array<i32>} : memref<80x128xf32, #tpu.memory_space<vmem>>, vector<16xf32>,
      %add3A_630 = arith.constant 2 : i32
      %add3A_631 = arith.addi %mul3A_510, %add3A_630 : i32
      %broadcast_in_dim3A_632 = vector.broadcast %add3A_631 : i32 to vector<16xi32>
      %gather3A_633 = tpu.vector_load_idx %arg32[%broadcast_in_dim3A_632] : memref<80xf32, #tpu.memory_space<vmem>>[vector<16xi32>], vector<16xf32>,
      %get3A_634 = arith.index_cast %add3A_631 : i32 to index
      %get3A_635 = arith.constant 0 : index
      %get3A_636 = tpu.vector_load %arg40[%get3A_634, %get3A_635] {strides = array<i32>} : memref<80x128xf32, #tpu.memory_space<vmem>>, vector<16xf32>,
      %mul3A_637 = arith.mulf %get3A_636, %gather3A_633 : vector<16xf32>
      %swap3A_638 = arith.index_cast %add3A_631 : i32 to index
      %swap3A_639 = arith.constant 0 : index
      %swap3A_640 = tpu.vector_load %arg40[%swap3A_638, %swap3A_639] {strides = array<i32>} : memref<80x128xf32, #tpu.memory_space<vmem>>, vector<16xf32>,
      tpu.vector_store %arg40[%swap3A_638, %swap3A_639], %mul3A_637 {strides = array<i32>} : memref<80x128xf32, #tpu.memory_space<vmem>>, vector<16xf32>,
      %get3A_641 = arith.index_cast %add3A_631 : i32 to index
      %get3A_642 = arith.constant 16 : index
      %get3A_643 = tpu.vector_load %arg40[%get3A_641, %get3A_642] {strides = array<i32>} : memref<80x128xf32, #tpu.memory_space<vmem>>, vector<16xf32>,
      %mul3A_644 = arith.mulf %get3A_643, %gather3A_633 : vector<16xf32>
      %swap3A_645 = arith.index_cast %add3A_631 : i32 to index
      %swap3A_646 = arith.constant 16 : index
      %swap3A_647 = tpu.vector_load %arg40[%swap3A_645, %swap3A_646] {strides = array<i32>} : memref<80x128xf32, #tpu.memory_space<vmem>>, vector<16xf32>,
      tpu.vector_store %arg40[%swap3A_645, %swap3A_646], %mul3A_644 {strides = array<i32>} : memref<80x128xf32, #tpu.memory_space<vmem>>, vector<16xf32>,
      %get3A_648 = arith.index_cast %add3A_631 : i32 to index
      %get3A_649 = arith.constant 32 : index
      %get3A_650 = tpu.vector_load %arg40[%get3A_648, %get3A_649] {strides = array<i32>} : memref<80x128xf32, #tpu.memory_space<vmem>>, vector<16xf32>,
      %mul3A_651 = arith.mulf %get3A_650, %gather3A_633 : vector<16xf32>
      %swap3A_652 = arith.index_cast %add3A_631 : i32 to index
      %swap3A_653 = arith.constant 32 : index
      %swap3A_654 = tpu.vector_load %arg40[%swap3A_652, %swap3A_653] {strides = array<i32>} : memref<80x128xf32, #tpu.memory_space<vmem>>, vector<16xf32>,
      tpu.vector_store %arg40[%swap3A_652, %swap3A_653], %mul3A_651 {strides = array<i32>} : memref<80x128xf32, #tpu.memory_space<vmem>>, vector<16xf32>,
      %get3A_655 = arith.index_cast %add3A_631 : i32 to index
      %get3A_656 = arith.constant 48 : index
      %get3A_657 = tpu.vector_load %arg40[%get3A_655, %get3A_656] {strides = array<i32>} : memref<80x128xf32, #tpu.memory_space<vmem>>, vector<16xf32>,
      %mul3A_658 = arith.mulf %get3A_657, %gather3A_633 : vector<16xf32>
      %swap3A_659 = arith.index_cast %add3A_631 : i32 to index
      %swap3A_660 = arith.constant 48 : index
      %swap3A_661 = tpu.vector_load %arg40[%swap3A_659, %swap3A_660] {strides = array<i32>} : memref<80x128xf32, #tpu.memory_space<vmem>>, vector<16xf32>,
      tpu.vector_store %arg40[%swap3A_659, %swap3A_660], %mul3A_658 {strides = array<i32>} : memref<80x128xf32, #tpu.memory_space<vmem>>, vector<16xf32>,
      %get3A_662 = arith.index_cast %add3A_631 : i32 to index
      %get3A_663 = arith.constant 64 : index
      %get3A_664 = tpu.vector_load %arg40[%get3A_662, %get3A_663] {strides = array<i32>} : memref<80x128xf32, #tpu.memory_space<vmem>>, vector<16xf32>,
      %mul3A_665 = arith.mulf %get3A_664, %gather3A_633 : vector<16xf32>
      %swap3A_666 = arith.index_cast %add3A_631 : i32 to index
      %swap3A_667 = arith.constant 64 : index
      %swap3A_668 = tpu.vector_load %arg40[%swap3A_666, %swap3A_667] {strides = array<i32>} : memref<80x128xf32, #tpu.memory_space<vmem>>, vector<16xf32>,
      tpu.vector_store %arg40[%swap3A_666, %swap3A_667], %mul3A_665 {strides = array<i32>} : memref<80x128xf32, #tpu.memory_space<vmem>>, vector<16xf32>,
      %get3A_669 = arith.index_cast %add3A_631 : i32 to index
      %get3A_670 = arith.constant 80 : index
      %get3A_671 = tpu.vector_load %arg40[%get3A_669, %get3A_670] {strides = array<i32>} : memref<80x128xf32, #tpu.memory_space<vmem>>, vector<16xf32>,
      %mul3A_672 = arith.mulf %get3A_671, %gather3A_633 : vector<16xf32>
      %swap3A_673 = arith.index_cast %add3A_631 : i32 to index
      %swap3A_674 = arith.constant 80 : index
      %swap3A_675 = tpu.vector_load %arg40[%swap3A_673, %swap3A_674] {strides = array<i32>} : memref<80x128xf32, #tpu.memory_space<vmem>>, vector<16xf32>,
      tpu.vector_store %arg40[%swap3A_673, %swap3A_674], %mul3A_672 {strides = array<i32>} : memref<80x128xf32, #tpu.memory_space<vmem>>, vector<16xf32>,
      %get3A_676 = arith.index_cast %add3A_631 : i32 to index
      %get3A_677 = arith.constant 96 : index
      %get3A_678 = tpu.vector_load %arg40[%get3A_676, %get3A_677] {strides = array<i32>} : memref<80x128xf32, #tpu.memory_space<vmem>>, vector<16xf32>,
      %mul3A_679 = arith.mulf %get3A_678, %gather3A_633 : vector<16xf32>
      %swap3A_680 = arith.index_cast %add3A_631 : i32 to index
      %swap3A_681 = arith.constant 96 : index
      %swap3A_682 = tpu.vector_load %arg40[%swap3A_680, %swap3A_681] {strides = array<i32>} : memref<80x128xf32, #tpu.memory_space<vmem>>, vector<16xf32>,
      tpu.vector_store %arg40[%swap3A_680, %swap3A_681], %mul3A_679 {strides = array<i32>} : memref<80x128xf32, #tpu.memory_space<vmem>>, vector<16xf32>,
      %get3A_683 = arith.index_cast %add3A_631 : i32 to index
      %get3A_684 = arith.constant 112 : index
      %get3A_685 = tpu.vector_load %arg40[%get3A_683, %get3A_684] {strides = array<i32>} : memref<80x128xf32, #tpu.memory_space<vmem>>, vector<16xf32>,
      %mul3A_686 = arith.mulf %get3A_685, %gather3A_633 : vector<16xf32>
      %swap3A_687 = arith.index_cast %add3A_631 : i32 to index
      %swap3A_688 = arith.constant 112 : index
      %swap3A_689 = tpu.vector_load %arg40[%swap3A_687, %swap3A_688] {strides = array<i32>} : memref<80x128xf32, #tpu.memory_space<vmem>>, vector<16xf32>,
      tpu.vector_store %arg40[%swap3A_687, %swap3A_688], %mul3A_686 {strides = array<i32>} : memref<80x128xf32, #tpu.memory_space<vmem>>, vector<16xf32>,
      %add3A_690 = arith.constant 3 : i32
      %add3A_691 = arith.addi %mul3A_510, %add3A_690 : i32
      %broadcast_in_dim3A_692 = vector.broadcast %add3A_691 : i32 to vector<16xi32>
      %gather3A_693 = tpu.vector_load_idx %arg32[%broadcast_in_dim3A_692] : memref<80xf32, #tpu.memory_space<vmem>>[vector<16xi32>], vector<16xf32>,
      %get3A_694 = arith.index_cast %add3A_691 : i32 to index
      %get3A_695 = arith.constant 0 : index
      %get3A_696 = tpu.vector_load %arg40[%get3A_694, %get3A_695] {strides = array<i32>} : memref<80x128xf32, #tpu.memory_space<vmem>>, vector<16xf32>,
      %mul3A_697 = arith.mulf %get3A_696, %gather3A_693 : vector<16xf32>
      %swap3A_698 = arith.index_cast %add3A_691 : i32 to index
      %swap3A_699 = arith.constant 0 : index
      %swap3A_700 = tpu.vector_load %arg40[%swap3A_698, %swap3A_699] {strides = array<i32>} : memref<80x128xf32, #tpu.memory_space<vmem>>, vector<16xf32>,
      tpu.vector_store %arg40[%swap3A_698, %swap3A_699], %mul3A_697 {strides = array<i32>} : memref<80x128xf32, #tpu.memory_space<vmem>>, vector<16xf32>,
      %get3A_701 = arith.index_cast %add3A_691 : i32 to index
      %get3A_702 = arith.constant 16 : index
      %get3A_703 = tpu.vector_load %arg40[%get3A_701, %get3A_702] {strides = array<i32>} : memref<80x128xf32, #tpu.memory_space<vmem>>, vector<16xf32>,
      %mul3A_704 = arith.mulf %get3A_703, %gather3A_693 : vector<16xf32>
      %swap3A_705 = arith.index_cast %add3A_691 : i32 to index
      %swap3A_706 = arith.constant 16 : index
      %swap3A_707 = tpu.vector_load %arg40[%swap3A_705, %swap3A_706] {strides = array<i32>} : memref<80x128xf32, #tpu.memory_space<vmem>>, vector<16xf32>,
      tpu.vector_store %arg40[%swap3A_705, %swap3A_706], %mul3A_704 {strides = array<i32>} : memref<80x128xf32, #tpu.memory_space<vmem>>, vector<16xf32>,
      %get3A_708 = arith.index_cast %add3A_691 : i32 to index
      %get3A_709 = arith.constant 32 : index
      %get3A_710 = tpu.vector_load %arg40[%get3A_708, %get3A_709] {strides = array<i32>} : memref<80x128xf32, #tpu.memory_space<vmem>>, vector<16xf32>,
      %mul3A_711 = arith.mulf %get3A_710, %gather3A_693 : vector<16xf32>
      %swap3A_712 = arith.index_cast %add3A_691 : i32 to index
      %swap3A_713 = arith.constant 32 : index
      %swap3A_714 = tpu.vector_load %arg40[%swap3A_712, %swap3A_713] {strides = array<i32>} : memref<80x128xf32, #tpu.memory_space<vmem>>, vector<16xf32>,
      tpu.vector_store %arg40[%swap3A_712, %swap3A_713], %mul3A_711 {strides = array<i32>} : memref<80x128xf32, #tpu.memory_space<vmem>>, vector<16xf32>,
      %get3A_715 = arith.index_cast %add3A_691 : i32 to index
      %get3A_716 = arith.constant 48 : index
      %get3A_717 = tpu.vector_load %arg40[%get3A_715, %get3A_716] {strides = array<i32>} : memref<80x128xf32, #tpu.memory_space<vmem>>, vector<16xf32>,
      %mul3A_718 = arith.mulf %get3A_717, %gather3A_693 : vector<16xf32>
      %swap3A_719 = arith.index_cast %add3A_691 : i32 to index
      %swap3A_720 = arith.constant 48 : index
      %swap3A_721 = tpu.vector_load %arg40[%swap3A_719, %swap3A_720] {strides = array<i32>} : memref<80x128xf32, #tpu.memory_space<vmem>>, vector<16xf32>,
      tpu.vector_store %arg40[%swap3A_719, %swap3A_720], %mul3A_718 {strides = array<i32>} : memref<80x128xf32, #tpu.memory_space<vmem>>, vector<16xf32>,
      %get3A_722 = arith.index_cast %add3A_691 : i32 to index
      %get3A_723 = arith.constant 64 : index
      %get3A_724 = tpu.vector_load %arg40[%get3A_722, %get3A_723] {strides = array<i32>} : memref<80x128xf32, #tpu.memory_space<vmem>>, vector<16xf32>,
      %mul3A_725 = arith.mulf %get3A_724, %gather3A_693 : vector<16xf32>
      %swap3A_726 = arith.index_cast %add3A_691 : i32 to index
      %swap3A_727 = arith.constant 64 : index
      %swap3A_728 = tpu.vector_load %arg40[%swap3A_726, %swap3A_727] {strides = array<i32>} : memref<80x128xf32, #tpu.memory_space<vmem>>, vector<16xf32>,
      tpu.vector_store %arg40[%swap3A_726, %swap3A_727], %mul3A_725 {strides = array<i32>} : memref<80x128xf32, #tpu.memory_space<vmem>>, vector<16xf32>,
      %get3A_729 = arith.index_cast %add3A_691 : i32 to index
      %get3A_730 = arith.constant 80 : index
      %get3A_731 = tpu.vector_load %arg40[%get3A_729, %get3A_730] {strides = array<i32>} : memref<80x128xf32, #tpu.memory_space<vmem>>, vector<16xf32>,
      %mul3A_732 = arith.mulf %get3A_731, %gather3A_693 : vector<16xf32>
      %swap3A_733 = arith.index_cast %add3A_691 : i32 to index
      %swap3A_734 = arith.constant 80 : index
      %swap3A_735 = tpu.vector_load %arg40[%swap3A_733, %swap3A_734] {strides = array<i32>} : memref<80x128xf32, #tpu.memory_space<vmem>>, vector<16xf32>,
      tpu.vector_store %arg40[%swap3A_733, %swap3A_734], %mul3A_732 {strides = array<i32>} : memref<80x128xf32, #tpu.memory_space<vmem>>, vector<16xf32>,
      %get3A_736 = arith.index_cast %add3A_691 : i32 to index
      %get3A_737 = arith.constant 96 : index
      %get3A_738 = tpu.vector_load %arg40[%get3A_736, %get3A_737] {strides = array<i32>} : memref<80x128xf32, #tpu.memory_space<vmem>>, vector<16xf32>,
      %mul3A_739 = arith.mulf %get3A_738, %gather3A_693 : vector<16xf32>
      %swap3A_740 = arith.index_cast %add3A_691 : i32 to index
      %swap3A_741 = arith.constant 96 : index
      %swap3A_742 = tpu.vector_load %arg40[%swap3A_740, %swap3A_741] {strides = array<i32>} : memref<80x128xf32, #tpu.memory_space<vmem>>, vector<16xf32>,
      tpu.vector_store %arg40[%swap3A_740, %swap3A_741], %mul3A_739 {strides = array<i32>} : memref<80x128xf32, #tpu.memory_space<vmem>>, vector<16xf32>,
      %get3A_743 = arith.index_cast %add3A_691 : i32 to index
      %get3A_744 = arith.constant 112 : index
      %get3A_745 = tpu.vector_load %arg40[%get3A_743, %get3A_744] {strides = array<i32>} : memref<80x128xf32, #tpu.memory_space<vmem>>, vector<16xf32>,
      %mul3A_746 = arith.mulf %get3A_745, %gather3A_693 : vector<16xf32>
      %swap3A_747 = arith.index_cast %add3A_691 : i32 to index
      %swap3A_748 = arith.constant 112 : index
      %swap3A_749 = tpu.vector_load %arg40[%swap3A_747, %swap3A_748] {strides = array<i32>} : memref<80x128xf32, #tpu.memory_space<vmem>>, vector<16xf32>,
      tpu.vector_store %arg40[%swap3A_747, %swap3A_748], %mul3A_746 {strides = array<i32>} : memref<80x128xf32, #tpu.memory_space<vmem>>, vector<16xf32>,
    }
    %scan3A_479 = arith.constant 20 : i32
    %dma_start3A_480 = arith.constant 0 : i32
    %dma_start3A_481 = arith.constant 0 : i32
    %dma_start3A_482 = tpu.memref_slice %arg47[%dma_start3A_480, %dma_start3A_481] : memref<10240x128xf32, #tpu.memory_space<vmem_shared>> -> memref<10240x128xf32, #tpu.memory_space<vmem_shared>>
    tpu.enqueue_indirect_dma source(%arg40 : memref<80x128xf32, #tpu.memory_space<vmem>>) target(%dma_start3A_482 : memref<10240x128xf32, #tpu.memory_space<vmem_shared>>) offsets(%arg36 : memref<80xi32, #tpu.memory_space<vmem>>) semaphore(%arg57 : memref<!tpu.dma_semaphore, #tpu.memory_space<semaphore_mem>>) {add = true}
    %dma_start3A_483 = arith.constant 0 : i32
    %dma_start3A_484 = tpu.memref_slice %arg48[%dma_start3A_483] : memref<10240xf32, #tpu.memory_space<vmem_shared>> -> memref<10240xf32, #tpu.memory_space<vmem_shared>>
    tpu.enqueue_indirect_dma source(%arg32 : memref<80xf32, #tpu.memory_space<vmem>>) target(%dma_start3A_484 : memref<10240xf32, #tpu.memory_space<vmem_shared>>) offsets(%arg36 : memref<80xi32, #tpu.memory_space<vmem>>) semaphore(%arg57 : memref<!tpu.dma_semaphore, #tpu.memory_space<semaphore_mem>>) {add = true}
    %dma_wait3A_485 = arith.constant 0 : i32
    %dma_wait3A_486 = arith.constant 0 : i32
    %dma_wait3A_487 = tpu.memref_slice %arg47[%dma_wait3A_485, %dma_wait3A_486] : memref<10240x128xf32, #tpu.memory_space<vmem_shared>> -> memref<10240x128xf32, #tpu.memory_space<vmem_shared>>
    tpu.wait_indirect_dma semaphore(%arg60 : memref<!tpu.dma_semaphore, #tpu.memory_space<semaphore_mem>>) src(%arg43 : memref<80x128xf32, #tpu.memory_space<vmem>>) dst(%dma_wait3A_487 : memref<10240x128xf32, #tpu.memory_space<vmem_shared>>)
    %dma_wait3A_488 = arith.constant 0 : i32
    %dma_wait3A_489 = tpu.memref_slice %arg48[%dma_wait3A_488] : memref<10240xf32, #tpu.memory_space<vmem_shared>> -> memref<10240xf32, #tpu.memory_space<vmem_shared>>
    tpu.wait_indirect_dma semaphore(%arg60 : memref<!tpu.dma_semaphore, #tpu.memory_space<semaphore_mem>>) src(%arg35 : memref<80xf32, #tpu.memory_space<vmem>>) dst(%dma_wait3A_489 : memref<10240xf32, #tpu.memory_space<vmem_shared>>)
    %dma_wait3A_490 = arith.constant 0 : i32
    %dma_wait3A_491 = arith.constant 0 : i32
    %dma_wait3A_492 = tpu.memref_slice %arg47[%dma_wait3A_490, %dma_wait3A_491] : memref<10240x128xf32, #tpu.memory_space<vmem_shared>> -> memref<10240x128xf32, #tpu.memory_space<vmem_shared>>
    tpu.wait_indirect_dma semaphore(%arg57 : memref<!tpu.dma_semaphore, #tpu.memory_space<semaphore_mem>>) src(%arg40 : memref<80x128xf32, #tpu.memory_space<vmem>>) dst(%dma_wait3A_492 : memref<10240x128xf32, #tpu.memory_space<vmem_shared>>)
    %dma_wait3A_493 = arith.constant 0 : i32
    %dma_wait3A_494 = tpu.memref_slice %arg48[%dma_wait3A_493] : memref<10240xf32, #tpu.memory_space<vmem_shared>> -> memref<10240xf32, #tpu.memory_space<vmem_shared>>
    tpu.wait_indirect_dma semaphore(%arg57 : memref<!tpu.dma_semaphore, #tpu.memory_space<semaphore_mem>>) src(%arg32 : memref<80xf32, #tpu.memory_space<vmem>>) dst(%dma_wait3A_494 : memref<10240xf32, #tpu.memory_space<vmem_shared>>)
    %barrier3A_495 = arith.constant 0 : index
    tpu.barrier barrier_id(%barrier3A_495)
    %mul3A_496 = arith.constant 640 : i32
    %mul3A_497 = arith.muli %arg1, %mul3A_496 : i32
    %mul3A_498 = arith.constant 640 : i32
    %mul3A_499 = arith.muli %arg1, %mul3A_498 : i32
    "tpu.region"() ({
      %run_scoped3A_504 = tpu.sem_alloc : memref<!tpu.dma_semaphore, #tpu.memory_space<semaphore_mem>>
      %dma_start3A_505 = arith.constant 0 : i32
      %dma_start3A_506 = arith.constant 0 : i32
      %dma_start3A_507 = tpu.memref_slice %arg10[%arg0, %dma_start3A_505, %dma_start3A_506] : memref<2x10240x128xf32, #tpu.memory_space<hbm>> -> memref<1x10240x128xf32, #tpu.memory_space<hbm>>
      %dma_start3A_508 = tpu.memref_squeeze %dma_start3A_507 : memref<1x10240x128xf32, #tpu.memory_space<hbm>> -> memref<10240x128xf32, #tpu.memory_space<hbm>>
      %dma_start3A_509 = arith.constant 0 : i32
      %dma_start3A_510 = tpu.memref_slice %dma_start3A_508[%mul3A_499, %dma_start3A_509] : memref<10240x128xf32, #tpu.memory_space<hbm>> -> memref<640x128xf32, #tpu.memory_space<hbm>>
      %dma_start3A_511 = arith.constant 0 : i32
      %dma_start3A_512 = tpu.memref_slice %arg47[%mul3A_497, %dma_start3A_511] : memref<10240x128xf32, #tpu.memory_space<vmem_shared>> -> memref<640x128xf32, #tpu.memory_space<vmem_shared>>
      tpu.enqueue_dma source(%dma_start3A_512 : memref<640x128xf32, #tpu.memory_space<vmem_shared>>) target(%dma_start3A_510 : memref<640x128xf32, #tpu.memory_space<hbm>>) target_semaphore(%run_scoped3A_504 : memref<!tpu.dma_semaphore, #tpu.memory_space<semaphore_mem>>)
      %dma_wait3A_513 = arith.constant 0 : i32
      %dma_wait3A_514 = arith.constant 0 : i32
      %dma_wait3A_515 = tpu.memref_slice %arg10[%arg0, %dma_wait3A_513, %dma_wait3A_514] : memref<2x10240x128xf32, #tpu.memory_space<hbm>> -> memref<1x10240x128xf32, #tpu.memory_space<hbm>>
      %dma_wait3A_516 = tpu.memref_squeeze %dma_wait3A_515 : memref<1x10240x128xf32, #tpu.memory_space<hbm>> -> memref<10240x128xf32, #tpu.memory_space<hbm>>
      %dma_wait3A_517 = arith.constant 0 : i32
      %dma_wait3A_518 = tpu.memref_slice %dma_wait3A_516[%mul3A_499, %dma_wait3A_517] : memref<10240x128xf32, #tpu.memory_space<hbm>> -> memref<640x128xf32, #tpu.memory_space<hbm>>
      %dma_wait3A_519 = arith.constant 0 : i32
      %dma_wait3A_520 = tpu.memref_slice %arg47[%mul3A_497, %dma_wait3A_519] : memref<10240x128xf32, #tpu.memory_space<vmem_shared>> -> memref<640x128xf32, #tpu.memory_space<vmem_shared>>
      tpu.wait_dma2 semaphore(%run_scoped3A_504 : memref<!tpu.dma_semaphore, #tpu.memory_space<semaphore_mem>>) src(%dma_wait3A_520 : memref<640x128xf32, #tpu.memory_space<vmem_shared>>) dst(%dma_wait3A_518 : memref<640x128xf32, #tpu.memory_space<hbm>>)
      tpu.yield
    }) : () -> ()
    %mul3A_500 = arith.constant 640 : i32
    %mul3A_501 = arith.muli %arg1, %mul3A_500 : i32
    %mul3A_502 = arith.constant 640 : i32
    %mul3A_503 = arith.muli %arg1, %mul3A_502 : i32
    "tpu.region"() ({
      %run_scoped3A_504 = tpu.sem_alloc : memref<!tpu.dma_semaphore, #tpu.memory_space<semaphore_mem>>
      %dma_start3A_505 = arith.constant 0 : i32
      %dma_start3A_506 = tpu.memref_slice %arg11[%arg0, %dma_start3A_505] : memref<2x10240xf32, #tpu.memory_space<hbm>> -> memref<1x10240xf32, #tpu.memory_space<hbm>>
      %dma_start3A_507 = tpu.memref_squeeze %dma_start3A_506 : memref<1x10240xf32, #tpu.memory_space<hbm>> -> memref<10240xf32, #tpu.memory_space<hbm>>
      %dma_start3A_508 = tpu.memref_slice %dma_start3A_507[%mul3A_503] : memref<10240xf32, #tpu.memory_space<hbm>> -> memref<640xf32, #tpu.memory_space<hbm>>
      %dma_start3A_509 = tpu.memref_slice %arg48[%mul3A_501] : memref<10240xf32, #tpu.memory_space<vmem_shared>> -> memref<640xf32, #tpu.memory_space<vmem_shared>>
      tpu.enqueue_dma source(%dma_start3A_509 : memref<640xf32, #tpu.memory_space<vmem_shared>>) target(%dma_start3A_508 : memref<640xf32, #tpu.memory_space<hbm>>) target_semaphore(%run_scoped3A_504 : memref<!tpu.dma_semaphore, #tpu.memory_space<semaphore_mem>>)
      %dma_wait3A_510 = arith.constant 0 : i32
      %dma_wait3A_511 = tpu.memref_slice %arg11[%arg0, %dma_wait3A_510] : memref<2x10240xf32, #tpu.memory_space<hbm>> -> memref<1x10240xf32, #tpu.memory_space<hbm>>
      %dma_wait3A_512 = tpu.memref_squeeze %dma_wait3A_511 : memref<1x10240xf32, #tpu.memory_space<hbm>> -> memref<10240xf32, #tpu.memory_space<hbm>>
      %dma_wait3A_513 = tpu.memref_slice %dma_wait3A_512[%mul3A_503] : memref<10240xf32, #tpu.memory_space<hbm>> -> memref<640xf32, #tpu.memory_space<hbm>>
      %dma_wait3A_514 = tpu.memref_slice %arg48[%mul3A_501] : memref<10240xf32, #tpu.memory_space<vmem_shared>> -> memref<640xf32, #tpu.memory_space<vmem_shared>>
      tpu.wait_dma2 semaphore(%run_scoped3A_504 : memref<!tpu.dma_semaphore, #tpu.memory_space<semaphore_mem>>) src(%dma_wait3A_514 : memref<640xf32, #tpu.memory_space<vmem_shared>>) dst(%dma_wait3A_513 : memref<640xf32, #tpu.memory_space<hbm>>)
      tpu.yield
    }) : () -> ()
    return
  }
}

module attributes {stable_mosaic.version = 14 : i64} {
  func.func @_a1_body(%arg0: memref<10000x128xf32, #tpu.memory_space<vmem>>, %arg1: memref<128x128xf32, #tpu.memory_space<vmem>>, %arg2: memref<1x384xf32, #tpu.memory_space<vmem>>, %arg3: memref<10000x128xf32, #tpu.memory_space<vmem>>, %arg4: memref<1x10000xf32, #tpu.memory_space<vmem>>, %arg5: memref<1x10000xf32, #tpu.memory_space<vmem>>, %arg6: memref<1x16xf32, #tpu.memory_space<vmem>>) attributes {dimension_semantics = [], scalar_prefetch = 0 : i64, scratch_operands = 0 : i64, tpu.core_type = #tpu.core_type<tc>} {
    %get3A = arith.constant 0 : index
    %get3A_0 = arith.constant 0 : index
    %get3A_1 = vector.load %arg0[%get3A, %get3A_0] : memref<10000x128xf32, #tpu.memory_space<vmem>>, vector<10000x128xf32>
    %get3A_2 = arith.constant 0 : index
    %get3A_3 = arith.constant 0 : index
    %get3A_4 = vector.load %arg1[%get3A_2, %get3A_3] : memref<128x128xf32, #tpu.memory_space<vmem>>, vector<128x128xf32>
    %dot_general3A = arith.constant dense<0.000000e+00> : vector<10000x128xf32>
    %dot_general3A_5 = tpu.matmul %get3A_1, %get3A_4, %dot_general3A {dimension_numbers = #tpu.dot_dimension_numbers<[1], [1], [0], [0], [0, 0, 1, 0], [], []>, transpose_lhs_hint = false} : vector<10000x128xf32>, vector<128x128xf32>, vector<10000x128xf32> -> vector<10000x128xf32>
    %swap3A = arith.constant 0 : index
    %swap3A_6 = arith.constant 0 : index
    %swap3A_7 = vector.load %arg3[%swap3A, %swap3A_6] : memref<10000x128xf32, #tpu.memory_space<vmem>>, vector<10000x128xf32>
    tpu.vector_store %arg3[%swap3A, %swap3A_6], %dot_general3A_5 {strides = array<i32>} : memref<10000x128xf32, #tpu.memory_space<vmem>>, vector<10000x128xf32>,
    %get3A_8 = arith.constant 0 : index
    %get3A_9 = arith.constant 0 : index
    %get3A_10 = vector.load %arg2[%get3A_8, %get3A_9] : memref<1x384xf32, #tpu.memory_space<vmem>>, vector<1x128xf32>
    %get3A_11 = vector.shape_cast %get3A_10 : vector<1x128xf32> to vector<128xf32>
    %get3A_12 = arith.constant 0 : index
    %get3A_13 = arith.constant 128 : index
    %get3A_14 = vector.load %arg2[%get3A_12, %get3A_13] : memref<1x384xf32, #tpu.memory_space<vmem>>, vector<1x128xf32>
    %get3A_15 = vector.shape_cast %get3A_14 : vector<1x128xf32> to vector<128xf32>
    %dot_general3A_16 = arith.constant dense<0.000000e+00> : vector<10000xf32>
    %dot_general3A_17 = tpu.matmul %dot_general3A_5, %get3A_11, %dot_general3A_16 {dimension_numbers = #tpu.dot_dimension_numbers<[1], [0], [0], [], [0, 0], [], []>, transpose_lhs_hint = false} : vector<10000x128xf32>, vector<128xf32>, vector<10000xf32> -> vector<10000xf32>
    %dot_general3A_18 = arith.constant dense<0.000000e+00> : vector<10000xf32>
    %dot_general3A_19 = tpu.matmul %dot_general3A_5, %get3A_15, %dot_general3A_18 {dimension_numbers = #tpu.dot_dimension_numbers<[1], [0], [0], [], [0, 0], [], []>, transpose_lhs_hint = false} : vector<10000x128xf32>, vector<128xf32>, vector<10000xf32> -> vector<10000xf32>
    %swap3A_20 = arith.constant 0 : index
    %swap3A_21 = arith.constant 0 : index
    %swap3A_22 = vector.load %arg4[%swap3A_20, %swap3A_21] : memref<1x10000xf32, #tpu.memory_space<vmem>>, vector<1x10000xf32>
    %swap3A_23 = vector.shape_cast %swap3A_22 : vector<1x10000xf32> to vector<10000xf32>
    %swap3A_24 = vector.shape_cast %dot_general3A_17 : vector<10000xf32> to vector<1x10000xf32>
    tpu.vector_store %arg4[%swap3A_20, %swap3A_21], %swap3A_24 {strides = array<i32>} : memref<1x10000xf32, #tpu.memory_space<vmem>>, vector<1x10000xf32>,
    %swap3A_25 = arith.constant 0 : index
    %swap3A_26 = arith.constant 0 : index
    %swap3A_27 = vector.load %arg5[%swap3A_25, %swap3A_26] : memref<1x10000xf32, #tpu.memory_space<vmem>>, vector<1x10000xf32>
    %swap3A_28 = vector.shape_cast %swap3A_27 : vector<1x10000xf32> to vector<10000xf32>
    %swap3A_29 = vector.shape_cast %dot_general3A_19 : vector<10000xf32> to vector<1x10000xf32>
    tpu.vector_store %arg5[%swap3A_25, %swap3A_26], %swap3A_29 {strides = array<i32>} : memref<1x10000xf32, #tpu.memory_space<vmem>>, vector<1x10000xf32>,
    %reduce_max3A = vector.shape_cast %dot_general3A_17 : vector<10000xf32> to vector<1x10000xf32>
    %reduce_max3A_30 = arith.constant dense<0xFF800000> : vector<1xf32>
    %reduce_max3A_31 = vector.multi_reduction <maximumf>, %reduce_max3A, %reduce_max3A_30 [1] : vector<1x10000xf32> to vector<1xf32>
    %reduce_max3A_32 = vector.shape_cast %reduce_max3A_31 : vector<1xf32> to vector<1x1xf32>
    %reduce_max3A_33 = vector.extract %reduce_max3A_32[0, 0] : f32 from vector<1x1xf32>
    %reduce_max3A_34 = vector.shape_cast %dot_general3A_19 : vector<10000xf32> to vector<1x10000xf32>
    %reduce_max3A_35 = arith.constant dense<0xFF800000> : vector<1xf32>
    %reduce_max3A_36 = vector.multi_reduction <maximumf>, %reduce_max3A_34, %reduce_max3A_35 [1] : vector<1x10000xf32> to vector<1xf32>
    %reduce_max3A_37 = vector.shape_cast %reduce_max3A_36 : vector<1xf32> to vector<1x1xf32>
    %reduce_max3A_38 = vector.extract %reduce_max3A_37[0, 0] : f32 from vector<1x1xf32>
    %add3A = arith.addf %reduce_max3A_33, %reduce_max3A_38 : f32
    %broadcast_in_dim3A = vector.broadcast %add3A : f32 to vector<1x16xf32>
    %swap3A_39 = arith.constant 0 : index
    %swap3A_40 = arith.constant 0 : index
    %swap3A_41 = vector.load %arg6[%swap3A_39, %swap3A_40] : memref<1x16xf32, #tpu.memory_space<vmem>>, vector<1x16xf32>
    tpu.vector_store %arg6[%swap3A_39, %swap3A_40], %broadcast_in_dim3A {strides = array<i32>} : memref<1x16xf32, #tpu.memory_space<vmem>>, vector<1x16xf32>,
    return
  }
}

module attributes {stable_mosaic.version = 14 : i64} {
  func.func @_a2_body(%arg0: i32, %arg1: memref<8000x128xf32, #tpu.memory_space<vmem>>, %arg2: memref<128x16xf32, #tpu.memory_space<vmem>>, %arg3: memref<1x384xf32, #tpu.memory_space<vmem>>, %arg4: memref<8000x8xf32, #tpu.memory_space<vmem>>, %arg5: memref<1x8x128xf32, #tpu.memory_space<vmem>>) attributes {dimension_semantics = [#tpu.dimension_semantics<arbitrary>], iteration_bounds = array<i64: 5>, scalar_prefetch = 0 : i64, scratch_operands = 0 : i64, tpu.core_type = #tpu.core_type<tc>, window_params = [{transform_indices = @transform_0, window_bounds = array<i64: 8000, 128>}, {pipeline_mode = #tpu.pipeline_mode<synchronous>, transform_indices = @transform_1, window_bounds = array<i64: 128, 16>}, {pipeline_mode = #tpu.pipeline_mode<synchronous>, transform_indices = @transform_2, window_bounds = array<i64: 1, 384>}, {transform_indices = @transform_3, window_bounds = array<i64: 8000, 8>}, {transform_indices = @transform_4, window_bounds = array<i64: 1, 8, 128>}]} {
    %get3A = arith.constant 0 : index
    %get3A_0 = arith.constant 256 : index
    %get3A_1 = vector.load %arg3[%get3A, %get3A_0] : memref<1x384xf32, #tpu.memory_space<vmem>>, vector<1x128xf32>
    %get3A_2 = vector.shape_cast %get3A_1 : vector<1x128xf32> to vector<128xf32>
    %get3A_3 = arith.constant 0 : index
    %get3A_4 = arith.constant 0 : index
    %get3A_5 = vector.load %arg2[%get3A_3, %get3A_4] : memref<128x16xf32, #tpu.memory_space<vmem>>, vector<128x16xf32>
    %dot_general3A = arith.constant dense<0.000000e+00> : vector<16xf32>
    %dot_general3A_6 = tpu.matmul %get3A_2, %get3A_5, %dot_general3A {dimension_numbers = #tpu.dot_dimension_numbers<[0], [0], [], [1], [1, 1], [], []>, transpose_lhs_hint = false} : vector<128xf32>, vector<128x16xf32>, vector<16xf32> -> vector<16xf32>
    %iota3A = tpu.iota {dimensions = array<i32: 1>} : vector<16x128xi32>
    %jit3A = arith.constant 16 : i32
    %eq3A = arith.constant 0 : i32
    %eq3A_7 = arith.cmpi eq, %jit3A, %eq3A : i32
    %jit3A_8 = arith.constant 1 : i32
    %select_n3A = arith.select %eq3A_7, %jit3A_8, %jit3A : i32
    %rem3A = vector.broadcast %select_n3A : i32 to vector<16x128xi32>
    %rem3A_9 = arith.remsi %iota3A, %rem3A : vector<16x128xi32>
    %ne3A = arith.constant 0 : i32
    %ne3A_10 = vector.broadcast %ne3A : i32 to vector<16x128xi32>
    %ne3A_11 = arith.cmpi ne, %rem3A_9, %ne3A_10 : vector<16x128xi32>
    %lt3A = arith.constant 0 : i32
    %lt3A_12 = vector.broadcast %lt3A : i32 to vector<16x128xi32>
    %lt3A_13 = arith.cmpi slt, %rem3A_9, %lt3A_12 : vector<16x128xi32>
    %lt3A_14 = arith.constant 0 : i32
    %lt3A_15 = arith.cmpi slt, %select_n3A, %lt3A_14 : i32
    %ne3A_16 = vector.broadcast %lt3A_15 : i1 to vector<16x128xi1>
    %ne3A_17 = vector.broadcast %ne3A_16 : vector<16x128xi1> to vector<16x128xi1>
    %ne3A_18 = arith.xori %lt3A_13, %ne3A_17 : vector<16x128xi1>
    %and3A = arith.andi %ne3A_18, %ne3A_11 : vector<16x128xi1>
    %add3A = vector.broadcast %select_n3A : i32 to vector<16x128xi32>
    %add3A_19 = arith.addi %rem3A_9, %add3A : vector<16x128xi32>
    %select_n3A_20 = arith.select %and3A, %add3A_19, %rem3A_9 : vector<16x128xi1>, vector<16x128xi32>
    %iota3A_21 = tpu.iota {dimensions = array<i32: 0>} : vector<16x128xi32>
    %eq3A_22 = arith.cmpi eq, %select_n3A_20, %iota3A_21 : vector<16x128xi32>
    %convert_element_type3A = arith.extui %eq3A_22 : vector<16x128xi1> to vector<16x128xi32>
    %convert_element_type3A_23 = arith.sitofp %convert_element_type3A : vector<16x128xi32> to vector<16x128xf32>
    %dot_general3A_24 = arith.constant dense<0.000000e+00> : vector<128xf32>
    %dot_general3A_25 = tpu.matmul %dot_general3A_6, %convert_element_type3A_23, %dot_general3A_24 {dimension_numbers = #tpu.dot_dimension_numbers<[0], [0], [], [1], [1, 1], [], []>, transpose_lhs_hint = false} : vector<16xf32>, vector<16x128xf32>, vector<128xf32> -> vector<128xf32>
    %iota3A_26 = tpu.iota {dimensions = array<i32: 0>} : vector<128x8xi32>
    %iota3A_27 = tpu.iota {dimensions = array<i32: 1>} : vector<128x8xi32>
    %jit3A_28 = arith.constant 16 : i32
    %div3A = vector.broadcast %jit3A_28 : i32 to vector<128x8xi32>
    %div3A_29 = arith.divsi %iota3A_26, %div3A : vector<128x8xi32>
    %sign3A = arith.constant 0 : i32
    %sign3A_30 = vector.broadcast %sign3A : i32 to vector<128x8xi32>
    %sign3A_31 = arith.cmpi sgt, %iota3A_26, %sign3A_30 : vector<128x8xi32>
    %sign3A_32 = arith.extui %sign3A_31 : vector<128x8xi1> to vector<128x8xi32>
    %sign3A_33 = arith.constant 0 : i32
    %sign3A_34 = vector.broadcast %sign3A_33 : i32 to vector<128x8xi32>
    %sign3A_35 = arith.cmpi slt, %iota3A_26, %sign3A_34 : vector<128x8xi32>
    %sign3A_36 = arith.extui %sign3A_35 : vector<128x8xi1> to vector<128x8xi32>
    %sign3A_37 = arith.subi %sign3A_32, %sign3A_36 : vector<128x8xi32>
    %sign3A_38 = arith.constant 0 : i32
    %sign3A_39 = arith.cmpi sgt, %jit3A_28, %sign3A_38 : i32
    %sign3A_40 = arith.extui %sign3A_39 : i1 to i32
    %sign3A_41 = arith.constant 0 : i32
    %sign3A_42 = arith.cmpi slt, %jit3A_28, %sign3A_41 : i32
    %sign3A_43 = arith.extui %sign3A_42 : i1 to i32
    %sign3A_44 = arith.subi %sign3A_40, %sign3A_43 : i32
    %ne3A_45 = vector.broadcast %sign3A_44 : i32 to vector<128x8xi32>
    %ne3A_46 = arith.cmpi ne, %sign3A_37, %ne3A_45 : vector<128x8xi32>
    %rem3A_47 = vector.broadcast %jit3A_28 : i32 to vector<128x8xi32>
    %rem3A_48 = arith.remsi %iota3A_26, %rem3A_47 : vector<128x8xi32>
    %ne3A_49 = arith.constant 0 : i32
    %ne3A_50 = vector.broadcast %ne3A_49 : i32 to vector<128x8xi32>
    %ne3A_51 = arith.cmpi ne, %rem3A_48, %ne3A_50 : vector<128x8xi32>
    %and3A_52 = arith.andi %ne3A_46, %ne3A_51 : vector<128x8xi1>
    %sub3A = arith.constant 1 : i32
    %sub3A_53 = vector.broadcast %sub3A : i32 to vector<128x8xi32>
    %sub3A_54 = arith.subi %div3A_29, %sub3A_53 : vector<128x8xi32>
    %select_n3A_55 = arith.select %and3A_52, %sub3A_54, %div3A_29 : vector<128x8xi1>, vector<128x8xi32>
    %eq3A_56 = arith.cmpi eq, %select_n3A_55, %iota3A_27 : vector<128x8xi32>
    %convert_element_type3A_57 = arith.extui %eq3A_56 : vector<128x8xi1> to vector<128x8xi32>
    %convert_element_type3A_58 = arith.sitofp %convert_element_type3A_57 : vector<128x8xi32> to vector<128x8xf32>
    %get3A_59 = arith.constant 0 : index
    %get3A_60 = arith.constant 0 : index
    %get3A_61 = vector.load %arg1[%get3A_59, %get3A_60] : memref<8000x128xf32, #tpu.memory_space<vmem>>, vector<8000x128xf32>
    %broadcast_in_dim3A = vector.shape_cast %dot_general3A_25 : vector<128xf32> to vector<1x128xf32>
    %mul3A = vector.broadcast %broadcast_in_dim3A : vector<1x128xf32> to vector<8000x128xf32>
    %mul3A_62 = arith.mulf %get3A_61, %mul3A : vector<8000x128xf32>
    %dot_general3A_63 = arith.constant dense<0.000000e+00> : vector<8000x8xf32>
    %dot_general3A_64 = tpu.matmul %mul3A_62, %convert_element_type3A_58, %dot_general3A_63 {dimension_numbers = #tpu.dot_dimension_numbers<[1], [0], [0], [1], [0, 0, 1, 1], [], []>, transpose_lhs_hint = false} : vector<8000x128xf32>, vector<128x8xf32>, vector<8000x8xf32> -> vector<8000x8xf32>
    %swap3A = arith.constant 0 : index
    %swap3A_65 = arith.constant 0 : index
    %swap3A_66 = vector.load %arg4[%swap3A, %swap3A_65] : memref<8000x8xf32, #tpu.memory_space<vmem>>, vector<8000x8xf32>
    tpu.vector_store %arg4[%swap3A, %swap3A_65], %dot_general3A_64 {strides = array<i32>} : memref<8000x8xf32, #tpu.memory_space<vmem>>, vector<8000x8xf32>,
    %reduce_max3A = vector.shape_cast %dot_general3A_64 : vector<8000x8xf32> to vector<1x8000x8xf32>
    %reduce_max3A_67 = arith.constant dense<0xFF800000> : vector<1xf32>
    %reduce_max3A_68 = vector.multi_reduction <maximumf>, %reduce_max3A, %reduce_max3A_67 [1, 2] : vector<1x8000x8xf32> to vector<1xf32>
    %reduce_max3A_69 = vector.shape_cast %reduce_max3A_68 : vector<1xf32> to vector<1x1x1xf32>
    %reduce_max3A_70 = vector.extract %reduce_max3A_69[0, 0, 0] : f32 from vector<1x1x1xf32>
    %broadcast_in_dim3A_71 = vector.broadcast %reduce_max3A_70 : f32 to vector<1x8x128xf32>
    %swap3A_72 = arith.constant 0 : index
    %swap3A_73 = arith.constant 0 : index
    %swap3A_74 = arith.constant 0 : index
    %swap3A_75 = vector.load %arg5[%swap3A_72, %swap3A_73, %swap3A_74] : memref<1x8x128xf32, #tpu.memory_space<vmem>>, vector<1x8x128xf32>
    tpu.vector_store %arg5[%swap3A_72, %swap3A_73, %swap3A_74], %broadcast_in_dim3A_71 {strides = array<i32>} : memref<1x8x128xf32, #tpu.memory_space<vmem>>, vector<1x8x128xf32>,
    return
  }
  func.func @transform_0(%arg0: i32) -> (i32, i32) {
    %c0_i32 = arith.constant 0 : i32
    %c0_i32_0 = arith.constant 0 : i32
    return %arg0, %c0_i32 : i32, i32
  }
  func.func @transform_1(%arg0: i32) -> (i32, i32) {
    %c0_i32 = arith.constant 0 : i32
    %c0_i32_0 = arith.constant 0 : i32
    %c0_i32_1 = arith.constant 0 : i32
    return %c0_i32, %c0_i32_0 : i32, i32
  }
  func.func @transform_2(%arg0: i32) -> (i32, i32) {
    %c0_i32 = arith.constant 0 : i32
    %c0_i32_0 = arith.constant 0 : i32
    %c0_i32_1 = arith.constant 0 : i32
    return %c0_i32, %c0_i32_0 : i32, i32
  }
  func.func @transform_3(%arg0: i32) -> (i32, i32) {
    %c0_i32 = arith.constant 0 : i32
    %c0_i32_0 = arith.constant 0 : i32
    return %arg0, %c0_i32 : i32, i32
  }
  func.func @transform_4(%arg0: i32) -> (i32, i32, i32) {
    %c0_i32 = arith.constant 0 : i32
    %c0_i32_0 = arith.constant 0 : i32
    %c0_i32_1 = arith.constant 0 : i32
    return %arg0, %c0_i32, %c0_i32_0 : i32, i32, i32
  }
}

module attributes {stable_mosaic.version = 14 : i64} {
  func.func @_c_body(%arg0: memref<2x10240x128xf32, #tpu.memory_space<vmem>>, %arg1: memref<2x10240x1xf32, #tpu.memory_space<vmem>>, %arg2: memref<10000x128xf32, #tpu.memory_space<vmem>>) attributes {dimension_semantics = [], scalar_prefetch = 0 : i64, scratch_operands = 0 : i64, tpu.core_type = #tpu.core_type<tc>} {
    %get3A = arith.constant 0 : index
    %get3A_0 = arith.constant 0 : index
    %get3A_1 = arith.constant 0 : index
    %get3A_2 = vector.load %arg0[%get3A, %get3A_0, %get3A_1] : memref<2x10240x128xf32, #tpu.memory_space<vmem>>, vector<1x10240x128xf32>
    %get3A_3 = vector.shape_cast %get3A_2 : vector<1x10240x128xf32> to vector<10240x128xf32>
    %get3A_4 = arith.constant 1 : index
    %get3A_5 = arith.constant 0 : index
    %get3A_6 = arith.constant 0 : index
    %get3A_7 = vector.load %arg0[%get3A_4, %get3A_5, %get3A_6] : memref<2x10240x128xf32, #tpu.memory_space<vmem>>, vector<1x10240x128xf32>
    %get3A_8 = vector.shape_cast %get3A_7 : vector<1x10240x128xf32> to vector<10240x128xf32>
    %add3A = arith.addf %get3A_3, %get3A_8 : vector<10240x128xf32>
    %get3A_9 = arith.constant 0 : index
    %get3A_10 = arith.constant 0 : index
    %get3A_11 = arith.constant 0 : index
    %get3A_12 = vector.load %arg1[%get3A_9, %get3A_10, %get3A_11] : memref<2x10240x1xf32, #tpu.memory_space<vmem>>, vector<1x10240x1xf32>
    %get3A_13 = vector.shape_cast %get3A_12 : vector<1x10240x1xf32> to vector<10240x1xf32>
    %get3A_14 = arith.constant 1 : index
    %get3A_15 = arith.constant 0 : index
    %get3A_16 = arith.constant 0 : index
    %get3A_17 = vector.load %arg1[%get3A_14, %get3A_15, %get3A_16] : memref<2x10240x1xf32, #tpu.memory_space<vmem>>, vector<1x10240x1xf32>
    %get3A_18 = vector.shape_cast %get3A_17 : vector<1x10240x1xf32> to vector<10240x1xf32>
    %add3A_19 = arith.addf %get3A_13, %get3A_18 : vector<10240x1xf32>
    %add3A_20 = arith.constant 1.000000e-16 : f32
    %add3A_21 = vector.broadcast %add3A_20 : f32 to vector<10240x1xf32>
    %add3A_22 = arith.addf %add3A_19, %add3A_21 : vector<10240x1xf32>
    %div3A = vector.broadcast %add3A_22 : vector<10240x1xf32> to vector<10240x128xf32>
    %div3A_23 = arith.divf %add3A, %div3A : vector<10240x128xf32>
    %slice3A = vector.extract_strided_slice %div3A_23 {offsets = [0, 0], sizes = [10000, 128], strides = [1, 1]} : vector<10240x128xf32> to vector<10000x128xf32>
    %swap3A = arith.constant 0 : index
    %swap3A_24 = arith.constant 0 : index
    %swap3A_25 = vector.load %arg2[%swap3A, %swap3A_24] : memref<10000x128xf32, #tpu.memory_space<vmem>>, vector<10000x128xf32>
    tpu.vector_store %arg2[%swap3A, %swap3A_24], %slice3A {strides = array<i32>} : memref<10000x128xf32, #tpu.memory_space<vmem>>, vector<10000x128xf32>,
    return
  }
}

</mosaic_0001>

<sc_bundles>
// kernel: kernel.6.cloned.1.call-start
scs
__scs_entry_jumppad:
0x0: {  	(pc) =	sbr.rel $0x88, $3  }
0x1: {  	(tag) =	ssettag $0x0;
	lr =	simm.s32 $0x1  }
0x2: {  	[smem:$0x3F9B] =	sst lr;
	_ =	strace $0xD0000000  }
0x3: {  	_ = 	snop  }
0x4: {  	_ = 	snop  }
0x5: {  	_ = 	snop  }
0x6: {  	_ = 	snop  }
0x7: {  	_ = 	snop  }
__scs_overlays_trampoline_lowered:
0x8: {  	[smem:$0x3FAA] =	sst s0  }
0x9: {  	[smem:$0x3FAB] =	sst s1  }
0xa: {  	[smem:$0x3FAC] =	sst s2  }
0xb: {  	[smem:$0x3FAD] =	sst s3  }
0xc: {  	[smem:$0x3FAE] =	sst s4  }
0xd: {  	[smem:$0x3FAF] =	sst s5  }
0xe: {  	[smem:$0x3FB0] =	sst s6  }
0xf: {  	[smem:$0x3FB1] =	sst s7  }
0x10: {  	[smem:$0x3FB2] =	sst s8  }
0x11: {  	[smem:$0x3FB3] =	sst s9;
	s0 =	simm.s32 @!p0 $0x0  }
0x12: {  	s1 =	sld [smem:$0x3F99];
	s0 =	simm.s32 @p0 $0x1  }
0x13: {  	[smem:$0x3FB4] =	sst s0;
	s0 =	simm.s32 @!p1 $0x0  }
0x14: {  	s2 =	sld [smem:$0x3F98];
	s0 =	simm.s32 @p1 $0x1  }
0x15: {  	[smem:$0x3FB5] =	sst s0;
	s0 =	simm.s32 @!p2 $0x0  }
0x16: {  	s3 =	sld [smem:$0x3FDB];
	s0 =	simm.s32 @p2 $0x1  }
0x17: {  	s4 =	simm.s32 $0x1BF5;
	[smem:$0x3FB7] =	sst s0  }
0x18: {  	s0 =	sld [smem:$0x3F9A];
	_ =	swait.ge [sflag:s4], $0x0  }
0x19: {  	s7 =	sld [smem:$0x3F9B]  }
0x1a: {  	s8 =	sadd.s32 $0xFFFFE003, lr  }
0x1b: {  	s9 =	sadd.s32 $0xFFFFFEF7, lr;
	s5 =	simm.s32 $0xFFFFFFFF;
	p2 =	slt.u32 s8, $0xFFFFF086  }
0x1c: {  	p1 =	slt.u32 s9, $0xF7A;
	s5 =	simm.s32 @!p2 $0x0  }
0x1d: {  	s5 =	simm.s32 @p1 $0x1;
	p0 =	seq.s32 s7, s2  }
0x1e: {  	s7 =	smul.u32 @!p0 $0xF7A, s2;
	p2 =	seq.s32 @!p0 s5, $0x0  }
0x1f: {  	s9 =	smul.u32 $0xF7A, s1;
	s8 =	simm.s32 @!p0 $0x1BF5;
	p2 =	por !p2, p0  }
0x20: {  	[sflag:s8] =	ssyncset.s32 @!p0 $0xFFFFF086;
	s6 =	sadd.s32 @!p0 s3, s7;
	s7 =	simm.s32 @!p0 $0x108  }
0x21: {  	s3 =	sadd.s32 s3, s9;
	s6 =	sadd.s32 @!p0 $0x88, s6;
	s7 =	simm.s32 @p2 $0x1082  }
0x22: {  	[simem:s7], [sflag:s8] =	dma.local @!p0 [hbm:s6], $0xF7A  }
0x23: {  	s9 =	sor.u32 $0xD0000000, s2;
	s6 =	simm.s32 $0x108;
	_ =	swait.ge @!p0 [sflag:s8], $0x0  }
0x24: {  	s3 =	sadd.s32 $0x88, s3;
	s6 =	simm.s32 @!p1 $0x1082;
	[sflag:s4] =	ssyncset.s32 $0xFFFFF086  }
0x25: {  	[simem:s6], [sflag:s4] =	dma.local [hbm:s3], $0xF7A  }
0x26: {  	[smem:$0x3F9B] =	sst s1;
	(tag) =	ssettag s2;
	_ =	strace s9  }
0x27: {  	s1 =	sld [smem:$0x3FAB]  }
0x28: {  	s2 =	sld [smem:$0x3FAC]  }
0x29: {  	s4 =	sld [smem:$0x3FAE]  }
0x2a: {  	p0 =	seq.s32 s5, $0x0;
	s5 =	sld [smem:$0x3FAF]  }
0x2b: {  	s6 =	sld [smem:$0x3FB0]  }
0x2c: {  	s7 =	sld [smem:$0x3FB1]  }
0x2d: {  	s3 =	simm.s32 $0x108;
	s8 =	sld [smem:$0x3FB2]  }
0x2e: {  	s3 =	simm.s32 @!p0 $0x1082;
	s9 =	sld [smem:$0x3FB3]  }
0x2f: {  	lr =	sadd.s32 s0, s3;
	s0 =	sld [smem:$0x3FAA]  }
0x30: {  	s3 =	sld [smem:$0x3FAD]  }
0x31: {  	[smem:$0x3FB6] =	sst s10  }
0x32: {  	s10 =	sld [smem:$0x3FB4];
	_ =	sdelay $0x3  }
0x33: {  	p0 =	seq.s32 s10, $0x1;
	s10 =	sld [smem:$0x3FB6];
	_ =	sdelay $0x3  }
0x34: {  	[smem:$0x3FB6] =	sst s10  }
0x35: {  	s10 =	sld [smem:$0x3FB5];
	_ =	sdelay $0x3  }
0x36: {  	p1 =	seq.s32 s10, $0x1;
	s10 =	sld [smem:$0x3FB6];
	_ =	sdelay $0x3  }
0x37: {  	[smem:$0x3FB6] =	sst s10  }
0x38: {  	s10 =	sld [smem:$0x3FB7]  }
0x39: {  	_ = 	snop;
	(pc) =	sbr.ind lr, $3  }
0x3a: {  	_ = 	snop  }
0x3b: {  	_ = 	snop  }
0x3c: {  	p2 =	seq.s32 s10, $0x1;
	s10 =	sld [smem:$0x3FB6]  }
0x3d: {  	_ =	shalt  }
0x3e: {  	_ =	shalt  }
0x3f: {  	_ =	shalt  }
0x40: {  	_ =	shalt  }
0x41: {  	_ =	shalt  }
0x42: {  	_ =	shalt  }
0x43: {  	_ =	shalt  }
0x44: {  	_ =	shalt  }
0x45: {  	_ =	shalt  }
0x46: {  	_ =	shalt  }
0x47: {  	_ =	shalt  }
0x48: {  	_ =	shalt  }
0x49: {  	_ =	shalt  }
0x4a: {  	_ =	shalt  }
0x4b: {  	_ =	shalt  }
0x4c: {  	_ =	shalt  }
0x4d: {  	_ =	shalt  }
0x4e: {  	_ =	shalt  }
0x4f: {  	_ =	shalt  }
0x50: {  	_ =	shalt  }
0x51: {  	_ =	shalt  }
0x52: {  	_ =	shalt  }
0x53: {  	_ =	shalt  }
0x54: {  	_ =	shalt  }
0x55: {  	_ =	shalt  }
0x56: {  	_ =	shalt  }
0x57: {  	_ =	shalt  }
0x58: {  	_ =	shalt  }
0x59: {  	_ =	shalt  }
0x5a: {  	_ =	shalt  }
0x5b: {  	_ =	shalt  }
0x5c: {  	_ =	shalt  }
0x5d: {  	_ =	shalt  }
0x5e: {  	_ =	shalt  }
0x5f: {  	_ =	shalt  }
0x60: {  	_ =	shalt  }
0x61: {  	_ =	shalt  }
0x62: {  	_ =	shalt  }
0x63: {  	_ =	shalt  }
0x64: {  	_ =	shalt  }
0x65: {  	_ =	shalt  }
0x66: {  	_ =	shalt  }
0x67: {  	_ =	shalt  }
0x68: {  	_ =	shalt  }
0x69: {  	_ =	shalt  }
0x6a: {  	_ =	shalt  }
0x6b: {  	_ =	shalt  }
0x6c: {  	_ =	shalt  }
0x6d: {  	_ =	shalt  }
0x6e: {  	_ =	shalt  }
0x6f: {  	_ =	shalt  }
0x70: {  	_ =	shalt  }
0x71: {  	_ =	shalt  }
0x72: {  	_ =	shalt  }
0x73: {  	_ =	shalt  }
0x74: {  	_ =	shalt  }
0x75: {  	_ =	shalt  }
0x76: {  	_ =	shalt  }
0x77: {  	_ =	shalt  }
0x78: {  	_ =	shalt  }
0x79: {  	_ =	shalt  }
0x7a: {  	_ =	shalt  }
0x7b: {  	_ =	shalt  }
0x7c: {  	_ =	shalt  }
0x7d: {  	_ =	shalt  }
0x7e: {  	_ =	shalt  }
0x7f: {  	_ =	shalt  }
0x80: {  	_ =	shalt  }
0x81: {  	_ =	shalt  }
0x82: {  	_ =	shalt  }
0x83: {  	_ =	shalt  }
0x84: {  	_ =	shalt  }
0x85: {  	_ =	shalt  }
0x86: {  	_ =	shalt  }
0x87: {  	_ =	shalt  }
.Lfunc_end0:
.L_simem_size_0:
called_computation_lowered:
.L_overlay_start_0:
0x88: {  	s2 =	sld [smem:$0x3FD9]  }
0x89: {  	s3 =	sld [smem:$0x3FFE];
	_ =	sdelay $0x1  }
0x8a: {  	s1 =	srdreg.scid  }
0x8b: {  	s0 =	sand.u32 $0x1, s1  }
0x8c: {  	s17 =	sshll.u32 s0, $0xA;
	s2 =	sadd.s32 s3, s2  }
0x8d: {  	s2 =	sadd.s32 s2, s17  }
0x8e: {  	[smem:$0x3FC2] =	sst s2  }
0x8f: {  	_ = 	snop  }
0x90: {  	s2 =	sld [smem:$0x3FD0];
	(tm) =	ssettm $0x1  }
0x91: {  	s18 =	sld [smem:$0x3FFB];
	_ =	sdelay $0x3  }
0x92: {  	_ =	strace s18  }
0x93: {  	s3 =	sld [smem:$0x3FFC];
	_ =	sdelay $0x3  }
0x94: {  	_ =	strace s3  }
0x95: {  	s3 =	sld [smem:$0x3FFD];
	_ =	sdelay $0x3  }
0x96: {  	_ =	strace s3  }
0x97: {  	_ =	strace $0x8FFFFFFF  }
0x98: {  	s19 =	sld [smem:$0x3FDB];
	_ =	sdelay $0x1  }
0x99: {  	s4 =	simm.s32 $_scs_section_size  }
0x9a: {  	s5 =	simm.s32 $_size__tile_overlayer_lowered;
	s6 =	simm.s32 $_tile_overlayer_lowered  }
0x9b: {  	s22 =	simm.s32 $0x1BFF;
	s21 =	sshll.u32 s6, $0x1;
	s3 =	sadd.s32 s4, s19  }
0x9c: {  	s7 =	simm.s32 $0x0;
	s20 =	sshll.u32 s5, $0x1;
	s5 =	sadd.s32 s21, s3  }
0x9d: {  	[timem:s7], [sflag:s22] =	dma.local [hbm:s5], s20  }
0x9e: {  	_ =	swait.ge [sflag:s22], s20  }
0x9f: {  	s4 =	ssub.s32 $0x0, s20;
	[sflag:s22] =	ssyncset.done $0x0  }
0xa0: {  	[sflag:s22] =	ssyncadd.s32 s4;
	_ =	sdelay $0x1  }
0xa1: {  	s23 =	simm.s32 $0x1B8B  }
0xa2: {  	_ =	swait.ge [sflag:s23], $0x1  }
0xa3: {  	[sflag:s23] =	ssyncset.done $0x0  }
0xa4: {  	s25 =	simm.s32 $0x1B8E;
	s24 =	sld [smem:$0x3FFE];
	[sflag:s23] =	ssyncadd.s32 $0xFFFFFFFF  }
0xa5: {  	s26 =	simm.s32 $execute0_lowered;
	[smem:$0x3FD2] =	sst s25  }
0xa6: {  	s5 =	sshll.u32 s26, $0x1;
	_ =	strace $0x80000046;
	[dreg:$0x1] =	wrdreg $0xFFFFFFFF  }
0xa7: {  	s28 =	simm.s32 $_size_execute0_lowered;
	s3 =	sadd.s32 s3, s5;
	[dreg:$0x0] =	wrdreg $0x0  }
0xa8: {  	s5 =	sshll.u32 s28, $0x1;
	[dreg:$0x2] =	wrdreg s3  }
0xa9: {  	[dreg:$0x3] =	wrdreg s5  }
0xaa: {  	[dreg:$0x4] =	wrdreg $0xC0  }
0xab: {  	_ =	task [dreg:s7], $0x5FFFF  }
0xac: {  	[dreg:$0x1] =	wrdreg $0xFFFFFFFF  }
0xad: {  	[dreg:$0x0] =	wrdreg $0x60  }
0xae: {  	[dreg:$0x2] =	wrdreg s2  }
0xaf: {  	[dreg:$0x3] =	wrdreg s24  }
0xb0: {  	[dreg:$0x4] =	wrdreg $0xB3000  }
0xb1: {  	[dreg:$0x5] =	wrdreg $0x1F3000  }
0xb2: {  	[dreg:$0x6] =	wrdreg $0x9  }
0xb3: {  	_ =	task.clear_ibuf [dreg:s7], $0x7FFFF;
	_ =	strace $0x90000046  }
0xb4: {  	s29 =	simm.s32 $0x9;
	_ =	strace $0x80000048  }
0xb5: {  	_ =	swait.ge [sflag:s29], $0x1  }
0xb6: {  	[sflag:s29] =	ssyncadd.s32 $0xFFFFFFFF  }
0xb7: {  	_ =	strace $0x90000048  }
0xb8: {  	_ =	sfence  }
0xb9: {  	s30 =	sld [smem:$0x0];
	_ =	sdelay $0x2  }
0xba: {  	s31 =	sshll.u32 s1, $0xD;
	s1 =	sshrl.u32 s1, $0x2  }
0xbb: {  	s3 =	sand.u32 $0x4000, s31;
	s1 =	sadd.s32 s1, s30  }
0xbc: {  	s0 =	sor.u32 s3, s0;
	s1 =	sshll.u32 s1, $0x11  }
0xbd: {  	s0 =	sor.u32 s1, s0  }
0xbe: {  	s0 =	sadd.s32 $0x8F2B, s0  }
0xbf: {  	[sflag:s0] =	ssyncadd.remote.s32 $0x1  }
0xc0: {  	_ =	sfence.sel $0xFFFF  }
0xc1: {  	[dreg:$0x0] =	wrdreg $0xFFFFFFFF;
	(pc) =	sbr.abs _section_cstart, $3  }
0xc2: {  	[dreg:$0x1] =	wrdreg $0xFFFFFFFF  }
0xc3: {  	_ =	task.clear_ibuf [dreg:s7], $0x2FFFF;
	_ =	strace $0x9FFFFFFF  }
0xc4: {  	(tm) =	ssettm $0x7FFFFFFF  }
0xc5: {  	_ =	shalt  }
tec
execute0_lowered:
.L_overlay_start_1:
0x0: {  	(tag) =	ssettag $0x1  }
0x1: {  	s1 =	rddreg [dreg:$0x0]  }
0x2: {  	s0 =	rddreg [dreg:$0x1]  }
0x3: {  	s2 =	rddreg [dreg:$0x2]  }
0x4: {  	s3 =	rddreg [dreg:$0x3];
	s4 =	simm.s32 $0x0;
	s10 =	srdreg.scid  }
0x5: {  	s17 =	stileid.u32;
	[smem:$0x7FF] =	sst s4  }
0x6: {  	s5 =	sadd.s32 $0xE00, s0;
	s6 =	sadd.s32 $0x1400, s0;
	s7 =	sadd.s32 $0x1E00, s0  }
0x7: {  	s8 =	sadd.s32 $0x15A00, s0;
	s9 =	sadd.s32 $0xBC00, s0;
	s10 =	sand.u32 $0x1, s10  }
0x8: {  	s11 =	sadd.s32 $0xC00, s0;
	s24 =	sadd.s32 $0x1A00, s0;
	s26 =	sadd.s32 $0x1A80, s0  }
0x9: {  	s19 =	smul.u32 $0x2800, s17;
	_ =	strace $0x80000047;
	[dreg:$0x5] =	wrdreg s11  }
0xa: {  	s15 =	sadd.s32 $0x1B00, s0;
	s20 =	smul.u32 $0xA0, s17;
	[dreg:$0x6] =	wrdreg s24  }
0xb: {  	s16 =	sadd.s32 $0x1B80, s0;
	s25 =	smul.u32 $0x28000, s10;
	[dreg:$0x7] =	wrdreg s26  }
0xc: {  	s12 =	sshll.u32 s10, $0x4;
	s10 =	ssub.s32 $0x2, s10;
	[dreg:$0x8] =	wrdreg s15  }
0xd: {  	[dreg:$0x9] =	wrdreg s16;
	s13 =	sshrl.u32 s10, $0x1;
	s14 =	sor.u32 s17, s12  }
0xe: {  	s12 =	sadd.s32 s12, s0;
	s11 =	sadd.s32 s25, s0;
	s10 =	ssub.s32 s10, s13  }
0xf: {  	s13 =	smul.u32 $0x2710, s14;
	s0 =	sadd.s32 $0x1C00, s0;
	s12 =	sadd.s32 $0x1F800, s12  }
0x10: {  	[dreg:$0xa] =	wrdreg s0;
	s11 =	sadd.s32 $0x20200, s11;
	s22 =	sadd.s32 s20, s12  }
0x11: {  	s18 =	sshrl.u32 s13, $0x3;
	s11 =	sadd.s32 s19, s11;
	[dreg:$0xe] =	wrdreg s22  }
0x12: {  	s15 =	sadd.s32 s8, s18;
	[dreg:$0xc] =	wrdreg s11  }
0x13: {  	s25 =	sadd.s32 s9, s18;
	[dreg:$0xb] =	wrdreg s15  }
0x14: {  	s16 =	sadd.s32 $0xA, s18;
	s26 =	sadd.s32 s7, s18;
	[dreg:$0x11] =	wrdreg s25  }
0x15: {  	s21 =	sadd.s32 s8, s16;
	[dreg:$0x12] =	wrdreg s26  }
0x16: {  	s23 =	sadd.s32 s9, s16;
	[dreg:$0xd] =	wrdreg s21  }
0x17: {  	s12 =	sadd.s32 $0x14, s18;
	s24 =	sadd.s32 s7, s16;
	[dreg:$0xf] =	wrdreg s23  }
0x18: {  	s16 =	sadd.s32 s8, s12;
	[dreg:$0x10] =	wrdreg s24  }
0x19: {  	s0 =	sadd.s32 $0x1E, s18;
	s18 =	sadd.s32 s9, s12;
	[dreg:$0x13] =	wrdreg s16  }
0x1a: {  	s11 =	sadd.s32 s7, s12;
	[dreg:$0x14] =	wrdreg s18  }
0x1b: {  	s20 =	sadd.s32 s8, s0;
	[dreg:$0x15] =	wrdreg s11  }
0x1c: {  	s26 =	sadd.s32 $0x190, s13;
	[dreg:$0x16] =	wrdreg s20  }
0x1d: {  	s12 =	sadd.s32 $0x230, s13;
	[dreg:$0x1c] =	wrdreg s26  }
0x1e: {  	s21 =	sadd.s32 s9, s0;
	[dreg:$0x1e] =	wrdreg s12  }
0x1f: {  	s0 =	sadd.s32 s7, s0;
	[dreg:$0x17] =	wrdreg s21  }
0x20: {  	s19 =	smul.u32 $0xA00, s17;
	s24 =	sadd.s32 $0x140, s13;
	[dreg:$0x18] =	wrdreg s0  }
0x21: {  	s15 =	smul.u32 $0x50000, s17;
	s11 =	sadd.s32 $0x1E0, s13;
	[dreg:$0x1b] =	wrdreg s24  }
0x22: {  	s23 =	sshrl.u32 s19, $0x2;
	s13 =	smax.u32 s10, $0x1;
	[dreg:$0x1d] =	wrdreg s11  }
0x23: {  	s22 =	sshrl.u32 s15, $0x2;
	s25 =	sadd.s32 s23, s3;
	[dreg:$0x1f] =	wrdreg s13  }
0x24: {  	s16 =	sadd.s32 s22, s2;
	s22 =	sadd.s32 $0x80, s25;
	[dreg:$0x1a] =	wrdreg s25  }
0x25: {  	s29 =	simm.s32 $0x80;
	s23 =	sadd.s32 $0x100, s25;
	[smem:$0x7FA] =	sst s22  }
0x26: {  	s30 =	simm.s32 $0x4;
	s24 =	sadd.s32 $0x180, s25;
	[smem:$0x7FB] =	sst s23  }
0x27: {  	s31 =	simm.s32 $0x7;
	s26 =	sadd.s32 $0x200, s25;
	[smem:$0x7FC] =	sst s24  }
0x28: {  	s28 =	simm.s32 $0xB00;
	s10 =	simm.s32 $0x5;
	[smem:$0x7FD] =	sst s26  }
0x29: {  	s12 =	simm.s32 $0x8;
	s14 =	sadd.s32 $0x2800, s16;
	[dreg:$0x19] =	wrdreg s16  }
0x2a: {  	s13 =	simm.s32 $0xA;
	s15 =	sadd.s32 $0x5000, s16;
	[smem:$0x7F3] =	sst s14  }
0x2b: {  	s11 =	simm.s32 $0x0;
	s17 =	sadd.s32 $0x7800, s16;
	[smem:$0x7F4] =	sst s15  }
0x2c: {  	s18 =	sadd.s32 $0xA000, s16;
	s19 =	sadd.s32 $0xC800, s16;
	[smem:$0x7F5] =	sst s17  }
0x2d: {  	s20 =	sadd.s32 $0xF000, s16;
	s21 =	sadd.s32 $0x11800, s16;
	[smem:$0x7F6] =	sst s18  }
0x2e: {  	s26 =	simm.s32 $0xD;
	s22 =	simm.s32 $0x1;
	[smem:$0x7F7] =	sst s19  }
0x2f: {  	s23 =	simm.s32 $0x50;
	s24 =	simm.s32 $0xA80;
	[smem:$0x7F8] =	sst s20  }
0x30: {  	[smem:$0x7F9] =	sst s21;
	s17 =	simm.s32 $0x180;
	s19 =	simm.s32 $0xA00  }
0x31: {  	v0 =	vimm.f32 $0.0e+00;
	s21 =	simm.s32 $0x6;
	s14 =	simm.s32 $0x9;
	s18 =	simm.s32 $0xB80  }
.LBB2_1:
0x32: {  	[smem:$0x7F2] =	sst s11  }
0x33: {  	s0 =	rddreg [dreg:$0x5];
	s20 =	simm.s32 $0xAE00  }
0x34: {  	[tilespmem:s20], [sflag:$0xD] =	stream.linear.gather [hbm4b:s0+s4], $0x80, $0x38;
	[tilespmem:$0x1F580] =	vst v63  }
0x35: {  	_ =	swait.ge [sflag:s26], $0x80  }
0x36: {  	[sflag:s26] =	ssyncset.done $0x0  }
0x37: {  	s20 =	simm.s32 $0xAF00;
	s15 =	rddreg [dreg:$0x6];
	[sflag:s26] =	ssyncadd.s32 $0xFFFFFF80  }
0x38: {  	[tilespmem:s20], [sflag:$0xD] =	stream.linear.gather [hbm4b:s15+s4], $0x80, $0x38;
	[tilespmem:$0x1F580] =	vst v63  }
0x39: {  	_ =	swait.ge [sflag:s26], $0x80  }
0x3a: {  	[sflag:s26] =	ssyncset.done $0x0  }
0x3b: {  	s20 =	simm.s32 $0xAF80;
	s15 =	rddreg [dreg:$0x7];
	[sflag:s26] =	ssyncadd.s32 $0xFFFFFF80  }
0x3c: {  	[tilespmem:s20], [sflag:$0xD] =	stream.linear.gather [hbm4b:s15+s4], $0x80, $0x38;
	[tilespmem:$0x1F580] =	vst v63  }
0x3d: {  	_ =	swait.ge [sflag:s26], $0x80  }
0x3e: {  	[sflag:s26] =	ssyncset.done $0x0  }
0x3f: {  	s20 =	simm.s32 $0xB000;
	s15 =	rddreg [dreg:$0x8];
	[sflag:s26] =	ssyncadd.s32 $0xFFFFFF80  }
0x40: {  	[tilespmem:s20], [sflag:$0xD] =	stream.linear.gather [hbm4b:s15+s4], $0x80, $0x38;
	[tilespmem:$0x1F580] =	vst v63  }
0x41: {  	_ =	swait.ge [sflag:s26], $0x80  }
0x42: {  	[sflag:s26] =	ssyncset.done $0x0  }
0x43: {  	s20 =	simm.s32 $0xB080;
	s15 =	rddreg [dreg:$0x9];
	[sflag:s26] =	ssyncadd.s32 $0xFFFFFF80  }
0x44: {  	[tilespmem:s20], [sflag:$0xD] =	stream.linear.gather [hbm4b:s15+s4], $0x80, $0x38;
	[tilespmem:$0x1F580] =	vst v63  }
0x45: {  	_ =	swait.ge [sflag:s26], $0x80  }
0x46: {  	[sflag:s26] =	ssyncset.done $0x0  }
0x47: {  	s20 =	simm.s32 $0xB100;
	s15 =	rddreg [dreg:$0xa];
	[sflag:s26] =	ssyncadd.s32 $0xFFFFFF80  }
0x48: {  	[tilespmem:s20], [sflag:$0xD] =	stream.linear.gather [hbm4b:s15+s4], $0x80, $0x38;
	[tilespmem:$0x1F580] =	vst v63  }
0x49: {  	_ =	swait.ge [sflag:s26], $0x80  }
0x4a: {  	[sflag:s26] =	ssyncset.done $0x0  }
0x4b: {  	s11 =	rddreg [dreg:$0xb];
	[sflag:s26] =	ssyncadd.s32 $0xFFFFFF80  }
0x4c: {  	[tilespmem:s4], [sflag:$0x1] =	stream.linear.gather [hbm4b:s11+s4], $0x50, $0x38;
	[tilespmem:$0x1F580] =	vst v63  }
0x4d: {  	s20 =	simm.s32 $0x200;
	s15 =	rddreg [dreg:$0x11]  }
0x4e: {  	[tilespmem:s20], [sflag:$0x1] =	stream.linear.gather [hbm4b:s15+s4], $0x50, $0x38;
	[tilespmem:$0x1F580] =	vst v63  }
0x4f: {  	s15 =	rddreg [dreg:$0x12];
	s20 =	simm.s32 $0x400  }
0x50: {  	[tilespmem:s20], [sflag:$0x1] =	stream.linear.gather [hbm4b:s15+s4], $0x50, $0x38;
	[tilespmem:$0x1F580] =	vst v63  }
0x51: {  	s11 =	rddreg [dreg:$0xd]  }
0x52: {  	[tilespmem:s29], [sflag:$0x2] =	stream.linear.gather [hbm4b:s11+s4], $0x50, $0x38;
	[tilespmem:$0x1F580] =	vst v63  }
0x53: {  	s15 =	rddreg [dreg:$0xf];
	s20 =	simm.s32 $0x280  }
0x54: {  	[tilespmem:s20], [sflag:$0x2] =	stream.linear.gather [hbm4b:s15+s4], $0x50, $0x38;
	[tilespmem:$0x1F580] =	vst v63  }
0x55: {  	s15 =	rddreg [dreg:$0x10];
	s20 =	simm.s32 $0x480  }
0x56: {  	[tilespmem:s20], [sflag:$0x2] =	stream.linear.gather [hbm4b:s15+s4], $0x50, $0x38;
	[tilespmem:$0x1F580] =	vst v63  }
0x57: {  	s15 =	rddreg [dreg:$0x13];
	s20 =	simm.s32 $0x100  }
0x58: {  	[tilespmem:s20], [sflag:$0x3] =	stream.linear.gather [hbm4b:s15+s4], $0x50, $0x38;
	[tilespmem:$0x1F580] =	vst v63  }
0x59: {  	s15 =	rddreg [dreg:$0x14];
	s20 =	simm.s32 $0x300  }
0x5a: {  	[tilespmem:s20], [sflag:$0x3] =	stream.linear.gather [hbm4b:s15+s4], $0x50, $0x38;
	[tilespmem:$0x1F580] =	vst v63  }
0x5b: {  	s15 =	rddreg [dreg:$0x15];
	s20 =	simm.s32 $0x500  }
0x5c: {  	[tilespmem:s20], [sflag:$0x3] =	stream.linear.gather [hbm4b:s15+s4], $0x50, $0x38;
	[tilespmem:$0x1F580] =	vst v63  }
0x5d: {  	s11 =	rddreg [dreg:$0x16]  }
0x5e: {  	[tilespmem:s17], [sflag:$0x4] =	stream.linear.gather [hbm4b:s11+s4], $0x50, $0x38;
	[tilespmem:$0x1F580] =	vst v63  }
0x5f: {  	s15 =	rddreg [dreg:$0x17];
	s20 =	simm.s32 $0x380  }
0x60: {  	[tilespmem:s20], [sflag:$0x4] =	stream.linear.gather [hbm4b:s15+s4], $0x50, $0x38;
	[tilespmem:$0x1F580] =	vst v63  }
0x61: {  	s15 =	rddreg [dreg:$0x18];
	s20 =	simm.s32 $0x580  }
0x62: {  	[tilespmem:s20], [sflag:$0x4] =	stream.linear.gather [hbm4b:s15+s4], $0x50, $0x38;
	[tilespmem:$0x1F580] =	vst v63  }
0x63: {  	v1 =	vld [tilespmem:$0xAF00]  }
0x64: {  	v2 =	vld [tilespmem:$0xAF10]  }
0x65: {  	v3 =	vld [tilespmem:$0xAF20]  }
0x66: {  	v4 =	vld [tilespmem:$0xAF30]  }
0x67: {  	v5 =	vld [tilespmem:$0xAF40]  }
0x68: {  	v6 =	vld [tilespmem:$0xAF50];
	v1 =	vmax.f32 v1, $-3.000000010e+38  }
0x69: {  	v1 =	vmax.f32 v1, v2;
	v2 =	vld [tilespmem:$0xAF60]  }
0x6a: {  	v1 =	vmax.f32 v1, v3;
	v3 =	vld [tilespmem:$0xAF70]  }
0x6b: {  	v43 =	vld [tilespmem:$0xAF80];
	v1 =	vmax.f32 v1, v4  }
0x6c: {  	v44 =	vld [tilespmem:$0xAF90];
	v1 =	vmax.f32 v1, v5  }
0x6d: {  	v45 =	vld [tilespmem:$0xAFA0];
	v1 =	vmax.f32 v1, v6  }
0x6e: {  	v1 =	vmax.f32 v1, v2;
	v2 =	vld [tilespmem:$0xAFB0]  }
0x6f: {  	v1 =	vmax.f32 v1, v3;
	v3 =	vld [tilespmem:$0xAFC0]  }
0x70: {  	v46 =	vld [tilespmem:$0xAFD0];
	v1 =	vmax.f32 v1, v43  }
0x71: {  	v47 =	vld [tilespmem:$0xAFE0];
	v1 =	vmax.f32 v1, v44  }
0x72: {  	v48 =	vld [tilespmem:$0xAFF0];
	v1 =	vmax.f32 v1, v45  }
0x73: {  	v1 =	vmax.f32 v1, v2;
	v2 =	vld [tilespmem:$0xB000]  }
0x74: {  	v1 =	vmax.f32 v1, v3;
	v3 =	vld [tilespmem:$0xB010]  }
0x75: {  	v49 =	vld [tilespmem:$0xB020];
	v1 =	vmax.f32 v1, v46  }
0x76: {  	v50 =	vld [tilespmem:$0xB030];
	v1 =	vmax.f32 v1, v47  }
0x77: {  	v51 =	vld [tilespmem:$0xB040];
	v1 =	vmax.f32 v1, v48  }
0x78: {  	v1 =	vmax.f32 v1, v2;
	v2 =	vld [tilespmem:$0xB050]  }
0x79: {  	v1 =	vmax.f32 v1, v3;
	v3 =	vld [tilespmem:$0xB060]  }
0x7a: {  	v52 =	vld [tilespmem:$0xB070];
	v1 =	vmax.f32 v1, v49  }
0x7b: {  	v53 =	vld [tilespmem:$0xB080];
	v1 =	vmax.f32 v1, v50  }
0x7c: {  	v54 =	vld [tilespmem:$0xB090];
	v1 =	vmax.f32 v1, v51  }
0x7d: {  	v1 =	vmax.f32 v1, v2;
	v2 =	vld [tilespmem:$0xB0A0]  }
0x7e: {  	v1 =	vmax.f32 v1, v3;
	v3 =	vld [tilespmem:$0xB0B0]  }
0x7f: {  	v55 =	vld [tilespmem:$0xB0C0];
	v1 =	vmax.f32 v1, v52  }
0x80: {  	v56 =	vld [tilespmem:$0xB0D0];
	v1 =	vmax.f32 v1, v53  }
0x81: {  	v57 =	vld [tilespmem:$0xB0E0];
	v1 =	vmax.f32 v1, v54  }
0x82: {  	v1 =	vmax.f32 v1, v2;
	v2 =	vld [tilespmem:$0xB0F0]  }
0x83: {  	v1 =	vmax.f32 v1, v3;
	v3 =	vld [tilespmem:$0xB100]  }
0x84: {  	v58 =	vld [tilespmem:$0xB110];
	v1 =	vmax.f32 v1, v55  }
0x85: {  	v59 =	vld [tilespmem:$0xB120];
	v1 =	vmax.f32 v1, v56  }
0x86: {  	v60 =	vld [tilespmem:$0xB130];
	v1 =	vmax.f32 v1, v57  }
0x87: {  	v1 =	vmax.f32 v1, v2;
	v2 =	vld [tilespmem:$0xB140]  }
0x88: {  	v1 =	vmax.f32 v1, v3;
	v3 =	vld [tilespmem:$0xB150]  }
0x89: {  	v61 =	vld [tilespmem:$0xB160];
	v1 =	vmax.f32 v1, v58  }
0x8a: {  	v62 =	vld [tilespmem:$0xB170];
	v1 =	vmax.f32 v1, v59  }
0x8b: {  	v63 =	vld [tilespmem:$0xAE00];
	v1 =	vmax.f32 v1, v60  }
0x8c: {  	v1 =	vmax.f32 v1, v2  }
0x8d: {  	v1 =	vmax.f32 v1, v3  }
0x8e: {  	v1 =	vmax.f32 v1, v61  }
0x8f: {  	v1 =	vmax.f32 v1, v62  }
0x90: {  	v1 =	vadd.f32 v1, v63;
	_ =	sdelay $0x1  }
0x91: {  	v1 =	vmax.f32 v1, $0.0e+00  }
0x92: {  	s11 =	simm.s32 $0x70;
	s15 =	simm.s32 $0x3C0;
	[tilespmem:$0xAE00] =	vst v1  }
.LBB2_2:
0x93: {  	p0 =	sne.s32 s15, $0x9FC0;
	[tilespmem:s11+$0xE00] =	vst v0  }
0x94: {  	[tilespmem:s11+$0xD90] =	vst v0  }
0x95: {  	[tilespmem:s11+$0xDA0] =	vst v0  }
.Ltmp0:
0x96: {  	[tilespmem:s11+$0xDB0] =	vst v0;
	(pc) =	sbr.rel @p0 .LBB2_2-.Ltmp0, $4  }
0x97: {  	[tilespmem:s11+$0xDC0] =	vst v0  }
0x98: {  	[tilespmem:s11+$0xDD0] =	vst v0  }
0x99: {  	[tilespmem:s11+$0xDE0] =	vst v0  }
0x9a: {  	[tilespmem:s11+$0xDF0] =	vst v0;
	s11 =	sshra.s32 s15, $0x2;
	s15 =	sadd.s32 $0x200, s15  }
0x9b: {  	[tilespmem:s11+$0xE00] =	vst v0  }
0x9c: {  	[tilespmem:s11+$0xD90] =	vst v0  }
0x9d: {  	[tilespmem:s11+$0xDA0] =	vst v0  }
0x9e: {  	[tilespmem:s11+$0xDB0] =	vst v0  }
0x9f: {  	[tilespmem:s11+$0xDC0] =	vst v0  }
0xa0: {  	[tilespmem:s11+$0xDD0] =	vst v0  }
0xa1: {  	[tilespmem:s11+$0xDE0] =	vst v0  }
0xa2: {  	[tilespmem:s11+$0xDF0] =	vst v0  }
0xa3: {  	[tilespmem:$0xAE80] =	vst v0  }
0xa4: {  	[tilespmem:$0xAE90] =	vst v0  }
0xa5: {  	[tilespmem:$0xAEA0] =	vst v0  }
0xa6: {  	[tilespmem:$0xAEB0] =	vst v0  }
0xa7: {  	[tilespmem:$0xAEC0] =	vst v0  }
0xa8: {  	[tilespmem:$0xAED0] =	vst v0  }
0xa9: {  	[tilespmem:$0xAEE0] =	vst v0  }
0xaa: {  	s20 =	simm.s32 $0xE00;
	[tilespmem:$0xAEF0] =	vst v0  }
0xab: {  	[spmem:s16] =	stream.linear.scatter [tilespmem:s20], [sflag:$0xD], $0x2800, $0x38;
	[tilespmem:$0x1F580] =	vst v63  }
0xac: {  	_ =	swait.ge [sflag:s26], $0x2800  }
0xad: {  	s0 =	sld [smem:$0x7F3]  }
0xae: {  	[sflag:s26] =	ssyncset.done $0x0  }
0xaf: {  	[sflag:s26] =	ssyncadd.s32 $0xFFFFD800  }
0xb0: {  	[spmem:s0] =	stream.linear.scatter [tilespmem:s20], [sflag:$0xD], $0x2800, $0x38;
	[tilespmem:$0x1F580] =	vst v63  }
0xb1: {  	_ =	swait.ge [sflag:s26], $0x2800  }
0xb2: {  	s11 =	sld [smem:$0x7F4]  }
0xb3: {  	[sflag:s26] =	ssyncset.done $0x0  }
0xb4: {  	[sflag:s26] =	ssyncadd.s32 $0xFFFFD800  }
0xb5: {  	[spmem:s11] =	stream.linear.scatter [tilespmem:s20], [sflag:$0xD], $0x2800, $0x38;
	[tilespmem:$0x1F580] =	vst v63  }
0xb6: {  	_ =	swait.ge [sflag:s26], $0x2800  }
0xb7: {  	s15 =	sld [smem:$0x7F5]  }
0xb8: {  	[sflag:s26] =	ssyncset.done $0x0  }
0xb9: {  	[sflag:s26] =	ssyncadd.s32 $0xFFFFD800  }
0xba: {  	[spmem:s15] =	stream.linear.scatter [tilespmem:s20], [sflag:$0xD], $0x2800, $0x38;
	[tilespmem:$0x1F580] =	vst v63  }
0xbb: {  	_ =	swait.ge [sflag:s26], $0x2800  }
0xbc: {  	s16 =	sld [smem:$0x7F6]  }
0xbd: {  	[sflag:s26] =	ssyncset.done $0x0  }
0xbe: {  	[sflag:s26] =	ssyncadd.s32 $0xFFFFD800  }
0xbf: {  	[spmem:s16] =	stream.linear.scatter [tilespmem:s20], [sflag:$0xD], $0x2800, $0x38;
	[tilespmem:$0x1F580] =	vst v63  }
0xc0: {  	_ =	swait.ge [sflag:s26], $0x2800  }
0xc1: {  	s11 =	sld [smem:$0x7F7]  }
0xc2: {  	[sflag:s26] =	ssyncset.done $0x0  }
0xc3: {  	[sflag:s26] =	ssyncadd.s32 $0xFFFFD800  }
0xc4: {  	[spmem:s11] =	stream.linear.scatter [tilespmem:s20], [sflag:$0xD], $0x2800, $0x38;
	[tilespmem:$0x1F580] =	vst v63  }
0xc5: {  	_ =	swait.ge [sflag:s26], $0x2800  }
0xc6: {  	s15 =	sld [smem:$0x7F8]  }
0xc7: {  	[sflag:s26] =	ssyncset.done $0x0  }
0xc8: {  	[sflag:s26] =	ssyncadd.s32 $0xFFFFD800  }
0xc9: {  	[spmem:s15] =	stream.linear.scatter [tilespmem:s20], [sflag:$0xD], $0x2800, $0x38;
	[tilespmem:$0x1F580] =	vst v63  }
0xca: {  	_ =	swait.ge [sflag:s26], $0x2800  }
0xcb: {  	s16 =	sld [smem:$0x7F9]  }
0xcc: {  	[sflag:s26] =	ssyncset.done $0x0  }
0xcd: {  	[sflag:s26] =	ssyncadd.s32 $0xFFFFD800  }
0xce: {  	[spmem:s16] =	stream.linear.scatter [tilespmem:s20], [sflag:$0xD], $0x2800, $0x38;
	[tilespmem:$0x1F580] =	vst v63  }
0xcf: {  	_ =	swait.ge [sflag:s26], $0x2800  }
0xd0: {  	[sflag:s26] =	ssyncset.done $0x0  }
0xd1: {  	s11 =	simm.s32 $0xAE80;
	[sflag:s26] =	ssyncadd.s32 $0xFFFFD800  }
0xd2: {  	[spmem:s25] =	stream.linear.scatter [tilespmem:s11], [sflag:$0xD], $0x80, $0x38;
	[tilespmem:$0x1F580] =	vst v63  }
0xd3: {  	_ =	swait.ge [sflag:s26], $0x80  }
0xd4: {  	s25 =	sld [smem:$0x7FA]  }
0xd5: {  	[sflag:s26] =	ssyncset.done $0x0  }
0xd6: {  	[sflag:s26] =	ssyncadd.s32 $0xFFFFFF80  }
0xd7: {  	[spmem:s25] =	stream.linear.scatter [tilespmem:s11], [sflag:$0xD], $0x80, $0x38;
	[tilespmem:$0x1F580] =	vst v63  }
0xd8: {  	_ =	swait.ge [sflag:s26], $0x80  }
0xd9: {  	s15 =	sld [smem:$0x7FB]  }
0xda: {  	[sflag:s26] =	ssyncset.done $0x0  }
0xdb: {  	[sflag:s26] =	ssyncadd.s32 $0xFFFFFF80  }
0xdc: {  	[spmem:s15] =	stream.linear.scatter [tilespmem:s11], [sflag:$0xD], $0x80, $0x38;
	[tilespmem:$0x1F580] =	vst v63  }
0xdd: {  	_ =	swait.ge [sflag:s26], $0x80  }
0xde: {  	s16 =	sld [smem:$0x7FC]  }
0xdf: {  	[sflag:s26] =	ssyncset.done $0x0  }
0xe0: {  	[sflag:s26] =	ssyncadd.s32 $0xFFFFFF80  }
0xe1: {  	[spmem:s16] =	stream.linear.scatter [tilespmem:s11], [sflag:$0xD], $0x80, $0x38;
	[tilespmem:$0x1F580] =	vst v63  }
0xe2: {  	_ =	swait.ge [sflag:s26], $0x80  }
0xe3: {  	s25 =	sld [smem:$0x7FD]  }
0xe4: {  	[sflag:s26] =	ssyncset.done $0x0  }
0xe5: {  	[sflag:s26] =	ssyncadd.s32 $0xFFFFFF80  }
0xe6: {  	[spmem:s25] =	stream.linear.scatter [tilespmem:s11], [sflag:$0xD], $0x80, $0x38;
	[tilespmem:$0x1F580] =	vst v63  }
0xe7: {  	_ =	swait.ge [sflag:s26], $0x80  }
0xe8: {  	[sflag:s26] =	ssyncset.done $0x0  }
0xe9: {  	[sflag:s26] =	ssyncadd.s32 $0xFFFFFF80  }
0xea: {  	[bflag:$0x0] =	sbarrier.arrive $0xFFFF  }
0xeb: {  	_ =	swait.ge [sflag:s22], $0x50  }
0xec: {  	[sflag:s22] =	ssyncset.done $0x0  }
0xed: {  	[sflag:s22] =	ssyncadd.s32 $0xFFFFFFB0  }
0xee: {  	_ =	swait.ge [sflag:s22], $0x50  }
0xef: {  	[sflag:s22] =	ssyncset.done $0x0  }
0xf0: {  	[sflag:s22] =	ssyncadd.s32 $0xFFFFFFB0  }
0xf1: {  	_ =	swait.ge [sflag:s22], $0x50  }
0xf2: {  	[sflag:s22] =	ssyncset.done $0x0  }
0xf3: {  	s16 =	simm.s32 $0x0;
	s11 =	simm.s32 $0x600;
	[sflag:s22] =	ssyncadd.s32 $0xFFFFFFB0  }
0xf4: {  	[tilespmem:s11], [sflag:$0x5] =	stream.indirect.gather [hbm4b:s5+s23], $0x1, s16, s23, $0xb8;
	[tilespmem:$0x1F580] =	vst v63  }
0xf5: {  	s15 =	simm.s32 $0x200;
	s25 =	simm.s32 $0x800  }
0xf6: {  	[tilespmem:s25], [sflag:$0x5] =	stream.indirect.gather [hbm4b:s6+s23], $0x1, s15, s23, $0xb8;
	[tilespmem:$0x1F580] =	vst v63  }
0xf7: {  	s26 =	simm.s32 $0x2  }
0xf8: {  	[tilespmem:s20], [sflag:$0x5] =	stream.indirect.gather [hbm4b:s1+s23], $0x80, s16, s23, $0xb8;
	[tilespmem:$0x1F580] =	vst v63  }
0xf9: {  	_ =	swait.ge [sflag:s26], $0x50  }
0xfa: {  	[sflag:s26] =	ssyncset.done $0x0  }
0xfb: {  	[sflag:s26] =	ssyncadd.s32 $0xFFFFFFB0  }
0xfc: {  	_ =	swait.ge [sflag:s26], $0x50  }
0xfd: {  	[sflag:s26] =	ssyncset.done $0x0  }
0xfe: {  	[sflag:s26] =	ssyncadd.s32 $0xFFFFFFB0  }
0xff: {  	_ =	swait.ge [sflag:s26], $0x50  }
0x100: {  	[sflag:s26] =	ssyncset.done $0x0  }
0x101: {  	s11 =	simm.s32 $0x680;
	[sflag:s26] =	ssyncadd.s32 $0xFFFFFFB0  }
0x102: {  	[tilespmem:s11], [sflag:$0x6] =	stream.indirect.gather [hbm4b:s5+s23], $0x1, s29, s23, $0xb8;
	[tilespmem:$0x1F580] =	vst v63  }
0x103: {  	s15 =	simm.s32 $0x280;
	s25 =	simm.s32 $0x880  }
0x104: {  	[tilespmem:s25], [sflag:$0x6] =	stream.indirect.gather [hbm4b:s6+s23], $0x1, s15, s23, $0xb8;
	[tilespmem:$0x1F580] =	vst v63  }
0x105: {  	s26 =	simm.s32 $0x3600  }
0x106: {  	[tilespmem:s26], [sflag:$0x6] =	stream.indirect.gather [hbm4b:s1+s23], $0x80, s29, s23, $0xb8;
	[tilespmem:$0x1F580] =	vst v63  }
.LBB2_4:
0x107: {  	_ =	swait.ge [sflag:s10], $0x50  }
0x108: {  	[sflag:s10] =	ssyncset.done $0x0  }
0x109: {  	[sflag:s10] =	ssyncadd.s32 $0xFFFFFFB0  }
0x10a: {  	_ =	swait.ge [sflag:s10], $0x50  }
0x10b: {  	[sflag:s10] =	ssyncset.done $0x0  }
0x10c: {  	[sflag:s10] =	ssyncadd.s32 $0xFFFFFFB0  }
0x10d: {  	_ =	swait.ge [sflag:s10], $0x2800  }
0x10e: {  	p0 =	seq.s32 s16, $0x0;
	[sflag:s10] =	ssyncset.done $0x0  }
0x10f: {  	s11 =	simm.s32 @!p0 $0xB;
	[sflag:s10] =	ssyncadd.s32 $0xFFFFD800  }
0x110: {  	_ =	swait.ge @!p0 [sflag:s11], $0x2800  }
0x111: {  	[sflag:s11] =	ssyncset.done @!p0 $0x0  }
0x112: {  	[sflag:s11] =	ssyncadd.s32 @!p0 $0xFFFFD800  }
0x113: {  	_ =	swait.ge @!p0 [sflag:s11], $0x50  }
0x114: {  	[sflag:s11] =	ssyncset.done @!p0 $0x0  }
0x115: {  	s25 =	simm.s32 $0x3;
	[sflag:s11] =	ssyncadd.s32 @!p0 $0xFFFFFFB0  }
0x116: {  	_ =	swait.ge [sflag:s25], $0x50  }
0x117: {  	[sflag:s25] =	ssyncset.done $0x0  }
0x118: {  	[sflag:s25] =	ssyncadd.s32 $0xFFFFFFB0  }
0x119: {  	_ =	swait.ge [sflag:s25], $0x50  }
0x11a: {  	[sflag:s25] =	ssyncset.done $0x0  }
0x11b: {  	[sflag:s25] =	ssyncadd.s32 $0xFFFFFFB0  }
0x11c: {  	_ =	swait.ge [sflag:s25], $0x50  }
0x11d: {  	[sflag:s25] =	ssyncset.done $0x0  }
0x11e: {  	s0 =	simm.s32 $0x100;
	s15 =	simm.s32 $0x700;
	[sflag:s25] =	ssyncadd.s32 $0xFFFFFFB0  }
0x11f: {  	[tilespmem:s15], [sflag:$0x7] =	stream.indirect.gather [hbm4b:s5+s23], $0x1, s0, s23, $0xb8;
	[tilespmem:$0x1F580] =	vst v63  }
0x120: {  	s26 =	simm.s32 $0x300;
	s15 =	simm.s32 $0x900  }
0x121: {  	[tilespmem:s15], [sflag:$0x7] =	stream.indirect.gather [hbm4b:s6+s23], $0x1, s26, s23, $0xb8;
	[tilespmem:$0x1F580] =	vst v63  }
0x122: {  	s29 =	simm.s32 $0x5E00  }
0x123: {  	[tilespmem:s29], [sflag:$0x7] =	stream.indirect.gather [hbm4b:s1+s23], $0x80, s0, s23, $0xb8;
	[tilespmem:$0x1F580] =	vst v63  }
0x124: {  	v1 =	vld [tilespmem:$0xAE00]  }
0x125: {  	v2 =	vld [tilespmem:$0x600]  }
0x126: {  	v3 =	vld [tilespmem:$0x800]  }
0x127: {  	v4 =	vld [tilespmem:$0x400]  }
0x128: {  	v5 =	vld [tilespmem:$0x610]  }
0x129: {  	v6 =	vld [tilespmem:$0x810]  }
0x12a: {  	v7 =	vld [tilespmem:$0x410]  }
0x12b: {  	v8 =	vld [tilespmem:$0x620]  }
0x12c: {  	v9 =	vld [tilespmem:$0x820]  }
0x12d: {  	v10 =	vld [tilespmem:$0x420]  }
0x12e: {  	v12 =	vld [tilespmem:$0x840]  }
0x12f: {  	v2 =	vadd.f32 v3, v2;
	v3 =	vld [tilespmem:$0x630];
	v5 =	vadd.f32 v6, v5  }
0x130: {  	v6 =	vld [tilespmem:$0x830]  }
0x131: {  	v2 =	vadd.f32 v4, v2;
	v4 =	vld [tilespmem:$0x430];
	v5 =	vadd.f32 v7, v5  }
0x132: {  	v8 =	vadd.f32 v9, v8;
	v7 =	vld [tilespmem:$0x640]  }
0x133: {  	v11 =	vmul.f32 $2.000000030e-01, v2;
	v60 =	vmul.f32 $2.000000030e-01, v5  }
0x134: {  	v61 =	vld [tilespmem:$0x440];
	v8 =	vadd.f32 v10, v8;
	vm0 =	vge.f32 v2, $0.0e+00;
	vm12 =	vge.f32 v5, $0.0e+00  }
0x135: {  	v3 =	vadd.f32 v6, v3;
	v2 =	vsel vm0, v2, v11;
	v5 =	vsel vm12, v5, v60  }
0x136: {  	v2 =	vsub.f32 v2, v1;
	v5 =	vsub.f32 v5, v1  }
0x137: {  	v3 =	vadd.f32 v4, v3;
	v4 =	vadd.f32 v12, v7  }
0x138: {  	v6 =	vmul.f32 $2.000000030e-01, v8;
	v2 =	vmul.f32 $1.442695020e+00, v2  }
0x139: {  	vm13 =	vge.f32 v8, $0.0e+00;
	v5 =	vmul.f32 $1.442695020e+00, v5;
	v4 =	vadd.f32 v61, v4  }
0x13a: {  	v6 =	vsel vm13, v8, v6;
	v7 =	vmul.f32 $2.000000030e-01, v3;
	(erf) = vpow2.f32 v2  }
0x13b: {  	v2 =	vsub.f32 v6, v1;
	(erf) = vpow2.f32 v5;
	v5 =	vmul.f32 $2.000000030e-01, v4  }
0x13c: {  	vm14 =	vge.f32 v3, $0.0e+00;
	vm15 =	vge.f32 v4, $0.0e+00  }
0x13d: {  	v3 =	vsel vm14, v3, v7;
	v2 =	vmul.f32 $1.442695020e+00, v2;
	v4 =	vsel vm15, v4, v5  }
0x13e: {  	v3 =	vsub.f32 v3, v1;
	v1 =	vsub.f32 v4, v1  }
0x13f: {  	(erf) = vpow2.f32 v2  }
0x140: {  	v2 =	vmul.f32 $1.442695020e+00, v3;
	v1 =	vmul.f32 $1.442695020e+00, v1  }
0x141: {  	v3 =	vld [tilespmem:$0x200]  }
0x142: {  	(erf) = vpow2.f32 v2;
	v2 =	vld [tilespmem:$0x210];
	_ =	sdelay $0x1  }
0x143: {  	(erf) = vpow2.f32 v1;
	v1 =	vpop (erf)  }
0x144: {  	[tilespmem:$0xA00] =	vst v1;
	v1 =	vld [tilespmem:$0x220]  }
0x145: {  	[tilespmem:$0xC00] =	vst v3  }
0x146: {  	v3 =	vld [tilespmem:$0x230];
	v4 =	vpop (erf);
	[tilespmem:$0xC10] =	vst v2  }
0x147: {  	s15 =	simm.s32 $0x0;
	[tilespmem:$0xA10] =	vst v4;
	v4 =	vpop (erf)  }
0x148: {  	v2 =	vld [tilespmem:$0x240];
	[tilespmem:$0xA20] =	vst v4;
	v4 =	vmov s15  }
0x149: {  	[tilespmem:$0xC20] =	vst v1;
	v1 =	vand.u32 $0xFFFFFFFC, v4  }
0x14a: {  	v1 =	vbroadcast v1, $0x0  }
0x14b: {  	[tilespmem:$0xC30] =	vst v3;
	v5 =	vpop (erf)  }
0x14c: {  	[tilespmem:$0xA30] =	vst v5  }
0x14d: {  	[tilespmem:$0xC40] =	vst v2;
	v3 =	vpop (erf)  }
0x14e: {  	s11 =	simm.s32 $0xF00;
	[tilespmem:$0xA40] =	vst v3  }
0x14f: {  	v3 =	vld [tilespmem:s11+$0xFFFFFF70]  }
0x150: {  	v1 =	vld.idx.msk [tilespmem:v1+s19+$0x0], $0xffff  }
0x151: {  	v4 =	vld [tilespmem:s11+$0xFFFFFF00]  }
0x152: {  	v5 =	vld [tilespmem:s11+$0xFFFFFF20]  }
0x153: {  	v6 =	vld [tilespmem:s11+$0xFFFFFF30]  }
0x154: {  	v2 =	vld [tilespmem:s11+$0xFFFFFF50]  }
0x155: {  	v8 =	vld [tilespmem:s11+$0xFFFFFF10];
	v3 =	vmul.f32 v3, v1  }
0x156: {  	s26 =	simm.s32 $0x1;
	v7 =	vld [tilespmem:s11+$0xFFFFFF60];
	v4 =	vmul.f32 v4, v1  }
0x157: {  	v62 =	vld [tilespmem:s11+$0xFFFFFF40];
	v5 =	vmul.f32 v5, v1;
	[tilespmem:s11+$0xFFFFFF70] =	vst v3;
	v3 =	vmov s26  }
0x158: {  	v6 =	vmul.f32 v6, v1;
	[tilespmem:s11+$0xFFFFFF00] =	vst v4;
	v3 =	vand.u32 $0xFFFFFFFD, v3  }
0x159: {  	v2 =	vmul.f32 v2, v1;
	[tilespmem:s11+$0xFFFFFF20] =	vst v5;
	v3 =	vbroadcast v3, $0x0  }
0x15a: {  	v4 =	vmul.f32 v8, v1;
	[tilespmem:s11+$0xFFFFFF30] =	vst v6  }
0x15b: {  	v5 =	vmul.f32 v7, v1;
	[tilespmem:s11+$0xFFFFFF50] =	vst v2  }
0x15c: {  	v1 =	vmul.f32 v62, v1;
	[tilespmem:s11+$0xFFFFFF10] =	vst v4  }
0x15d: {  	[tilespmem:s11+$0xFFFFFF60] =	vst v5  }
0x15e: {  	[tilespmem:s11+$0xFFFFFF40] =	vst v1;
	v1 =	vld [tilespmem:s11+$0xFFFFFF80]  }
0x15f: {  	v3 =	vld.idx.msk [tilespmem:v3+s19+$0x0], $0xffff  }
0x160: {  	v2 =	vld [tilespmem:s11+$0xFFFFFFA0]  }
0x161: {  	v4 =	vld [tilespmem:s11+$0xFFFFFF90]  }
0x162: {  	v5 =	vld [tilespmem:s11+$0xFFFFFFD0]  }
0x163: {  	v6 =	vld [tilespmem:s11+$0xFFFFFFE0]  }
0x164: {  	v7 =	vld [tilespmem:s11+$0xFFFFFFF0];
	v1 =	vmul.f32 v1, v3  }
0x165: {  	s29 =	simm.s32 $0x2;
	v8 =	vld [tilespmem:s11+$0xFFFFFFB0];
	v2 =	vmul.f32 v2, v3  }
0x166: {  	v63 =	vld [tilespmem:s11+$0xFFFFFFC0];
	v4 =	vmul.f32 v4, v3;
	[tilespmem:s11+$0xFFFFFF80] =	vst v1;
	v1 =	vmov s29  }
0x167: {  	v5 =	vmul.f32 v5, v3;
	[tilespmem:s11+$0xFFFFFFA0] =	vst v2;
	v1 =	vand.u32 $0xFFFFFFFE, v1  }
0x168: {  	v2 =	vmul.f32 v6, v3;
	[tilespmem:s11+$0xFFFFFF90] =	vst v4;
	v4 =	vbroadcast v1, $0x0  }
0x169: {  	v6 =	vmul.f32 v7, v3;
	[tilespmem:s11+$0xFFFFFFD0] =	vst v5;
	v7 =	vld [tilespmem:s11+$0x30]  }
0x16a: {  	v5 =	vmul.f32 v8, v3;
	v1 =	vld [tilespmem:s11+$0x40];
	[tilespmem:s11+$0xFFFFFFE0] =	vst v2  }
0x16b: {  	v3 =	vmul.f32 v63, v3;
	v2 =	vld [tilespmem:s11+$0x70];
	[tilespmem:s11+$0xFFFFFFF0] =	vst v6  }
0x16c: {  	[tilespmem:s11+$0xFFFFFFB0] =	vst v5;
	v5 =	vld [tilespmem:s11+$0x20]  }
0x16d: {  	[tilespmem:s11+$0xFFFFFFC0] =	vst v3;
	v6 =	vld [tilespmem:s11+$0x0]  }
0x16e: {  	v3 =	vld.idx.msk [tilespmem:v4+s19+$0x0], $0xffff  }
0x16f: {  	s15 =	simm.s32 $0xF00;
	s26 =	simm.s32 $0x7;
	v4 =	vld [tilespmem:s11+$0x10]  }
.LBB2_5:
0x170: {  	p1 =	sne.s32 s26, $0x4F  }
0x171: {  	v8 =	vld [tilespmem:s11+$0x50];
	s15 =	sadd.s32 $0x200, s15;
	s29 =	smov.u32 s26;
	s26 =	sadd.s32 $0x4, s26  }
0x172: {  	v9 =	vld [tilespmem:s11+$0x60];
	_ =	sdelay $0x1  }
0x173: {  	v6 =	vmul.f32 v6, v3;
	v4 =	vmul.f32 v4, v3  }
0x174: {  	v5 =	vmul.f32 v5, v3;
	v7 =	vmul.f32 v7, v3  }
0x175: {  	v1 =	vmul.f32 v1, v3;
	v2 =	vmul.f32 v2, v3;
	[tilespmem:s11+$0x0] =	vst v6  }
0x176: {  	[tilespmem:s11+$0x20] =	vst v5;
	v5 =	vmul.f32 v8, v3;
	v3 =	vmul.f32 v9, v3  }
0x177: {  	[tilespmem:s11+$0x30] =	vst v7;
	v6 =	vld [tilespmem:s11+$0x80]  }
0x178: {  	[tilespmem:s11+$0x60] =	vst v3;
	v3 =	vmov s25;
	v7 =	vld [tilespmem:s11+$0xD0];
	s25 =	smov.u32 s29  }
0x179: {  	[tilespmem:s11+$0x50] =	vst v5;
	v5 =	vld [tilespmem:s11+$0xE0]  }
0x17a: {  	[tilespmem:s11+$0x40] =	vst v1;
	v8 =	vld [tilespmem:s11+$0xB0]  }
0x17b: {  	v1 =	vld [tilespmem:s15+$0x40];
	[tilespmem:s11+$0x70] =	vst v2  }
0x17c: {  	v2 =	vld [tilespmem:s15+$0x70];
	[tilespmem:s11+$0x10] =	vst v4  }
0x17d: {  	v3 =	vld.idx.msk [tilespmem:v3+s19+$0x0], $0xffff  }
0x17e: {  	v4 =	vld [tilespmem:s11+$0x90]  }
0x17f: {  	v9 =	vld [tilespmem:s11+$0xA0]  }
0x180: {  	v10 =	vld [tilespmem:s11+$0xC0]  }
0x181: {  	v11 =	vld [tilespmem:s11+$0xF0];
	_ =	sdelay $0x1  }
0x182: {  	v6 =	vmul.f32 v6, v3;
	v4 =	vmul.f32 v4, v3  }
0x183: {  	s29 =	sadd.s32 $0xFFFFFFFD, s25;
	v8 =	vmul.f32 v8, v3;
	v9 =	vmul.f32 v9, v3  }
0x184: {  	v12 =	vmov s29;
	v7 =	vmul.f32 v7, v3;
	[tilespmem:s11+$0x80] =	vst v6;
	v6 =	vmul.f32 v10, v3  }
0x185: {  	v10 =	vand.u32 $0xFFFFFFFC, v12;
	[tilespmem:s11+$0x90] =	vst v4;
	v4 =	vmul.f32 v5, v3;
	v3 =	vmul.f32 v11, v3  }
0x186: {  	v5 =	vbroadcast v10, $0x0;
	[tilespmem:s11+$0xA0] =	vst v9  }
0x187: {  	[tilespmem:s11+$0xD0] =	vst v7  }
0x188: {  	v7 =	vld [tilespmem:s15+$0xFFFFFF50];
	[tilespmem:s11+$0xB0] =	vst v8  }
0x189: {  	v8 =	vld [tilespmem:s15+$0xFFFFFF30];
	[tilespmem:s11+$0xC0] =	vst v6  }
0x18a: {  	v6 =	vld [tilespmem:s15+$0xFFFFFF60];
	[tilespmem:s11+$0xE0] =	vst v4  }
0x18b: {  	v4 =	vld [tilespmem:s15+$0xFFFFFF70];
	[tilespmem:s11+$0xF0] =	vst v3;
	s11 =	smov.u32 s15  }
0x18c: {  	v3 =	vld.idx.msk [tilespmem:v5+s19+$0x0], $0xffff  }
0x18d: {  	v5 =	vld [tilespmem:s15+$0xFFFFFF00]  }
0x18e: {  	v9 =	vld [tilespmem:s15+$0xFFFFFF20]  }
0x18f: {  	v10 =	vld [tilespmem:s15+$0xFFFFFF10]  }
0x190: {  	v11 =	vld [tilespmem:s15+$0xFFFFFF40];
	_ =	sdelay $0x1  }
0x191: {  	v4 =	vmul.f32 v4, v3;
	v5 =	vmul.f32 v5, v3  }
0x192: {  	s29 =	sadd.s32 $0xFFFFFFFE, s25;
	v6 =	vmul.f32 v6, v3;
	v9 =	vmul.f32 v9, v3  }
0x193: {  	v8 =	vmul.f32 v8, v3;
	v10 =	vmul.f32 v10, v3;
	[tilespmem:s15+$0xFFFFFF70] =	vst v4;
	v4 =	vmov s29  }
0x194: {  	[tilespmem:s15+$0xFFFFFF00] =	vst v5;
	v5 =	vmul.f32 v11, v3;
	v3 =	vmul.f32 v7, v3;
	v4 =	vand.u32 $0xFFFFFFFD, v4  }
0x195: {  	[tilespmem:s15+$0xFFFFFF20] =	vst v9;
	v4 =	vbroadcast v4, $0x0  }
0x196: {  	[tilespmem:s15+$0xFFFFFF30] =	vst v8  }
0x197: {  	[tilespmem:s15+$0xFFFFFF50] =	vst v3;
	v3 =	vld [tilespmem:s15+$0xFFFFFFF0]  }
0x198: {  	[tilespmem:s15+$0xFFFFFF10] =	vst v10;
	v7 =	vld [tilespmem:s15+$0xFFFFFFD0]  }
0x199: {  	[tilespmem:s15+$0xFFFFFF60] =	vst v6;
	v6 =	vld [tilespmem:s15+$0xFFFFFFB0]  }
0x19a: {  	[tilespmem:s15+$0xFFFFFF40] =	vst v5;
	v5 =	vld [tilespmem:s15+$0xFFFFFF90]  }
0x19b: {  	v4 =	vld.idx.msk [tilespmem:v4+s19+$0x0], $0xffff  }
0x19c: {  	v8 =	vld [tilespmem:s15+$0xFFFFFF80]  }
0x19d: {  	v9 =	vld [tilespmem:s15+$0xFFFFFFA0]  }
0x19e: {  	v10 =	vld [tilespmem:s15+$0xFFFFFFC0]  }
0x19f: {  	v11 =	vld [tilespmem:s15+$0xFFFFFFE0];
	_ =	sdelay $0x1  }
0x1a0: {  	v5 =	vmul.f32 v5, v4;
	v8 =	vmul.f32 v8, v4  }
0x1a1: {  	s29 =	sadd.s32 $0xFFFFFFFF, s25;
	v6 =	vmul.f32 v6, v4;
	v9 =	vmul.f32 v9, v4  }
0x1a2: {  	v7 =	vmul.f32 v7, v4;
	[tilespmem:s15+$0xFFFFFF80] =	vst v8;
	v8 =	vmul.f32 v10, v4;
	v10 =	vmov s29  }
0x1a3: {  	v3 =	vmul.f32 v3, v4;
	[tilespmem:s15+$0xFFFFFFA0] =	vst v9;
	v9 =	vmul.f32 v11, v4;
	v4 =	vand.u32 $0xFFFFFFFE, v10  }
0x1a4: {  	[tilespmem:s15+$0xFFFFFF90] =	vst v5;
	v4 =	vbroadcast v4, $0x0  }
0x1a5: {  	[tilespmem:s15+$0xFFFFFFD0] =	vst v7  }
0x1a6: {  	[tilespmem:s15+$0xFFFFFFE0] =	vst v9  }
0x1a7: {  	[tilespmem:s15+$0xFFFFFFB0] =	vst v6  }
.Ltmp1:
0x1a8: {  	[tilespmem:s15+$0xFFFFFFF0] =	vst v3;
	v5 =	vld [tilespmem:s15+$0x20];
	(pc) =	sbr.rel @p1 .LBB2_5-.Ltmp1, $4  }
0x1a9: {  	[tilespmem:s15+$0xFFFFFFC0] =	vst v8;
	v6 =	vld [tilespmem:s15+$0x0]  }
0x1aa: {  	v3 =	vld.idx.msk [tilespmem:v4+s19+$0x0], $0xffff  }
0x1ab: {  	v4 =	vld [tilespmem:s15+$0x10]  }
0x1ac: {  	v7 =	vld [tilespmem:s15+$0x30]  }
0x1ad: {  	v8 =	vld [tilespmem:s11+$0x60];
	_ =	sdelay $0x1  }
0x1ae: {  	v6 =	vmul.f32 v6, v3  }
0x1af: {  	v9 =	vld [tilespmem:s11+$0x50];
	v5 =	vmul.f32 v5, v3  }
0x1b0: {  	v1 =	vmul.f32 v1, v3;
	[tilespmem:s11+$0x0] =	vst v6  }
0x1b1: {  	[tilespmem:s11+$0x20] =	vst v5;
	v5 =	vmul.f32 v8, v3  }
0x1b2: {  	v2 =	vmul.f32 v2, v3;
	[tilespmem:s11+$0x40] =	vst v1  }
0x1b3: {  	v7 =	vmul.f32 v7, v3;
	[tilespmem:s11+$0x60] =	vst v5;
	v5 =	vmov s25  }
0x1b4: {  	[tilespmem:s11+$0x70] =	vst v2;
	v6 =	vmul.f32 v9, v3  }
0x1b5: {  	v3 =	vmul.f32 v4, v3;
	[tilespmem:s11+$0x30] =	vst v7  }
0x1b6: {  	[tilespmem:s11+$0x50] =	vst v6  }
0x1b7: {  	v7 =	vld [tilespmem:s11+$0x80];
	[tilespmem:s11+$0x10] =	vst v3  }
0x1b8: {  	v1 =	vld.idx.msk [tilespmem:v5+s19+$0x0], $0xffff  }
0x1b9: {  	v2 =	vld [tilespmem:s11+$0x90]  }
0x1ba: {  	v3 =	vld [tilespmem:s11+$0xA0]  }
0x1bb: {  	v4 =	vld [tilespmem:s11+$0xD0]  }
0x1bc: {  	v5 =	vld [tilespmem:s11+$0xB0]  }
0x1bd: {  	v6 =	vld [tilespmem:s11+$0xC0];
	v7 =	vmul.f32 v7, v1  }
0x1be: {  	v8 =	vld [tilespmem:s11+$0xE0];
	v2 =	vmul.f32 v2, v1  }
0x1bf: {  	v58 =	vld [tilespmem:s11+$0xF0];
	v3 =	vmul.f32 v3, v1;
	[tilespmem:s11+$0x80] =	vst v7  }
0x1c0: {  	v4 =	vmul.f32 v4, v1;
	[tilespmem:s11+$0x90] =	vst v2  }
0x1c1: {  	v2 =	vmul.f32 v5, v1;
	[tilespmem:s11+$0xA0] =	vst v3  }
0x1c2: {  	s25 =	smul.u32 $0x140, s16;
	v3 =	vmul.f32 v6, v1;
	[tilespmem:s11+$0xD0] =	vst v4  }
0x1c3: {  	s0 =	rddreg [dreg:$0x1b];
	v4 =	vmul.f32 v8, v1;
	[tilespmem:s11+$0xB0] =	vst v2  }
0x1c4: {  	s15 =	sadd.s32 s25, s0;
	v1 =	vmul.f32 v58, v1;
	[tilespmem:s11+$0xC0] =	vst v3  }
0x1c5: {  	s15 =	sshrl.u32 s15, $0x3;
	[tilespmem:s11+$0xE0] =	vst v4  }
0x1c6: {  	s26 =	sadd.s32 s8, s15;
	[tilespmem:s11+$0xF0] =	vst v1  }
0x1c7: {  	[tilespmem:s4], [sflag:$0x1] =	stream.linear.gather [hbm4b:s26+s4], $0x50, $0x38;
	[tilespmem:$0x1F580] =	vst v63  }
0x1c8: {  	s0 =	sadd.s32 s9, s15;
	s26 =	simm.s32 $0x200  }
0x1c9: {  	[tilespmem:s26], [sflag:$0x1] =	stream.linear.gather [hbm4b:s0+s4], $0x50, $0x38;
	[tilespmem:$0x1F580] =	vst v63  }
0x1ca: {  	s0 =	sadd.s32 s7, s15;
	s15 =	simm.s32 $0x400  }
0x1cb: {  	[tilespmem:s15], [sflag:$0x1] =	stream.linear.gather [hbm4b:s0+s4], $0x50, $0x38;
	[tilespmem:$0x1F580] =	vst v63  }
0x1cc: {  	s26 =	simm.s32 $0xC00  }
0x1cd: {  	[spmem:s2] =	stream.indirect.scatter.add.f32 [tilespmem:s20], [sflag:$0x9], $0x80, s26, s23, $0xb8;
	[tilespmem:$0x1F580] =	vst v63  }
0x1ce: {  	_ = 	snop  }
0x1cf: {  	[spmem:s3] =	stream.indirect.scatter.add.f32 [tilespmem:s19], [sflag:$0x9], $0x1, s26, s23, $0xb8;
	[tilespmem:$0x1F580] =	vst v63  }
0x1d0: {  	_ =	swait.ge [sflag:s21], $0x50  }
0x1d1: {  	[sflag:s21] =	ssyncset.done $0x0  }
0x1d2: {  	[sflag:s21] =	ssyncadd.s32 $0xFFFFFFB0  }
0x1d3: {  	_ =	swait.ge [sflag:s21], $0x50  }
0x1d4: {  	[sflag:s21] =	ssyncset.done $0x0  }
0x1d5: {  	[sflag:s21] =	ssyncadd.s32 $0xFFFFFFB0  }
0x1d6: {  	_ =	swait.ge [sflag:s21], $0x2800  }
0x1d7: {  	[sflag:s21] =	ssyncset.done $0x0  }
0x1d8: {  	s11 =	simm.s32 @!p0 $0xC;
	[sflag:s21] =	ssyncadd.s32 $0xFFFFD800  }
0x1d9: {  	_ =	swait.ge @!p0 [sflag:s11], $0x2800  }
0x1da: {  	[sflag:s11] =	ssyncset.done @!p0 $0x0  }
0x1db: {  	[sflag:s11] =	ssyncadd.s32 @!p0 $0xFFFFD800  }
0x1dc: {  	_ =	swait.ge @!p0 [sflag:s11], $0x50  }
0x1dd: {  	[sflag:s11] =	ssyncset.done @!p0 $0x0  }
0x1de: {  	[sflag:s11] =	ssyncadd.s32 @!p0 $0xFFFFFFB0  }
0x1df: {  	_ =	swait.ge [sflag:s30], $0x50  }
0x1e0: {  	[sflag:s30] =	ssyncset.done $0x0  }
0x1e1: {  	[sflag:s30] =	ssyncadd.s32 $0xFFFFFFB0  }
0x1e2: {  	_ =	swait.ge [sflag:s30], $0x50  }
0x1e3: {  	[sflag:s30] =	ssyncset.done $0x0  }
0x1e4: {  	[sflag:s30] =	ssyncadd.s32 $0xFFFFFFB0  }
0x1e5: {  	_ =	swait.ge [sflag:s30], $0x50  }
0x1e6: {  	[sflag:s30] =	ssyncset.done $0x0  }
0x1e7: {  	s11 =	simm.s32 $0x780;
	[sflag:s30] =	ssyncadd.s32 $0xFFFFFFB0  }
0x1e8: {  	[tilespmem:s11], [sflag:$0x8] =	stream.indirect.gather [hbm4b:s5+s23], $0x1, s17, s23, $0xb8;
	[tilespmem:$0x1F580] =	vst v63  }
0x1e9: {  	s15 =	simm.s32 $0x380;
	s26 =	simm.s32 $0x980  }
0x1ea: {  	[tilespmem:s26], [sflag:$0x8] =	stream.indirect.gather [hbm4b:s6+s23], $0x1, s15, s23, $0xb8;
	[tilespmem:$0x1F580] =	vst v63  }
0x1eb: {  	s15 =	simm.s32 $0x8600  }
0x1ec: {  	[tilespmem:s15], [sflag:$0x8] =	stream.indirect.gather [hbm4b:s1+s23], $0x80, s17, s23, $0xb8;
	[tilespmem:$0x1F580] =	vst v63  }
0x1ed: {  	v1 =	vld [tilespmem:$0xAE00]  }
0x1ee: {  	v2 =	vld [tilespmem:$0x680]  }
0x1ef: {  	v3 =	vld [tilespmem:$0x880]  }
0x1f0: {  	v4 =	vld [tilespmem:$0x480]  }
0x1f1: {  	v5 =	vld [tilespmem:$0x690]  }
0x1f2: {  	v6 =	vld [tilespmem:$0x890]  }
0x1f3: {  	v7 =	vld [tilespmem:$0x490]  }
0x1f4: {  	v8 =	vld [tilespmem:$0x6A0]  }
0x1f5: {  	v59 =	vld [tilespmem:$0x8A0]  }
0x1f6: {  	v10 =	vld [tilespmem:$0x4A0]  }
0x1f7: {  	v12 =	vld [tilespmem:$0x8C0]  }
0x1f8: {  	v2 =	vadd.f32 v3, v2;
	v3 =	vld [tilespmem:$0x6B0];
	v5 =	vadd.f32 v6, v5  }
0x1f9: {  	v6 =	vld [tilespmem:$0x8B0]  }
0x1fa: {  	v2 =	vadd.f32 v4, v2;
	v4 =	vld [tilespmem:$0x4B0];
	v5 =	vadd.f32 v7, v5  }
0x1fb: {  	v8 =	vadd.f32 v59, v8;
	v7 =	vld [tilespmem:$0x6C0]  }
0x1fc: {  	v11 =	vmul.f32 $2.000000030e-01, v2;
	v60 =	vmul.f32 $2.000000030e-01, v5  }
0x1fd: {  	v61 =	vld [tilespmem:$0x4C0];
	v8 =	vadd.f32 v10, v8;
	vm0 =	vge.f32 v2, $0.0e+00;
	vm12 =	vge.f32 v5, $0.0e+00  }
0x1fe: {  	v3 =	vadd.f32 v6, v3;
	v2 =	vsel vm0, v2, v11;
	v5 =	vsel vm12, v5, v60  }
0x1ff: {  	v2 =	vsub.f32 v2, v1;
	v5 =	vsub.f32 v5, v1  }
0x200: {  	v3 =	vadd.f32 v4, v3;
	v4 =	vadd.f32 v12, v7  }
0x201: {  	v6 =	vmul.f32 $2.000000030e-01, v8;
	v2 =	vmul.f32 $1.442695020e+00, v2  }
0x202: {  	vm13 =	vge.f32 v8, $0.0e+00;
	v5 =	vmul.f32 $1.442695020e+00, v5;
	v4 =	vadd.f32 v61, v4  }
0x203: {  	v6 =	vsel vm13, v8, v6;
	v7 =	vmul.f32 $2.000000030e-01, v3;
	(erf) = vpow2.f32 v2  }
0x204: {  	v2 =	vsub.f32 v6, v1;
	(erf) = vpow2.f32 v5;
	v5 =	vmul.f32 $2.000000030e-01, v4  }
0x205: {  	vm14 =	vge.f32 v3, $0.0e+00;
	vm15 =	vge.f32 v4, $0.0e+00  }
0x206: {  	v3 =	vsel vm14, v3, v7;
	v2 =	vmul.f32 $1.442695020e+00, v2;
	v4 =	vsel vm15, v4, v5  }
0x207: {  	v3 =	vsub.f32 v3, v1;
	v1 =	vsub.f32 v4, v1  }
0x208: {  	(erf) = vpow2.f32 v2  }
0x209: {  	v2 =	vmul.f32 $1.442695020e+00, v3;
	v1 =	vmul.f32 $1.442695020e+00, v1  }
0x20a: {  	v3 =	vld [tilespmem:$0x280]  }
0x20b: {  	(erf) = vpow2.f32 v2;
	v2 =	vld [tilespmem:$0x290];
	_ =	sdelay $0x1  }
0x20c: {  	(erf) = vpow2.f32 v1;
	v1 =	vpop (erf)  }
0x20d: {  	[tilespmem:$0xA80] =	vst v1;
	v1 =	vld [tilespmem:$0x2A0]  }
0x20e: {  	[tilespmem:$0xC80] =	vst v3  }
0x20f: {  	v3 =	vld [tilespmem:$0x2B0];
	v4 =	vpop (erf);
	[tilespmem:$0xC90] =	vst v2  }
0x210: {  	s26 =	simm.s32 $0x0;
	[tilespmem:$0xA90] =	vst v4;
	v4 =	vpop (erf)  }
0x211: {  	v2 =	vld [tilespmem:$0x2C0];
	[tilespmem:$0xAA0] =	vst v4;
	v4 =	vmov s26  }
0x212: {  	[tilespmem:$0xCA0] =	vst v1;
	v1 =	vand.u32 $0xFFFFFFFC, v4  }
0x213: {  	v1 =	vbroadcast v1, $0x0  }
0x214: {  	[tilespmem:$0xCB0] =	vst v3;
	v5 =	vpop (erf)  }
0x215: {  	[tilespmem:$0xAB0] =	vst v5  }
0x216: {  	[tilespmem:$0xCC0] =	vst v2;
	v3 =	vpop (erf)  }
0x217: {  	s11 =	simm.s32 $0x3700;
	[tilespmem:$0xAC0] =	vst v3  }
0x218: {  	v3 =	vld [tilespmem:s11+$0xFFFFFF70]  }
0x219: {  	v1 =	vld.idx.msk [tilespmem:v1+s24+$0x0], $0xffff  }
0x21a: {  	v4 =	vld [tilespmem:s11+$0xFFFFFF00]  }
0x21b: {  	v5 =	vld [tilespmem:s11+$0xFFFFFF20]  }
0x21c: {  	v6 =	vld [tilespmem:s11+$0xFFFFFF30]  }
0x21d: {  	v2 =	vld [tilespmem:s11+$0xFFFFFF50]  }
0x21e: {  	v8 =	vld [tilespmem:s11+$0xFFFFFF10];
	v3 =	vmul.f32 v3, v1  }
0x21f: {  	s0 =	simm.s32 $0x1;
	v7 =	vld [tilespmem:s11+$0xFFFFFF60];
	v4 =	vmul.f32 v4, v1  }
0x220: {  	v62 =	vld [tilespmem:s11+$0xFFFFFF40];
	v5 =	vmul.f32 v5, v1;
	[tilespmem:s11+$0xFFFFFF70] =	vst v3;
	v3 =	vmov s0  }
0x221: {  	v6 =	vmul.f32 v6, v1;
	[tilespmem:s11+$0xFFFFFF00] =	vst v4;
	v3 =	vand.u32 $0xFFFFFFFD, v3  }
0x222: {  	v2 =	vmul.f32 v2, v1;
	[tilespmem:s11+$0xFFFFFF20] =	vst v5;
	v3 =	vbroadcast v3, $0x0  }
0x223: {  	v4 =	vmul.f32 v8, v1;
	[tilespmem:s11+$0xFFFFFF30] =	vst v6  }
0x224: {  	v5 =	vmul.f32 v7, v1;
	[tilespmem:s11+$0xFFFFFF50] =	vst v2  }
0x225: {  	v1 =	vmul.f32 v62, v1;
	[tilespmem:s11+$0xFFFFFF10] =	vst v4  }
0x226: {  	[tilespmem:s11+$0xFFFFFF60] =	vst v5  }
0x227: {  	[tilespmem:s11+$0xFFFFFF40] =	vst v1;
	v1 =	vld [tilespmem:s11+$0xFFFFFF80]  }
0x228: {  	v3 =	vld.idx.msk [tilespmem:v3+s24+$0x0], $0xffff  }
0x229: {  	v2 =	vld [tilespmem:s11+$0xFFFFFFA0]  }
0x22a: {  	v4 =	vld [tilespmem:s11+$0xFFFFFF90]  }
0x22b: {  	v5 =	vld [tilespmem:s11+$0xFFFFFFD0]  }
0x22c: {  	v6 =	vld [tilespmem:s11+$0xFFFFFFE0]  }
0x22d: {  	v7 =	vld [tilespmem:s11+$0xFFFFFFF0];
	v1 =	vmul.f32 v1, v3  }
0x22e: {  	s26 =	simm.s32 $0x2;
	v8 =	vld [tilespmem:s11+$0xFFFFFFB0];
	v2 =	vmul.f32 v2, v3  }
0x22f: {  	v63 =	vld [tilespmem:s11+$0xFFFFFFC0];
	v4 =	vmul.f32 v4, v3;
	[tilespmem:s11+$0xFFFFFF80] =	vst v1;
	v1 =	vmov s26  }
0x230: {  	v5 =	vmul.f32 v5, v3;
	[tilespmem:s11+$0xFFFFFFA0] =	vst v2;
	v1 =	vand.u32 $0xFFFFFFFE, v1  }
0x231: {  	v2 =	vmul.f32 v6, v3;
	[tilespmem:s11+$0xFFFFFF90] =	vst v4;
	v4 =	vbroadcast v1, $0x0  }
0x232: {  	v6 =	vmul.f32 v7, v3;
	[tilespmem:s11+$0xFFFFFFD0] =	vst v5;
	v7 =	vld [tilespmem:s11+$0x30]  }
0x233: {  	v5 =	vmul.f32 v8, v3;
	v1 =	vld [tilespmem:s11+$0x40];
	[tilespmem:s11+$0xFFFFFFE0] =	vst v2  }
0x234: {  	v3 =	vmul.f32 v63, v3;
	v2 =	vld [tilespmem:s11+$0x70];
	[tilespmem:s11+$0xFFFFFFF0] =	vst v6  }
0x235: {  	[tilespmem:s11+$0xFFFFFFB0] =	vst v5;
	v5 =	vld [tilespmem:s11+$0x20]  }
0x236: {  	[tilespmem:s11+$0xFFFFFFC0] =	vst v3;
	v6 =	vld [tilespmem:s11+$0x0]  }
0x237: {  	v3 =	vld.idx.msk [tilespmem:v4+s24+$0x0], $0xffff  }
0x238: {  	s29 =	simm.s32 $0x3700;
	s15 =	simm.s32 $0x7;
	s26 =	simm.s32 $0x3;
	v4 =	vld [tilespmem:s11+$0x10]  }
.LBB2_7:
0x239: {  	p0 =	sne.s32 s15, $0x4F  }
0x23a: {  	v8 =	vld [tilespmem:s11+$0x50];
	s29 =	sadd.s32 $0x200, s29;
	s0 =	smov.u32 s15;
	s15 =	sadd.s32 $0x4, s15  }
0x23b: {  	v9 =	vld [tilespmem:s11+$0x60];
	_ =	sdelay $0x1  }
0x23c: {  	v6 =	vmul.f32 v6, v3;
	v4 =	vmul.f32 v4, v3  }
0x23d: {  	v5 =	vmul.f32 v5, v3;
	v7 =	vmul.f32 v7, v3  }
0x23e: {  	v1 =	vmul.f32 v1, v3;
	v2 =	vmul.f32 v2, v3;
	[tilespmem:s11+$0x0] =	vst v6  }
0x23f: {  	[tilespmem:s11+$0x20] =	vst v5;
	v5 =	vmul.f32 v8, v3;
	v3 =	vmul.f32 v9, v3  }
0x240: {  	[tilespmem:s11+$0x30] =	vst v7;
	v6 =	vld [tilespmem:s11+$0x80]  }
0x241: {  	[tilespmem:s11+$0x60] =	vst v3;
	v3 =	vmov s26;
	v7 =	vld [tilespmem:s11+$0xD0];
	s26 =	smov.u32 s0  }
0x242: {  	[tilespmem:s11+$0x50] =	vst v5;
	v5 =	vld [tilespmem:s11+$0xE0]  }
0x243: {  	[tilespmem:s11+$0x40] =	vst v1;
	v8 =	vld [tilespmem:s11+$0xB0]  }
0x244: {  	v1 =	vld [tilespmem:s29+$0x40];
	[tilespmem:s11+$0x70] =	vst v2  }
0x245: {  	v2 =	vld [tilespmem:s29+$0x70];
	[tilespmem:s11+$0x10] =	vst v4  }
0x246: {  	v3 =	vld.idx.msk [tilespmem:v3+s24+$0x0], $0xffff  }
0x247: {  	v4 =	vld [tilespmem:s11+$0x90]  }
0x248: {  	v9 =	vld [tilespmem:s11+$0xA0]  }
0x249: {  	v10 =	vld [tilespmem:s11+$0xC0]  }
0x24a: {  	v11 =	vld [tilespmem:s11+$0xF0];
	_ =	sdelay $0x1  }
0x24b: {  	v6 =	vmul.f32 v6, v3;
	v4 =	vmul.f32 v4, v3  }
0x24c: {  	s0 =	sadd.s32 $0xFFFFFFFD, s26;
	v8 =	vmul.f32 v8, v3;
	v9 =	vmul.f32 v9, v3  }
0x24d: {  	v12 =	vmov s0;
	v7 =	vmul.f32 v7, v3;
	[tilespmem:s11+$0x80] =	vst v6;
	v6 =	vmul.f32 v10, v3  }
0x24e: {  	v10 =	vand.u32 $0xFFFFFFFC, v12;
	[tilespmem:s11+$0x90] =	vst v4;
	v4 =	vmul.f32 v5, v3;
	v3 =	vmul.f32 v11, v3  }
0x24f: {  	v5 =	vbroadcast v10, $0x0;
	[tilespmem:s11+$0xA0] =	vst v9  }
0x250: {  	[tilespmem:s11+$0xD0] =	vst v7  }
0x251: {  	v7 =	vld [tilespmem:s29+$0xFFFFFF50];
	[tilespmem:s11+$0xB0] =	vst v8  }
0x252: {  	v8 =	vld [tilespmem:s29+$0xFFFFFF30];
	[tilespmem:s11+$0xC0] =	vst v6  }
0x253: {  	v6 =	vld [tilespmem:s29+$0xFFFFFF60];
	[tilespmem:s11+$0xE0] =	vst v4  }
0x254: {  	v4 =	vld [tilespmem:s29+$0xFFFFFF70];
	[tilespmem:s11+$0xF0] =	vst v3;
	s11 =	smov.u32 s29  }
0x255: {  	v3 =	vld.idx.msk [tilespmem:v5+s24+$0x0], $0xffff  }
0x256: {  	v5 =	vld [tilespmem:s29+$0xFFFFFF00]  }
0x257: {  	v9 =	vld [tilespmem:s29+$0xFFFFFF20]  }
0x258: {  	v10 =	vld [tilespmem:s29+$0xFFFFFF10]  }
0x259: {  	v11 =	vld [tilespmem:s29+$0xFFFFFF40];
	_ =	sdelay $0x1  }
0x25a: {  	v4 =	vmul.f32 v4, v3;
	v5 =	vmul.f32 v5, v3  }
0x25b: {  	s0 =	sadd.s32 $0xFFFFFFFE, s26;
	v6 =	vmul.f32 v6, v3;
	v9 =	vmul.f32 v9, v3  }
0x25c: {  	v8 =	vmul.f32 v8, v3;
	v10 =	vmul.f32 v10, v3;
	[tilespmem:s29+$0xFFFFFF70] =	vst v4;
	v4 =	vmov s0  }
0x25d: {  	[tilespmem:s29+$0xFFFFFF00] =	vst v5;
	v5 =	vmul.f32 v11, v3;
	v3 =	vmul.f32 v7, v3;
	v4 =	vand.u32 $0xFFFFFFFD, v4  }
0x25e: {  	[tilespmem:s29+$0xFFFFFF20] =	vst v9;
	v4 =	vbroadcast v4, $0x0  }
0x25f: {  	[tilespmem:s29+$0xFFFFFF30] =	vst v8  }
0x260: {  	[tilespmem:s29+$0xFFFFFF50] =	vst v3;
	v3 =	vld [tilespmem:s29+$0xFFFFFFF0]  }
0x261: {  	[tilespmem:s29+$0xFFFFFF10] =	vst v10;
	v7 =	vld [tilespmem:s29+$0xFFFFFFD0]  }
0x262: {  	[tilespmem:s29+$0xFFFFFF60] =	vst v6;
	v6 =	vld [tilespmem:s29+$0xFFFFFFB0]  }
0x263: {  	[tilespmem:s29+$0xFFFFFF40] =	vst v5;
	v5 =	vld [tilespmem:s29+$0xFFFFFF90]  }
0x264: {  	v4 =	vld.idx.msk [tilespmem:v4+s24+$0x0], $0xffff  }
0x265: {  	v8 =	vld [tilespmem:s29+$0xFFFFFF80]  }
0x266: {  	v9 =	vld [tilespmem:s29+$0xFFFFFFA0]  }
0x267: {  	v10 =	vld [tilespmem:s29+$0xFFFFFFC0]  }
0x268: {  	v11 =	vld [tilespmem:s29+$0xFFFFFFE0];
	_ =	sdelay $0x1  }
0x269: {  	v5 =	vmul.f32 v5, v4;
	v8 =	vmul.f32 v8, v4  }
0x26a: {  	s0 =	sadd.s32 $0xFFFFFFFF, s26;
	v6 =	vmul.f32 v6, v4;
	v9 =	vmul.f32 v9, v4  }
0x26b: {  	v7 =	vmul.f32 v7, v4;
	[tilespmem:s29+$0xFFFFFF80] =	vst v8;
	v8 =	vmul.f32 v10, v4;
	v10 =	vmov s0  }
0x26c: {  	v3 =	vmul.f32 v3, v4;
	[tilespmem:s29+$0xFFFFFFA0] =	vst v9;
	v9 =	vmul.f32 v11, v4;
	v4 =	vand.u32 $0xFFFFFFFE, v10  }
0x26d: {  	[tilespmem:s29+$0xFFFFFF90] =	vst v5;
	v4 =	vbroadcast v4, $0x0  }
0x26e: {  	[tilespmem:s29+$0xFFFFFFD0] =	vst v7  }
0x26f: {  	[tilespmem:s29+$0xFFFFFFE0] =	vst v9  }
0x270: {  	[tilespmem:s29+$0xFFFFFFB0] =	vst v6  }
.Ltmp2:
0x271: {  	[tilespmem:s29+$0xFFFFFFF0] =	vst v3;
	v5 =	vld [tilespmem:s29+$0x20];
	(pc) =	sbr.rel @p0 .LBB2_7-.Ltmp2, $4  }
0x272: {  	[tilespmem:s29+$0xFFFFFFC0] =	vst v8;
	v6 =	vld [tilespmem:s29+$0x0]  }
0x273: {  	v3 =	vld.idx.msk [tilespmem:v4+s24+$0x0], $0xffff  }
0x274: {  	v4 =	vld [tilespmem:s29+$0x10]  }
0x275: {  	v7 =	vld [tilespmem:s29+$0x30]  }
0x276: {  	v8 =	vld [tilespmem:s11+$0x60];
	_ =	sdelay $0x1  }
0x277: {  	v6 =	vmul.f32 v6, v3  }
0x278: {  	v9 =	vld [tilespmem:s11+$0x50];
	v5 =	vmul.f32 v5, v3  }
0x279: {  	v1 =	vmul.f32 v1, v3;
	[tilespmem:s11+$0x0] =	vst v6  }
0x27a: {  	[tilespmem:s11+$0x20] =	vst v5;
	v5 =	vmul.f32 v8, v3  }
0x27b: {  	v2 =	vmul.f32 v2, v3;
	[tilespmem:s11+$0x40] =	vst v1  }
0x27c: {  	v7 =	vmul.f32 v7, v3;
	[tilespmem:s11+$0x60] =	vst v5;
	v5 =	vmov s26  }
0x27d: {  	[tilespmem:s11+$0x70] =	vst v2;
	v6 =	vmul.f32 v9, v3  }
0x27e: {  	v3 =	vmul.f32 v4, v3;
	[tilespmem:s11+$0x30] =	vst v7  }
0x27f: {  	[tilespmem:s11+$0x50] =	vst v6  }
0x280: {  	v7 =	vld [tilespmem:s11+$0x80];
	[tilespmem:s11+$0x10] =	vst v3  }
0x281: {  	v1 =	vld.idx.msk [tilespmem:v5+s24+$0x0], $0xffff  }
0x282: {  	v2 =	vld [tilespmem:s11+$0x90]  }
0x283: {  	v3 =	vld [tilespmem:s11+$0xA0]  }
0x284: {  	v4 =	vld [tilespmem:s11+$0xD0]  }
0x285: {  	v5 =	vld [tilespmem:s11+$0xB0]  }
0x286: {  	v6 =	vld [tilespmem:s11+$0xC0];
	v7 =	vmul.f32 v7, v1  }
0x287: {  	v8 =	vld [tilespmem:s11+$0xE0];
	v2 =	vmul.f32 v2, v1  }
0x288: {  	v58 =	vld [tilespmem:s11+$0xF0];
	v3 =	vmul.f32 v3, v1;
	[tilespmem:s11+$0x80] =	vst v7  }
0x289: {  	v4 =	vmul.f32 v4, v1;
	[tilespmem:s11+$0x90] =	vst v2  }
0x28a: {  	v2 =	vmul.f32 v5, v1;
	[tilespmem:s11+$0xA0] =	vst v3  }
0x28b: {  	v3 =	vmul.f32 v6, v1;
	[tilespmem:s11+$0xD0] =	vst v4  }
0x28c: {  	p0 =	seq.s32 s16, $0x1E;
	s0 =	rddreg [dreg:$0x1c];
	v4 =	vmul.f32 v8, v1;
	[tilespmem:s11+$0xB0] =	vst v2  }
0x28d: {  	s0 =	sadd.s32 @!p0 s25, s0;
	v1 =	vmul.f32 v58, v1;
	[tilespmem:s11+$0xC0] =	vst v3  }
0x28e: {  	s0 =	sshrl.u32 @!p0 s0, $0x3;
	[tilespmem:s11+$0xE0] =	vst v4  }
0x28f: {  	s15 =	simm.s32 @!p0 $0x0;
	s26 =	simm.s32 @!p0 $0x80;
	[tilespmem:s11+$0xF0] =	vst v1;
	s11 =	sadd.s32 @!p0 s8, s0  }
0x290: {  	[tilespmem:s26], [sflag:$0x2] =	stream.linear.gather @!p0 [hbm4b:s11+s15], $0x50, $0x38;
	[tilespmem:$0x1F580] =	vst v63  }
0x291: {  	s11 =	sadd.s32 @!p0 s9, s0;
	s26 =	simm.s32 @!p0 $0x280  }
0x292: {  	[tilespmem:s26], [sflag:$0x2] =	stream.linear.gather @!p0 [hbm4b:s11+s15], $0x50, $0x38;
	[tilespmem:$0x1F580] =	vst v63  }
0x293: {  	s0 =	sadd.s32 @!p0 s7, s0;
	s11 =	simm.s32 @!p0 $0x480  }
0x294: {  	[tilespmem:s11], [sflag:$0x2] =	stream.linear.gather @!p0 [hbm4b:s0+s15], $0x50, $0x38;
	[tilespmem:$0x1F580] =	vst v63  }
0x295: {  	s26 =	simm.s32 $0xC80;
	s15 =	simm.s32 $0x3600  }
0x296: {  	[spmem:s2] =	stream.indirect.scatter.add.f32 [tilespmem:s15], [sflag:$0xA], $0x80, s26, s23, $0xb8;
	[tilespmem:$0x1F580] =	vst v63  }
0x297: {  	_ = 	snop  }
0x298: {  	[spmem:s3] =	stream.indirect.scatter.add.f32 [tilespmem:s24], [sflag:$0xA], $0x1, s26, s23, $0xb8;
	[tilespmem:$0x1F580] =	vst v63  }
0x299: {  	_ =	swait.ge [sflag:s31], $0x50  }
0x29a: {  	[sflag:s31] =	ssyncset.done $0x0  }
0x29b: {  	[sflag:s31] =	ssyncadd.s32 $0xFFFFFFB0  }
0x29c: {  	_ =	swait.ge [sflag:s31], $0x50  }
0x29d: {  	[sflag:s31] =	ssyncset.done $0x0  }
0x29e: {  	[sflag:s31] =	ssyncadd.s32 $0xFFFFFFB0  }
0x29f: {  	_ =	swait.ge [sflag:s31], $0x2800  }
0x2a0: {  	[sflag:s31] =	ssyncset.done $0x0  }
0x2a1: {  	[sflag:s31] =	ssyncadd.s32 $0xFFFFD800  }
0x2a2: {  	_ =	swait.ge [sflag:s14], $0x2800  }
0x2a3: {  	[sflag:s14] =	ssyncset.done $0x0  }
0x2a4: {  	[sflag:s14] =	ssyncadd.s32 $0xFFFFD800  }
0x2a5: {  	_ =	swait.ge [sflag:s14], $0x50  }
0x2a6: {  	[sflag:s14] =	ssyncset.done $0x0  }
0x2a7: {  	[sflag:s14] =	ssyncadd.s32 $0xFFFFFFB0  }
0x2a8: {  	_ =	swait.ge [sflag:s22], $0x50  }
0x2a9: {  	[sflag:s22] =	ssyncset.done $0x0  }
0x2aa: {  	[sflag:s22] =	ssyncadd.s32 $0xFFFFFFB0  }
0x2ab: {  	_ =	swait.ge [sflag:s22], $0x50  }
0x2ac: {  	[sflag:s22] =	ssyncset.done $0x0  }
0x2ad: {  	[sflag:s22] =	ssyncadd.s32 $0xFFFFFFB0  }
0x2ae: {  	_ =	swait.ge [sflag:s22], $0x50  }
0x2af: {  	[sflag:s22] =	ssyncset.done $0x0  }
0x2b0: {  	s11 =	simm.s32 $0x600;
	[sflag:s22] =	ssyncadd.s32 $0xFFFFFFB0  }
0x2b1: {  	[tilespmem:s11], [sflag:$0x5] =	stream.indirect.gather [hbm4b:s5+s23], $0x1, s4, s23, $0xb8;
	[tilespmem:$0x1F580] =	vst v63  }
0x2b2: {  	s15 =	simm.s32 $0x200;
	s26 =	simm.s32 $0x800  }
0x2b3: {  	[tilespmem:s26], [sflag:$0x5] =	stream.indirect.gather [hbm4b:s6+s23], $0x1, s15, s23, $0xb8;
	[tilespmem:$0x1F580] =	vst v63  }
0x2b4: {  	_ = 	snop  }
0x2b5: {  	[tilespmem:s20], [sflag:$0x5] =	stream.indirect.gather [hbm4b:s1+s23], $0x80, s4, s23, $0xb8;
	[tilespmem:$0x1F580] =	vst v63  }
0x2b6: {  	v1 =	vld [tilespmem:$0xAE00]  }
0x2b7: {  	v2 =	vld [tilespmem:$0x700]  }
0x2b8: {  	v3 =	vld [tilespmem:$0x900]  }
0x2b9: {  	v4 =	vld [tilespmem:$0x500]  }
0x2ba: {  	v5 =	vld [tilespmem:$0x710]  }
0x2bb: {  	v6 =	vld [tilespmem:$0x910]  }
0x2bc: {  	v7 =	vld [tilespmem:$0x510]  }
0x2bd: {  	v8 =	vld [tilespmem:$0x720]  }
0x2be: {  	v59 =	vld [tilespmem:$0x920]  }
0x2bf: {  	v10 =	vld [tilespmem:$0x520]  }
0x2c0: {  	v12 =	vld [tilespmem:$0x940]  }
0x2c1: {  	v2 =	vadd.f32 v3, v2;
	v3 =	vld [tilespmem:$0x730];
	v5 =	vadd.f32 v6, v5  }
0x2c2: {  	v6 =	vld [tilespmem:$0x930]  }
0x2c3: {  	v2 =	vadd.f32 v4, v2;
	v4 =	vld [tilespmem:$0x530];
	v5 =	vadd.f32 v7, v5  }
0x2c4: {  	v8 =	vadd.f32 v59, v8;
	v7 =	vld [tilespmem:$0x740]  }
0x2c5: {  	v11 =	vmul.f32 $2.000000030e-01, v2;
	v60 =	vmul.f32 $2.000000030e-01, v5  }
0x2c6: {  	v61 =	vld [tilespmem:$0x540];
	v8 =	vadd.f32 v10, v8;
	vm0 =	vge.f32 v2, $0.0e+00;
	vm12 =	vge.f32 v5, $0.0e+00  }
0x2c7: {  	v3 =	vadd.f32 v6, v3;
	v2 =	vsel vm0, v2, v11;
	v5 =	vsel vm12, v5, v60  }
0x2c8: {  	v2 =	vsub.f32 v2, v1;
	v5 =	vsub.f32 v5, v1  }
0x2c9: {  	v3 =	vadd.f32 v4, v3;
	v4 =	vadd.f32 v12, v7  }
0x2ca: {  	v6 =	vmul.f32 $2.000000030e-01, v8;
	v2 =	vmul.f32 $1.442695020e+00, v2  }
0x2cb: {  	vm13 =	vge.f32 v8, $0.0e+00;
	v5 =	vmul.f32 $1.442695020e+00, v5;
	v4 =	vadd.f32 v61, v4  }
0x2cc: {  	v6 =	vsel vm13, v8, v6;
	v7 =	vmul.f32 $2.000000030e-01, v3;
	(erf) = vpow2.f32 v2  }
0x2cd: {  	v2 =	vsub.f32 v6, v1;
	(erf) = vpow2.f32 v5;
	v5 =	vmul.f32 $2.000000030e-01, v4  }
0x2ce: {  	vm14 =	vge.f32 v3, $0.0e+00;
	vm15 =	vge.f32 v4, $0.0e+00  }
0x2cf: {  	v3 =	vsel vm14, v3, v7;
	v2 =	vmul.f32 $1.442695020e+00, v2;
	v4 =	vsel vm15, v4, v5  }
0x2d0: {  	v3 =	vsub.f32 v3, v1;
	v1 =	vsub.f32 v4, v1  }
0x2d1: {  	(erf) = vpow2.f32 v2  }
0x2d2: {  	v2 =	vmul.f32 $1.442695020e+00, v3;
	v1 =	vmul.f32 $1.442695020e+00, v1  }
0x2d3: {  	v3 =	vld [tilespmem:$0x300]  }
0x2d4: {  	(erf) = vpow2.f32 v2;
	v2 =	vld [tilespmem:$0x310];
	_ =	sdelay $0x1  }
0x2d5: {  	(erf) = vpow2.f32 v1;
	v1 =	vpop (erf)  }
0x2d6: {  	[tilespmem:$0xB00] =	vst v1;
	v1 =	vld [tilespmem:$0x320]  }
0x2d7: {  	[tilespmem:$0xD00] =	vst v3  }
0x2d8: {  	v3 =	vld [tilespmem:$0x330];
	v4 =	vpop (erf);
	[tilespmem:$0xD10] =	vst v2  }
0x2d9: {  	s11 =	simm.s32 $0x0;
	[tilespmem:$0xB10] =	vst v4;
	v4 =	vpop (erf)  }
0x2da: {  	v2 =	vld [tilespmem:$0x340];
	[tilespmem:$0xB20] =	vst v4;
	v4 =	vmov s11  }
0x2db: {  	[tilespmem:$0xD20] =	vst v1;
	v1 =	vand.u32 $0xFFFFFFFC, v4  }
0x2dc: {  	v1 =	vbroadcast v1, $0x0  }
0x2dd: {  	[tilespmem:$0xD30] =	vst v3;
	v5 =	vpop (erf)  }
0x2de: {  	[tilespmem:$0xB30] =	vst v5  }
0x2df: {  	[tilespmem:$0xD40] =	vst v2;
	v3 =	vpop (erf)  }
0x2e0: {  	s11 =	simm.s32 $0x5F00;
	[tilespmem:$0xB40] =	vst v3  }
0x2e1: {  	v3 =	vld [tilespmem:s11+$0xFFFFFF70]  }
0x2e2: {  	v1 =	vld.idx.msk [tilespmem:v1+s28+$0x0], $0xffff  }
0x2e3: {  	v4 =	vld [tilespmem:s11+$0xFFFFFF00]  }
0x2e4: {  	v5 =	vld [tilespmem:s11+$0xFFFFFF20]  }
0x2e5: {  	v6 =	vld [tilespmem:s11+$0xFFFFFF30]  }
0x2e6: {  	v2 =	vld [tilespmem:s11+$0xFFFFFF50]  }
0x2e7: {  	v8 =	vld [tilespmem:s11+$0xFFFFFF10];
	v3 =	vmul.f32 v3, v1  }
0x2e8: {  	s15 =	simm.s32 $0x1;
	v7 =	vld [tilespmem:s11+$0xFFFFFF60];
	v4 =	vmul.f32 v4, v1  }
0x2e9: {  	v62 =	vld [tilespmem:s11+$0xFFFFFF40];
	v5 =	vmul.f32 v5, v1;
	[tilespmem:s11+$0xFFFFFF70] =	vst v3;
	v3 =	vmov s15  }
0x2ea: {  	v6 =	vmul.f32 v6, v1;
	[tilespmem:s11+$0xFFFFFF00] =	vst v4;
	v3 =	vand.u32 $0xFFFFFFFD, v3  }
0x2eb: {  	v2 =	vmul.f32 v2, v1;
	[tilespmem:s11+$0xFFFFFF20] =	vst v5;
	v3 =	vbroadcast v3, $0x0  }
0x2ec: {  	v4 =	vmul.f32 v8, v1;
	[tilespmem:s11+$0xFFFFFF30] =	vst v6  }
0x2ed: {  	v5 =	vmul.f32 v7, v1;
	[tilespmem:s11+$0xFFFFFF50] =	vst v2  }
0x2ee: {  	v1 =	vmul.f32 v62, v1;
	[tilespmem:s11+$0xFFFFFF10] =	vst v4  }
0x2ef: {  	[tilespmem:s11+$0xFFFFFF60] =	vst v5  }
0x2f0: {  	[tilespmem:s11+$0xFFFFFF40] =	vst v1;
	v1 =	vld [tilespmem:s11+$0xFFFFFF80]  }
0x2f1: {  	v3 =	vld.idx.msk [tilespmem:v3+s28+$0x0], $0xffff  }
0x2f2: {  	v2 =	vld [tilespmem:s11+$0xFFFFFFA0]  }
0x2f3: {  	v4 =	vld [tilespmem:s11+$0xFFFFFF90]  }
0x2f4: {  	v5 =	vld [tilespmem:s11+$0xFFFFFFD0]  }
0x2f5: {  	v6 =	vld [tilespmem:s11+$0xFFFFFFE0]  }
0x2f6: {  	v7 =	vld [tilespmem:s11+$0xFFFFFFF0];
	v1 =	vmul.f32 v1, v3  }
0x2f7: {  	s26 =	simm.s32 $0x2;
	v8 =	vld [tilespmem:s11+$0xFFFFFFB0];
	v2 =	vmul.f32 v2, v3  }
0x2f8: {  	v63 =	vld [tilespmem:s11+$0xFFFFFFC0];
	v4 =	vmul.f32 v4, v3;
	[tilespmem:s11+$0xFFFFFF80] =	vst v1;
	v1 =	vmov s26  }
0x2f9: {  	v5 =	vmul.f32 v5, v3;
	[tilespmem:s11+$0xFFFFFFA0] =	vst v2;
	v1 =	vand.u32 $0xFFFFFFFE, v1  }
0x2fa: {  	v2 =	vmul.f32 v6, v3;
	[tilespmem:s11+$0xFFFFFF90] =	vst v4;
	v4 =	vbroadcast v1, $0x0  }
0x2fb: {  	v6 =	vmul.f32 v7, v3;
	[tilespmem:s11+$0xFFFFFFD0] =	vst v5;
	v7 =	vld [tilespmem:s11+$0x30]  }
0x2fc: {  	v5 =	vmul.f32 v8, v3;
	v1 =	vld [tilespmem:s11+$0x40];
	[tilespmem:s11+$0xFFFFFFE0] =	vst v2  }
0x2fd: {  	v3 =	vmul.f32 v63, v3;
	v2 =	vld [tilespmem:s11+$0x70];
	[tilespmem:s11+$0xFFFFFFF0] =	vst v6  }
0x2fe: {  	[tilespmem:s11+$0xFFFFFFB0] =	vst v5;
	v5 =	vld [tilespmem:s11+$0x20]  }
0x2ff: {  	[tilespmem:s11+$0xFFFFFFC0] =	vst v3;
	v6 =	vld [tilespmem:s11+$0x0]  }
0x300: {  	v3 =	vld.idx.msk [tilespmem:v4+s28+$0x0], $0xffff  }
0x301: {  	s29 =	simm.s32 $0x5F00;
	s15 =	simm.s32 $0x7;
	s26 =	simm.s32 $0x3;
	v4 =	vld [tilespmem:s11+$0x10]  }
.LBB2_9:
0x302: {  	p1 =	sne.s32 s15, $0x4F  }
0x303: {  	v8 =	vld [tilespmem:s11+$0x50];
	s29 =	sadd.s32 $0x200, s29;
	s0 =	smov.u32 s15;
	s15 =	sadd.s32 $0x4, s15  }
0x304: {  	v9 =	vld [tilespmem:s11+$0x60];
	_ =	sdelay $0x1  }
0x305: {  	v6 =	vmul.f32 v6, v3;
	v4 =	vmul.f32 v4, v3  }
0x306: {  	v5 =	vmul.f32 v5, v3;
	v7 =	vmul.f32 v7, v3  }
0x307: {  	v1 =	vmul.f32 v1, v3;
	v2 =	vmul.f32 v2, v3;
	[tilespmem:s11+$0x0] =	vst v6  }
0x308: {  	[tilespmem:s11+$0x20] =	vst v5;
	v5 =	vmul.f32 v8, v3;
	v3 =	vmul.f32 v9, v3  }
0x309: {  	[tilespmem:s11+$0x30] =	vst v7;
	v6 =	vld [tilespmem:s11+$0x80]  }
0x30a: {  	[tilespmem:s11+$0x60] =	vst v3;
	v3 =	vmov s26;
	v7 =	vld [tilespmem:s11+$0xD0];
	s26 =	smov.u32 s0  }
0x30b: {  	[tilespmem:s11+$0x50] =	vst v5;
	v5 =	vld [tilespmem:s11+$0xE0]  }
0x30c: {  	[tilespmem:s11+$0x40] =	vst v1;
	v8 =	vld [tilespmem:s11+$0xB0]  }
0x30d: {  	v1 =	vld [tilespmem:s29+$0x40];
	[tilespmem:s11+$0x70] =	vst v2  }
0x30e: {  	v2 =	vld [tilespmem:s29+$0x70];
	[tilespmem:s11+$0x10] =	vst v4  }
0x30f: {  	v3 =	vld.idx.msk [tilespmem:v3+s28+$0x0], $0xffff  }
0x310: {  	v4 =	vld [tilespmem:s11+$0x90]  }
0x311: {  	v9 =	vld [tilespmem:s11+$0xA0]  }
0x312: {  	v10 =	vld [tilespmem:s11+$0xC0]  }
0x313: {  	v11 =	vld [tilespmem:s11+$0xF0];
	_ =	sdelay $0x1  }
0x314: {  	v6 =	vmul.f32 v6, v3;
	v4 =	vmul.f32 v4, v3  }
0x315: {  	s0 =	sadd.s32 $0xFFFFFFFD, s26;
	v8 =	vmul.f32 v8, v3;
	v9 =	vmul.f32 v9, v3  }
0x316: {  	v12 =	vmov s0;
	v7 =	vmul.f32 v7, v3;
	[tilespmem:s11+$0x80] =	vst v6;
	v6 =	vmul.f32 v10, v3  }
0x317: {  	v10 =	vand.u32 $0xFFFFFFFC, v12;
	[tilespmem:s11+$0x90] =	vst v4;
	v4 =	vmul.f32 v5, v3;
	v3 =	vmul.f32 v11, v3  }
0x318: {  	v5 =	vbroadcast v10, $0x0;
	[tilespmem:s11+$0xA0] =	vst v9  }
0x319: {  	[tilespmem:s11+$0xD0] =	vst v7  }
0x31a: {  	v7 =	vld [tilespmem:s29+$0xFFFFFF50];
	[tilespmem:s11+$0xB0] =	vst v8  }
0x31b: {  	v8 =	vld [tilespmem:s29+$0xFFFFFF30];
	[tilespmem:s11+$0xC0] =	vst v6  }
0x31c: {  	v6 =	vld [tilespmem:s29+$0xFFFFFF60];
	[tilespmem:s11+$0xE0] =	vst v4  }
0x31d: {  	v4 =	vld [tilespmem:s29+$0xFFFFFF70];
	[tilespmem:s11+$0xF0] =	vst v3;
	s11 =	smov.u32 s29  }
0x31e: {  	v3 =	vld.idx.msk [tilespmem:v5+s28+$0x0], $0xffff  }
0x31f: {  	v5 =	vld [tilespmem:s29+$0xFFFFFF00]  }
0x320: {  	v9 =	vld [tilespmem:s29+$0xFFFFFF20]  }
0x321: {  	v10 =	vld [tilespmem:s29+$0xFFFFFF10]  }
0x322: {  	v11 =	vld [tilespmem:s29+$0xFFFFFF40];
	_ =	sdelay $0x1  }
0x323: {  	v4 =	vmul.f32 v4, v3;
	v5 =	vmul.f32 v5, v3  }
0x324: {  	s0 =	sadd.s32 $0xFFFFFFFE, s26;
	v6 =	vmul.f32 v6, v3;
	v9 =	vmul.f32 v9, v3  }
0x325: {  	v8 =	vmul.f32 v8, v3;
	v10 =	vmul.f32 v10, v3;
	[tilespmem:s29+$0xFFFFFF70] =	vst v4;
	v4 =	vmov s0  }
0x326: {  	[tilespmem:s29+$0xFFFFFF00] =	vst v5;
	v5 =	vmul.f32 v11, v3;
	v3 =	vmul.f32 v7, v3;
	v4 =	vand.u32 $0xFFFFFFFD, v4  }
0x327: {  	[tilespmem:s29+$0xFFFFFF20] =	vst v9;
	v4 =	vbroadcast v4, $0x0  }
0x328: {  	[tilespmem:s29+$0xFFFFFF30] =	vst v8  }
0x329: {  	[tilespmem:s29+$0xFFFFFF50] =	vst v3;
	v3 =	vld [tilespmem:s29+$0xFFFFFFF0]  }
0x32a: {  	[tilespmem:s29+$0xFFFFFF10] =	vst v10;
	v7 =	vld [tilespmem:s29+$0xFFFFFFD0]  }
0x32b: {  	[tilespmem:s29+$0xFFFFFF60] =	vst v6;
	v6 =	vld [tilespmem:s29+$0xFFFFFFB0]  }
0x32c: {  	[tilespmem:s29+$0xFFFFFF40] =	vst v5;
	v5 =	vld [tilespmem:s29+$0xFFFFFF90]  }
0x32d: {  	v4 =	vld.idx.msk [tilespmem:v4+s28+$0x0], $0xffff  }
0x32e: {  	v8 =	vld [tilespmem:s29+$0xFFFFFF80]  }
0x32f: {  	v9 =	vld [tilespmem:s29+$0xFFFFFFA0]  }
0x330: {  	v10 =	vld [tilespmem:s29+$0xFFFFFFC0]  }
0x331: {  	v11 =	vld [tilespmem:s29+$0xFFFFFFE0];
	_ =	sdelay $0x1  }
0x332: {  	v5 =	vmul.f32 v5, v4;
	v8 =	vmul.f32 v8, v4  }
0x333: {  	s0 =	sadd.s32 $0xFFFFFFFF, s26;
	v6 =	vmul.f32 v6, v4;
	v9 =	vmul.f32 v9, v4  }
0x334: {  	v7 =	vmul.f32 v7, v4;
	[tilespmem:s29+$0xFFFFFF80] =	vst v8;
	v8 =	vmul.f32 v10, v4;
	v10 =	vmov s0  }
0x335: {  	v3 =	vmul.f32 v3, v4;
	[tilespmem:s29+$0xFFFFFFA0] =	vst v9;
	v9 =	vmul.f32 v11, v4;
	v4 =	vand.u32 $0xFFFFFFFE, v10  }
0x336: {  	[tilespmem:s29+$0xFFFFFF90] =	vst v5;
	v4 =	vbroadcast v4, $0x0  }
0x337: {  	[tilespmem:s29+$0xFFFFFFD0] =	vst v7  }
0x338: {  	[tilespmem:s29+$0xFFFFFFE0] =	vst v9  }
0x339: {  	[tilespmem:s29+$0xFFFFFFB0] =	vst v6  }
.Ltmp3:
0x33a: {  	[tilespmem:s29+$0xFFFFFFF0] =	vst v3;
	v5 =	vld [tilespmem:s29+$0x20];
	(pc) =	sbr.rel @p1 .LBB2_9-.Ltmp3, $4  }
0x33b: {  	[tilespmem:s29+$0xFFFFFFC0] =	vst v8;
	v6 =	vld [tilespmem:s29+$0x0]  }
0x33c: {  	v3 =	vld.idx.msk [tilespmem:v4+s28+$0x0], $0xffff  }
0x33d: {  	v4 =	vld [tilespmem:s29+$0x10]  }
0x33e: {  	v7 =	vld [tilespmem:s29+$0x30]  }
0x33f: {  	v8 =	vld [tilespmem:s11+$0x60];
	_ =	sdelay $0x1  }
0x340: {  	v6 =	vmul.f32 v6, v3  }
0x341: {  	v9 =	vld [tilespmem:s11+$0x50];
	v5 =	vmul.f32 v5, v3  }
0x342: {  	v1 =	vmul.f32 v1, v3;
	[tilespmem:s11+$0x0] =	vst v6  }
0x343: {  	[tilespmem:s11+$0x20] =	vst v5;
	v5 =	vmul.f32 v8, v3  }
0x344: {  	v2 =	vmul.f32 v2, v3;
	[tilespmem:s11+$0x40] =	vst v1  }
0x345: {  	v7 =	vmul.f32 v7, v3;
	[tilespmem:s11+$0x60] =	vst v5;
	v5 =	vmov s26  }
0x346: {  	[tilespmem:s11+$0x70] =	vst v2;
	v6 =	vmul.f32 v9, v3  }
0x347: {  	v3 =	vmul.f32 v4, v3;
	[tilespmem:s11+$0x30] =	vst v7  }
0x348: {  	[tilespmem:s11+$0x50] =	vst v6  }
0x349: {  	v7 =	vld [tilespmem:s11+$0x80];
	[tilespmem:s11+$0x10] =	vst v3  }
0x34a: {  	v1 =	vld.idx.msk [tilespmem:v5+s28+$0x0], $0xffff  }
0x34b: {  	v2 =	vld [tilespmem:s11+$0x90]  }
0x34c: {  	v3 =	vld [tilespmem:s11+$0xA0]  }
0x34d: {  	v4 =	vld [tilespmem:s11+$0xD0]  }
0x34e: {  	v5 =	vld [tilespmem:s11+$0xB0]  }
0x34f: {  	v6 =	vld [tilespmem:s11+$0xC0];
	v7 =	vmul.f32 v7, v1  }
0x350: {  	v8 =	vld [tilespmem:s11+$0xE0];
	v2 =	vmul.f32 v2, v1  }
0x351: {  	v58 =	vld [tilespmem:s11+$0xF0];
	v3 =	vmul.f32 v3, v1;
	[tilespmem:s11+$0x80] =	vst v7  }
0x352: {  	v4 =	vmul.f32 v4, v1;
	[tilespmem:s11+$0x90] =	vst v2  }
0x353: {  	v2 =	vmul.f32 v5, v1;
	[tilespmem:s11+$0xA0] =	vst v3  }
0x354: {  	v3 =	vmul.f32 v6, v1;
	[tilespmem:s11+$0xD0] =	vst v4  }
0x355: {  	s0 =	rddreg [dreg:$0x1d];
	v4 =	vmul.f32 v8, v1;
	[tilespmem:s11+$0xB0] =	vst v2  }
0x356: {  	s0 =	sadd.s32 @!p0 s25, s0;
	v1 =	vmul.f32 v58, v1;
	[tilespmem:s11+$0xC0] =	vst v3  }
0x357: {  	s0 =	sshrl.u32 @!p0 s0, $0x3;
	[tilespmem:s11+$0xE0] =	vst v4  }
0x358: {  	s15 =	simm.s32 @!p0 $0x0;
	s26 =	simm.s32 @!p0 $0x100;
	[tilespmem:s11+$0xF0] =	vst v1;
	s11 =	sadd.s32 @!p0 s8, s0  }
0x359: {  	[tilespmem:s26], [sflag:$0x3] =	stream.linear.gather @!p0 [hbm4b:s11+s15], $0x50, $0x38;
	[tilespmem:$0x1F580] =	vst v63  }
0x35a: {  	s11 =	sadd.s32 @!p0 s9, s0;
	s26 =	simm.s32 @!p0 $0x300  }
0x35b: {  	[tilespmem:s26], [sflag:$0x3] =	stream.linear.gather @!p0 [hbm4b:s11+s15], $0x50, $0x38;
	[tilespmem:$0x1F580] =	vst v63  }
0x35c: {  	s0 =	sadd.s32 @!p0 s7, s0;
	s11 =	simm.s32 @!p0 $0x500  }
0x35d: {  	[tilespmem:s11], [sflag:$0x3] =	stream.linear.gather @!p0 [hbm4b:s0+s15], $0x50, $0x38;
	[tilespmem:$0x1F580] =	vst v63  }
0x35e: {  	s26 =	simm.s32 $0xD00;
	s15 =	simm.s32 $0x5E00  }
0x35f: {  	[spmem:s2] =	stream.indirect.scatter.add.f32 [tilespmem:s15], [sflag:$0xB], $0x80, s26, s23, $0xb8;
	[tilespmem:$0x1F580] =	vst v63  }
0x360: {  	_ = 	snop  }
0x361: {  	[spmem:s3] =	stream.indirect.scatter.add.f32 [tilespmem:s28], [sflag:$0xB], $0x1, s26, s23, $0xb8;
	[tilespmem:$0x1F580] =	vst v63  }
0x362: {  	_ =	swait.ge [sflag:s12], $0x50  }
0x363: {  	[sflag:s12] =	ssyncset.done $0x0  }
0x364: {  	[sflag:s12] =	ssyncadd.s32 $0xFFFFFFB0  }
0x365: {  	_ =	swait.ge [sflag:s12], $0x50  }
0x366: {  	[sflag:s12] =	ssyncset.done $0x0  }
0x367: {  	[sflag:s12] =	ssyncadd.s32 $0xFFFFFFB0  }
0x368: {  	_ =	swait.ge [sflag:s12], $0x2800  }
0x369: {  	[sflag:s12] =	ssyncset.done $0x0  }
0x36a: {  	[sflag:s12] =	ssyncadd.s32 $0xFFFFD800  }
0x36b: {  	_ =	swait.ge [sflag:s13], $0x2800  }
0x36c: {  	[sflag:s13] =	ssyncset.done $0x0  }
0x36d: {  	[sflag:s13] =	ssyncadd.s32 $0xFFFFD800  }
0x36e: {  	_ =	swait.ge [sflag:s13], $0x50  }
0x36f: {  	[sflag:s13] =	ssyncset.done $0x0  }
0x370: {  	s0 =	simm.s32 @!p0 $0x2;
	[sflag:s13] =	ssyncadd.s32 $0xFFFFFFB0  }
0x371: {  	_ =	swait.ge @!p0 [sflag:s0], $0x50  }
0x372: {  	[sflag:s0] =	ssyncset.done @!p0 $0x0  }
0x373: {  	[sflag:s0] =	ssyncadd.s32 @!p0 $0xFFFFFFB0  }
0x374: {  	_ =	swait.ge @!p0 [sflag:s0], $0x50  }
0x375: {  	[sflag:s0] =	ssyncset.done @!p0 $0x0  }
0x376: {  	[sflag:s0] =	ssyncadd.s32 @!p0 $0xFFFFFFB0  }
0x377: {  	_ =	swait.ge @!p0 [sflag:s0], $0x50  }
0x378: {  	s11 =	simm.s32 @!p0 $0x80;
	[sflag:s0] =	ssyncset.done @!p0 $0x0  }
0x379: {  	s15 =	simm.s32 @!p0 $0x680;
	[sflag:s0] =	ssyncadd.s32 @!p0 $0xFFFFFFB0;
	s0 =	simm.s32 @!p0 $0x50  }
0x37a: {  	[tilespmem:s15], [sflag:$0x6] =	stream.indirect.gather @!p0 [hbm4b:s5+s0], $0x1, s11, s0, $0xb8;
	[tilespmem:$0x1F580] =	vst v63  }
0x37b: {  	s26 =	simm.s32 @!p0 $0x880;
	s15 =	simm.s32 @!p0 $0x280  }
0x37c: {  	[tilespmem:s26], [sflag:$0x6] =	stream.indirect.gather @!p0 [hbm4b:s6+s0], $0x1, s15, s0, $0xb8;
	[tilespmem:$0x1F580] =	vst v63  }
0x37d: {  	s15 =	simm.s32 @!p0 $0x3600  }
0x37e: {  	[tilespmem:s15], [sflag:$0x6] =	stream.indirect.gather @!p0 [hbm4b:s1+s0], $0x80, s11, s0, $0xb8;
	[tilespmem:$0x1F580] =	vst v63  }
0x37f: {  	v1 =	vld [tilespmem:$0xAE00]  }
0x380: {  	v2 =	vld [tilespmem:$0x780]  }
0x381: {  	v3 =	vld [tilespmem:$0x980]  }
0x382: {  	v4 =	vld [tilespmem:$0x580]  }
0x383: {  	v5 =	vld [tilespmem:$0x790]  }
0x384: {  	v6 =	vld [tilespmem:$0x990]  }
0x385: {  	v7 =	vld [tilespmem:$0x590]  }
0x386: {  	v8 =	vld [tilespmem:$0x7A0]  }
0x387: {  	v59 =	vld [tilespmem:$0x9A0]  }
0x388: {  	v10 =	vld [tilespmem:$0x5A0]  }
0x389: {  	v12 =	vld [tilespmem:$0x9C0]  }
0x38a: {  	v2 =	vadd.f32 v3, v2;
	v3 =	vld [tilespmem:$0x7B0];
	v5 =	vadd.f32 v6, v5  }
0x38b: {  	v6 =	vld [tilespmem:$0x9B0]  }
0x38c: {  	v2 =	vadd.f32 v4, v2;
	v4 =	vld [tilespmem:$0x5B0];
	v5 =	vadd.f32 v7, v5  }
0x38d: {  	v8 =	vadd.f32 v59, v8;
	v7 =	vld [tilespmem:$0x7C0]  }
0x38e: {  	v11 =	vmul.f32 $2.000000030e-01, v2;
	v60 =	vmul.f32 $2.000000030e-01, v5  }
0x38f: {  	v61 =	vld [tilespmem:$0x5C0];
	v8 =	vadd.f32 v10, v8;
	vm0 =	vge.f32 v2, $0.0e+00;
	vm12 =	vge.f32 v5, $0.0e+00  }
0x390: {  	v3 =	vadd.f32 v6, v3;
	v2 =	vsel vm0, v2, v11;
	v5 =	vsel vm12, v5, v60  }
0x391: {  	v2 =	vsub.f32 v2, v1;
	v5 =	vsub.f32 v5, v1  }
0x392: {  	v3 =	vadd.f32 v4, v3;
	v4 =	vadd.f32 v12, v7  }
0x393: {  	v6 =	vmul.f32 $2.000000030e-01, v8;
	v2 =	vmul.f32 $1.442695020e+00, v2  }
0x394: {  	vm13 =	vge.f32 v8, $0.0e+00;
	v5 =	vmul.f32 $1.442695020e+00, v5;
	v4 =	vadd.f32 v61, v4  }
0x395: {  	v6 =	vsel vm13, v8, v6;
	v7 =	vmul.f32 $2.000000030e-01, v3;
	(erf) = vpow2.f32 v2  }
0x396: {  	v2 =	vsub.f32 v6, v1;
	(erf) = vpow2.f32 v5;
	v5 =	vmul.f32 $2.000000030e-01, v4  }
0x397: {  	vm14 =	vge.f32 v3, $0.0e+00;
	vm15 =	vge.f32 v4, $0.0e+00  }
0x398: {  	v3 =	vsel vm14, v3, v7;
	v2 =	vmul.f32 $1.442695020e+00, v2;
	v4 =	vsel vm15, v4, v5  }
0x399: {  	v3 =	vsub.f32 v3, v1;
	v1 =	vsub.f32 v4, v1  }
0x39a: {  	(erf) = vpow2.f32 v2  }
0x39b: {  	v2 =	vmul.f32 $1.442695020e+00, v3;
	v1 =	vmul.f32 $1.442695020e+00, v1  }
0x39c: {  	v3 =	vld [tilespmem:$0x380]  }
0x39d: {  	(erf) = vpow2.f32 v2;
	v2 =	vld [tilespmem:$0x390];
	_ =	sdelay $0x1  }
0x39e: {  	(erf) = vpow2.f32 v1;
	v1 =	vpop (erf)  }
0x39f: {  	[tilespmem:$0xB80] =	vst v1;
	v1 =	vld [tilespmem:$0x3A0]  }
0x3a0: {  	[tilespmem:$0xD80] =	vst v3  }
0x3a1: {  	v3 =	vld [tilespmem:$0x3B0];
	v4 =	vpop (erf);
	[tilespmem:$0xD90] =	vst v2  }
0x3a2: {  	s11 =	simm.s32 $0x0;
	[tilespmem:$0xB90] =	vst v4;
	v4 =	vpop (erf)  }
0x3a3: {  	v2 =	vld [tilespmem:$0x3C0];
	[tilespmem:$0xBA0] =	vst v4;
	v4 =	vmov s11  }
0x3a4: {  	[tilespmem:$0xDA0] =	vst v1;
	v1 =	vand.u32 $0xFFFFFFFC, v4  }
0x3a5: {  	v1 =	vbroadcast v1, $0x0  }
0x3a6: {  	[tilespmem:$0xDB0] =	vst v3;
	v5 =	vpop (erf)  }
0x3a7: {  	[tilespmem:$0xBB0] =	vst v5  }
0x3a8: {  	[tilespmem:$0xDC0] =	vst v2;
	v3 =	vpop (erf)  }
0x3a9: {  	s11 =	simm.s32 $0x8700;
	[tilespmem:$0xBC0] =	vst v3  }
0x3aa: {  	v3 =	vld [tilespmem:s11+$0xFFFFFF70]  }
0x3ab: {  	v1 =	vld.idx.msk [tilespmem:v1+s18+$0x0], $0xffff  }
0x3ac: {  	v4 =	vld [tilespmem:s11+$0xFFFFFF00]  }
0x3ad: {  	v5 =	vld [tilespmem:s11+$0xFFFFFF20]  }
0x3ae: {  	v6 =	vld [tilespmem:s11+$0xFFFFFF30]  }
0x3af: {  	v2 =	vld [tilespmem:s11+$0xFFFFFF50]  }
0x3b0: {  	v8 =	vld [tilespmem:s11+$0xFFFFFF10];
	v3 =	vmul.f32 v3, v1  }
0x3b1: {  	s15 =	simm.s32 $0x1;
	v7 =	vld [tilespmem:s11+$0xFFFFFF60];
	v4 =	vmul.f32 v4, v1  }
0x3b2: {  	v62 =	vld [tilespmem:s11+$0xFFFFFF40];
	v5 =	vmul.f32 v5, v1;
	[tilespmem:s11+$0xFFFFFF70] =	vst v3;
	v3 =	vmov s15  }
0x3b3: {  	v6 =	vmul.f32 v6, v1;
	[tilespmem:s11+$0xFFFFFF00] =	vst v4;
	v3 =	vand.u32 $0xFFFFFFFD, v3  }
0x3b4: {  	v2 =	vmul.f32 v2, v1;
	[tilespmem:s11+$0xFFFFFF20] =	vst v5;
	v3 =	vbroadcast v3, $0x0  }
0x3b5: {  	v4 =	vmul.f32 v8, v1;
	[tilespmem:s11+$0xFFFFFF30] =	vst v6  }
0x3b6: {  	v5 =	vmul.f32 v7, v1;
	[tilespmem:s11+$0xFFFFFF50] =	vst v2  }
0x3b7: {  	v1 =	vmul.f32 v62, v1;
	[tilespmem:s11+$0xFFFFFF10] =	vst v4  }
0x3b8: {  	[tilespmem:s11+$0xFFFFFF60] =	vst v5  }
0x3b9: {  	[tilespmem:s11+$0xFFFFFF40] =	vst v1;
	v1 =	vld [tilespmem:s11+$0xFFFFFF80]  }
0x3ba: {  	v3 =	vld.idx.msk [tilespmem:v3+s18+$0x0], $0xffff  }
0x3bb: {  	v2 =	vld [tilespmem:s11+$0xFFFFFFA0]  }
0x3bc: {  	v4 =	vld [tilespmem:s11+$0xFFFFFF90]  }
0x3bd: {  	v5 =	vld [tilespmem:s11+$0xFFFFFFD0]  }
0x3be: {  	v6 =	vld [tilespmem:s11+$0xFFFFFFE0]  }
0x3bf: {  	v7 =	vld [tilespmem:s11+$0xFFFFFFF0];
	v1 =	vmul.f32 v1, v3  }
0x3c0: {  	s26 =	simm.s32 $0x2;
	v8 =	vld [tilespmem:s11+$0xFFFFFFB0];
	v2 =	vmul.f32 v2, v3  }
0x3c1: {  	v63 =	vld [tilespmem:s11+$0xFFFFFFC0];
	v4 =	vmul.f32 v4, v3;
	[tilespmem:s11+$0xFFFFFF80] =	vst v1;
	v1 =	vmov s26  }
0x3c2: {  	v5 =	vmul.f32 v5, v3;
	[tilespmem:s11+$0xFFFFFFA0] =	vst v2;
	v1 =	vand.u32 $0xFFFFFFFE, v1  }
0x3c3: {  	v2 =	vmul.f32 v6, v3;
	[tilespmem:s11+$0xFFFFFF90] =	vst v4;
	v4 =	vbroadcast v1, $0x0  }
0x3c4: {  	v6 =	vmul.f32 v7, v3;
	[tilespmem:s11+$0xFFFFFFD0] =	vst v5;
	v7 =	vld [tilespmem:s11+$0x30]  }
0x3c5: {  	v5 =	vmul.f32 v8, v3;
	v1 =	vld [tilespmem:s11+$0x40];
	[tilespmem:s11+$0xFFFFFFE0] =	vst v2  }
0x3c6: {  	v3 =	vmul.f32 v63, v3;
	v2 =	vld [tilespmem:s11+$0x70];
	[tilespmem:s11+$0xFFFFFFF0] =	vst v6  }
0x3c7: {  	[tilespmem:s11+$0xFFFFFFB0] =	vst v5;
	v5 =	vld [tilespmem:s11+$0x20]  }
0x3c8: {  	[tilespmem:s11+$0xFFFFFFC0] =	vst v3;
	v6 =	vld [tilespmem:s11+$0x0]  }
0x3c9: {  	v3 =	vld.idx.msk [tilespmem:v4+s18+$0x0], $0xffff  }
0x3ca: {  	s29 =	simm.s32 $0x8700;
	s15 =	simm.s32 $0x7;
	s26 =	simm.s32 $0x3;
	v4 =	vld [tilespmem:s11+$0x10]  }
.LBB2_11:
0x3cb: {  	p1 =	sne.s32 s15, $0x4F  }
0x3cc: {  	v8 =	vld [tilespmem:s11+$0x50];
	s29 =	sadd.s32 $0x200, s29;
	s0 =	smov.u32 s15;
	s15 =	sadd.s32 $0x4, s15  }
0x3cd: {  	v9 =	vld [tilespmem:s11+$0x60];
	_ =	sdelay $0x1  }
0x3ce: {  	v6 =	vmul.f32 v6, v3;
	v4 =	vmul.f32 v4, v3  }
0x3cf: {  	v5 =	vmul.f32 v5, v3;
	v7 =	vmul.f32 v7, v3  }
0x3d0: {  	v1 =	vmul.f32 v1, v3;
	v2 =	vmul.f32 v2, v3;
	[tilespmem:s11+$0x0] =	vst v6  }
0x3d1: {  	[tilespmem:s11+$0x20] =	vst v5;
	v5 =	vmul.f32 v8, v3;
	v3 =	vmul.f32 v9, v3  }
0x3d2: {  	[tilespmem:s11+$0x30] =	vst v7;
	v6 =	vld [tilespmem:s11+$0x80]  }
0x3d3: {  	[tilespmem:s11+$0x60] =	vst v3;
	v3 =	vmov s26;
	v7 =	vld [tilespmem:s11+$0xD0];
	s26 =	smov.u32 s0  }
0x3d4: {  	[tilespmem:s11+$0x50] =	vst v5;
	v5 =	vld [tilespmem:s11+$0xE0]  }
0x3d5: {  	[tilespmem:s11+$0x40] =	vst v1;
	v8 =	vld [tilespmem:s11+$0xB0]  }
0x3d6: {  	v1 =	vld [tilespmem:s29+$0x40];
	[tilespmem:s11+$0x70] =	vst v2  }
0x3d7: {  	v2 =	vld [tilespmem:s29+$0x70];
	[tilespmem:s11+$0x10] =	vst v4  }
0x3d8: {  	v3 =	vld.idx.msk [tilespmem:v3+s18+$0x0], $0xffff  }
0x3d9: {  	v4 =	vld [tilespmem:s11+$0x90]  }
0x3da: {  	v9 =	vld [tilespmem:s11+$0xA0]  }
0x3db: {  	v10 =	vld [tilespmem:s11+$0xC0]  }
0x3dc: {  	v11 =	vld [tilespmem:s11+$0xF0];
	_ =	sdelay $0x1  }
0x3dd: {  	v6 =	vmul.f32 v6, v3;
	v4 =	vmul.f32 v4, v3  }
0x3de: {  	s0 =	sadd.s32 $0xFFFFFFFD, s26;
	v8 =	vmul.f32 v8, v3;
	v9 =	vmul.f32 v9, v3  }
0x3df: {  	v12 =	vmov s0;
	v7 =	vmul.f32 v7, v3;
	[tilespmem:s11+$0x80] =	vst v6;
	v6 =	vmul.f32 v10, v3  }
0x3e0: {  	v10 =	vand.u32 $0xFFFFFFFC, v12;
	[tilespmem:s11+$0x90] =	vst v4;
	v4 =	vmul.f32 v5, v3;
	v3 =	vmul.f32 v11, v3  }
0x3e1: {  	v5 =	vbroadcast v10, $0x0;
	[tilespmem:s11+$0xA0] =	vst v9  }
0x3e2: {  	[tilespmem:s11+$0xD0] =	vst v7  }
0x3e3: {  	v7 =	vld [tilespmem:s29+$0xFFFFFF50];
	[tilespmem:s11+$0xB0] =	vst v8  }
0x3e4: {  	v8 =	vld [tilespmem:s29+$0xFFFFFF30];
	[tilespmem:s11+$0xC0] =	vst v6  }
0x3e5: {  	v6 =	vld [tilespmem:s29+$0xFFFFFF60];
	[tilespmem:s11+$0xE0] =	vst v4  }
0x3e6: {  	v4 =	vld [tilespmem:s29+$0xFFFFFF70];
	[tilespmem:s11+$0xF0] =	vst v3;
	s11 =	smov.u32 s29  }
0x3e7: {  	v3 =	vld.idx.msk [tilespmem:v5+s18+$0x0], $0xffff  }
0x3e8: {  	v5 =	vld [tilespmem:s29+$0xFFFFFF00]  }
0x3e9: {  	v9 =	vld [tilespmem:s29+$0xFFFFFF20]  }
0x3ea: {  	v10 =	vld [tilespmem:s29+$0xFFFFFF10]  }
0x3eb: {  	v11 =	vld [tilespmem:s29+$0xFFFFFF40];
	_ =	sdelay $0x1  }
0x3ec: {  	v4 =	vmul.f32 v4, v3;
	v5 =	vmul.f32 v5, v3  }
0x3ed: {  	s0 =	sadd.s32 $0xFFFFFFFE, s26;
	v6 =	vmul.f32 v6, v3;
	v9 =	vmul.f32 v9, v3  }
0x3ee: {  	v8 =	vmul.f32 v8, v3;
	v10 =	vmul.f32 v10, v3;
	[tilespmem:s29+$0xFFFFFF70] =	vst v4;
	v4 =	vmov s0  }
0x3ef: {  	[tilespmem:s29+$0xFFFFFF00] =	vst v5;
	v5 =	vmul.f32 v11, v3;
	v3 =	vmul.f32 v7, v3;
	v4 =	vand.u32 $0xFFFFFFFD, v4  }
0x3f0: {  	[tilespmem:s29+$0xFFFFFF20] =	vst v9;
	v4 =	vbroadcast v4, $0x0  }
0x3f1: {  	[tilespmem:s29+$0xFFFFFF30] =	vst v8  }
0x3f2: {  	[tilespmem:s29+$0xFFFFFF50] =	vst v3;
	v3 =	vld [tilespmem:s29+$0xFFFFFFF0]  }
0x3f3: {  	[tilespmem:s29+$0xFFFFFF10] =	vst v10;
	v7 =	vld [tilespmem:s29+$0xFFFFFFD0]  }
0x3f4: {  	[tilespmem:s29+$0xFFFFFF60] =	vst v6;
	v6 =	vld [tilespmem:s29+$0xFFFFFFB0]  }
0x3f5: {  	[tilespmem:s29+$0xFFFFFF40] =	vst v5;
	v5 =	vld [tilespmem:s29+$0xFFFFFF90]  }
0x3f6: {  	v4 =	vld.idx.msk [tilespmem:v4+s18+$0x0], $0xffff  }
0x3f7: {  	v8 =	vld [tilespmem:s29+$0xFFFFFF80]  }
0x3f8: {  	v9 =	vld [tilespmem:s29+$0xFFFFFFA0]  }
0x3f9: {  	v10 =	vld [tilespmem:s29+$0xFFFFFFC0]  }
0x3fa: {  	v11 =	vld [tilespmem:s29+$0xFFFFFFE0];
	_ =	sdelay $0x1  }
0x3fb: {  	v5 =	vmul.f32 v5, v4;
	v8 =	vmul.f32 v8, v4  }
0x3fc: {  	s0 =	sadd.s32 $0xFFFFFFFF, s26;
	v6 =	vmul.f32 v6, v4;
	v9 =	vmul.f32 v9, v4  }
0x3fd: {  	v7 =	vmul.f32 v7, v4;
	[tilespmem:s29+$0xFFFFFF80] =	vst v8;
	v8 =	vmul.f32 v10, v4;
	v10 =	vmov s0  }
0x3fe: {  	v3 =	vmul.f32 v3, v4;
	[tilespmem:s29+$0xFFFFFFA0] =	vst v9;
	v9 =	vmul.f32 v11, v4;
	v4 =	vand.u32 $0xFFFFFFFE, v10  }
0x3ff: {  	[tilespmem:s29+$0xFFFFFF90] =	vst v5;
	v4 =	vbroadcast v4, $0x0  }
0x400: {  	[tilespmem:s29+$0xFFFFFFD0] =	vst v7  }
0x401: {  	[tilespmem:s29+$0xFFFFFFE0] =	vst v9  }
0x402: {  	[tilespmem:s29+$0xFFFFFFB0] =	vst v6  }
.Ltmp4:
0x403: {  	[tilespmem:s29+$0xFFFFFFF0] =	vst v3;
	v5 =	vld [tilespmem:s29+$0x20];
	(pc) =	sbr.rel @p1 .LBB2_11-.Ltmp4, $4  }
0x404: {  	[tilespmem:s29+$0xFFFFFFC0] =	vst v8;
	v6 =	vld [tilespmem:s29+$0x0]  }
0x405: {  	v3 =	vld.idx.msk [tilespmem:v4+s18+$0x0], $0xffff  }
0x406: {  	v4 =	vld [tilespmem:s29+$0x10]  }
0x407: {  	v7 =	vld [tilespmem:s29+$0x30]  }
0x408: {  	_ =	sdelay $0x1  }
0x409: {  	v8 =	vld [tilespmem:s11+$0x60];
	v6 =	vmul.f32 v6, v3  }
0x40a: {  	v9 =	vld [tilespmem:s11+$0x50];
	v5 =	vmul.f32 v5, v3  }
0x40b: {  	v1 =	vmul.f32 v1, v3;
	[tilespmem:s11+$0x0] =	vst v6  }
0x40c: {  	v2 =	vmul.f32 v2, v3;
	[tilespmem:s11+$0x20] =	vst v5  }
0x40d: {  	v7 =	vmul.f32 v7, v3;
	[tilespmem:s11+$0x40] =	vst v1  }
0x40e: {  	v57 =	vmov s26;
	[tilespmem:s11+$0x70] =	vst v2;
	v54 =	vmul.f32 v8, v3  }
0x40f: {  	v55 =	vmul.f32 v9, v3;
	[tilespmem:s11+$0x30] =	vst v7  }
0x410: {  	v3 =	vmul.f32 v4, v3;
	[tilespmem:s11+$0x60] =	vst v54  }
0x411: {  	[tilespmem:s11+$0x50] =	vst v55  }
0x412: {  	v56 =	vld [tilespmem:s11+$0x80];
	[tilespmem:s11+$0x10] =	vst v3  }
0x413: {  	v1 =	vld.idx.msk [tilespmem:v57+s18+$0x0], $0xffff  }
0x414: {  	v2 =	vld [tilespmem:s11+$0x90]  }
0x415: {  	v3 =	vld [tilespmem:s11+$0xA0]  }
0x416: {  	v58 =	vld [tilespmem:s11+$0xD0]  }
0x417: {  	v61 =	vld [tilespmem:s11+$0xE0]  }
0x418: {  	v59 =	vld [tilespmem:s11+$0xB0];
	v7 =	vmul.f32 v56, v1  }
0x419: {  	v60 =	vld [tilespmem:s11+$0xC0];
	v2 =	vmul.f32 v2, v1  }
0x41a: {  	v62 =	vld [tilespmem:s11+$0xF0];
	v3 =	vmul.f32 v3, v1;
	[tilespmem:s11+$0x80] =	vst v7  }
0x41b: {  	v4 =	vmul.f32 v58, v1;
	[tilespmem:s11+$0x90] =	vst v2  }
0x41c: {  	v63 =	vmul.f32 v61, v1;
	[tilespmem:s11+$0xA0] =	vst v3  }
.Ltmp5:
0x41d: {  	v2 =	vmul.f32 v59, v1;
	[tilespmem:s11+$0xD0] =	vst v4;
	(pc) =	sbr.rel @p0 .LBB2_14-.Ltmp5, $4  }
0x41e: {  	v3 =	vmul.f32 v60, v1;
	[tilespmem:s11+$0xE0] =	vst v63  }
0x41f: {  	v1 =	vmul.f32 v62, v1;
	[tilespmem:s11+$0xB0] =	vst v2  }
0x420: {  	[tilespmem:s11+$0xC0] =	vst v3  }
0x421: {  	[tilespmem:s11+$0xF0] =	vst v1  }
0x422: {  	s0 =	rddreg [dreg:$0x1e]  }
0x423: {  	s0 =	sadd.s32 s25, s0  }
0x424: {  	s0 =	sshrl.u32 s0, $0x3  }
0x425: {  	s11 =	sadd.s32 s8, s0  }
0x426: {  	[tilespmem:s17], [sflag:$0x4] =	stream.linear.gather [hbm4b:s11+s4], $0x50, $0x38;
	[tilespmem:$0x1F580] =	vst v63  }
0x427: {  	s15 =	simm.s32 $0x380;
	s29 =	sadd.s32 s9, s0  }
0x428: {  	[tilespmem:s15], [sflag:$0x4] =	stream.linear.gather [hbm4b:s29+s4], $0x50, $0x38;
	[tilespmem:$0x1F580] =	vst v63  }
0x429: {  	s25 =	simm.s32 $0x580;
	s0 =	sadd.s32 s7, s0  }
0x42a: {  	[tilespmem:s25], [sflag:$0x4] =	stream.linear.gather [hbm4b:s0+s4], $0x50, $0x38;
	[tilespmem:$0x1F580] =	vst v63  }
.Ltmp6:
0x42b: {  	_ = 	snop;
	(pc) =	sbr.rel .LBB2_4-.Ltmp6, $4  }
0x42c: {  	s26 =	simm.s32 $0x8600;
	s29 =	simm.s32 $0xD80  }
0x42d: {  	[spmem:s2] =	stream.indirect.scatter.add.f32 [tilespmem:s26], [sflag:$0xC], $0x80, s29, s23, $0xb8;
	[tilespmem:$0x1F580] =	vst v63  }
0x42e: {  	s16 =	sadd.s32 $0x1, s16  }
0x42f: {  	[spmem:s3] =	stream.indirect.scatter.add.f32 [tilespmem:s18], [sflag:$0xC], $0x1, s29, s23, $0xb8;
	[tilespmem:$0x1F580] =	vst v63  }
.LBB2_14:
0x430: {  	s0 =	simm.s32 $0x8600;
	s11 =	simm.s32 $0xD80  }
0x431: {  	[spmem:s2] =	stream.indirect.scatter.add.f32 [tilespmem:s0], [sflag:$0xC], $0x80, s11, s23, $0xb8;
	[tilespmem:$0x1F580] =	vst v63  }
0x432: {  	_ = 	snop  }
0x433: {  	[spmem:s3] =	stream.indirect.scatter.add.f32 [tilespmem:s18], [sflag:$0xC], $0x1, s11, s23, $0xb8;
	[tilespmem:$0x1F580] =	vst v63  }
0x434: {  	_ =	swait.ge [sflag:s10], $0x50  }
0x435: {  	[sflag:s10] =	ssyncset.done $0x0  }
0x436: {  	[sflag:s10] =	ssyncadd.s32 $0xFFFFFFB0  }
0x437: {  	_ =	swait.ge [sflag:s10], $0x50  }
0x438: {  	[sflag:s10] =	ssyncset.done $0x0  }
0x439: {  	[sflag:s10] =	ssyncadd.s32 $0xFFFFFFB0  }
0x43a: {  	_ =	swait.ge [sflag:s10], $0x2800  }
0x43b: {  	[sflag:s10] =	ssyncset.done $0x0  }
0x43c: {  	s16 =	simm.s32 $0xB;
	[sflag:s10] =	ssyncadd.s32 $0xFFFFD800  }
0x43d: {  	_ =	swait.ge [sflag:s16], $0x2800  }
0x43e: {  	[sflag:s16] =	ssyncset.done $0x0  }
0x43f: {  	[sflag:s16] =	ssyncadd.s32 $0xFFFFD800  }
0x440: {  	_ =	swait.ge [sflag:s16], $0x50  }
0x441: {  	[sflag:s16] =	ssyncset.done $0x0  }
0x442: {  	[sflag:s16] =	ssyncadd.s32 $0xFFFFFFB0  }
0x443: {  	v1 =	vld [tilespmem:$0xAE00]  }
0x444: {  	v2 =	vld [tilespmem:$0x600]  }
0x445: {  	v3 =	vld [tilespmem:$0x800]  }
0x446: {  	v4 =	vld [tilespmem:$0x400]  }
0x447: {  	v5 =	vld [tilespmem:$0x610]  }
0x448: {  	v6 =	vld [tilespmem:$0x810]  }
0x449: {  	v7 =	vld [tilespmem:$0x410]  }
0x44a: {  	v8 =	vld [tilespmem:$0x620]  }
0x44b: {  	v9 =	vld [tilespmem:$0x820]  }
0x44c: {  	v10 =	vld [tilespmem:$0x420]  }
0x44d: {  	v12 =	vld [tilespmem:$0x840]  }
0x44e: {  	v2 =	vadd.f32 v3, v2;
	v3 =	vld [tilespmem:$0x630];
	v5 =	vadd.f32 v6, v5  }
0x44f: {  	v6 =	vld [tilespmem:$0x830]  }
0x450: {  	v2 =	vadd.f32 v4, v2;
	v4 =	vld [tilespmem:$0x430];
	v5 =	vadd.f32 v7, v5  }
0x451: {  	v8 =	vadd.f32 v9, v8;
	v7 =	vld [tilespmem:$0x640]  }
0x452: {  	v11 =	vmul.f32 $2.000000030e-01, v2;
	v60 =	vmul.f32 $2.000000030e-01, v5  }
0x453: {  	v61 =	vld [tilespmem:$0x440];
	v8 =	vadd.f32 v10, v8;
	vm0 =	vge.f32 v2, $0.0e+00;
	vm12 =	vge.f32 v5, $0.0e+00  }
0x454: {  	v3 =	vadd.f32 v6, v3;
	v2 =	vsel vm0, v2, v11;
	v5 =	vsel vm12, v5, v60  }
0x455: {  	v2 =	vsub.f32 v2, v1;
	v5 =	vsub.f32 v5, v1  }
0x456: {  	v3 =	vadd.f32 v4, v3;
	v4 =	vadd.f32 v12, v7  }
0x457: {  	v6 =	vmul.f32 $2.000000030e-01, v8;
	v2 =	vmul.f32 $1.442695020e+00, v2  }
0x458: {  	vm13 =	vge.f32 v8, $0.0e+00;
	v5 =	vmul.f32 $1.442695020e+00, v5;
	v4 =	vadd.f32 v61, v4  }
0x459: {  	v6 =	vsel vm13, v8, v6;
	v7 =	vmul.f32 $2.000000030e-01, v3;
	(erf) = vpow2.f32 v2  }
0x45a: {  	v2 =	vsub.f32 v6, v1;
	(erf) = vpow2.f32 v5;
	v5 =	vmul.f32 $2.000000030e-01, v4  }
0x45b: {  	vm14 =	vge.f32 v3, $0.0e+00;
	vm15 =	vge.f32 v4, $0.0e+00  }
0x45c: {  	v3 =	vsel vm14, v3, v7;
	v2 =	vmul.f32 $1.442695020e+00, v2;
	v4 =	vsel vm15, v4, v5  }
0x45d: {  	v3 =	vsub.f32 v3, v1;
	v1 =	vsub.f32 v4, v1  }
0x45e: {  	(erf) = vpow2.f32 v2  }
0x45f: {  	v2 =	vmul.f32 $1.442695020e+00, v3;
	v1 =	vmul.f32 $1.442695020e+00, v1  }
0x460: {  	v3 =	vld [tilespmem:$0x200]  }
0x461: {  	(erf) = vpow2.f32 v2;
	v2 =	vld [tilespmem:$0x210];
	_ =	sdelay $0x1  }
0x462: {  	(erf) = vpow2.f32 v1;
	v1 =	vpop (erf)  }
0x463: {  	[tilespmem:$0xA00] =	vst v1;
	v1 =	vld [tilespmem:$0x220]  }
0x464: {  	[tilespmem:$0xC00] =	vst v3  }
0x465: {  	v3 =	vld [tilespmem:$0x230];
	v4 =	vpop (erf);
	[tilespmem:$0xC10] =	vst v2  }
0x466: {  	s25 =	simm.s32 $0x0;
	[tilespmem:$0xA10] =	vst v4;
	v4 =	vpop (erf)  }
0x467: {  	v2 =	vld [tilespmem:$0x240];
	[tilespmem:$0xA20] =	vst v4;
	v4 =	vmov s25  }
0x468: {  	[tilespmem:$0xC20] =	vst v1;
	v1 =	vand.u32 $0xFFFFFFFC, v4  }
0x469: {  	v1 =	vbroadcast v1, $0x0  }
0x46a: {  	[tilespmem:$0xC30] =	vst v3;
	v5 =	vpop (erf)  }
0x46b: {  	[tilespmem:$0xA30] =	vst v5  }
0x46c: {  	[tilespmem:$0xC40] =	vst v2;
	v3 =	vpop (erf)  }
0x46d: {  	s11 =	simm.s32 $0xF00;
	[tilespmem:$0xA40] =	vst v3  }
0x46e: {  	v3 =	vld [tilespmem:s11+$0xFFFFFF70]  }
0x46f: {  	v1 =	vld.idx.msk [tilespmem:v1+s19+$0x0], $0xffff  }
0x470: {  	v4 =	vld [tilespmem:s11+$0xFFFFFF00]  }
0x471: {  	v5 =	vld [tilespmem:s11+$0xFFFFFF20]  }
0x472: {  	v6 =	vld [tilespmem:s11+$0xFFFFFF30]  }
0x473: {  	v2 =	vld [tilespmem:s11+$0xFFFFFF50]  }
0x474: {  	v8 =	vld [tilespmem:s11+$0xFFFFFF10];
	v3 =	vmul.f32 v3, v1  }
0x475: {  	s26 =	simm.s32 $0x1;
	v7 =	vld [tilespmem:s11+$0xFFFFFF60];
	v4 =	vmul.f32 v4, v1  }
0x476: {  	v62 =	vld [tilespmem:s11+$0xFFFFFF40];
	v5 =	vmul.f32 v5, v1;
	[tilespmem:s11+$0xFFFFFF70] =	vst v3;
	v3 =	vmov s26  }
0x477: {  	v6 =	vmul.f32 v6, v1;
	[tilespmem:s11+$0xFFFFFF00] =	vst v4;
	v3 =	vand.u32 $0xFFFFFFFD, v3  }
0x478: {  	v2 =	vmul.f32 v2, v1;
	[tilespmem:s11+$0xFFFFFF20] =	vst v5;
	v3 =	vbroadcast v3, $0x0  }
0x479: {  	v4 =	vmul.f32 v8, v1;
	[tilespmem:s11+$0xFFFFFF30] =	vst v6  }
0x47a: {  	v5 =	vmul.f32 v7, v1;
	[tilespmem:s11+$0xFFFFFF50] =	vst v2  }
0x47b: {  	v1 =	vmul.f32 v62, v1;
	[tilespmem:s11+$0xFFFFFF10] =	vst v4  }
0x47c: {  	[tilespmem:s11+$0xFFFFFF60] =	vst v5  }
0x47d: {  	[tilespmem:s11+$0xFFFFFF40] =	vst v1;
	v1 =	vld [tilespmem:s11+$0xFFFFFF80]  }
0x47e: {  	v3 =	vld.idx.msk [tilespmem:v3+s19+$0x0], $0xffff  }
0x47f: {  	v2 =	vld [tilespmem:s11+$0xFFFFFFA0]  }
0x480: {  	v4 =	vld [tilespmem:s11+$0xFFFFFF90]  }
0x481: {  	v5 =	vld [tilespmem:s11+$0xFFFFFFD0]  }
0x482: {  	v6 =	vld [tilespmem:s11+$0xFFFFFFE0]  }
0x483: {  	v7 =	vld [tilespmem:s11+$0xFFFFFFF0];
	v1 =	vmul.f32 v1, v3  }
0x484: {  	s29 =	simm.s32 $0x2;
	v8 =	vld [tilespmem:s11+$0xFFFFFFB0];
	v2 =	vmul.f32 v2, v3  }
0x485: {  	v63 =	vld [tilespmem:s11+$0xFFFFFFC0];
	v4 =	vmul.f32 v4, v3;
	[tilespmem:s11+$0xFFFFFF80] =	vst v1;
	v1 =	vmov s29  }
0x486: {  	v5 =	vmul.f32 v5, v3;
	[tilespmem:s11+$0xFFFFFFA0] =	vst v2;
	v1 =	vand.u32 $0xFFFFFFFE, v1  }
0x487: {  	v2 =	vmul.f32 v6, v3;
	[tilespmem:s11+$0xFFFFFF90] =	vst v4;
	v4 =	vbroadcast v1, $0x0  }
0x488: {  	v6 =	vmul.f32 v7, v3;
	[tilespmem:s11+$0xFFFFFFD0] =	vst v5;
	v7 =	vld [tilespmem:s11+$0x30]  }
0x489: {  	v5 =	vmul.f32 v8, v3;
	v1 =	vld [tilespmem:s11+$0x40];
	[tilespmem:s11+$0xFFFFFFE0] =	vst v2  }
0x48a: {  	v3 =	vmul.f32 v63, v3;
	v2 =	vld [tilespmem:s11+$0x70];
	[tilespmem:s11+$0xFFFFFFF0] =	vst v6  }
0x48b: {  	[tilespmem:s11+$0xFFFFFFB0] =	vst v5;
	v5 =	vld [tilespmem:s11+$0x20]  }
0x48c: {  	[tilespmem:s11+$0xFFFFFFC0] =	vst v3;
	v6 =	vld [tilespmem:s11+$0x0]  }
0x48d: {  	v3 =	vld.idx.msk [tilespmem:v4+s19+$0x0], $0xffff  }
0x48e: {  	s15 =	simm.s32 $0x7;
	s16 =	simm.s32 $0x3;
	s25 =	simm.s32 $0xF00;
	v4 =	vld [tilespmem:s11+$0x10]  }
.LBB2_15:
0x48f: {  	p0 =	sne.s32 s15, $0x4F  }
0x490: {  	v8 =	vld [tilespmem:s11+$0x50];
	s25 =	sadd.s32 $0x200, s25;
	s0 =	smov.u32 s15;
	s15 =	sadd.s32 $0x4, s15  }
0x491: {  	v9 =	vld [tilespmem:s11+$0x60];
	_ =	sdelay $0x1  }
0x492: {  	v6 =	vmul.f32 v6, v3;
	v4 =	vmul.f32 v4, v3  }
0x493: {  	v5 =	vmul.f32 v5, v3;
	v7 =	vmul.f32 v7, v3  }
0x494: {  	v1 =	vmul.f32 v1, v3;
	v2 =	vmul.f32 v2, v3;
	[tilespmem:s11+$0x0] =	vst v6  }
0x495: {  	[tilespmem:s11+$0x20] =	vst v5;
	v5 =	vmul.f32 v8, v3;
	v3 =	vmul.f32 v9, v3  }
0x496: {  	[tilespmem:s11+$0x30] =	vst v7;
	v6 =	vld [tilespmem:s11+$0x80]  }
0x497: {  	[tilespmem:s11+$0x60] =	vst v3;
	v3 =	vmov s16;
	v7 =	vld [tilespmem:s11+$0xD0];
	s16 =	smov.u32 s0  }
0x498: {  	[tilespmem:s11+$0x50] =	vst v5;
	v5 =	vld [tilespmem:s11+$0xE0]  }
0x499: {  	[tilespmem:s11+$0x40] =	vst v1;
	v8 =	vld [tilespmem:s11+$0xB0]  }
0x49a: {  	v1 =	vld [tilespmem:s25+$0x40];
	[tilespmem:s11+$0x70] =	vst v2  }
0x49b: {  	v2 =	vld [tilespmem:s25+$0x70];
	[tilespmem:s11+$0x10] =	vst v4  }
0x49c: {  	v3 =	vld.idx.msk [tilespmem:v3+s19+$0x0], $0xffff  }
0x49d: {  	v4 =	vld [tilespmem:s11+$0x90]  }
0x49e: {  	v9 =	vld [tilespmem:s11+$0xA0]  }
0x49f: {  	v10 =	vld [tilespmem:s11+$0xC0]  }
0x4a0: {  	v11 =	vld [tilespmem:s11+$0xF0];
	_ =	sdelay $0x1  }
0x4a1: {  	v6 =	vmul.f32 v6, v3;
	v4 =	vmul.f32 v4, v3  }
0x4a2: {  	s0 =	sadd.s32 $0xFFFFFFFD, s16;
	v8 =	vmul.f32 v8, v3;
	v9 =	vmul.f32 v9, v3  }
0x4a3: {  	v12 =	vmov s0;
	v7 =	vmul.f32 v7, v3;
	[tilespmem:s11+$0x80] =	vst v6;
	v6 =	vmul.f32 v10, v3  }
0x4a4: {  	v10 =	vand.u32 $0xFFFFFFFC, v12;
	[tilespmem:s11+$0x90] =	vst v4;
	v4 =	vmul.f32 v5, v3;
	v3 =	vmul.f32 v11, v3  }
0x4a5: {  	v5 =	vbroadcast v10, $0x0;
	[tilespmem:s11+$0xA0] =	vst v9  }
0x4a6: {  	[tilespmem:s11+$0xD0] =	vst v7  }
0x4a7: {  	v7 =	vld [tilespmem:s25+$0xFFFFFF50];
	[tilespmem:s11+$0xB0] =	vst v8  }
0x4a8: {  	v8 =	vld [tilespmem:s25+$0xFFFFFF30];
	[tilespmem:s11+$0xC0] =	vst v6  }
0x4a9: {  	v6 =	vld [tilespmem:s25+$0xFFFFFF60];
	[tilespmem:s11+$0xE0] =	vst v4  }
0x4aa: {  	v4 =	vld [tilespmem:s25+$0xFFFFFF70];
	[tilespmem:s11+$0xF0] =	vst v3;
	s11 =	smov.u32 s25  }
0x4ab: {  	v3 =	vld.idx.msk [tilespmem:v5+s19+$0x0], $0xffff  }
0x4ac: {  	v5 =	vld [tilespmem:s25+$0xFFFFFF00]  }
0x4ad: {  	v9 =	vld [tilespmem:s25+$0xFFFFFF20]  }
0x4ae: {  	v10 =	vld [tilespmem:s25+$0xFFFFFF10]  }
0x4af: {  	v11 =	vld [tilespmem:s25+$0xFFFFFF40];
	_ =	sdelay $0x1  }
0x4b0: {  	v4 =	vmul.f32 v4, v3;
	v5 =	vmul.f32 v5, v3  }
0x4b1: {  	s0 =	sadd.s32 $0xFFFFFFFE, s16;
	v6 =	vmul.f32 v6, v3;
	v9 =	vmul.f32 v9, v3  }
0x4b2: {  	v8 =	vmul.f32 v8, v3;
	v10 =	vmul.f32 v10, v3;
	[tilespmem:s25+$0xFFFFFF70] =	vst v4;
	v4 =	vmov s0  }
0x4b3: {  	[tilespmem:s25+$0xFFFFFF00] =	vst v5;
	v5 =	vmul.f32 v11, v3;
	v3 =	vmul.f32 v7, v3;
	v4 =	vand.u32 $0xFFFFFFFD, v4  }
0x4b4: {  	[tilespmem:s25+$0xFFFFFF20] =	vst v9;
	v4 =	vbroadcast v4, $0x0  }
0x4b5: {  	[tilespmem:s25+$0xFFFFFF30] =	vst v8  }
0x4b6: {  	[tilespmem:s25+$0xFFFFFF50] =	vst v3;
	v3 =	vld [tilespmem:s25+$0xFFFFFFF0]  }
0x4b7: {  	[tilespmem:s25+$0xFFFFFF10] =	vst v10;
	v7 =	vld [tilespmem:s25+$0xFFFFFFD0]  }
0x4b8: {  	[tilespmem:s25+$0xFFFFFF60] =	vst v6;
	v6 =	vld [tilespmem:s25+$0xFFFFFFB0]  }
0x4b9: {  	[tilespmem:s25+$0xFFFFFF40] =	vst v5;
	v5 =	vld [tilespmem:s25+$0xFFFFFF90]  }
0x4ba: {  	v4 =	vld.idx.msk [tilespmem:v4+s19+$0x0], $0xffff  }
0x4bb: {  	v8 =	vld [tilespmem:s25+$0xFFFFFF80]  }
0x4bc: {  	v9 =	vld [tilespmem:s25+$0xFFFFFFA0]  }
0x4bd: {  	v10 =	vld [tilespmem:s25+$0xFFFFFFC0]  }
0x4be: {  	v11 =	vld [tilespmem:s25+$0xFFFFFFE0];
	_ =	sdelay $0x1  }
0x4bf: {  	v5 =	vmul.f32 v5, v4;
	v8 =	vmul.f32 v8, v4  }
0x4c0: {  	s0 =	sadd.s32 $0xFFFFFFFF, s16;
	v6 =	vmul.f32 v6, v4;
	v9 =	vmul.f32 v9, v4  }
0x4c1: {  	v7 =	vmul.f32 v7, v4;
	[tilespmem:s25+$0xFFFFFF80] =	vst v8;
	v8 =	vmul.f32 v10, v4;
	v10 =	vmov s0  }
0x4c2: {  	v3 =	vmul.f32 v3, v4;
	[tilespmem:s25+$0xFFFFFFA0] =	vst v9;
	v9 =	vmul.f32 v11, v4;
	v4 =	vand.u32 $0xFFFFFFFE, v10  }
0x4c3: {  	[tilespmem:s25+$0xFFFFFF90] =	vst v5;
	v4 =	vbroadcast v4, $0x0  }
0x4c4: {  	[tilespmem:s25+$0xFFFFFFD0] =	vst v7  }
0x4c5: {  	[tilespmem:s25+$0xFFFFFFE0] =	vst v9  }
0x4c6: {  	[tilespmem:s25+$0xFFFFFFB0] =	vst v6  }
.Ltmp7:
0x4c7: {  	[tilespmem:s25+$0xFFFFFFF0] =	vst v3;
	v5 =	vld [tilespmem:s25+$0x20];
	(pc) =	sbr.rel @p0 .LBB2_15-.Ltmp7, $4  }
0x4c8: {  	[tilespmem:s25+$0xFFFFFFC0] =	vst v8;
	v6 =	vld [tilespmem:s25+$0x0]  }
0x4c9: {  	v3 =	vld.idx.msk [tilespmem:v4+s19+$0x0], $0xffff  }
0x4ca: {  	v4 =	vld [tilespmem:s25+$0x10]  }
0x4cb: {  	v7 =	vld [tilespmem:s25+$0x30]  }
0x4cc: {  	_ =	sdelay $0x1  }
0x4cd: {  	v8 =	vld [tilespmem:s11+$0x60];
	v6 =	vmul.f32 v6, v3  }
0x4ce: {  	v9 =	vld [tilespmem:s11+$0x50];
	v5 =	vmul.f32 v5, v3  }
0x4cf: {  	v1 =	vmul.f32 v1, v3;
	[tilespmem:s11+$0x0] =	vst v6  }
0x4d0: {  	v2 =	vmul.f32 v2, v3;
	[tilespmem:s11+$0x20] =	vst v5  }
0x4d1: {  	v7 =	vmul.f32 v7, v3;
	[tilespmem:s11+$0x40] =	vst v1  }
0x4d2: {  	v57 =	vmov s16;
	[tilespmem:s11+$0x70] =	vst v2;
	v54 =	vmul.f32 v8, v3  }
0x4d3: {  	v55 =	vmul.f32 v9, v3;
	[tilespmem:s11+$0x30] =	vst v7  }
0x4d4: {  	v3 =	vmul.f32 v4, v3;
	[tilespmem:s11+$0x60] =	vst v54  }
0x4d5: {  	[tilespmem:s11+$0x50] =	vst v55  }
0x4d6: {  	v56 =	vld [tilespmem:s11+$0x80];
	[tilespmem:s11+$0x10] =	vst v3  }
0x4d7: {  	v1 =	vld.idx.msk [tilespmem:v57+s19+$0x0], $0xffff  }
0x4d8: {  	v2 =	vld [tilespmem:s11+$0x90]  }
0x4d9: {  	v3 =	vld [tilespmem:s11+$0xA0]  }
0x4da: {  	v58 =	vld [tilespmem:s11+$0xD0]  }
0x4db: {  	v61 =	vld [tilespmem:s11+$0xE0]  }
0x4dc: {  	v59 =	vld [tilespmem:s11+$0xB0];
	v7 =	vmul.f32 v56, v1  }
0x4dd: {  	v60 =	vld [tilespmem:s11+$0xC0];
	v2 =	vmul.f32 v2, v1  }
0x4de: {  	v62 =	vld [tilespmem:s11+$0xF0];
	v3 =	vmul.f32 v3, v1;
	[tilespmem:s11+$0x80] =	vst v7  }
0x4df: {  	v4 =	vmul.f32 v58, v1;
	[tilespmem:s11+$0x90] =	vst v2  }
0x4e0: {  	v63 =	vmul.f32 v61, v1;
	[tilespmem:s11+$0xA0] =	vst v3  }
0x4e1: {  	v2 =	vmul.f32 v59, v1;
	[tilespmem:s11+$0xD0] =	vst v4  }
0x4e2: {  	v3 =	vmul.f32 v60, v1;
	[tilespmem:s11+$0xE0] =	vst v63  }
0x4e3: {  	v1 =	vmul.f32 v62, v1;
	[tilespmem:s11+$0xB0] =	vst v2  }
0x4e4: {  	[tilespmem:s11+$0xC0] =	vst v3  }
0x4e5: {  	s0 =	simm.s32 $0xC00;
	[tilespmem:s11+$0xF0] =	vst v1  }
0x4e6: {  	[spmem:s2] =	stream.indirect.scatter.add.f32 [tilespmem:s20], [sflag:$0x9], $0x80, s0, s23, $0xb8;
	[tilespmem:$0x1F580] =	vst v63  }
0x4e7: {  	s20 =	simm.s32 $0xC  }
0x4e8: {  	[spmem:s3] =	stream.indirect.scatter.add.f32 [tilespmem:s19], [sflag:$0x9], $0x1, s0, s23, $0xb8;
	[tilespmem:$0x1F580] =	vst v63  }
0x4e9: {  	_ =	swait.ge [sflag:s20], $0x2800  }
0x4ea: {  	[sflag:s20] =	ssyncset.done $0x0  }
0x4eb: {  	[sflag:s20] =	ssyncadd.s32 $0xFFFFD800  }
0x4ec: {  	_ =	swait.ge [sflag:s20], $0x50  }
0x4ed: {  	[sflag:s20] =	ssyncset.done $0x0  }
0x4ee: {  	[sflag:s20] =	ssyncadd.s32 $0xFFFFFFB0  }
0x4ef: {  	_ =	swait.ge [sflag:s14], $0x2800  }
0x4f0: {  	[sflag:s14] =	ssyncset.done $0x0  }
0x4f1: {  	[sflag:s14] =	ssyncadd.s32 $0xFFFFD800  }
0x4f2: {  	_ =	swait.ge [sflag:s14], $0x50  }
0x4f3: {  	[sflag:s14] =	ssyncset.done $0x0  }
0x4f4: {  	[sflag:s14] =	ssyncadd.s32 $0xFFFFFFB0  }
0x4f5: {  	s25 =	stileid.u32;
	[bflag:$0x0] =	sbarrier.arrive $0xFFFF  }
0x4f6: {  	s0 =	sshll.u32 s25, $0x6;
	s16 =	rddreg [dreg:$0x19]  }
0x4f7: {  	s0 =	sor.u32 $0x1C0D, s0;
	s15 =	rddreg [dreg:$0xc];
	s26 =	sshrl.u32 s16, $0x3  }
0x4f8: {  	[hbm:s15], [sflag:s0] =	dma.local [spmem:s26], $0x2800  }
0x4f9: {  	s26 =	simm.s32 $0xD  }
0x4fa: {  	s29 =	simm.s32 $0x20;
	_ =	swait.ge [sflag:s26], $0x2800  }
0x4fb: {  	s20 =	simm.s32 $0x10;
	[sflag:s26] =	ssyncset.done $0x0;
	s25 =	rddreg [dreg:$0x1a]  }
0x4fc: {  	s15 =	rddreg [dreg:$0xe];
	[sflag:s26] =	ssyncadd.s32 $0xFFFFD800;
	s11 =	sshrl.u32 s25, $0x3  }
0x4fd: {  	[hbm:s15@s29], [sflag:s0] =	dma.strided [spmem:s11@s20], $0x50, s22, $0x10   }
0x4fe: {  	_ =	swait.ge [sflag:s26], $0x50  }
0x4ff: {  	s15 =	sld [smem:$0x7F2];
	_ =	sdelay $0x2  }
0x500: {  	s20 =	rddreg [dreg:$0x1f];
	s11 =	sadd.s32 $0x1, s15  }
0x501: {  	p0 =	sne.s32 s11, s20  }
.Ltmp8:
0x502: {  	_ = 	snop;
	(pc) =	sbr.rel @p0 .LBB2_1-.Ltmp8, $3  }
0x503: {  	_ =	sdelay $0x1  }
0x504: {  	[sflag:s26] =	ssyncset.done $0x0  }
0x505: {  	s29 =	simm.s32 $0x80;
	[sflag:s26] =	ssyncadd.s32 $0xFFFFFFB0  }
0x506: {  	_ =	sfence.sel $0x180000  }
0x507: {  	[bflag:$0x0] =	sbarrier.arrive $0xFFFF  }
0x508: {  	_ =	strace $0x90000047  }
0x509: {  	s0 =	stileid.u32;
	[bflag:$0x2] =	sbarrier.arrive $0xFFFF  }
0x50a: {  	p0 =	sne.s32 s0, $0x0;
	s0 =	rddreg [dreg:$0x4]  }
0x50b: {  	s0 =	sadd.s32 @!p0 $0x100000, s0  }
0x50c: {  	[sflag:s0] =	ssyncadd.tile.s32 @!p0 $0x1;
	_ =	shalt  }
.Lfunc_end2:
_tile_overlayer_lowered:
.L_overlay_start_2:
0x50d: {  	(tag) =	ssettag $0x2  }
0x50e: {  	s0 =	rddreg [dreg:$0x0];
	s2 =	stileid.u32  }
0x50f: {  	s1 =	rddreg [dreg:$0x1];
	p0 =	sne.s32 s2, $0x0  }
0x510: {  	s3 =	rddreg [dreg:$0x2];
	[bflag:$0x3] =	sbarrier.arrive $0xFFFF;
	s2 =	simm.s32 @!p0 $0x1C0D  }
0x511: {  	[timem:s3], [sflag:s2] =	dma.local @!p0 [hbm:s0], s1  }
0x512: {  	s0 =	simm.s32 @!p0 $0xD  }
0x513: {  	_ =	swait.ge @!p0 [sflag:s0], s1  }
0x514: {  	s1 =	ssub.s32 @!p0 $0x0, s1;
	[sflag:s0] =	ssyncset.done @!p0 $0x0  }
0x515: {  	[sflag:s0] =	ssyncadd.s32 @!p0 s1  }
0x516: {  	[bflag:$0x3] =	sbarrier.arrive $0xFFFF  }
0x517: {  	_ =	shalt  }

</sc_bundles>
